<compile_context>
chip_gen: v7x
topology: tpu7x:2x2x1
jax: 0.10.2.dev20260603
libtpu: 0.0.44.dev20260713+nightly
codegen_flags: <defaults>
</compile_context>

<pallas_src>
import functools

import jax
import jax.numpy as jnp
from jax.experimental import pallas as pl
from jax.experimental.pallas import tpu as pltpu
from jax.experimental.pallas import tpu_sc as plsc

H = 768
WD = 128
NW = 64
NC = 67
B, T = 8, 512
NA, NP = 2048, 512
KA, KP = 30, 10
NT = 1024

F32 = jnp.float32


def _dot_d(a, b):
    return jnp.dot(a, b, preferred_element_type=F32)


def _dot_g(oh, mat):
    hi = mat.astype(jnp.bfloat16).astype(F32)
    r = mat - hi
    mid = r.astype(jnp.bfloat16).astype(F32)
    lolo = r - mid
    return _dot_d(oh, hi) + _dot_d(oh, mid) + _dot_d(oh, lolo)


_NWK = 32
_CH = 64


def _sc_gather(feat_flat, gs_all, ge_all):
    nsp = gs_all.shape[0]
    _SPW = nsp // _NWK
    mesh = plsc.VectorSubcoreMesh(core_axis_name="c", subcore_axis_name="s")
    nch = _SPW // _CH

    @functools.partial(
        pl.kernel, mesh=mesh,
        out_type=[jax.ShapeDtypeStruct((nsp, H), F32),
                  jax.ShapeDtypeStruct((nsp, H), F32)],
        scratch_types=[pltpu.VMEM((_SPW,), jnp.int32),
                       pltpu.VMEM((_SPW,), jnp.int32),
                       pltpu.VMEM((_CH, H), F32),
                       pltpu.VMEM((_CH, H), F32),
                       pltpu.SemaphoreType.DMA,
                       pltpu.SemaphoreType.DMA],
    )
    def k(feat_hbm, gs_hbm, ge_hbm, gs_out, ge_out, gs_v, ge_v, rows0, rows1,
          sem0, sem1):
        wid = jax.lax.axis_index("s") * 2 + jax.lax.axis_index("c")
        base = wid * _SPW
        pltpu.sync_copy(gs_hbm.at[pl.ds(base, _SPW)], gs_v)
        pltpu.sync_copy(ge_hbm.at[pl.ds(base, _SPW)], ge_v)
        bufs = (rows0, rows1)
        sems = (sem0, sem1)
        chunks = []
        for c in range(2 * nch):
            idx_v, out = (gs_v, gs_out) if c < nch else (ge_v, ge_out)
            off = (c % nch) * _CH
            chunks.append((idx_v, out, off))
        pend = None
        for c, (idx_v, out, off) in enumerate(chunks):
            cp = pltpu.async_copy(feat_hbm.at[idx_v.at[pl.ds(off, _CH)]],
                                  bufs[c % 2], sems[c % 2])
            if pend is not None:
                pidx_v, pout, poff, pcp = pend
                pcp.wait()
                pltpu.sync_copy(bufs[(c - 1) % 2],
                                pout.at[pl.ds(base + poff, _CH)])
            pend = (idx_v, out, off, cp)
        pidx_v, pout, poff, pcp = pend
        pcp.wait()
        pltpu.sync_copy(bufs[(2 * nch - 1) % 2],
                        pout.at[pl.ds(base + poff, _CH)])

    return k(feat_flat, gs_all, ge_all)


def _k1_body(feat, att_w, att_b, p1w, p1b, p2w, p2b, pcand, lg_o, psc_o):
    f = feat[0]
    lg = _dot_d(f, att_w[...]) + att_b[0, 0]
    lg_o[0] = lg.T
    fp = _dot_d(f, p1w[0:H]) + _dot_d(f, p1w[H:2 * H]) + p1b[...]
    psp = _dot_d(jnp.maximum(fp, 0.0), p2w[...]) + p2b[0, 0]
    p = pcand[0, :, 0]
    iota = jax.lax.broadcasted_iota(jnp.int32, (NP, T), 1)
    ohp = (iota == p[:, None]).astype(F32)
    psc_o[0] = _dot_g(ohp, psp).T


def _k2_body(feat, gs, ge, wemb, m1ws, m1we, m1ww, m1wa, lg, acand,
             m1b, m2w, m2b, out):
    f = feat[0]
    lgr = lg[0]
    s = acand[0, :, 0]
    e = acand[0, :, 1]
    w = e - s
    iota = jax.lax.broadcasted_iota(jnp.int32, (NT, T), 1)
    sc_ = s[:, None]
    ec_ = e[:, None]
    inwin = (iota >= sc_) & (iota <= ec_)
    ml = jnp.where(inwin, lgr, -1e30)
    rowmax = jnp.max(ml, axis=1, keepdims=True)
    ex = jnp.exp(ml - rowmax)
    wmat = ex / jnp.sum(ex, axis=1, keepdims=True)
    attended = _dot_d(wmat, f)
    iw = jax.lax.broadcasted_iota(jnp.int32, (NT, NW), 1)
    ohw = (iw == w[:, None]).astype(F32)
    we1 = _dot_d(wemb[...], m1ww[...])
    acc = (_dot_d(gs[0], m1ws[...]) + _dot_d(ge[0], m1we[...])
           + _dot_g(ohw, we1) + _dot_d(attended, m1wa[...]) + m1b[...])
    h = jnp.maximum(acc, 0.0)
    out[0] = (_dot_d(h, m2w[...]) + m2b[0, 0]).T


def _topk_select(scores, k, n):
    iota = jax.lax.broadcasted_iota(jnp.int32, (B, n), 1).astype(F32)
    cur = scores
    idxs = []
    for _ in range(k):
        m = jnp.max(cur, axis=1, keepdims=True)
        cand = jnp.where(cur == m, iota, float(n))
        idx = jnp.min(cand, axis=1, keepdims=True)
        idxs.append(idx)
        cur = jnp.where(iota == idx, -jnp.inf, cur)
    top = jnp.concatenate(idxs, axis=1)
    rank = jnp.zeros((B, k), F32)
    for j in range(k):
        rank = rank + (top[:, j:j + 1] < top).astype(F32)
    kio = jax.lax.broadcasted_iota(jnp.int32, (B, k), 1).astype(F32)
    srt = jnp.zeros((B, k), F32)
    for i in range(k):
        srt = srt + jnp.where(rank[:, i:i + 1] == kio, top[:, i:i + 1], 0.0)
    return srt.astype(jnp.int32)


def _k3_body(ascores, pscores, ta_o, tp_o):
    ta_o[...] = _topk_select(ascores[...], KA, NA)
    tp_o[...] = _topk_select(pscores[...], KP, NP)


def _k4_body(feat, lg, acand, pcand, ascores, pscores, ta, tp, wemb,
             s1pred, s1arg, s1b, s2w, s2b, out, aspan_o, pspan_o):
    f = feat[0]
    lgr = lg[0]
    ai = ta[0, 0, :]
    pi = tp[0, 0, :]

    iota_a = jax.lax.broadcasted_iota(jnp.int32, (KA, NA), 1)
    oh_ai = (iota_a == ai[:, None]).astype(F32)
    av = jnp.concatenate([acand[0].astype(F32), ascores[0].T], axis=1)
    ag = _dot_g(oh_ai, av)
    aspan = ag[:, 0:2]
    aspan_o[0] = aspan.astype(jnp.int32)
    asc = ag[:, 2:3]

    iota_p = jax.lax.broadcasted_iota(jnp.int32, (KP, NP), 1)
    oh_pi = (iota_p == pi[:, None]).astype(F32)
    pv = jnp.concatenate([pcand[0].astype(F32), pscores[0].T], axis=1)
    pg = _dot_g(oh_pi, pv)
    pspan = pg[:, 0:2]
    pspan_o[0] = pspan.astype(jnp.int32)
    psc = pg[:, 2:3]

    s_t = aspan[:, 0:1].astype(jnp.int32)
    e_t = aspan[:, 1:2].astype(jnp.int32)
    w_t = e_t - s_t
    iota_t = jax.lax.broadcasted_iota(jnp.int32, (KA, T), 1)
    inwin = (iota_t >= s_t) & (iota_t <= e_t)
    ml = jnp.where(inwin, lgr, -1e30)
    rowmax = jnp.max(ml, axis=1, keepdims=True)
    ex = jnp.exp(ml - rowmax)
    wmat = ex / jnp.sum(ex, axis=1, keepdims=True)
    att = _dot_d(wmat, f)
    ohs = (iota_t == s_t).astype(F32)
    ohe = (iota_t == e_t).astype(F32)
    fs_t = _dot_g(ohs, f)
    fe_t = _dot_g(ohe, f)
    iw = jax.lax.broadcasted_iota(jnp.int32, (KA, NW), 1)
    ohw = (iw == w_t).astype(F32)
    wd_t = _dot_g(ohw, wemb[...])
    arg_emb = jnp.concatenate([fs_t, fe_t, wd_t, att], axis=1)
    apart = _dot_d(arg_emb, s1arg[...])

    p_t = pspan[:, 0:1].astype(jnp.int32)
    iota_tp = jax.lax.broadcasted_iota(jnp.int32, (KP, T), 1)
    ohp = (iota_tp == p_t).astype(F32)
    fp_t = _dot_g(ohp, f)
    ppart = _dot_d(jnp.concatenate([fp_t, fp_t], axis=1), s1pred[...])

    npair = KP * KA
    ip = jax.lax.broadcasted_iota(jnp.int32, (npair, KP), 0) // KA
    e1 = (ip == jax.lax.broadcasted_iota(jnp.int32, (npair, KP), 1)).astype(F32)
    ia = jax.lax.broadcasted_iota(jnp.int32, (npair, KA), 0) % KA
    e2 = (ia == jax.lax.broadcasted_iota(jnp.int32, (npair, KA), 1)).astype(F32)
    pre = _dot_g(e1, ppart) + _dot_g(e2, apart) + s1b[...]
    h = jnp.maximum(pre, 0.0)
    sc = _dot_d(h, s2w[...]) + s2b[...]
    sc = sc + _dot_g(e2, asc) + _dot_g(e1, psc)
    out[0] = jnp.concatenate([jnp.zeros((npair, 1), F32), sc], axis=1)


def _pipeline(features, arg_candidates, predicate_candidates, width_emb, att_w,
              att_b, m1w, m1b, m2w, m2b, p1w, p1b, p2w, p2b, s1w, s1b, s2w,
              s2b):
    m1ws = m1w[0:H]
    m1we = m1w[H:2 * H]
    m1ww = m1w[2 * H:2 * H + WD]
    m1wa = m1w[2 * H + WD:]
    att_b2 = att_b.reshape(1, 1)
    m1b2 = m1b.reshape(1, H)
    m2b2 = m2b.reshape(1, 1)
    p1b2 = p1b.reshape(1, H)
    p2b2 = p2b.reshape(1, 1)
    s1b2 = s1b.reshape(1, H)
    s2b2 = s2b.reshape(1, NC - 1)
    s1pred = s1w[0:2 * H]
    s1arg = s1w[2 * H:]

    full = lambda shape: pl.BlockSpec(shape, lambda b: (0,) * len(shape))
    fullt = lambda shape: pl.BlockSpec(shape, lambda b, t: (0,) * len(shape))

    boff = (jnp.arange(B, dtype=jnp.int32) * T)[:, None]
    gs_all = (arg_candidates[:, :, 0] + boff).reshape(B * NA)
    ge_all = (arg_candidates[:, :, 1] + boff).reshape(B * NA)
    feat_flat = features.reshape(B * T, H)
    ga_s, ga_e = _sc_gather(feat_flat, gs_all, ge_all)
    ga_s = ga_s.reshape(B, NA, H)
    ga_e = ga_e.reshape(B, NA, H)

    lg, psc = pl.pallas_call(
        _k1_body,
        grid=(B,),
        in_specs=[
            pl.BlockSpec((1, T, H), lambda b: (b, 0, 0)),
            full((H, 1)), full((1, 1)),
            full((2 * H, H)), full((1, H)), full((H, 1)), full((1, 1)),
            pl.BlockSpec((1, NP, 2), lambda b: (b, 0, 0)),
        ],
        out_specs=[
            pl.BlockSpec((1, 1, T), lambda b: (b, 0, 0)),
            pl.BlockSpec((1, 1, NP), lambda b: (b, 0, 0)),
        ],
        out_shape=[
            jax.ShapeDtypeStruct((B, 1, T), F32),
            jax.ShapeDtypeStruct((B, 1, NP), F32),
        ],
    )(features, att_w, att_b2, p1w, p1b2, p2w, p2b2, predicate_candidates)

    ascores = pl.pallas_call(
        _k2_body,
        grid=(B, NA // NT),
        in_specs=[
            pl.BlockSpec((1, T, H), lambda b, t: (b, 0, 0)),
            pl.BlockSpec((1, NT, H), lambda b, t: (b, t, 0)),
            pl.BlockSpec((1, NT, H), lambda b, t: (b, t, 0)),
            fullt((NW, WD)), fullt((H, H)), fullt((H, H)),
            fullt((WD, H)), fullt((H, H)),
            pl.BlockSpec((1, 1, T), lambda b, t: (b, 0, 0)),
            pl.BlockSpec((1, NT, 2), lambda b, t: (b, t, 0)),
            fullt((1, H)), fullt((H, 1)), fullt((1, 1)),
        ],
        out_specs=pl.BlockSpec((1, 1, NT), lambda b, t: (b, 0, t)),
        out_shape=jax.ShapeDtypeStruct((B, 1, NA), F32),
    )(features, ga_s, ga_e, width_emb, m1ws, m1we, m1ww, m1wa, lg,
      arg_candidates, m1b2, m2w, m2b2)

    ta, tp = pl.pallas_call(
        _k3_body,
        in_specs=[pl.BlockSpec((B, NA), lambda: (0, 0)),
                  pl.BlockSpec((B, NP), lambda: (0, 0))],
        out_specs=[pl.BlockSpec((B, KA), lambda: (0, 0)),
                   pl.BlockSpec((B, KP), lambda: (0, 0))],
        out_shape=[jax.ShapeDtypeStruct((B, KA), jnp.int32),
                   jax.ShapeDtypeStruct((B, KP), jnp.int32)],
    )(ascores.reshape(B, NA), psc.reshape(B, NP))

    out, aspan, pspan = pl.pallas_call(
        _k4_body,
        grid=(B,),
        in_specs=[
            pl.BlockSpec((1, T, H), lambda b: (b, 0, 0)),
            pl.BlockSpec((1, 1, T), lambda b: (b, 0, 0)),
            pl.BlockSpec((1, NA, 2), lambda b: (b, 0, 0)),
            pl.BlockSpec((1, NP, 2), lambda b: (b, 0, 0)),
            pl.BlockSpec((1, 1, NA), lambda b: (b, 0, 0)),
            pl.BlockSpec((1, 1, NP), lambda b: (b, 0, 0)),
            pl.BlockSpec((1, 1, KA), lambda b: (b, 0, 0)),
            pl.BlockSpec((1, 1, KP), lambda b: (b, 0, 0)),
            full((NW, WD)),
            full((2 * H, H)), full((3 * H + WD, H)),
            full((1, H)), full((H, NC - 1)), full((1, NC - 1)),
        ],
        out_specs=[
            pl.BlockSpec((1, KP * KA, NC), lambda b: (b, 0, 0)),
            pl.BlockSpec((1, KA, 2), lambda b: (b, 0, 0)),
            pl.BlockSpec((1, KP, 2), lambda b: (b, 0, 0)),
        ],
        out_shape=[
            jax.ShapeDtypeStruct((B, KP * KA, NC), F32),
            jax.ShapeDtypeStruct((B, KA, 2), jnp.int32),
            jax.ShapeDtypeStruct((B, KP, 2), jnp.int32),
        ],
    )(features, lg, arg_candidates, predicate_candidates, ascores,
      psc, ta.reshape(B, 1, KA), tp.reshape(B, 1, KP), width_emb,
      s1pred, s1arg, s1b2, s2w, s2b2)

    return (out.reshape(B, KP, KA, NC), pspan, aspan), (ascores, psc, ta, tp)


def kernel(features, arg_candidates, predicate_candidates, width_emb, att_w,
           att_b, m1w, m1b, m2w, m2b, p1w, p1b, p2w, p2b, s1w, s1b, s2w, s2b):
    outs, _ = _pipeline(features, arg_candidates, predicate_candidates,
                        width_emb, att_w, att_b, m1w, m1b, m2w, m2b, p1w, p1b,
                        p2w, p2b, s1w, s1b, s2w, s2b)
    return outs

# --- scband reference (transcript-rebuilt; emitter-appended) ---
"""Pipeline reference for scband-joint-srlmodule-35545149341755 (READ-ONLY COPY).

The authoritative reference and input builder live on the scoring server;
editing this copy changes nothing except your own understanding.
"""

import jax, jax.numpy as jnp
import numpy as np

H = 768
WD = 128
NW = 64
NC = 67
B, T = 8, 512
NA, NP = 2048, 512

def setup_inputs(seed: int = 0):
    key = jax.random.key(seed)
    ks = jax.random.split(key, 12)
    features = jax.random.normal(ks[0], (B, T, H), dtype=jnp.float32)
    a_start = jax.random.randint(ks[1], (B, NA), 0, T - NW)
    a_width = jax.random.randint(ks[2], (B, NA), 1, NW)
    arg_candidates = jnp.stack([a_start, a_start + a_width], axis=-1)
    p_start = jax.random.randint(ks[3], (B, NP), 1, T)
    predicate_candidates = jnp.stack([p_start, p_start], axis=-1)
    def lin(k, fi, fo):
        return (jax.random.normal(k, (fi, fo), dtype=jnp.float32) / np.sqrt(fi), jnp.zeros((fo,), jnp.float32))
    width_emb = jax.random.normal(ks[4], (NW, WD), dtype=jnp.float32) * 0.02
    att_w, att_b = lin(ks[5], H, 1)
    m1w, m1b = lin(ks[6], 3 * H + WD, H)
    m2w, m2b = lin(ks[7], H, 1)
    p1w, p1b = lin(ks[8], 2 * H, H)
    p2w, p2b = lin(ks[9], H, 1)
    s1w, s1b = lin(ks[10], 5 * H + WD, H)
    s2w, s2b = lin(ks[11], H, NC - 1)
    return dict(features=features, arg_candidates=arg_candidates, predicate_candidates=predicate_candidates, width_emb=width_emb, att_w=att_w, att_b=att_b, m1w=m1w, m1b=m1b, m2w=m2w, m2b=m2b, p1w=p1w, p1b=p1b, p2w=p2w, p2b=p2b, s1w=s1w, s1b=s1b, s2w=s2w, s2b=s2b)

def _endpoint(seq, spans, mask, width_emb=None):
    starts = spans[..., 0]
    ends = spans[..., 1]
    s_emb = jnp.take_along_axis(seq, starts[..., None], axis=1)
    e_emb = jnp.take_along_axis(seq, ends[..., None], axis=1)
    combined = jnp.concatenate([s_emb, e_emb], axis=-1)
    if width_emb is not None:
        combined = jnp.concatenate([combined, width_emb[ends - starts]], axis=-1)
    return combined * mask[..., None]

def _attentive(seq, spans, mask, att_w, att_b):
    logits = seq @ att_w + att_b
    starts = spans[..., 0]
    widths = spans[..., 1] - starts
    max_w = NW
    r = jnp.arange(max_w)
    span_mask = r[None, None, :] <= widths[..., None]
    idx = jnp.clip(starts[..., None] + r[None, None, :], 0, seq.shape[1] - 1)
    bidx = jnp.arange(seq.shape[0])[:, None, None]
    span_emb = seq[bidx, idx]
    span_logits = jnp.where(span_mask, logits[bidx, idx, 0], -1e30)
    w = jax.nn.softmax(span_logits, axis=-1)
    attended = jnp.einsum('bnw,bnwh->bnh', w, span_emb)
    return attended * mask[..., None]

def _prune(emb, mask, k, w1, b1, w2, b2):
    h = jax.nn.relu(emb @ w1 + b1)
    scores = h @ w2 + b2
    masked = jnp.where(mask[..., None] > 0, scores, -1e20)
    _, top_idx = jax.lax.top_k(masked[..., 0], k)
    top_idx = jnp.sort(top_idx, axis=1)
    top_emb = jnp.take_along_axis(emb, top_idx[..., None], axis=1)
    top_mask = jnp.take_along_axis(mask, top_idx, axis=1)
    top_scores = jnp.take_along_axis(masked, top_idx[..., None], axis=1)
    return top_emb, top_mask, top_idx, top_scores

def reference(features, arg_candidates, predicate_candidates, width_emb, att_w, att_b, m1w, m1b, m2w, m2b, p1w, p1b, p2w, p2b, s1w, s1b, s2w, s2b):
    arg_mask = (arg_candidates[:, :, 1] > 0).astype(jnp.float32)
    pred_mask = (predicate_candidates[:, :, 1] > 0).astype(jnp.float32)
    ep = _endpoint(features, arg_candidates, arg_mask, width_emb)
    at = _attentive(features, arg_candidates, arg_mask, att_w, att_b)
    arg_emb = jnp.concatenate([ep, at], axis=-1)
    top_arg_emb, _, top_arg_idx, top_arg_scores = _prune(arg_emb, arg_mask, 30, m1w, m1b, m2w, m2b)
    pred_emb = _endpoint(features, predicate_candidates, pred_mask, None)
    top_pred_emb, _, top_pred_idx, top_pred_scores = _prune(pred_emb, pred_mask, 10, p1w, p1b, p2w, p2b)
    top_arg_spans = jnp.take_along_axis(arg_candidates, top_arg_idx[..., None], axis=1)
    top_pred_spans = jnp.take_along_axis(predicate_candidates, top_pred_idx[..., None], axis=1)
    kp, ka = top_pred_emb.shape[1], top_arg_emb.shape[1]
    pe = jnp.broadcast_to(top_pred_emb[:, :, None, :], (top_pred_emb.shape[0], kp, ka, top_pred_emb.shape[-1]))
    ae = jnp.broadcast_to(top_arg_emb[:, None, :, :], (top_arg_emb.shape[0], kp, ka, top_arg_emb.shape[-1]))
    pair = jnp.concatenate([pe, ae], axis=-1)
    h = jax.nn.relu(pair @ s1w + s1b)
    scores = h @ s2w + s2b
    scores = scores + top_arg_scores[:, None, :, :] + top_pred_scores[:, :, None, :]
    dummy = jnp.zeros(scores.shape[:-1] + (1,), dtype=scores.dtype)
    scores = jnp.concatenate([dummy, scores], axis=-1)
    return scores, top_pred_spans, top_arg_spans

if __name__ == "__main__":
    import jax
    _d = setup_inputs()
    print(jax.jit(kernel)(*tuple(_d.values())))

</pallas_src>

<mosaic_0001>
#map = affine_map<(d0, d1) -> (0, 0)>
#map1 = affine_map<(d0, d1) -> (0)>
module attributes {stable_mosaic.version = 14 : i64} {
  func.func @k(%arg0: i32, %arg1: i32, %arg2: memref<4096x768xf32, #tpu.memory_space<hbm>>, %arg3: memref<16384xi32, #tpu.memory_space<hbm>>, %arg4: memref<16384xi32, #tpu.memory_space<hbm>>, %arg5: memref<16384x768xf32, #tpu.memory_space<hbm>>, %arg6: memref<16384x768xf32, #tpu.memory_space<hbm>>, %arg7: memref<512xi32, #tpu.memory_space<vmem>>, %arg8: memref<512xi32, #tpu.memory_space<vmem>>, %arg9: memref<64x768xf32, #tpu.memory_space<vmem>>, %arg10: memref<64x768xf32, #tpu.memory_space<vmem>>, %arg11: memref<!tpu.dma_semaphore, #tpu.memory_space<semaphore_mem>>, %arg12: memref<!tpu.dma_semaphore, #tpu.memory_space<semaphore_mem>>) attributes {dimension_semantics = [#tpu.dimension_semantics<core_parallel>, #tpu.dimension_semantics<subcore_parallel>], iteration_bounds = array<i64: 2, 16>, scalar_prefetch = 0 : i64, scratch_operands = 6 : i64, tpu.core_type = #tpu.core_type<sc_vector_subcore>, window_params = [{transform_indices = #map}, {transform_indices = #map1}, {transform_indices = #map1}, {transform_indices = #map}, {transform_indices = #map}]} {
    %mul3A = arith.constant 2 : i32
    %mul3A_0 = arith.muli %arg1, %mul3A : i32
    %add3A = arith.addi %mul3A_0, %arg0 : i32
    %mul3A_1 = arith.constant 512 : i32
    %mul3A_2 = arith.muli %add3A, %mul3A_1 : i32
    "tpu.region"() ({
      %run_scoped3A = tpu.sem_alloc : memref<!tpu.dma_semaphore, #tpu.memory_space<semaphore_mem>>
      %dma_start3A_193 = tpu.memref_slice %arg3[%mul3A_2] : memref<16384xi32, #tpu.memory_space<hbm>> -> memref<512xi32, #tpu.memory_space<hbm>>
      %dma_start3A_194 = tpu.memref_slice %arg3[%mul3A_2] : memref<16384xi32, #tpu.memory_space<hbm>> -> memref<512xi32, #tpu.memory_space<hbm>>
      tpu.enqueue_dma source(%dma_start3A_194 : memref<512xi32, #tpu.memory_space<hbm>>) target(%arg7 : memref<512xi32, #tpu.memory_space<vmem>>) target_semaphore(%run_scoped3A : memref<!tpu.dma_semaphore, #tpu.memory_space<semaphore_mem>>)
      %dma_wait3A_195 = tpu.memref_slice %arg3[%mul3A_2] : memref<16384xi32, #tpu.memory_space<hbm>> -> memref<512xi32, #tpu.memory_space<hbm>>
      %dma_wait3A_196 = tpu.memref_slice %arg3[%mul3A_2] : memref<16384xi32, #tpu.memory_space<hbm>> -> memref<512xi32, #tpu.memory_space<hbm>>
      tpu.wait_dma2 semaphore(%run_scoped3A : memref<!tpu.dma_semaphore, #tpu.memory_space<semaphore_mem>>) src(%dma_wait3A_196 : memref<512xi32, #tpu.memory_space<hbm>>) dst(%arg7 : memref<512xi32, #tpu.memory_space<vmem>>)
      tpu.yield
    }) : () -> ()
    "tpu.region"() ({
      %run_scoped3A = tpu.sem_alloc : memref<!tpu.dma_semaphore, #tpu.memory_space<semaphore_mem>>
      %dma_start3A_193 = tpu.memref_slice %arg4[%mul3A_2] : memref<16384xi32, #tpu.memory_space<hbm>> -> memref<512xi32, #tpu.memory_space<hbm>>
      %dma_start3A_194 = tpu.memref_slice %arg4[%mul3A_2] : memref<16384xi32, #tpu.memory_space<hbm>> -> memref<512xi32, #tpu.memory_space<hbm>>
      tpu.enqueue_dma source(%dma_start3A_194 : memref<512xi32, #tpu.memory_space<hbm>>) target(%arg8 : memref<512xi32, #tpu.memory_space<vmem>>) target_semaphore(%run_scoped3A : memref<!tpu.dma_semaphore, #tpu.memory_space<semaphore_mem>>)
      %dma_wait3A_195 = tpu.memref_slice %arg4[%mul3A_2] : memref<16384xi32, #tpu.memory_space<hbm>> -> memref<512xi32, #tpu.memory_space<hbm>>
      %dma_wait3A_196 = tpu.memref_slice %arg4[%mul3A_2] : memref<16384xi32, #tpu.memory_space<hbm>> -> memref<512xi32, #tpu.memory_space<hbm>>
      tpu.wait_dma2 semaphore(%run_scoped3A : memref<!tpu.dma_semaphore, #tpu.memory_space<semaphore_mem>>) src(%dma_wait3A_196 : memref<512xi32, #tpu.memory_space<hbm>>) dst(%arg8 : memref<512xi32, #tpu.memory_space<vmem>>)
      tpu.yield
    }) : () -> ()
    %dma_start3A = arith.constant 0 : i32
    %dma_start3A_3 = tpu.memref_slice %arg7[%dma_start3A] : memref<512xi32, #tpu.memory_space<vmem>> -> memref<64xi32, #tpu.memory_space<vmem>>
    %dma_start3A_4 = arith.constant 0 : i32
    %dma_start3A_5 = arith.constant 0 : i32
    %dma_start3A_6 = tpu.memref_slice %arg2[%dma_start3A_4, %dma_start3A_5] : memref<4096x768xf32, #tpu.memory_space<hbm>> -> memref<4096x768xf32, #tpu.memory_space<hbm>>
    tpu.enqueue_indirect_dma source(%dma_start3A_6 : memref<4096x768xf32, #tpu.memory_space<hbm>>) target(%arg9 : memref<64x768xf32, #tpu.memory_space<vmem>>) offsets(%dma_start3A_3 : memref<64xi32, #tpu.memory_space<vmem>>) semaphore(%arg11 : memref<!tpu.dma_semaphore, #tpu.memory_space<semaphore_mem>>)
    %dma_start3A_7 = arith.constant 64 : i32
    %dma_start3A_8 = tpu.memref_slice %arg7[%dma_start3A_7] : memref<512xi32, #tpu.memory_space<vmem>> -> memref<64xi32, #tpu.memory_space<vmem>>
    %dma_start3A_9 = arith.constant 0 : i32
    %dma_start3A_10 = arith.constant 0 : i32
    %dma_start3A_11 = tpu.memref_slice %arg2[%dma_start3A_9, %dma_start3A_10] : memref<4096x768xf32, #tpu.memory_space<hbm>> -> memref<4096x768xf32, #tpu.memory_space<hbm>>
    tpu.enqueue_indirect_dma source(%dma_start3A_11 : memref<4096x768xf32, #tpu.memory_space<hbm>>) target(%arg10 : memref<64x768xf32, #tpu.memory_space<vmem>>) offsets(%dma_start3A_8 : memref<64xi32, #tpu.memory_space<vmem>>) semaphore(%arg12 : memref<!tpu.dma_semaphore, #tpu.memory_space<semaphore_mem>>)
    %dma_wait3A = arith.constant 0 : i32
    %dma_wait3A_12 = tpu.memref_slice %arg7[%dma_wait3A] : memref<512xi32, #tpu.memory_space<vmem>> -> memref<64xi32, #tpu.memory_space<vmem>>
    %dma_wait3A_13 = arith.constant 0 : i32
    %dma_wait3A_14 = arith.constant 0 : i32
    %dma_wait3A_15 = tpu.memref_slice %arg2[%dma_wait3A_13, %dma_wait3A_14] : memref<4096x768xf32, #tpu.memory_space<hbm>> -> memref<4096x768xf32, #tpu.memory_space<hbm>>
    tpu.wait_indirect_dma semaphore(%arg11 : memref<!tpu.dma_semaphore, #tpu.memory_space<semaphore_mem>>) src(%dma_wait3A_15 : memref<4096x768xf32, #tpu.memory_space<hbm>>) dst(%arg9 : memref<64x768xf32, #tpu.memory_space<vmem>>)
    %add3A_16 = arith.constant 0 : i32
    %add3A_17 = arith.addi %mul3A_2, %add3A_16 : i32
    "tpu.region"() ({
      %run_scoped3A = tpu.sem_alloc : memref<!tpu.dma_semaphore, #tpu.memory_space<semaphore_mem>>
      %dma_start3A_193 = arith.constant 0 : i32
      %dma_start3A_194 = tpu.memref_slice %arg5[%add3A_17, %dma_start3A_193] : memref<16384x768xf32, #tpu.memory_space<hbm>> -> memref<64x768xf32, #tpu.memory_space<hbm>>
      %dma_start3A_195 = arith.constant 0 : i32
      %dma_start3A_196 = tpu.memref_slice %arg5[%add3A_17, %dma_start3A_195] : memref<16384x768xf32, #tpu.memory_space<hbm>> -> memref<64x768xf32, #tpu.memory_space<hbm>>
      tpu.enqueue_dma source(%arg9 : memref<64x768xf32, #tpu.memory_space<vmem>>) target(%dma_start3A_196 : memref<64x768xf32, #tpu.memory_space<hbm>>) target_semaphore(%run_scoped3A : memref<!tpu.dma_semaphore, #tpu.memory_space<semaphore_mem>>)
      %dma_wait3A_197 = arith.constant 0 : i32
      %dma_wait3A_198 = tpu.memref_slice %arg5[%add3A_17, %dma_wait3A_197] : memref<16384x768xf32, #tpu.memory_space<hbm>> -> memref<64x768xf32, #tpu.memory_space<hbm>>
      %dma_wait3A_199 = arith.constant 0 : i32
      %dma_wait3A_200 = tpu.memref_slice %arg5[%add3A_17, %dma_wait3A_199] : memref<16384x768xf32, #tpu.memory_space<hbm>> -> memref<64x768xf32, #tpu.memory_space<hbm>>
      tpu.wait_dma2 semaphore(%run_scoped3A : memref<!tpu.dma_semaphore, #tpu.memory_space<semaphore_mem>>) src(%arg9 : memref<64x768xf32, #tpu.memory_space<vmem>>) dst(%dma_wait3A_200 : memref<64x768xf32, #tpu.memory_space<hbm>>)
      tpu.yield
    }) : () -> ()
    %dma_start3A_18 = arith.constant 128 : i32
    %dma_start3A_19 = tpu.memref_slice %arg7[%dma_start3A_18] : memref<512xi32, #tpu.memory_space<vmem>> -> memref<64xi32, #tpu.memory_space<vmem>>
    %dma_start3A_20 = arith.constant 0 : i32
    %dma_start3A_21 = arith.constant 0 : i32
    %dma_start3A_22 = tpu.memref_slice %arg2[%dma_start3A_20, %dma_start3A_21] : memref<4096x768xf32, #tpu.memory_space<hbm>> -> memref<4096x768xf32, #tpu.memory_space<hbm>>
    tpu.enqueue_indirect_dma source(%dma_start3A_22 : memref<4096x768xf32, #tpu.memory_space<hbm>>) target(%arg9 : memref<64x768xf32, #tpu.memory_space<vmem>>) offsets(%dma_start3A_19 : memref<64xi32, #tpu.memory_space<vmem>>) semaphore(%arg11 : memref<!tpu.dma_semaphore, #tpu.memory_space<semaphore_mem>>)
    %dma_wait3A_23 = arith.constant 64 : i32
    %dma_wait3A_24 = tpu.memref_slice %arg7[%dma_wait3A_23] : memref<512xi32, #tpu.memory_space<vmem>> -> memref<64xi32, #tpu.memory_space<vmem>>
    %dma_wait3A_25 = arith.constant 0 : i32
    %dma_wait3A_26 = arith.constant 0 : i32
    %dma_wait3A_27 = tpu.memref_slice %arg2[%dma_wait3A_25, %dma_wait3A_26] : memref<4096x768xf32, #tpu.memory_space<hbm>> -> memref<4096x768xf32, #tpu.memory_space<hbm>>
    tpu.wait_indirect_dma semaphore(%arg12 : memref<!tpu.dma_semaphore, #tpu.memory_space<semaphore_mem>>) src(%dma_wait3A_27 : memref<4096x768xf32, #tpu.memory_space<hbm>>) dst(%arg10 : memref<64x768xf32, #tpu.memory_space<vmem>>)
    %add3A_28 = arith.constant 64 : i32
    %add3A_29 = arith.addi %mul3A_2, %add3A_28 : i32
    "tpu.region"() ({
      %run_scoped3A = tpu.sem_alloc : memref<!tpu.dma_semaphore, #tpu.memory_space<semaphore_mem>>
      %dma_start3A_193 = arith.constant 0 : i32
      %dma_start3A_194 = tpu.memref_slice %arg5[%add3A_29, %dma_start3A_193] : memref<16384x768xf32, #tpu.memory_space<hbm>> -> memref<64x768xf32, #tpu.memory_space<hbm>>
      %dma_start3A_195 = arith.constant 0 : i32
      %dma_start3A_196 = tpu.memref_slice %arg5[%add3A_29, %dma_start3A_195] : memref<16384x768xf32, #tpu.memory_space<hbm>> -> memref<64x768xf32, #tpu.memory_space<hbm>>
      tpu.enqueue_dma source(%arg10 : memref<64x768xf32, #tpu.memory_space<vmem>>) target(%dma_start3A_196 : memref<64x768xf32, #tpu.memory_space<hbm>>) target_semaphore(%run_scoped3A : memref<!tpu.dma_semaphore, #tpu.memory_space<semaphore_mem>>)
      %dma_wait3A_197 = arith.constant 0 : i32
      %dma_wait3A_198 = tpu.memref_slice %arg5[%add3A_29, %dma_wait3A_197] : memref<16384x768xf32, #tpu.memory_space<hbm>> -> memref<64x768xf32, #tpu.memory_space<hbm>>
      %dma_wait3A_199 = arith.constant 0 : i32
      %dma_wait3A_200 = tpu.memref_slice %arg5[%add3A_29, %dma_wait3A_199] : memref<16384x768xf32, #tpu.memory_space<hbm>> -> memref<64x768xf32, #tpu.memory_space<hbm>>
      tpu.wait_dma2 semaphore(%run_scoped3A : memref<!tpu.dma_semaphore, #tpu.memory_space<semaphore_mem>>) src(%arg10 : memref<64x768xf32, #tpu.memory_space<vmem>>) dst(%dma_wait3A_200 : memref<64x768xf32, #tpu.memory_space<hbm>>)
      tpu.yield
    }) : () -> ()
    %dma_start3A_30 = arith.constant 192 : i32
    %dma_start3A_31 = tpu.memref_slice %arg7[%dma_start3A_30] : memref<512xi32, #tpu.memory_space<vmem>> -> memref<64xi32, #tpu.memory_space<vmem>>
    %dma_start3A_32 = arith.constant 0 : i32
    %dma_start3A_33 = arith.constant 0 : i32
    %dma_start3A_34 = tpu.memref_slice %arg2[%dma_start3A_32, %dma_start3A_33] : memref<4096x768xf32, #tpu.memory_space<hbm>> -> memref<4096x768xf32, #tpu.memory_space<hbm>>
    tpu.enqueue_indirect_dma source(%dma_start3A_34 : memref<4096x768xf32, #tpu.memory_space<hbm>>) target(%arg10 : memref<64x768xf32, #tpu.memory_space<vmem>>) offsets(%dma_start3A_31 : memref<64xi32, #tpu.memory_space<vmem>>) semaphore(%arg12 : memref<!tpu.dma_semaphore, #tpu.memory_space<semaphore_mem>>)
    %dma_wait3A_35 = arith.constant 128 : i32
    %dma_wait3A_36 = tpu.memref_slice %arg7[%dma_wait3A_35] : memref<512xi32, #tpu.memory_space<vmem>> -> memref<64xi32, #tpu.memory_space<vmem>>
    %dma_wait3A_37 = arith.constant 0 : i32
    %dma_wait3A_38 = arith.constant 0 : i32
    %dma_wait3A_39 = tpu.memref_slice %arg2[%dma_wait3A_37, %dma_wait3A_38] : memref<4096x768xf32, #tpu.memory_space<hbm>> -> memref<4096x768xf32, #tpu.memory_space<hbm>>
    tpu.wait_indirect_dma semaphore(%arg11 : memref<!tpu.dma_semaphore, #tpu.memory_space<semaphore_mem>>) src(%dma_wait3A_39 : memref<4096x768xf32, #tpu.memory_space<hbm>>) dst(%arg9 : memref<64x768xf32, #tpu.memory_space<vmem>>)
    %add3A_40 = arith.constant 128 : i32
    %add3A_41 = arith.addi %mul3A_2, %add3A_40 : i32
    "tpu.region"() ({
      %run_scoped3A = tpu.sem_alloc : memref<!tpu.dma_semaphore, #tpu.memory_space<semaphore_mem>>
      %dma_start3A_193 = arith.constant 0 : i32
      %dma_start3A_194 = tpu.memref_slice %arg5[%add3A_41, %dma_start3A_193] : memref<16384x768xf32, #tpu.memory_space<hbm>> -> memref<64x768xf32, #tpu.memory_space<hbm>>
      %dma_start3A_195 = arith.constant 0 : i32
      %dma_start3A_196 = tpu.memref_slice %arg5[%add3A_41, %dma_start3A_195] : memref<16384x768xf32, #tpu.memory_space<hbm>> -> memref<64x768xf32, #tpu.memory_space<hbm>>
      tpu.enqueue_dma source(%arg9 : memref<64x768xf32, #tpu.memory_space<vmem>>) target(%dma_start3A_196 : memref<64x768xf32, #tpu.memory_space<hbm>>) target_semaphore(%run_scoped3A : memref<!tpu.dma_semaphore, #tpu.memory_space<semaphore_mem>>)
      %dma_wait3A_197 = arith.constant 0 : i32
      %dma_wait3A_198 = tpu.memref_slice %arg5[%add3A_41, %dma_wait3A_197] : memref<16384x768xf32, #tpu.memory_space<hbm>> -> memref<64x768xf32, #tpu.memory_space<hbm>>
      %dma_wait3A_199 = arith.constant 0 : i32
      %dma_wait3A_200 = tpu.memref_slice %arg5[%add3A_41, %dma_wait3A_199] : memref<16384x768xf32, #tpu.memory_space<hbm>> -> memref<64x768xf32, #tpu.memory_space<hbm>>
      tpu.wait_dma2 semaphore(%run_scoped3A : memref<!tpu.dma_semaphore, #tpu.memory_space<semaphore_mem>>) src(%arg9 : memref<64x768xf32, #tpu.memory_space<vmem>>) dst(%dma_wait3A_200 : memref<64x768xf32, #tpu.memory_space<hbm>>)
      tpu.yield
    }) : () -> ()
    %dma_start3A_42 = arith.constant 256 : i32
    %dma_start3A_43 = tpu.memref_slice %arg7[%dma_start3A_42] : memref<512xi32, #tpu.memory_space<vmem>> -> memref<64xi32, #tpu.memory_space<vmem>>
    %dma_start3A_44 = arith.constant 0 : i32
    %dma_start3A_45 = arith.constant 0 : i32
    %dma_start3A_46 = tpu.memref_slice %arg2[%dma_start3A_44, %dma_start3A_45] : memref<4096x768xf32, #tpu.memory_space<hbm>> -> memref<4096x768xf32, #tpu.memory_space<hbm>>
    tpu.enqueue_indirect_dma source(%dma_start3A_46 : memref<4096x768xf32, #tpu.memory_space<hbm>>) target(%arg9 : memref<64x768xf32, #tpu.memory_space<vmem>>) offsets(%dma_start3A_43 : memref<64xi32, #tpu.memory_space<vmem>>) semaphore(%arg11 : memref<!tpu.dma_semaphore, #tpu.memory_space<semaphore_mem>>)
    %dma_wait3A_47 = arith.constant 192 : i32
    %dma_wait3A_48 = tpu.memref_slice %arg7[%dma_wait3A_47] : memref<512xi32, #tpu.memory_space<vmem>> -> memref<64xi32, #tpu.memory_space<vmem>>
    %dma_wait3A_49 = arith.constant 0 : i32
    %dma_wait3A_50 = arith.constant 0 : i32
    %dma_wait3A_51 = tpu.memref_slice %arg2[%dma_wait3A_49, %dma_wait3A_50] : memref<4096x768xf32, #tpu.memory_space<hbm>> -> memref<4096x768xf32, #tpu.memory_space<hbm>>
    tpu.wait_indirect_dma semaphore(%arg12 : memref<!tpu.dma_semaphore, #tpu.memory_space<semaphore_mem>>) src(%dma_wait3A_51 : memref<4096x768xf32, #tpu.memory_space<hbm>>) dst(%arg10 : memref<64x768xf32, #tpu.memory_space<vmem>>)
    %add3A_52 = arith.constant 192 : i32
    %add3A_53 = arith.addi %mul3A_2, %add3A_52 : i32
    "tpu.region"() ({
      %run_scoped3A = tpu.sem_alloc : memref<!tpu.dma_semaphore, #tpu.memory_space<semaphore_mem>>
      %dma_start3A_193 = arith.constant 0 : i32
      %dma_start3A_194 = tpu.memref_slice %arg5[%add3A_53, %dma_start3A_193] : memref<16384x768xf32, #tpu.memory_space<hbm>> -> memref<64x768xf32, #tpu.memory_space<hbm>>
      %dma_start3A_195 = arith.constant 0 : i32
      %dma_start3A_196 = tpu.memref_slice %arg5[%add3A_53, %dma_start3A_195] : memref<16384x768xf32, #tpu.memory_space<hbm>> -> memref<64x768xf32, #tpu.memory_space<hbm>>
      tpu.enqueue_dma source(%arg10 : memref<64x768xf32, #tpu.memory_space<vmem>>) target(%dma_start3A_196 : memref<64x768xf32, #tpu.memory_space<hbm>>) target_semaphore(%run_scoped3A : memref<!tpu.dma_semaphore, #tpu.memory_space<semaphore_mem>>)
      %dma_wait3A_197 = arith.constant 0 : i32
      %dma_wait3A_198 = tpu.memref_slice %arg5[%add3A_53, %dma_wait3A_197] : memref<16384x768xf32, #tpu.memory_space<hbm>> -> memref<64x768xf32, #tpu.memory_space<hbm>>
      %dma_wait3A_199 = arith.constant 0 : i32
      %dma_wait3A_200 = tpu.memref_slice %arg5[%add3A_53, %dma_wait3A_199] : memref<16384x768xf32, #tpu.memory_space<hbm>> -> memref<64x768xf32, #tpu.memory_space<hbm>>
      tpu.wait_dma2 semaphore(%run_scoped3A : memref<!tpu.dma_semaphore, #tpu.memory_space<semaphore_mem>>) src(%arg10 : memref<64x768xf32, #tpu.memory_space<vmem>>) dst(%dma_wait3A_200 : memref<64x768xf32, #tpu.memory_space<hbm>>)
      tpu.yield
    }) : () -> ()
    %dma_start3A_54 = arith.constant 320 : i32
    %dma_start3A_55 = tpu.memref_slice %arg7[%dma_start3A_54] : memref<512xi32, #tpu.memory_space<vmem>> -> memref<64xi32, #tpu.memory_space<vmem>>
    %dma_start3A_56 = arith.constant 0 : i32
    %dma_start3A_57 = arith.constant 0 : i32
    %dma_start3A_58 = tpu.memref_slice %arg2[%dma_start3A_56, %dma_start3A_57] : memref<4096x768xf32, #tpu.memory_space<hbm>> -> memref<4096x768xf32, #tpu.memory_space<hbm>>
    tpu.enqueue_indirect_dma source(%dma_start3A_58 : memref<4096x768xf32, #tpu.memory_space<hbm>>) target(%arg10 : memref<64x768xf32, #tpu.memory_space<vmem>>) offsets(%dma_start3A_55 : memref<64xi32, #tpu.memory_space<vmem>>) semaphore(%arg12 : memref<!tpu.dma_semaphore, #tpu.memory_space<semaphore_mem>>)
    %dma_wait3A_59 = arith.constant 256 : i32
    %dma_wait3A_60 = tpu.memref_slice %arg7[%dma_wait3A_59] : memref<512xi32, #tpu.memory_space<vmem>> -> memref<64xi32, #tpu.memory_space<vmem>>
    %dma_wait3A_61 = arith.constant 0 : i32
    %dma_wait3A_62 = arith.constant 0 : i32
    %dma_wait3A_63 = tpu.memref_slice %arg2[%dma_wait3A_61, %dma_wait3A_62] : memref<4096x768xf32, #tpu.memory_space<hbm>> -> memref<4096x768xf32, #tpu.memory_space<hbm>>
    tpu.wait_indirect_dma semaphore(%arg11 : memref<!tpu.dma_semaphore, #tpu.memory_space<semaphore_mem>>) src(%dma_wait3A_63 : memref<4096x768xf32, #tpu.memory_space<hbm>>) dst(%arg9 : memref<64x768xf32, #tpu.memory_space<vmem>>)
    %add3A_64 = arith.constant 256 : i32
    %add3A_65 = arith.addi %mul3A_2, %add3A_64 : i32
    "tpu.region"() ({
      %run_scoped3A = tpu.sem_alloc : memref<!tpu.dma_semaphore, #tpu.memory_space<semaphore_mem>>
      %dma_start3A_193 = arith.constant 0 : i32
      %dma_start3A_194 = tpu.memref_slice %arg5[%add3A_65, %dma_start3A_193] : memref<16384x768xf32, #tpu.memory_space<hbm>> -> memref<64x768xf32, #tpu.memory_space<hbm>>
      %dma_start3A_195 = arith.constant 0 : i32
      %dma_start3A_196 = tpu.memref_slice %arg5[%add3A_65, %dma_start3A_195] : memref<16384x768xf32, #tpu.memory_space<hbm>> -> memref<64x768xf32, #tpu.memory_space<hbm>>
      tpu.enqueue_dma source(%arg9 : memref<64x768xf32, #tpu.memory_space<vmem>>) target(%dma_start3A_196 : memref<64x768xf32, #tpu.memory_space<hbm>>) target_semaphore(%run_scoped3A : memref<!tpu.dma_semaphore, #tpu.memory_space<semaphore_mem>>)
      %dma_wait3A_197 = arith.constant 0 : i32
      %dma_wait3A_198 = tpu.memref_slice %arg5[%add3A_65, %dma_wait3A_197] : memref<16384x768xf32, #tpu.memory_space<hbm>> -> memref<64x768xf32, #tpu.memory_space<hbm>>
      %dma_wait3A_199 = arith.constant 0 : i32
      %dma_wait3A_200 = tpu.memref_slice %arg5[%add3A_65, %dma_wait3A_199] : memref<16384x768xf32, #tpu.memory_space<hbm>> -> memref<64x768xf32, #tpu.memory_space<hbm>>
      tpu.wait_dma2 semaphore(%run_scoped3A : memref<!tpu.dma_semaphore, #tpu.memory_space<semaphore_mem>>) src(%arg9 : memref<64x768xf32, #tpu.memory_space<vmem>>) dst(%dma_wait3A_200 : memref<64x768xf32, #tpu.memory_space<hbm>>)
      tpu.yield
    }) : () -> ()
    %dma_start3A_66 = arith.constant 384 : i32
    %dma_start3A_67 = tpu.memref_slice %arg7[%dma_start3A_66] : memref<512xi32, #tpu.memory_space<vmem>> -> memref<64xi32, #tpu.memory_space<vmem>>
    %dma_start3A_68 = arith.constant 0 : i32
    %dma_start3A_69 = arith.constant 0 : i32
    %dma_start3A_70 = tpu.memref_slice %arg2[%dma_start3A_68, %dma_start3A_69] : memref<4096x768xf32, #tpu.memory_space<hbm>> -> memref<4096x768xf32, #tpu.memory_space<hbm>>
    tpu.enqueue_indirect_dma source(%dma_start3A_70 : memref<4096x768xf32, #tpu.memory_space<hbm>>) target(%arg9 : memref<64x768xf32, #tpu.memory_space<vmem>>) offsets(%dma_start3A_67 : memref<64xi32, #tpu.memory_space<vmem>>) semaphore(%arg11 : memref<!tpu.dma_semaphore, #tpu.memory_space<semaphore_mem>>)
    %dma_wait3A_71 = arith.constant 320 : i32
    %dma_wait3A_72 = tpu.memref_slice %arg7[%dma_wait3A_71] : memref<512xi32, #tpu.memory_space<vmem>> -> memref<64xi32, #tpu.memory_space<vmem>>
    %dma_wait3A_73 = arith.constant 0 : i32
    %dma_wait3A_74 = arith.constant 0 : i32
    %dma_wait3A_75 = tpu.memref_slice %arg2[%dma_wait3A_73, %dma_wait3A_74] : memref<4096x768xf32, #tpu.memory_space<hbm>> -> memref<4096x768xf32, #tpu.memory_space<hbm>>
    tpu.wait_indirect_dma semaphore(%arg12 : memref<!tpu.dma_semaphore, #tpu.memory_space<semaphore_mem>>) src(%dma_wait3A_75 : memref<4096x768xf32, #tpu.memory_space<hbm>>) dst(%arg10 : memref<64x768xf32, #tpu.memory_space<vmem>>)
    %add3A_76 = arith.constant 320 : i32
    %add3A_77 = arith.addi %mul3A_2, %add3A_76 : i32
    "tpu.region"() ({
      %run_scoped3A = tpu.sem_alloc : memref<!tpu.dma_semaphore, #tpu.memory_space<semaphore_mem>>
      %dma_start3A_193 = arith.constant 0 : i32
      %dma_start3A_194 = tpu.memref_slice %arg5[%add3A_77, %dma_start3A_193] : memref<16384x768xf32, #tpu.memory_space<hbm>> -> memref<64x768xf32, #tpu.memory_space<hbm>>
      %dma_start3A_195 = arith.constant 0 : i32
      %dma_start3A_196 = tpu.memref_slice %arg5[%add3A_77, %dma_start3A_195] : memref<16384x768xf32, #tpu.memory_space<hbm>> -> memref<64x768xf32, #tpu.memory_space<hbm>>
      tpu.enqueue_dma source(%arg10 : memref<64x768xf32, #tpu.memory_space<vmem>>) target(%dma_start3A_196 : memref<64x768xf32, #tpu.memory_space<hbm>>) target_semaphore(%run_scoped3A : memref<!tpu.dma_semaphore, #tpu.memory_space<semaphore_mem>>)
      %dma_wait3A_197 = arith.constant 0 : i32
      %dma_wait3A_198 = tpu.memref_slice %arg5[%add3A_77, %dma_wait3A_197] : memref<16384x768xf32, #tpu.memory_space<hbm>> -> memref<64x768xf32, #tpu.memory_space<hbm>>
      %dma_wait3A_199 = arith.constant 0 : i32
      %dma_wait3A_200 = tpu.memref_slice %arg5[%add3A_77, %dma_wait3A_199] : memref<16384x768xf32, #tpu.memory_space<hbm>> -> memref<64x768xf32, #tpu.memory_space<hbm>>
      tpu.wait_dma2 semaphore(%run_scoped3A : memref<!tpu.dma_semaphore, #tpu.memory_space<semaphore_mem>>) src(%arg10 : memref<64x768xf32, #tpu.memory_space<vmem>>) dst(%dma_wait3A_200 : memref<64x768xf32, #tpu.memory_space<hbm>>)
      tpu.yield
    }) : () -> ()
    %dma_start3A_78 = arith.constant 448 : i32
    %dma_start3A_79 = tpu.memref_slice %arg7[%dma_start3A_78] : memref<512xi32, #tpu.memory_space<vmem>> -> memref<64xi32, #tpu.memory_space<vmem>>
    %dma_start3A_80 = arith.constant 0 : i32
    %dma_start3A_81 = arith.constant 0 : i32
    %dma_start3A_82 = tpu.memref_slice %arg2[%dma_start3A_80, %dma_start3A_81] : memref<4096x768xf32, #tpu.memory_space<hbm>> -> memref<4096x768xf32, #tpu.memory_space<hbm>>
    tpu.enqueue_indirect_dma source(%dma_start3A_82 : memref<4096x768xf32, #tpu.memory_space<hbm>>) target(%arg10 : memref<64x768xf32, #tpu.memory_space<vmem>>) offsets(%dma_start3A_79 : memref<64xi32, #tpu.memory_space<vmem>>) semaphore(%arg12 : memref<!tpu.dma_semaphore, #tpu.memory_space<semaphore_mem>>)
    %dma_wait3A_83 = arith.constant 384 : i32
    %dma_wait3A_84 = tpu.memref_slice %arg7[%dma_wait3A_83] : memref<512xi32, #tpu.memory_space<vmem>> -> memref<64xi32, #tpu.memory_space<vmem>>
    %dma_wait3A_85 = arith.constant 0 : i32
    %dma_wait3A_86 = arith.constant 0 : i32
    %dma_wait3A_87 = tpu.memref_slice %arg2[%dma_wait3A_85, %dma_wait3A_86] : memref<4096x768xf32, #tpu.memory_space<hbm>> -> memref<4096x768xf32, #tpu.memory_space<hbm>>
    tpu.wait_indirect_dma semaphore(%arg11 : memref<!tpu.dma_semaphore, #tpu.memory_space<semaphore_mem>>) src(%dma_wait3A_87 : memref<4096x768xf32, #tpu.memory_space<hbm>>) dst(%arg9 : memref<64x768xf32, #tpu.memory_space<vmem>>)
    %add3A_88 = arith.constant 384 : i32
    %add3A_89 = arith.addi %mul3A_2, %add3A_88 : i32
    "tpu.region"() ({
      %run_scoped3A = tpu.sem_alloc : memref<!tpu.dma_semaphore, #tpu.memory_space<semaphore_mem>>
      %dma_start3A_193 = arith.constant 0 : i32
      %dma_start3A_194 = tpu.memref_slice %arg5[%add3A_89, %dma_start3A_193] : memref<16384x768xf32, #tpu.memory_space<hbm>> -> memref<64x768xf32, #tpu.memory_space<hbm>>
      %dma_start3A_195 = arith.constant 0 : i32
      %dma_start3A_196 = tpu.memref_slice %arg5[%add3A_89, %dma_start3A_195] : memref<16384x768xf32, #tpu.memory_space<hbm>> -> memref<64x768xf32, #tpu.memory_space<hbm>>
      tpu.enqueue_dma source(%arg9 : memref<64x768xf32, #tpu.memory_space<vmem>>) target(%dma_start3A_196 : memref<64x768xf32, #tpu.memory_space<hbm>>) target_semaphore(%run_scoped3A : memref<!tpu.dma_semaphore, #tpu.memory_space<semaphore_mem>>)
      %dma_wait3A_197 = arith.constant 0 : i32
      %dma_wait3A_198 = tpu.memref_slice %arg5[%add3A_89, %dma_wait3A_197] : memref<16384x768xf32, #tpu.memory_space<hbm>> -> memref<64x768xf32, #tpu.memory_space<hbm>>
      %dma_wait3A_199 = arith.constant 0 : i32
      %dma_wait3A_200 = tpu.memref_slice %arg5[%add3A_89, %dma_wait3A_199] : memref<16384x768xf32, #tpu.memory_space<hbm>> -> memref<64x768xf32, #tpu.memory_space<hbm>>
      tpu.wait_dma2 semaphore(%run_scoped3A : memref<!tpu.dma_semaphore, #tpu.memory_space<semaphore_mem>>) src(%arg9 : memref<64x768xf32, #tpu.memory_space<vmem>>) dst(%dma_wait3A_200 : memref<64x768xf32, #tpu.memory_space<hbm>>)
      tpu.yield
    }) : () -> ()
    %dma_start3A_90 = arith.constant 0 : i32
    %dma_start3A_91 = tpu.memref_slice %arg8[%dma_start3A_90] : memref<512xi32, #tpu.memory_space<vmem>> -> memref<64xi32, #tpu.memory_space<vmem>>
    %dma_start3A_92 = arith.constant 0 : i32
    %dma_start3A_93 = arith.constant 0 : i32
    %dma_start3A_94 = tpu.memref_slice %arg2[%dma_start3A_92, %dma_start3A_93] : memref<4096x768xf32, #tpu.memory_space<hbm>> -> memref<4096x768xf32, #tpu.memory_space<hbm>>
    tpu.enqueue_indirect_dma source(%dma_start3A_94 : memref<4096x768xf32, #tpu.memory_space<hbm>>) target(%arg9 : memref<64x768xf32, #tpu.memory_space<vmem>>) offsets(%dma_start3A_91 : memref<64xi32, #tpu.memory_space<vmem>>) semaphore(%arg11 : memref<!tpu.dma_semaphore, #tpu.memory_space<semaphore_mem>>)
    %dma_wait3A_95 = arith.constant 448 : i32
    %dma_wait3A_96 = tpu.memref_slice %arg7[%dma_wait3A_95] : memref<512xi32, #tpu.memory_space<vmem>> -> memref<64xi32, #tpu.memory_space<vmem>>
    %dma_wait3A_97 = arith.constant 0 : i32
    %dma_wait3A_98 = arith.constant 0 : i32
    %dma_wait3A_99 = tpu.memref_slice %arg2[%dma_wait3A_97, %dma_wait3A_98] : memref<4096x768xf32, #tpu.memory_space<hbm>> -> memref<4096x768xf32, #tpu.memory_space<hbm>>
    tpu.wait_indirect_dma semaphore(%arg12 : memref<!tpu.dma_semaphore, #tpu.memory_space<semaphore_mem>>) src(%dma_wait3A_99 : memref<4096x768xf32, #tpu.memory_space<hbm>>) dst(%arg10 : memref<64x768xf32, #tpu.memory_space<vmem>>)
    %add3A_100 = arith.constant 448 : i32
    %add3A_101 = arith.addi %mul3A_2, %add3A_100 : i32
    "tpu.region"() ({
      %run_scoped3A = tpu.sem_alloc : memref<!tpu.dma_semaphore, #tpu.memory_space<semaphore_mem>>
      %dma_start3A_193 = arith.constant 0 : i32
      %dma_start3A_194 = tpu.memref_slice %arg5[%add3A_101, %dma_start3A_193] : memref<16384x768xf32, #tpu.memory_space<hbm>> -> memref<64x768xf32, #tpu.memory_space<hbm>>
      %dma_start3A_195 = arith.constant 0 : i32
      %dma_start3A_196 = tpu.memref_slice %arg5[%add3A_101, %dma_start3A_195] : memref<16384x768xf32, #tpu.memory_space<hbm>> -> memref<64x768xf32, #tpu.memory_space<hbm>>
      tpu.enqueue_dma source(%arg10 : memref<64x768xf32, #tpu.memory_space<vmem>>) target(%dma_start3A_196 : memref<64x768xf32, #tpu.memory_space<hbm>>) target_semaphore(%run_scoped3A : memref<!tpu.dma_semaphore, #tpu.memory_space<semaphore_mem>>)
      %dma_wait3A_197 = arith.constant 0 : i32
      %dma_wait3A_198 = tpu.memref_slice %arg5[%add3A_101, %dma_wait3A_197] : memref<16384x768xf32, #tpu.memory_space<hbm>> -> memref<64x768xf32, #tpu.memory_space<hbm>>
      %dma_wait3A_199 = arith.constant 0 : i32
      %dma_wait3A_200 = tpu.memref_slice %arg5[%add3A_101, %dma_wait3A_199] : memref<16384x768xf32, #tpu.memory_space<hbm>> -> memref<64x768xf32, #tpu.memory_space<hbm>>
      tpu.wait_dma2 semaphore(%run_scoped3A : memref<!tpu.dma_semaphore, #tpu.memory_space<semaphore_mem>>) src(%arg10 : memref<64x768xf32, #tpu.memory_space<vmem>>) dst(%dma_wait3A_200 : memref<64x768xf32, #tpu.memory_space<hbm>>)
      tpu.yield
    }) : () -> ()
    %dma_start3A_102 = arith.constant 64 : i32
    %dma_start3A_103 = tpu.memref_slice %arg8[%dma_start3A_102] : memref<512xi32, #tpu.memory_space<vmem>> -> memref<64xi32, #tpu.memory_space<vmem>>
    %dma_start3A_104 = arith.constant 0 : i32
    %dma_start3A_105 = arith.constant 0 : i32
    %dma_start3A_106 = tpu.memref_slice %arg2[%dma_start3A_104, %dma_start3A_105] : memref<4096x768xf32, #tpu.memory_space<hbm>> -> memref<4096x768xf32, #tpu.memory_space<hbm>>
    tpu.enqueue_indirect_dma source(%dma_start3A_106 : memref<4096x768xf32, #tpu.memory_space<hbm>>) target(%arg10 : memref<64x768xf32, #tpu.memory_space<vmem>>) offsets(%dma_start3A_103 : memref<64xi32, #tpu.memory_space<vmem>>) semaphore(%arg12 : memref<!tpu.dma_semaphore, #tpu.memory_space<semaphore_mem>>)
    %dma_wait3A_107 = arith.constant 0 : i32
    %dma_wait3A_108 = tpu.memref_slice %arg8[%dma_wait3A_107] : memref<512xi32, #tpu.memory_space<vmem>> -> memref<64xi32, #tpu.memory_space<vmem>>
    %dma_wait3A_109 = arith.constant 0 : i32
    %dma_wait3A_110 = arith.constant 0 : i32
    %dma_wait3A_111 = tpu.memref_slice %arg2[%dma_wait3A_109, %dma_wait3A_110] : memref<4096x768xf32, #tpu.memory_space<hbm>> -> memref<4096x768xf32, #tpu.memory_space<hbm>>
    tpu.wait_indirect_dma semaphore(%arg11 : memref<!tpu.dma_semaphore, #tpu.memory_space<semaphore_mem>>) src(%dma_wait3A_111 : memref<4096x768xf32, #tpu.memory_space<hbm>>) dst(%arg9 : memref<64x768xf32, #tpu.memory_space<vmem>>)
    %add3A_112 = arith.constant 0 : i32
    %add3A_113 = arith.addi %mul3A_2, %add3A_112 : i32
    "tpu.region"() ({
      %run_scoped3A = tpu.sem_alloc : memref<!tpu.dma_semaphore, #tpu.memory_space<semaphore_mem>>
      %dma_start3A_193 = arith.constant 0 : i32
      %dma_start3A_194 = tpu.memref_slice %arg6[%add3A_113, %dma_start3A_193] : memref<16384x768xf32, #tpu.memory_space<hbm>> -> memref<64x768xf32, #tpu.memory_space<hbm>>
      %dma_start3A_195 = arith.constant 0 : i32
      %dma_start3A_196 = tpu.memref_slice %arg6[%add3A_113, %dma_start3A_195] : memref<16384x768xf32, #tpu.memory_space<hbm>> -> memref<64x768xf32, #tpu.memory_space<hbm>>
      tpu.enqueue_dma source(%arg9 : memref<64x768xf32, #tpu.memory_space<vmem>>) target(%dma_start3A_196 : memref<64x768xf32, #tpu.memory_space<hbm>>) target_semaphore(%run_scoped3A : memref<!tpu.dma_semaphore, #tpu.memory_space<semaphore_mem>>)
      %dma_wait3A_197 = arith.constant 0 : i32
      %dma_wait3A_198 = tpu.memref_slice %arg6[%add3A_113, %dma_wait3A_197] : memref<16384x768xf32, #tpu.memory_space<hbm>> -> memref<64x768xf32, #tpu.memory_space<hbm>>
      %dma_wait3A_199 = arith.constant 0 : i32
      %dma_wait3A_200 = tpu.memref_slice %arg6[%add3A_113, %dma_wait3A_199] : memref<16384x768xf32, #tpu.memory_space<hbm>> -> memref<64x768xf32, #tpu.memory_space<hbm>>
      tpu.wait_dma2 semaphore(%run_scoped3A : memref<!tpu.dma_semaphore, #tpu.memory_space<semaphore_mem>>) src(%arg9 : memref<64x768xf32, #tpu.memory_space<vmem>>) dst(%dma_wait3A_200 : memref<64x768xf32, #tpu.memory_space<hbm>>)
      tpu.yield
    }) : () -> ()
    %dma_start3A_114 = arith.constant 128 : i32
    %dma_start3A_115 = tpu.memref_slice %arg8[%dma_start3A_114] : memref<512xi32, #tpu.memory_space<vmem>> -> memref<64xi32, #tpu.memory_space<vmem>>
    %dma_start3A_116 = arith.constant 0 : i32
    %dma_start3A_117 = arith.constant 0 : i32
    %dma_start3A_118 = tpu.memref_slice %arg2[%dma_start3A_116, %dma_start3A_117] : memref<4096x768xf32, #tpu.memory_space<hbm>> -> memref<4096x768xf32, #tpu.memory_space<hbm>>
    tpu.enqueue_indirect_dma source(%dma_start3A_118 : memref<4096x768xf32, #tpu.memory_space<hbm>>) target(%arg9 : memref<64x768xf32, #tpu.memory_space<vmem>>) offsets(%dma_start3A_115 : memref<64xi32, #tpu.memory_space<vmem>>) semaphore(%arg11 : memref<!tpu.dma_semaphore, #tpu.memory_space<semaphore_mem>>)
    %dma_wait3A_119 = arith.constant 64 : i32
    %dma_wait3A_120 = tpu.memref_slice %arg8[%dma_wait3A_119] : memref<512xi32, #tpu.memory_space<vmem>> -> memref<64xi32, #tpu.memory_space<vmem>>
    %dma_wait3A_121 = arith.constant 0 : i32
    %dma_wait3A_122 = arith.constant 0 : i32
    %dma_wait3A_123 = tpu.memref_slice %arg2[%dma_wait3A_121, %dma_wait3A_122] : memref<4096x768xf32, #tpu.memory_space<hbm>> -> memref<4096x768xf32, #tpu.memory_space<hbm>>
    tpu.wait_indirect_dma semaphore(%arg12 : memref<!tpu.dma_semaphore, #tpu.memory_space<semaphore_mem>>) src(%dma_wait3A_123 : memref<4096x768xf32, #tpu.memory_space<hbm>>) dst(%arg10 : memref<64x768xf32, #tpu.memory_space<vmem>>)
    %add3A_124 = arith.constant 64 : i32
    %add3A_125 = arith.addi %mul3A_2, %add3A_124 : i32
    "tpu.region"() ({
      %run_scoped3A = tpu.sem_alloc : memref<!tpu.dma_semaphore, #tpu.memory_space<semaphore_mem>>
      %dma_start3A_193 = arith.constant 0 : i32
      %dma_start3A_194 = tpu.memref_slice %arg6[%add3A_125, %dma_start3A_193] : memref<16384x768xf32, #tpu.memory_space<hbm>> -> memref<64x768xf32, #tpu.memory_space<hbm>>
      %dma_start3A_195 = arith.constant 0 : i32
      %dma_start3A_196 = tpu.memref_slice %arg6[%add3A_125, %dma_start3A_195] : memref<16384x768xf32, #tpu.memory_space<hbm>> -> memref<64x768xf32, #tpu.memory_space<hbm>>
      tpu.enqueue_dma source(%arg10 : memref<64x768xf32, #tpu.memory_space<vmem>>) target(%dma_start3A_196 : memref<64x768xf32, #tpu.memory_space<hbm>>) target_semaphore(%run_scoped3A : memref<!tpu.dma_semaphore, #tpu.memory_space<semaphore_mem>>)
      %dma_wait3A_197 = arith.constant 0 : i32
      %dma_wait3A_198 = tpu.memref_slice %arg6[%add3A_125, %dma_wait3A_197] : memref<16384x768xf32, #tpu.memory_space<hbm>> -> memref<64x768xf32, #tpu.memory_space<hbm>>
      %dma_wait3A_199 = arith.constant 0 : i32
      %dma_wait3A_200 = tpu.memref_slice %arg6[%add3A_125, %dma_wait3A_199] : memref<16384x768xf32, #tpu.memory_space<hbm>> -> memref<64x768xf32, #tpu.memory_space<hbm>>
      tpu.wait_dma2 semaphore(%run_scoped3A : memref<!tpu.dma_semaphore, #tpu.memory_space<semaphore_mem>>) src(%arg10 : memref<64x768xf32, #tpu.memory_space<vmem>>) dst(%dma_wait3A_200 : memref<64x768xf32, #tpu.memory_space<hbm>>)
      tpu.yield
    }) : () -> ()
    %dma_start3A_126 = arith.constant 192 : i32
    %dma_start3A_127 = tpu.memref_slice %arg8[%dma_start3A_126] : memref<512xi32, #tpu.memory_space<vmem>> -> memref<64xi32, #tpu.memory_space<vmem>>
    %dma_start3A_128 = arith.constant 0 : i32
    %dma_start3A_129 = arith.constant 0 : i32
    %dma_start3A_130 = tpu.memref_slice %arg2[%dma_start3A_128, %dma_start3A_129] : memref<4096x768xf32, #tpu.memory_space<hbm>> -> memref<4096x768xf32, #tpu.memory_space<hbm>>
    tpu.enqueue_indirect_dma source(%dma_start3A_130 : memref<4096x768xf32, #tpu.memory_space<hbm>>) target(%arg10 : memref<64x768xf32, #tpu.memory_space<vmem>>) offsets(%dma_start3A_127 : memref<64xi32, #tpu.memory_space<vmem>>) semaphore(%arg12 : memref<!tpu.dma_semaphore, #tpu.memory_space<semaphore_mem>>)
    %dma_wait3A_131 = arith.constant 128 : i32
    %dma_wait3A_132 = tpu.memref_slice %arg8[%dma_wait3A_131] : memref<512xi32, #tpu.memory_space<vmem>> -> memref<64xi32, #tpu.memory_space<vmem>>
    %dma_wait3A_133 = arith.constant 0 : i32
    %dma_wait3A_134 = arith.constant 0 : i32
    %dma_wait3A_135 = tpu.memref_slice %arg2[%dma_wait3A_133, %dma_wait3A_134] : memref<4096x768xf32, #tpu.memory_space<hbm>> -> memref<4096x768xf32, #tpu.memory_space<hbm>>
    tpu.wait_indirect_dma semaphore(%arg11 : memref<!tpu.dma_semaphore, #tpu.memory_space<semaphore_mem>>) src(%dma_wait3A_135 : memref<4096x768xf32, #tpu.memory_space<hbm>>) dst(%arg9 : memref<64x768xf32, #tpu.memory_space<vmem>>)
    %add3A_136 = arith.constant 128 : i32
    %add3A_137 = arith.addi %mul3A_2, %add3A_136 : i32
    "tpu.region"() ({
      %run_scoped3A = tpu.sem_alloc : memref<!tpu.dma_semaphore, #tpu.memory_space<semaphore_mem>>
      %dma_start3A_193 = arith.constant 0 : i32
      %dma_start3A_194 = tpu.memref_slice %arg6[%add3A_137, %dma_start3A_193] : memref<16384x768xf32, #tpu.memory_space<hbm>> -> memref<64x768xf32, #tpu.memory_space<hbm>>
      %dma_start3A_195 = arith.constant 0 : i32
      %dma_start3A_196 = tpu.memref_slice %arg6[%add3A_137, %dma_start3A_195] : memref<16384x768xf32, #tpu.memory_space<hbm>> -> memref<64x768xf32, #tpu.memory_space<hbm>>
      tpu.enqueue_dma source(%arg9 : memref<64x768xf32, #tpu.memory_space<vmem>>) target(%dma_start3A_196 : memref<64x768xf32, #tpu.memory_space<hbm>>) target_semaphore(%run_scoped3A : memref<!tpu.dma_semaphore, #tpu.memory_space<semaphore_mem>>)
      %dma_wait3A_197 = arith.constant 0 : i32
      %dma_wait3A_198 = tpu.memref_slice %arg6[%add3A_137, %dma_wait3A_197] : memref<16384x768xf32, #tpu.memory_space<hbm>> -> memref<64x768xf32, #tpu.memory_space<hbm>>
      %dma_wait3A_199 = arith.constant 0 : i32
      %dma_wait3A_200 = tpu.memref_slice %arg6[%add3A_137, %dma_wait3A_199] : memref<16384x768xf32, #tpu.memory_space<hbm>> -> memref<64x768xf32, #tpu.memory_space<hbm>>
      tpu.wait_dma2 semaphore(%run_scoped3A : memref<!tpu.dma_semaphore, #tpu.memory_space<semaphore_mem>>) src(%arg9 : memref<64x768xf32, #tpu.memory_space<vmem>>) dst(%dma_wait3A_200 : memref<64x768xf32, #tpu.memory_space<hbm>>)
      tpu.yield
    }) : () -> ()
    %dma_start3A_138 = arith.constant 256 : i32
    %dma_start3A_139 = tpu.memref_slice %arg8[%dma_start3A_138] : memref<512xi32, #tpu.memory_space<vmem>> -> memref<64xi32, #tpu.memory_space<vmem>>
    %dma_start3A_140 = arith.constant 0 : i32
    %dma_start3A_141 = arith.constant 0 : i32
    %dma_start3A_142 = tpu.memref_slice %arg2[%dma_start3A_140, %dma_start3A_141] : memref<4096x768xf32, #tpu.memory_space<hbm>> -> memref<4096x768xf32, #tpu.memory_space<hbm>>
    tpu.enqueue_indirect_dma source(%dma_start3A_142 : memref<4096x768xf32, #tpu.memory_space<hbm>>) target(%arg9 : memref<64x768xf32, #tpu.memory_space<vmem>>) offsets(%dma_start3A_139 : memref<64xi32, #tpu.memory_space<vmem>>) semaphore(%arg11 : memref<!tpu.dma_semaphore, #tpu.memory_space<semaphore_mem>>)
    %dma_wait3A_143 = arith.constant 192 : i32
    %dma_wait3A_144 = tpu.memref_slice %arg8[%dma_wait3A_143] : memref<512xi32, #tpu.memory_space<vmem>> -> memref<64xi32, #tpu.memory_space<vmem>>
    %dma_wait3A_145 = arith.constant 0 : i32
    %dma_wait3A_146 = arith.constant 0 : i32
    %dma_wait3A_147 = tpu.memref_slice %arg2[%dma_wait3A_145, %dma_wait3A_146] : memref<4096x768xf32, #tpu.memory_space<hbm>> -> memref<4096x768xf32, #tpu.memory_space<hbm>>
    tpu.wait_indirect_dma semaphore(%arg12 : memref<!tpu.dma_semaphore, #tpu.memory_space<semaphore_mem>>) src(%dma_wait3A_147 : memref<4096x768xf32, #tpu.memory_space<hbm>>) dst(%arg10 : memref<64x768xf32, #tpu.memory_space<vmem>>)
    %add3A_148 = arith.constant 192 : i32
    %add3A_149 = arith.addi %mul3A_2, %add3A_148 : i32
    "tpu.region"() ({
      %run_scoped3A = tpu.sem_alloc : memref<!tpu.dma_semaphore, #tpu.memory_space<semaphore_mem>>
      %dma_start3A_193 = arith.constant 0 : i32
      %dma_start3A_194 = tpu.memref_slice %arg6[%add3A_149, %dma_start3A_193] : memref<16384x768xf32, #tpu.memory_space<hbm>> -> memref<64x768xf32, #tpu.memory_space<hbm>>
      %dma_start3A_195 = arith.constant 0 : i32
      %dma_start3A_196 = tpu.memref_slice %arg6[%add3A_149, %dma_start3A_195] : memref<16384x768xf32, #tpu.memory_space<hbm>> -> memref<64x768xf32, #tpu.memory_space<hbm>>
      tpu.enqueue_dma source(%arg10 : memref<64x768xf32, #tpu.memory_space<vmem>>) target(%dma_start3A_196 : memref<64x768xf32, #tpu.memory_space<hbm>>) target_semaphore(%run_scoped3A : memref<!tpu.dma_semaphore, #tpu.memory_space<semaphore_mem>>)
      %dma_wait3A_197 = arith.constant 0 : i32
      %dma_wait3A_198 = tpu.memref_slice %arg6[%add3A_149, %dma_wait3A_197] : memref<16384x768xf32, #tpu.memory_space<hbm>> -> memref<64x768xf32, #tpu.memory_space<hbm>>
      %dma_wait3A_199 = arith.constant 0 : i32
      %dma_wait3A_200 = tpu.memref_slice %arg6[%add3A_149, %dma_wait3A_199] : memref<16384x768xf32, #tpu.memory_space<hbm>> -> memref<64x768xf32, #tpu.memory_space<hbm>>
      tpu.wait_dma2 semaphore(%run_scoped3A : memref<!tpu.dma_semaphore, #tpu.memory_space<semaphore_mem>>) src(%arg10 : memref<64x768xf32, #tpu.memory_space<vmem>>) dst(%dma_wait3A_200 : memref<64x768xf32, #tpu.memory_space<hbm>>)
      tpu.yield
    }) : () -> ()
    %dma_start3A_150 = arith.constant 320 : i32
    %dma_start3A_151 = tpu.memref_slice %arg8[%dma_start3A_150] : memref<512xi32, #tpu.memory_space<vmem>> -> memref<64xi32, #tpu.memory_space<vmem>>
    %dma_start3A_152 = arith.constant 0 : i32
    %dma_start3A_153 = arith.constant 0 : i32
    %dma_start3A_154 = tpu.memref_slice %arg2[%dma_start3A_152, %dma_start3A_153] : memref<4096x768xf32, #tpu.memory_space<hbm>> -> memref<4096x768xf32, #tpu.memory_space<hbm>>
    tpu.enqueue_indirect_dma source(%dma_start3A_154 : memref<4096x768xf32, #tpu.memory_space<hbm>>) target(%arg10 : memref<64x768xf32, #tpu.memory_space<vmem>>) offsets(%dma_start3A_151 : memref<64xi32, #tpu.memory_space<vmem>>) semaphore(%arg12 : memref<!tpu.dma_semaphore, #tpu.memory_space<semaphore_mem>>)
    %dma_wait3A_155 = arith.constant 256 : i32
    %dma_wait3A_156 = tpu.memref_slice %arg8[%dma_wait3A_155] : memref<512xi32, #tpu.memory_space<vmem>> -> memref<64xi32, #tpu.memory_space<vmem>>
    %dma_wait3A_157 = arith.constant 0 : i32
    %dma_wait3A_158 = arith.constant 0 : i32
    %dma_wait3A_159 = tpu.memref_slice %arg2[%dma_wait3A_157, %dma_wait3A_158] : memref<4096x768xf32, #tpu.memory_space<hbm>> -> memref<4096x768xf32, #tpu.memory_space<hbm>>
    tpu.wait_indirect_dma semaphore(%arg11 : memref<!tpu.dma_semaphore, #tpu.memory_space<semaphore_mem>>) src(%dma_wait3A_159 : memref<4096x768xf32, #tpu.memory_space<hbm>>) dst(%arg9 : memref<64x768xf32, #tpu.memory_space<vmem>>)
    %add3A_160 = arith.constant 256 : i32
    %add3A_161 = arith.addi %mul3A_2, %add3A_160 : i32
    "tpu.region"() ({
      %run_scoped3A = tpu.sem_alloc : memref<!tpu.dma_semaphore, #tpu.memory_space<semaphore_mem>>
      %dma_start3A_193 = arith.constant 0 : i32
      %dma_start3A_194 = tpu.memref_slice %arg6[%add3A_161, %dma_start3A_193] : memref<16384x768xf32, #tpu.memory_space<hbm>> -> memref<64x768xf32, #tpu.memory_space<hbm>>
      %dma_start3A_195 = arith.constant 0 : i32
      %dma_start3A_196 = tpu.memref_slice %arg6[%add3A_161, %dma_start3A_195] : memref<16384x768xf32, #tpu.memory_space<hbm>> -> memref<64x768xf32, #tpu.memory_space<hbm>>
      tpu.enqueue_dma source(%arg9 : memref<64x768xf32, #tpu.memory_space<vmem>>) target(%dma_start3A_196 : memref<64x768xf32, #tpu.memory_space<hbm>>) target_semaphore(%run_scoped3A : memref<!tpu.dma_semaphore, #tpu.memory_space<semaphore_mem>>)
      %dma_wait3A_197 = arith.constant 0 : i32
      %dma_wait3A_198 = tpu.memref_slice %arg6[%add3A_161, %dma_wait3A_197] : memref<16384x768xf32, #tpu.memory_space<hbm>> -> memref<64x768xf32, #tpu.memory_space<hbm>>
      %dma_wait3A_199 = arith.constant 0 : i32
      %dma_wait3A_200 = tpu.memref_slice %arg6[%add3A_161, %dma_wait3A_199] : memref<16384x768xf32, #tpu.memory_space<hbm>> -> memref<64x768xf32, #tpu.memory_space<hbm>>
      tpu.wait_dma2 semaphore(%run_scoped3A : memref<!tpu.dma_semaphore, #tpu.memory_space<semaphore_mem>>) src(%arg9 : memref<64x768xf32, #tpu.memory_space<vmem>>) dst(%dma_wait3A_200 : memref<64x768xf32, #tpu.memory_space<hbm>>)
      tpu.yield
    }) : () -> ()
    %dma_start3A_162 = arith.constant 384 : i32
    %dma_start3A_163 = tpu.memref_slice %arg8[%dma_start3A_162] : memref<512xi32, #tpu.memory_space<vmem>> -> memref<64xi32, #tpu.memory_space<vmem>>
    %dma_start3A_164 = arith.constant 0 : i32
    %dma_start3A_165 = arith.constant 0 : i32
    %dma_start3A_166 = tpu.memref_slice %arg2[%dma_start3A_164, %dma_start3A_165] : memref<4096x768xf32, #tpu.memory_space<hbm>> -> memref<4096x768xf32, #tpu.memory_space<hbm>>
    tpu.enqueue_indirect_dma source(%dma_start3A_166 : memref<4096x768xf32, #tpu.memory_space<hbm>>) target(%arg9 : memref<64x768xf32, #tpu.memory_space<vmem>>) offsets(%dma_start3A_163 : memref<64xi32, #tpu.memory_space<vmem>>) semaphore(%arg11 : memref<!tpu.dma_semaphore, #tpu.memory_space<semaphore_mem>>)
    %dma_wait3A_167 = arith.constant 320 : i32
    %dma_wait3A_168 = tpu.memref_slice %arg8[%dma_wait3A_167] : memref<512xi32, #tpu.memory_space<vmem>> -> memref<64xi32, #tpu.memory_space<vmem>>
    %dma_wait3A_169 = arith.constant 0 : i32
    %dma_wait3A_170 = arith.constant 0 : i32
    %dma_wait3A_171 = tpu.memref_slice %arg2[%dma_wait3A_169, %dma_wait3A_170] : memref<4096x768xf32, #tpu.memory_space<hbm>> -> memref<4096x768xf32, #tpu.memory_space<hbm>>
    tpu.wait_indirect_dma semaphore(%arg12 : memref<!tpu.dma_semaphore, #tpu.memory_space<semaphore_mem>>) src(%dma_wait3A_171 : memref<4096x768xf32, #tpu.memory_space<hbm>>) dst(%arg10 : memref<64x768xf32, #tpu.memory_space<vmem>>)
    %add3A_172 = arith.constant 320 : i32
    %add3A_173 = arith.addi %mul3A_2, %add3A_172 : i32
    "tpu.region"() ({
      %run_scoped3A = tpu.sem_alloc : memref<!tpu.dma_semaphore, #tpu.memory_space<semaphore_mem>>
      %dma_start3A_193 = arith.constant 0 : i32
      %dma_start3A_194 = tpu.memref_slice %arg6[%add3A_173, %dma_start3A_193] : memref<16384x768xf32, #tpu.memory_space<hbm>> -> memref<64x768xf32, #tpu.memory_space<hbm>>
      %dma_start3A_195 = arith.constant 0 : i32
      %dma_start3A_196 = tpu.memref_slice %arg6[%add3A_173, %dma_start3A_195] : memref<16384x768xf32, #tpu.memory_space<hbm>> -> memref<64x768xf32, #tpu.memory_space<hbm>>
      tpu.enqueue_dma source(%arg10 : memref<64x768xf32, #tpu.memory_space<vmem>>) target(%dma_start3A_196 : memref<64x768xf32, #tpu.memory_space<hbm>>) target_semaphore(%run_scoped3A : memref<!tpu.dma_semaphore, #tpu.memory_space<semaphore_mem>>)
      %dma_wait3A_197 = arith.constant 0 : i32
      %dma_wait3A_198 = tpu.memref_slice %arg6[%add3A_173, %dma_wait3A_197] : memref<16384x768xf32, #tpu.memory_space<hbm>> -> memref<64x768xf32, #tpu.memory_space<hbm>>
      %dma_wait3A_199 = arith.constant 0 : i32
      %dma_wait3A_200 = tpu.memref_slice %arg6[%add3A_173, %dma_wait3A_199] : memref<16384x768xf32, #tpu.memory_space<hbm>> -> memref<64x768xf32, #tpu.memory_space<hbm>>
      tpu.wait_dma2 semaphore(%run_scoped3A : memref<!tpu.dma_semaphore, #tpu.memory_space<semaphore_mem>>) src(%arg10 : memref<64x768xf32, #tpu.memory_space<vmem>>) dst(%dma_wait3A_200 : memref<64x768xf32, #tpu.memory_space<hbm>>)
      tpu.yield
    }) : () -> ()
    %dma_start3A_174 = arith.constant 448 : i32
    %dma_start3A_175 = tpu.memref_slice %arg8[%dma_start3A_174] : memref<512xi32, #tpu.memory_space<vmem>> -> memref<64xi32, #tpu.memory_space<vmem>>
    %dma_start3A_176 = arith.constant 0 : i32
    %dma_start3A_177 = arith.constant 0 : i32
    %dma_start3A_178 = tpu.memref_slice %arg2[%dma_start3A_176, %dma_start3A_177] : memref<4096x768xf32, #tpu.memory_space<hbm>> -> memref<4096x768xf32, #tpu.memory_space<hbm>>
    tpu.enqueue_indirect_dma source(%dma_start3A_178 : memref<4096x768xf32, #tpu.memory_space<hbm>>) target(%arg10 : memref<64x768xf32, #tpu.memory_space<vmem>>) offsets(%dma_start3A_175 : memref<64xi32, #tpu.memory_space<vmem>>) semaphore(%arg12 : memref<!tpu.dma_semaphore, #tpu.memory_space<semaphore_mem>>)
    %dma_wait3A_179 = arith.constant 384 : i32
    %dma_wait3A_180 = tpu.memref_slice %arg8[%dma_wait3A_179] : memref<512xi32, #tpu.memory_space<vmem>> -> memref<64xi32, #tpu.memory_space<vmem>>
    %dma_wait3A_181 = arith.constant 0 : i32
    %dma_wait3A_182 = arith.constant 0 : i32
    %dma_wait3A_183 = tpu.memref_slice %arg2[%dma_wait3A_181, %dma_wait3A_182] : memref<4096x768xf32, #tpu.memory_space<hbm>> -> memref<4096x768xf32, #tpu.memory_space<hbm>>
    tpu.wait_indirect_dma semaphore(%arg11 : memref<!tpu.dma_semaphore, #tpu.memory_space<semaphore_mem>>) src(%dma_wait3A_183 : memref<4096x768xf32, #tpu.memory_space<hbm>>) dst(%arg9 : memref<64x768xf32, #tpu.memory_space<vmem>>)
    %add3A_184 = arith.constant 384 : i32
    %add3A_185 = arith.addi %mul3A_2, %add3A_184 : i32
    "tpu.region"() ({
      %run_scoped3A = tpu.sem_alloc : memref<!tpu.dma_semaphore, #tpu.memory_space<semaphore_mem>>
      %dma_start3A_193 = arith.constant 0 : i32
      %dma_start3A_194 = tpu.memref_slice %arg6[%add3A_185, %dma_start3A_193] : memref<16384x768xf32, #tpu.memory_space<hbm>> -> memref<64x768xf32, #tpu.memory_space<hbm>>
      %dma_start3A_195 = arith.constant 0 : i32
      %dma_start3A_196 = tpu.memref_slice %arg6[%add3A_185, %dma_start3A_195] : memref<16384x768xf32, #tpu.memory_space<hbm>> -> memref<64x768xf32, #tpu.memory_space<hbm>>
      tpu.enqueue_dma source(%arg9 : memref<64x768xf32, #tpu.memory_space<vmem>>) target(%dma_start3A_196 : memref<64x768xf32, #tpu.memory_space<hbm>>) target_semaphore(%run_scoped3A : memref<!tpu.dma_semaphore, #tpu.memory_space<semaphore_mem>>)
      %dma_wait3A_197 = arith.constant 0 : i32
      %dma_wait3A_198 = tpu.memref_slice %arg6[%add3A_185, %dma_wait3A_197] : memref<16384x768xf32, #tpu.memory_space<hbm>> -> memref<64x768xf32, #tpu.memory_space<hbm>>
      %dma_wait3A_199 = arith.constant 0 : i32
      %dma_wait3A_200 = tpu.memref_slice %arg6[%add3A_185, %dma_wait3A_199] : memref<16384x768xf32, #tpu.memory_space<hbm>> -> memref<64x768xf32, #tpu.memory_space<hbm>>
      tpu.wait_dma2 semaphore(%run_scoped3A : memref<!tpu.dma_semaphore, #tpu.memory_space<semaphore_mem>>) src(%arg9 : memref<64x768xf32, #tpu.memory_space<vmem>>) dst(%dma_wait3A_200 : memref<64x768xf32, #tpu.memory_space<hbm>>)
      tpu.yield
    }) : () -> ()
    %dma_wait3A_186 = arith.constant 448 : i32
    %dma_wait3A_187 = tpu.memref_slice %arg8[%dma_wait3A_186] : memref<512xi32, #tpu.memory_space<vmem>> -> memref<64xi32, #tpu.memory_space<vmem>>
    %dma_wait3A_188 = arith.constant 0 : i32
    %dma_wait3A_189 = arith.constant 0 : i32
    %dma_wait3A_190 = tpu.memref_slice %arg2[%dma_wait3A_188, %dma_wait3A_189] : memref<4096x768xf32, #tpu.memory_space<hbm>> -> memref<4096x768xf32, #tpu.memory_space<hbm>>
    tpu.wait_indirect_dma semaphore(%arg12 : memref<!tpu.dma_semaphore, #tpu.memory_space<semaphore_mem>>) src(%dma_wait3A_190 : memref<4096x768xf32, #tpu.memory_space<hbm>>) dst(%arg10 : memref<64x768xf32, #tpu.memory_space<vmem>>)
    %add3A_191 = arith.constant 448 : i32
    %add3A_192 = arith.addi %mul3A_2, %add3A_191 : i32
    "tpu.region"() ({
      %run_scoped3A = tpu.sem_alloc : memref<!tpu.dma_semaphore, #tpu.memory_space<semaphore_mem>>
      %dma_start3A_193 = arith.constant 0 : i32
      %dma_start3A_194 = tpu.memref_slice %arg6[%add3A_192, %dma_start3A_193] : memref<16384x768xf32, #tpu.memory_space<hbm>> -> memref<64x768xf32, #tpu.memory_space<hbm>>
      %dma_start3A_195 = arith.constant 0 : i32
      %dma_start3A_196 = tpu.memref_slice %arg6[%add3A_192, %dma_start3A_195] : memref<16384x768xf32, #tpu.memory_space<hbm>> -> memref<64x768xf32, #tpu.memory_space<hbm>>
      tpu.enqueue_dma source(%arg10 : memref<64x768xf32, #tpu.memory_space<vmem>>) target(%dma_start3A_196 : memref<64x768xf32, #tpu.memory_space<hbm>>) target_semaphore(%run_scoped3A : memref<!tpu.dma_semaphore, #tpu.memory_space<semaphore_mem>>)
      %dma_wait3A_197 = arith.constant 0 : i32
      %dma_wait3A_198 = tpu.memref_slice %arg6[%add3A_192, %dma_wait3A_197] : memref<16384x768xf32, #tpu.memory_space<hbm>> -> memref<64x768xf32, #tpu.memory_space<hbm>>
      %dma_wait3A_199 = arith.constant 0 : i32
      %dma_wait3A_200 = tpu.memref_slice %arg6[%add3A_192, %dma_wait3A_199] : memref<16384x768xf32, #tpu.memory_space<hbm>> -> memref<64x768xf32, #tpu.memory_space<hbm>>
      tpu.wait_dma2 semaphore(%run_scoped3A : memref<!tpu.dma_semaphore, #tpu.memory_space<semaphore_mem>>) src(%arg10 : memref<64x768xf32, #tpu.memory_space<vmem>>) dst(%dma_wait3A_200 : memref<64x768xf32, #tpu.memory_space<hbm>>)
      tpu.yield
    }) : () -> ()
    return
  }
}

module attributes {stable_mosaic.version = 14 : i64} {
  func.func @_k1_body(%arg0: i32, %arg1: memref<1x512x768xf32, #tpu.memory_space<vmem>>, %arg2: memref<768x1xf32, #tpu.memory_space<vmem>>, %arg3: memref<1x1xf32, #tpu.memory_space<vmem>>, %arg4: memref<1536x768xf32, #tpu.memory_space<vmem>>, %arg5: memref<1x768xf32, #tpu.memory_space<vmem>>, %arg6: memref<768x1xf32, #tpu.memory_space<vmem>>, %arg7: memref<1x1xf32, #tpu.memory_space<vmem>>, %arg8: memref<1x512x2xi32, #tpu.memory_space<vmem>>, %arg9: memref<1x1x512xf32, #tpu.memory_space<vmem>>, %arg10: memref<1x1x512xf32, #tpu.memory_space<vmem>>) attributes {dimension_semantics = [#tpu.dimension_semantics<arbitrary>], iteration_bounds = array<i64: 8>, scalar_prefetch = 0 : i64, scratch_operands = 0 : i64, tpu.core_type = #tpu.core_type<tc>, window_params = [{transform_indices = @transform_0, window_bounds = array<i64: 1, 512, 768>}, {pipeline_mode = #tpu.pipeline_mode<synchronous>, transform_indices = @transform_1, window_bounds = array<i64: 768, 1>}, {pipeline_mode = #tpu.pipeline_mode<synchronous>, transform_indices = @transform_2, window_bounds = array<i64: 1, 1>}, {pipeline_mode = #tpu.pipeline_mode<synchronous>, transform_indices = @transform_3, window_bounds = array<i64: 1536, 768>}, {pipeline_mode = #tpu.pipeline_mode<synchronous>, transform_indices = @transform_4, window_bounds = array<i64: 1, 768>}, {pipeline_mode = #tpu.pipeline_mode<synchronous>, transform_indices = @transform_5, window_bounds = array<i64: 768, 1>}, {pipeline_mode = #tpu.pipeline_mode<synchronous>, transform_indices = @transform_6, window_bounds = array<i64: 1, 1>}, {transform_indices = @transform_7, window_bounds = array<i64: 1, 512, 2>}, {transform_indices = @transform_8, window_bounds = array<i64: 1, 1, 512>}, {transform_indices = @transform_9, window_bounds = array<i64: 1, 1, 512>}]} {
    %get3A = arith.constant 0 : index
    %get3A_0 = arith.constant 0 : index
    %get3A_1 = arith.constant 0 : index
    %get3A_2 = vector.load %arg1[%get3A, %get3A_0, %get3A_1] : memref<1x512x768xf32, #tpu.memory_space<vmem>>, vector<1x512x768xf32>
    %get3A_3 = vector.shape_cast %get3A_2 : vector<1x512x768xf32> to vector<512x768xf32>
    %get3A_4 = arith.constant 0 : index
    %get3A_5 = arith.constant 0 : index
    %get3A_6 = vector.load %arg2[%get3A_4, %get3A_5] : memref<768x1xf32, #tpu.memory_space<vmem>>, vector<768x1xf32>
    %dot_general3A = arith.constant dense<0.000000e+00> : vector<512x1xf32>
    %dot_general3A_7 = tpu.matmul %get3A_3, %get3A_6, %dot_general3A {dimension_numbers = #tpu.dot_dimension_numbers<[1], [0], [0], [1], [0, 0, 1, 1], [], []>, transpose_lhs_hint = false} : vector<512x768xf32>, vector<768x1xf32>, vector<512x1xf32> -> vector<512x1xf32>
    %get3A_8 = arith.constant 0 : index
    %get3A_9 = arith.constant 0 : index
    %get3A_10 = vector.load %arg3[%get3A_8, %get3A_9] : memref<1x1xf32, #tpu.memory_space<vmem>>, vector<1x1xf32>
    %get3A_11 = vector.extract %get3A_10[0, 0] : f32 from vector<1x1xf32>
    %add3A = vector.broadcast %get3A_11 : f32 to vector<512x1xf32>
    %add3A_12 = arith.addf %dot_general3A_7, %add3A : vector<512x1xf32>
    %transpose3A = tpu.transpose %add3A_12, [1, 0] : vector<512x1xf32> -> vector<1x512xf32>
    %swap3A = arith.constant 0 : index
    %swap3A_13 = arith.constant 0 : index
    %swap3A_14 = arith.constant 0 : index
    %swap3A_15 = vector.load %arg9[%swap3A, %swap3A_13, %swap3A_14] : memref<1x1x512xf32, #tpu.memory_space<vmem>>, vector<1x1x512xf32>
    %swap3A_16 = vector.shape_cast %swap3A_15 : vector<1x1x512xf32> to vector<1x512xf32>
    %swap3A_17 = vector.shape_cast %transpose3A : vector<1x512xf32> to vector<1x1x512xf32>
    tpu.vector_store %arg9[%swap3A, %swap3A_13, %swap3A_14], %swap3A_17 {strides = array<i32>} : memref<1x1x512xf32, #tpu.memory_space<vmem>>, vector<1x1x512xf32>,
    %get3A_18 = arith.constant 0 : index
    %get3A_19 = arith.constant 0 : index
    %get3A_20 = vector.load %arg4[%get3A_18, %get3A_19] : memref<1536x768xf32, #tpu.memory_space<vmem>>, vector<768x768xf32>
    %dot_general3A_21 = arith.constant dense<0.000000e+00> : vector<512x768xf32>
    %dot_general3A_22 = tpu.matmul %get3A_3, %get3A_20, %dot_general3A_21 {dimension_numbers = #tpu.dot_dimension_numbers<[1], [0], [0], [1], [0, 0, 1, 1], [], []>, transpose_lhs_hint = false} : vector<512x768xf32>, vector<768x768xf32>, vector<512x768xf32> -> vector<512x768xf32>
    %get3A_23 = arith.constant 768 : index
    %get3A_24 = arith.constant 0 : index
    %get3A_25 = vector.load %arg4[%get3A_23, %get3A_24] : memref<1536x768xf32, #tpu.memory_space<vmem>>, vector<768x768xf32>
    %dot_general3A_26 = arith.constant dense<0.000000e+00> : vector<512x768xf32>
    %dot_general3A_27 = tpu.matmul %get3A_3, %get3A_25, %dot_general3A_26 {dimension_numbers = #tpu.dot_dimension_numbers<[1], [0], [0], [1], [0, 0, 1, 1], [], []>, transpose_lhs_hint = false} : vector<512x768xf32>, vector<768x768xf32>, vector<512x768xf32> -> vector<512x768xf32>
    %add3A_28 = arith.addf %dot_general3A_22, %dot_general3A_27 : vector<512x768xf32>
    %get3A_29 = arith.constant 0 : index
    %get3A_30 = arith.constant 0 : index
    %get3A_31 = vector.load %arg5[%get3A_29, %get3A_30] : memref<1x768xf32, #tpu.memory_space<vmem>>, vector<1x768xf32>
    %add3A_32 = vector.broadcast %get3A_31 : vector<1x768xf32> to vector<512x768xf32>
    %add3A_33 = arith.addf %add3A_28, %add3A_32 : vector<512x768xf32>
    %max3A = arith.constant 0.000000e+00 : f32
    %max3A_34 = vector.broadcast %max3A : f32 to vector<512x768xf32>
    %max3A_35 = arith.maximumf %add3A_33, %max3A_34 : vector<512x768xf32>
    %get3A_36 = arith.constant 0 : index
    %get3A_37 = arith.constant 0 : index
    %get3A_38 = vector.load %arg6[%get3A_36, %get3A_37] : memref<768x1xf32, #tpu.memory_space<vmem>>, vector<768x1xf32>
    %dot_general3A_39 = arith.constant dense<0.000000e+00> : vector<512x1xf32>
    %dot_general3A_40 = tpu.matmul %max3A_35, %get3A_38, %dot_general3A_39 {dimension_numbers = #tpu.dot_dimension_numbers<[1], [0], [0], [1], [0, 0, 1, 1], [], []>, transpose_lhs_hint = false} : vector<512x768xf32>, vector<768x1xf32>, vector<512x1xf32> -> vector<512x1xf32>
    %get3A_41 = arith.constant 0 : index
    %get3A_42 = arith.constant 0 : index
    %get3A_43 = vector.load %arg7[%get3A_41, %get3A_42] : memref<1x1xf32, #tpu.memory_space<vmem>>, vector<1x1xf32>
    %get3A_44 = vector.extract %get3A_43[0, 0] : f32 from vector<1x1xf32>
    %add3A_45 = vector.broadcast %get3A_44 : f32 to vector<512x1xf32>
    %add3A_46 = arith.addf %dot_general3A_40, %add3A_45 : vector<512x1xf32>
    %get3A_47 = arith.constant 0 : index
    %get3A_48 = arith.constant 0 : index
    %get3A_49 = arith.constant 0 : index
    %get3A_50 = vector.load %arg8[%get3A_47, %get3A_48, %get3A_49] : memref<1x512x2xi32, #tpu.memory_space<vmem>>, vector<1x512x1xi32>
    %get3A_51 = vector.shape_cast %get3A_50 : vector<1x512x1xi32> to vector<512xi32>
    %iota3A = tpu.iota {dimensions = array<i32: 1>} : vector<512x512xi32>
    %broadcast_in_dim3A = vector.shape_cast %get3A_51 : vector<512xi32> to vector<512x1xi32>
    %eq3A = vector.broadcast %broadcast_in_dim3A : vector<512x1xi32> to vector<512x512xi32>
    %eq3A_52 = arith.cmpi eq, %iota3A, %eq3A : vector<512x512xi32>
    %convert_element_type3A = arith.extui %eq3A_52 : vector<512x512xi1> to vector<512x512xi32>
    %convert_element_type3A_53 = arith.sitofp %convert_element_type3A : vector<512x512xi32> to vector<512x512xf32>
    %convert_element_type3A_54 = arith.truncf %add3A_46 : vector<512x1xf32> to vector<512x1xbf16>
    %convert_element_type3A_55 = arith.extf %convert_element_type3A_54 : vector<512x1xbf16> to vector<512x1xf32>
    %sub3A = arith.subf %add3A_46, %convert_element_type3A_55 : vector<512x1xf32>
    %convert_element_type3A_56 = arith.truncf %sub3A : vector<512x1xf32> to vector<512x1xbf16>
    %convert_element_type3A_57 = arith.extf %convert_element_type3A_56 : vector<512x1xbf16> to vector<512x1xf32>
    %sub3A_58 = arith.subf %sub3A, %convert_element_type3A_57 : vector<512x1xf32>
    %dot_general3A_59 = arith.constant dense<0.000000e+00> : vector<512x1xf32>
    %dot_general3A_60 = tpu.matmul %convert_element_type3A_53, %convert_element_type3A_55, %dot_general3A_59 {dimension_numbers = #tpu.dot_dimension_numbers<[1], [0], [0], [1], [0, 0, 1, 1], [], []>, transpose_lhs_hint = false} : vector<512x512xf32>, vector<512x1xf32>, vector<512x1xf32> -> vector<512x1xf32>
    %dot_general3A_61 = arith.constant dense<0.000000e+00> : vector<512x1xf32>
    %dot_general3A_62 = tpu.matmul %convert_element_type3A_53, %convert_element_type3A_57, %dot_general3A_61 {dimension_numbers = #tpu.dot_dimension_numbers<[1], [0], [0], [1], [0, 0, 1, 1], [], []>, transpose_lhs_hint = false} : vector<512x512xf32>, vector<512x1xf32>, vector<512x1xf32> -> vector<512x1xf32>
    %add3A_63 = arith.addf %dot_general3A_60, %dot_general3A_62 : vector<512x1xf32>
    %dot_general3A_64 = arith.constant dense<0.000000e+00> : vector<512x1xf32>
    %dot_general3A_65 = tpu.matmul %convert_element_type3A_53, %sub3A_58, %dot_general3A_64 {dimension_numbers = #tpu.dot_dimension_numbers<[1], [0], [0], [1], [0, 0, 1, 1], [], []>, transpose_lhs_hint = false} : vector<512x512xf32>, vector<512x1xf32>, vector<512x1xf32> -> vector<512x1xf32>
    %add3A_66 = arith.addf %add3A_63, %dot_general3A_65 : vector<512x1xf32>
    %transpose3A_67 = tpu.transpose %add3A_66, [1, 0] : vector<512x1xf32> -> vector<1x512xf32>
    %swap3A_68 = arith.constant 0 : index
    %swap3A_69 = arith.constant 0 : index
    %swap3A_70 = arith.constant 0 : index
    %swap3A_71 = vector.load %arg10[%swap3A_68, %swap3A_69, %swap3A_70] : memref<1x1x512xf32, #tpu.memory_space<vmem>>, vector<1x1x512xf32>
    %swap3A_72 = vector.shape_cast %swap3A_71 : vector<1x1x512xf32> to vector<1x512xf32>
    %swap3A_73 = vector.shape_cast %transpose3A_67 : vector<1x512xf32> to vector<1x1x512xf32>
    tpu.vector_store %arg10[%swap3A_68, %swap3A_69, %swap3A_70], %swap3A_73 {strides = array<i32>} : memref<1x1x512xf32, #tpu.memory_space<vmem>>, vector<1x1x512xf32>,
    return
  }
  func.func @transform_0(%arg0: i32) -> (i32, i32, i32) {
    %c0_i32 = arith.constant 0 : i32
    %c0_i32_0 = arith.constant 0 : i32
    %c0_i32_1 = arith.constant 0 : i32
    return %arg0, %c0_i32, %c0_i32_0 : i32, i32, i32
  }
  func.func @transform_1(%arg0: i32) -> (i32, i32) {
    %c0_i32 = arith.constant 0 : i32
    %c0_i32_0 = arith.constant 0 : i32
    %c0_i32_1 = arith.constant 0 : i32
    return %c0_i32, %c0_i32_0 : i32, i32
  }
  func.func @transform_2(%arg0: i32) -> (i32, i32) {
    %c0_i32 = arith.constant 0 : i32
    %c0_i32_0 = arith.constant 0 : i32
    %c0_i32_1 = arith.constant 0 : i32
    return %c0_i32, %c0_i32_0 : i32, i32
  }
  func.func @transform_3(%arg0: i32) -> (i32, i32) {
    %c0_i32 = arith.constant 0 : i32
    %c0_i32_0 = arith.constant 0 : i32
    %c0_i32_1 = arith.constant 0 : i32
    return %c0_i32, %c0_i32_0 : i32, i32
  }
  func.func @transform_4(%arg0: i32) -> (i32, i32) {
    %c0_i32 = arith.constant 0 : i32
    %c0_i32_0 = arith.constant 0 : i32
    %c0_i32_1 = arith.constant 0 : i32
    return %c0_i32, %c0_i32_0 : i32, i32
  }
  func.func @transform_5(%arg0: i32) -> (i32, i32) {
    %c0_i32 = arith.constant 0 : i32
    %c0_i32_0 = arith.constant 0 : i32
    %c0_i32_1 = arith.constant 0 : i32
    return %c0_i32, %c0_i32_0 : i32, i32
  }
  func.func @transform_6(%arg0: i32) -> (i32, i32) {
    %c0_i32 = arith.constant 0 : i32
    %c0_i32_0 = arith.constant 0 : i32
    %c0_i32_1 = arith.constant 0 : i32
    return %c0_i32, %c0_i32_0 : i32, i32
  }
  func.func @transform_7(%arg0: i32) -> (i32, i32, i32) {
    %c0_i32 = arith.constant 0 : i32
    %c0_i32_0 = arith.constant 0 : i32
    %c0_i32_1 = arith.constant 0 : i32
    return %arg0, %c0_i32, %c0_i32_0 : i32, i32, i32
  }
  func.func @transform_8(%arg0: i32) -> (i32, i32, i32) {
    %c0_i32 = arith.constant 0 : i32
    %c0_i32_0 = arith.constant 0 : i32
    %c0_i32_1 = arith.constant 0 : i32
    return %arg0, %c0_i32, %c0_i32_0 : i32, i32, i32
  }
  func.func @transform_9(%arg0: i32) -> (i32, i32, i32) {
    %c0_i32 = arith.constant 0 : i32
    %c0_i32_0 = arith.constant 0 : i32
    %c0_i32_1 = arith.constant 0 : i32
    return %arg0, %c0_i32, %c0_i32_0 : i32, i32, i32
  }
}

module attributes {stable_mosaic.version = 14 : i64} {
  func.func @_k2_body(%arg0: i32, %arg1: i32, %arg2: memref<1x512x768xf32, #tpu.memory_space<vmem>>, %arg3: memref<1x1024x768xf32, #tpu.memory_space<vmem>>, %arg4: memref<1x1024x768xf32, #tpu.memory_space<vmem>>, %arg5: memref<64x128xf32, #tpu.memory_space<vmem>>, %arg6: memref<768x768xf32, #tpu.memory_space<vmem>>, %arg7: memref<768x768xf32, #tpu.memory_space<vmem>>, %arg8: memref<128x768xf32, #tpu.memory_space<vmem>>, %arg9: memref<768x768xf32, #tpu.memory_space<vmem>>, %arg10: memref<1x1x512xf32, #tpu.memory_space<vmem>>, %arg11: memref<1x1024x2xi32, #tpu.memory_space<vmem>>, %arg12: memref<1x768xf32, #tpu.memory_space<vmem>>, %arg13: memref<768x1xf32, #tpu.memory_space<vmem>>, %arg14: memref<1x1xf32, #tpu.memory_space<vmem>>, %arg15: memref<1x1x1024xf32, #tpu.memory_space<vmem>>) attributes {dimension_semantics = [#tpu.dimension_semantics<arbitrary>, #tpu.dimension_semantics<arbitrary>], iteration_bounds = array<i64: 8, 2>, scalar_prefetch = 0 : i64, scratch_operands = 0 : i64, tpu.core_type = #tpu.core_type<tc>, window_params = [{transform_indices = @transform_0, window_bounds = array<i64: 1, 512, 768>}, {transform_indices = @transform_1, window_bounds = array<i64: 1, 1024, 768>}, {transform_indices = @transform_2, window_bounds = array<i64: 1, 1024, 768>}, {pipeline_mode = #tpu.pipeline_mode<synchronous>, transform_indices = @transform_3, window_bounds = array<i64: 64, 128>}, {pipeline_mode = #tpu.pipeline_mode<synchronous>, transform_indices = @transform_4, window_bounds = array<i64: 768, 768>}, {pipeline_mode = #tpu.pipeline_mode<synchronous>, transform_indices = @transform_5, window_bounds = array<i64: 768, 768>}, {pipeline_mode = #tpu.pipeline_mode<synchronous>, transform_indices = @transform_6, window_bounds = array<i64: 128, 768>}, {pipeline_mode = #tpu.pipeline_mode<synchronous>, transform_indices = @transform_7, window_bounds = array<i64: 768, 768>}, {transform_indices = @transform_8, window_bounds = array<i64: 1, 1, 512>}, {transform_indices = @transform_9, window_bounds = array<i64: 1, 1024, 2>}, {pipeline_mode = #tpu.pipeline_mode<synchronous>, transform_indices = @transform_10, window_bounds = array<i64: 1, 768>}, {pipeline_mode = #tpu.pipeline_mode<synchronous>, transform_indices = @transform_11, window_bounds = array<i64: 768, 1>}, {pipeline_mode = #tpu.pipeline_mode<synchronous>, transform_indices = @transform_12, window_bounds = array<i64: 1, 1>}, {transform_indices = @transform_13, window_bounds = array<i64: 1, 1, 1024>}]} {
    %get3A = arith.constant 0 : index
    %get3A_0 = arith.constant 0 : index
    %get3A_1 = arith.constant 0 : index
    %get3A_2 = vector.load %arg2[%get3A, %get3A_0, %get3A_1] : memref<1x512x768xf32, #tpu.memory_space<vmem>>, vector<1x512x768xf32>
    %get3A_3 = vector.shape_cast %get3A_2 : vector<1x512x768xf32> to vector<512x768xf32>
    %get3A_4 = arith.constant 0 : index
    %get3A_5 = arith.constant 0 : index
    %get3A_6 = arith.constant 0 : index
    %get3A_7 = vector.load %arg10[%get3A_4, %get3A_5, %get3A_6] : memref<1x1x512xf32, #tpu.memory_space<vmem>>, vector<1x1x512xf32>
    %get3A_8 = vector.shape_cast %get3A_7 : vector<1x1x512xf32> to vector<1x512xf32>
    %get3A_9 = arith.constant 0 : index
    %get3A_10 = arith.constant 0 : index
    %get3A_11 = arith.constant 0 : index
    %get3A_12 = vector.load %arg11[%get3A_9, %get3A_10, %get3A_11] : memref<1x1024x2xi32, #tpu.memory_space<vmem>>, vector<1x1024x1xi32>
    %get3A_13 = vector.shape_cast %get3A_12 : vector<1x1024x1xi32> to vector<1024xi32>
    %get3A_14 = arith.constant 0 : index
    %get3A_15 = arith.constant 0 : index
    %get3A_16 = arith.constant 1 : index
    %get3A_17 = vector.load %arg11[%get3A_14, %get3A_15, %get3A_16] : memref<1x1024x2xi32, #tpu.memory_space<vmem>>, vector<1x1024x1xi32>
    %get3A_18 = vector.shape_cast %get3A_17 : vector<1x1024x1xi32> to vector<1024xi32>
    %sub3A = arith.subi %get3A_18, %get3A_13 : vector<1024xi32>
    %iota3A = tpu.iota {dimensions = array<i32: 1>} : vector<1024x512xi32>
    %broadcast_in_dim3A = vector.shape_cast %get3A_13 : vector<1024xi32> to vector<1024x1xi32>
    %broadcast_in_dim3A_19 = vector.shape_cast %get3A_18 : vector<1024xi32> to vector<1024x1xi32>
    %ge3A = vector.broadcast %broadcast_in_dim3A : vector<1024x1xi32> to vector<1024x512xi32>
    %ge3A_20 = arith.cmpi sge, %iota3A, %ge3A : vector<1024x512xi32>
    %le3A = vector.broadcast %broadcast_in_dim3A_19 : vector<1024x1xi32> to vector<1024x512xi32>
    %le3A_21 = arith.cmpi sle, %iota3A, %le3A : vector<1024x512xi32>
    %and3A = arith.andi %ge3A_20, %le3A_21 : vector<1024x512xi1>
    %jit3A = arith.constant -1.000000e+30 : f32
    %broadcast_in_dim3A_22 = vector.shape_cast %get3A_8 : vector<1x512xf32> to vector<1x512xf32>
    %broadcast_in_dim3A_23 = vector.broadcast %broadcast_in_dim3A_22 : vector<1x512xf32> to vector<1024x512xf32>
    %broadcast_in_dim3A_24 = vector.broadcast %jit3A : f32 to vector<1024x512xf32>
    %select_n3A = arith.select %and3A, %broadcast_in_dim3A_23, %broadcast_in_dim3A_24 : vector<1024x512xi1>, vector<1024x512xf32>
    %reduce_max3A = arith.constant dense<0xFF800000> : vector<1024xf32>
    %reduce_max3A_25 = vector.multi_reduction <maximumf>, %select_n3A, %reduce_max3A [1] : vector<1024x512xf32> to vector<1024xf32>
    %broadcast_in_dim3A_26 = vector.shape_cast %reduce_max3A_25 : vector<1024xf32> to vector<1024x1xf32>
    %sub3A_27 = vector.broadcast %broadcast_in_dim3A_26 : vector<1024x1xf32> to vector<1024x512xf32>
    %sub3A_28 = arith.subf %select_n3A, %sub3A_27 : vector<1024x512xf32>
    %exp3A = math.exp %sub3A_28 : vector<1024x512xf32>
    %reduce_sum3A = arith.constant dense<0.000000e+00> : vector<1024xf32>
    %reduce_sum3A_29 = vector.multi_reduction <add>, %exp3A, %reduce_sum3A [1] : vector<1024x512xf32> to vector<1024xf32>
    %broadcast_in_dim3A_30 = vector.shape_cast %reduce_sum3A_29 : vector<1024xf32> to vector<1024x1xf32>
    %div3A = vector.broadcast %broadcast_in_dim3A_30 : vector<1024x1xf32> to vector<1024x512xf32>
    %div3A_31 = arith.divf %exp3A, %div3A : vector<1024x512xf32>
    %dot_general3A = arith.constant dense<0.000000e+00> : vector<1024x768xf32>
    %dot_general3A_32 = tpu.matmul %div3A_31, %get3A_3, %dot_general3A {dimension_numbers = #tpu.dot_dimension_numbers<[1], [0], [0], [1], [0, 0, 1, 1], [], []>, transpose_lhs_hint = false} : vector<1024x512xf32>, vector<512x768xf32>, vector<1024x768xf32> -> vector<1024x768xf32>
    %iota3A_33 = tpu.iota {dimensions = array<i32: 1>} : vector<1024x64xi32>
    %broadcast_in_dim3A_34 = vector.shape_cast %sub3A : vector<1024xi32> to vector<1024x1xi32>
    %eq3A = vector.broadcast %broadcast_in_dim3A_34 : vector<1024x1xi32> to vector<1024x64xi32>
    %eq3A_35 = arith.cmpi eq, %iota3A_33, %eq3A : vector<1024x64xi32>
    %convert_element_type3A = arith.extui %eq3A_35 : vector<1024x64xi1> to vector<1024x64xi32>
    %convert_element_type3A_36 = arith.sitofp %convert_element_type3A : vector<1024x64xi32> to vector<1024x64xf32>
    %get3A_37 = arith.constant 0 : index
    %get3A_38 = arith.constant 0 : index
    %get3A_39 = vector.load %arg5[%get3A_37, %get3A_38] : memref<64x128xf32, #tpu.memory_space<vmem>>, vector<64x128xf32>
    %get3A_40 = arith.constant 0 : index
    %get3A_41 = arith.constant 0 : index
    %get3A_42 = vector.load %arg8[%get3A_40, %get3A_41] : memref<128x768xf32, #tpu.memory_space<vmem>>, vector<128x768xf32>
    %dot_general3A_43 = arith.constant dense<0.000000e+00> : vector<64x768xf32>
    %dot_general3A_44 = tpu.matmul %get3A_39, %get3A_42, %dot_general3A_43 {dimension_numbers = #tpu.dot_dimension_numbers<[1], [0], [0], [1], [0, 0, 1, 1], [], []>, transpose_lhs_hint = false} : vector<64x128xf32>, vector<128x768xf32>, vector<64x768xf32> -> vector<64x768xf32>
    %get3A_45 = arith.constant 0 : index
    %get3A_46 = arith.constant 0 : index
    %get3A_47 = arith.constant 0 : index
    %get3A_48 = vector.load %arg3[%get3A_45, %get3A_46, %get3A_47] : memref<1x1024x768xf32, #tpu.memory_space<vmem>>, vector<1x1024x768xf32>
    %get3A_49 = vector.shape_cast %get3A_48 : vector<1x1024x768xf32> to vector<1024x768xf32>
    %get3A_50 = arith.constant 0 : index
    %get3A_51 = arith.constant 0 : index
    %get3A_52 = vector.load %arg6[%get3A_50, %get3A_51] : memref<768x768xf32, #tpu.memory_space<vmem>>, vector<768x768xf32>
    %dot_general3A_53 = arith.constant dense<0.000000e+00> : vector<1024x768xf32>
    %dot_general3A_54 = tpu.matmul %get3A_49, %get3A_52, %dot_general3A_53 {dimension_numbers = #tpu.dot_dimension_numbers<[1], [0], [0], [1], [0, 0, 1, 1], [], []>, transpose_lhs_hint = false} : vector<1024x768xf32>, vector<768x768xf32>, vector<1024x768xf32> -> vector<1024x768xf32>
    %get3A_55 = arith.constant 0 : index
    %get3A_56 = arith.constant 0 : index
    %get3A_57 = arith.constant 0 : index
    %get3A_58 = vector.load %arg4[%get3A_55, %get3A_56, %get3A_57] : memref<1x1024x768xf32, #tpu.memory_space<vmem>>, vector<1x1024x768xf32>
    %get3A_59 = vector.shape_cast %get3A_58 : vector<1x1024x768xf32> to vector<1024x768xf32>
    %get3A_60 = arith.constant 0 : index
    %get3A_61 = arith.constant 0 : index
    %get3A_62 = vector.load %arg7[%get3A_60, %get3A_61] : memref<768x768xf32, #tpu.memory_space<vmem>>, vector<768x768xf32>
    %dot_general3A_63 = arith.constant dense<0.000000e+00> : vector<1024x768xf32>
    %dot_general3A_64 = tpu.matmul %get3A_59, %get3A_62, %dot_general3A_63 {dimension_numbers = #tpu.dot_dimension_numbers<[1], [0], [0], [1], [0, 0, 1, 1], [], []>, transpose_lhs_hint = false} : vector<1024x768xf32>, vector<768x768xf32>, vector<1024x768xf32> -> vector<1024x768xf32>
    %add3A = arith.addf %dot_general3A_54, %dot_general3A_64 : vector<1024x768xf32>
    %convert_element_type3A_65 = arith.truncf %dot_general3A_44 : vector<64x768xf32> to vector<64x768xbf16>
    %convert_element_type3A_66 = arith.extf %convert_element_type3A_65 : vector<64x768xbf16> to vector<64x768xf32>
    %sub3A_67 = arith.subf %dot_general3A_44, %convert_element_type3A_66 : vector<64x768xf32>
    %convert_element_type3A_68 = arith.truncf %sub3A_67 : vector<64x768xf32> to vector<64x768xbf16>
    %convert_element_type3A_69 = arith.extf %convert_element_type3A_68 : vector<64x768xbf16> to vector<64x768xf32>
    %sub3A_70 = arith.subf %sub3A_67, %convert_element_type3A_69 : vector<64x768xf32>
    %dot_general3A_71 = arith.constant dense<0.000000e+00> : vector<1024x768xf32>
    %dot_general3A_72 = tpu.matmul %convert_element_type3A_36, %convert_element_type3A_66, %dot_general3A_71 {dimension_numbers = #tpu.dot_dimension_numbers<[1], [0], [0], [1], [0, 0, 1, 1], [], []>, transpose_lhs_hint = false} : vector<1024x64xf32>, vector<64x768xf32>, vector<1024x768xf32> -> vector<1024x768xf32>
    %dot_general3A_73 = arith.constant dense<0.000000e+00> : vector<1024x768xf32>
    %dot_general3A_74 = tpu.matmul %convert_element_type3A_36, %convert_element_type3A_69, %dot_general3A_73 {dimension_numbers = #tpu.dot_dimension_numbers<[1], [0], [0], [1], [0, 0, 1, 1], [], []>, transpose_lhs_hint = false} : vector<1024x64xf32>, vector<64x768xf32>, vector<1024x768xf32> -> vector<1024x768xf32>
    %add3A_75 = arith.addf %dot_general3A_72, %dot_general3A_74 : vector<1024x768xf32>
    %dot_general3A_76 = arith.constant dense<0.000000e+00> : vector<1024x768xf32>
    %dot_general3A_77 = tpu.matmul %convert_element_type3A_36, %sub3A_70, %dot_general3A_76 {dimension_numbers = #tpu.dot_dimension_numbers<[1], [0], [0], [1], [0, 0, 1, 1], [], []>, transpose_lhs_hint = false} : vector<1024x64xf32>, vector<64x768xf32>, vector<1024x768xf32> -> vector<1024x768xf32>
    %add3A_78 = arith.addf %add3A_75, %dot_general3A_77 : vector<1024x768xf32>
    %add3A_79 = arith.addf %add3A, %add3A_78 : vector<1024x768xf32>
    %get3A_80 = arith.constant 0 : index
    %get3A_81 = arith.constant 0 : index
    %get3A_82 = vector.load %arg9[%get3A_80, %get3A_81] : memref<768x768xf32, #tpu.memory_space<vmem>>, vector<768x768xf32>
    %dot_general3A_83 = arith.constant dense<0.000000e+00> : vector<1024x768xf32>
    %dot_general3A_84 = tpu.matmul %dot_general3A_32, %get3A_82, %dot_general3A_83 {dimension_numbers = #tpu.dot_dimension_numbers<[1], [0], [0], [1], [0, 0, 1, 1], [], []>, transpose_lhs_hint = false} : vector<1024x768xf32>, vector<768x768xf32>, vector<1024x768xf32> -> vector<1024x768xf32>
    %add3A_85 = arith.addf %add3A_79, %dot_general3A_84 : vector<1024x768xf32>
    %get3A_86 = arith.constant 0 : index
    %get3A_87 = arith.constant 0 : index
    %get3A_88 = vector.load %arg12[%get3A_86, %get3A_87] : memref<1x768xf32, #tpu.memory_space<vmem>>, vector<1x768xf32>
    %add3A_89 = vector.broadcast %get3A_88 : vector<1x768xf32> to vector<1024x768xf32>
    %add3A_90 = arith.addf %add3A_85, %add3A_89 : vector<1024x768xf32>
    %max3A = arith.constant 0.000000e+00 : f32
    %max3A_91 = vector.broadcast %max3A : f32 to vector<1024x768xf32>
    %max3A_92 = arith.maximumf %add3A_90, %max3A_91 : vector<1024x768xf32>
    %get3A_93 = arith.constant 0 : index
    %get3A_94 = arith.constant 0 : index
    %get3A_95 = vector.load %arg13[%get3A_93, %get3A_94] : memref<768x1xf32, #tpu.memory_space<vmem>>, vector<768x1xf32>
    %dot_general3A_96 = arith.constant dense<0.000000e+00> : vector<1024x1xf32>
    %dot_general3A_97 = tpu.matmul %max3A_92, %get3A_95, %dot_general3A_96 {dimension_numbers = #tpu.dot_dimension_numbers<[1], [0], [0], [1], [0, 0, 1, 1], [], []>, transpose_lhs_hint = false} : vector<1024x768xf32>, vector<768x1xf32>, vector<1024x1xf32> -> vector<1024x1xf32>
    %get3A_98 = arith.constant 0 : index
    %get3A_99 = arith.constant 0 : index
    %get3A_100 = vector.load %arg14[%get3A_98, %get3A_99] : memref<1x1xf32, #tpu.memory_space<vmem>>, vector<1x1xf32>
    %get3A_101 = vector.extract %get3A_100[0, 0] : f32 from vector<1x1xf32>
    %add3A_102 = vector.broadcast %get3A_101 : f32 to vector<1024x1xf32>
    %add3A_103 = arith.addf %dot_general3A_97, %add3A_102 : vector<1024x1xf32>
    %transpose3A = tpu.transpose %add3A_103, [1, 0] : vector<1024x1xf32> -> vector<1x1024xf32>
    %swap3A = arith.constant 0 : index
    %swap3A_104 = arith.constant 0 : index
    %swap3A_105 = arith.constant 0 : index
    %swap3A_106 = vector.load %arg15[%swap3A, %swap3A_104, %swap3A_105] : memref<1x1x1024xf32, #tpu.memory_space<vmem>>, vector<1x1x1024xf32>
    %swap3A_107 = vector.shape_cast %swap3A_106 : vector<1x1x1024xf32> to vector<1x1024xf32>
    %swap3A_108 = vector.shape_cast %transpose3A : vector<1x1024xf32> to vector<1x1x1024xf32>
    tpu.vector_store %arg15[%swap3A, %swap3A_104, %swap3A_105], %swap3A_108 {strides = array<i32>} : memref<1x1x1024xf32, #tpu.memory_space<vmem>>, vector<1x1x1024xf32>,
    return
  }
  func.func @transform_0(%arg0: i32, %arg1: i32) -> (i32, i32, i32) {
    %c0_i32 = arith.constant 0 : i32
    %c0_i32_0 = arith.constant 0 : i32
    %c0_i32_1 = arith.constant 0 : i32
    return %arg0, %c0_i32, %c0_i32_0 : i32, i32, i32
  }
  func.func @transform_1(%arg0: i32, %arg1: i32) -> (i32, i32, i32) {
    %c0_i32 = arith.constant 0 : i32
    %c0_i32_0 = arith.constant 0 : i32
    return %arg0, %arg1, %c0_i32 : i32, i32, i32
  }
  func.func @transform_2(%arg0: i32, %arg1: i32) -> (i32, i32, i32) {
    %c0_i32 = arith.constant 0 : i32
    %c0_i32_0 = arith.constant 0 : i32
    return %arg0, %arg1, %c0_i32 : i32, i32, i32
  }
  func.func @transform_3(%arg0: i32, %arg1: i32) -> (i32, i32) {
    %c0_i32 = arith.constant 0 : i32
    %c0_i32_0 = arith.constant 0 : i32
    %c0_i32_1 = arith.constant 0 : i32
    return %c0_i32, %c0_i32_0 : i32, i32
  }
  func.func @transform_4(%arg0: i32, %arg1: i32) -> (i32, i32) {
    %c0_i32 = arith.constant 0 : i32
    %c0_i32_0 = arith.constant 0 : i32
    %c0_i32_1 = arith.constant 0 : i32
    return %c0_i32, %c0_i32_0 : i32, i32
  }
  func.func @transform_5(%arg0: i32, %arg1: i32) -> (i32, i32) {
    %c0_i32 = arith.constant 0 : i32
    %c0_i32_0 = arith.constant 0 : i32
    %c0_i32_1 = arith.constant 0 : i32
    return %c0_i32, %c0_i32_0 : i32, i32
  }
  func.func @transform_6(%arg0: i32, %arg1: i32) -> (i32, i32) {
    %c0_i32 = arith.constant 0 : i32
    %c0_i32_0 = arith.constant 0 : i32
    %c0_i32_1 = arith.constant 0 : i32
    return %c0_i32, %c0_i32_0 : i32, i32
  }
  func.func @transform_7(%arg0: i32, %arg1: i32) -> (i32, i32) {
    %c0_i32 = arith.constant 0 : i32
    %c0_i32_0 = arith.constant 0 : i32
    %c0_i32_1 = arith.constant 0 : i32
    return %c0_i32, %c0_i32_0 : i32, i32
  }
  func.func @transform_8(%arg0: i32, %arg1: i32) -> (i32, i32, i32) {
    %c0_i32 = arith.constant 0 : i32
    %c0_i32_0 = arith.constant 0 : i32
    %c0_i32_1 = arith.constant 0 : i32
    return %arg0, %c0_i32, %c0_i32_0 : i32, i32, i32
  }
  func.func @transform_9(%arg0: i32, %arg1: i32) -> (i32, i32, i32) {
    %c0_i32 = arith.constant 0 : i32
    %c0_i32_0 = arith.constant 0 : i32
    return %arg0, %arg1, %c0_i32 : i32, i32, i32
  }
  func.func @transform_10(%arg0: i32, %arg1: i32) -> (i32, i32) {
    %c0_i32 = arith.constant 0 : i32
    %c0_i32_0 = arith.constant 0 : i32
    %c0_i32_1 = arith.constant 0 : i32
    return %c0_i32, %c0_i32_0 : i32, i32
  }
  func.func @transform_11(%arg0: i32, %arg1: i32) -> (i32, i32) {
    %c0_i32 = arith.constant 0 : i32
    %c0_i32_0 = arith.constant 0 : i32
    %c0_i32_1 = arith.constant 0 : i32
    return %c0_i32, %c0_i32_0 : i32, i32
  }
  func.func @transform_12(%arg0: i32, %arg1: i32) -> (i32, i32) {
    %c0_i32 = arith.constant 0 : i32
    %c0_i32_0 = arith.constant 0 : i32
    %c0_i32_1 = arith.constant 0 : i32
    return %c0_i32, %c0_i32_0 : i32, i32
  }
  func.func @transform_13(%arg0: i32, %arg1: i32) -> (i32, i32, i32) {
    %c0_i32 = arith.constant 0 : i32
    %c0_i32_0 = arith.constant 0 : i32
    return %arg0, %c0_i32, %arg1 : i32, i32, i32
  }
}

module attributes {stable_mosaic.version = 14 : i64} {
  func.func @_k3_body(%arg0: memref<8x2048xf32, #tpu.memory_space<vmem>>, %arg1: memref<8x512xf32, #tpu.memory_space<vmem>>, %arg2: memref<8x30xi32, #tpu.memory_space<vmem>>, %arg3: memref<8x10xi32, #tpu.memory_space<vmem>>) attributes {dimension_semantics = [], scalar_prefetch = 0 : i64, scratch_operands = 0 : i64, tpu.core_type = #tpu.core_type<tc>} {
    %get3A = arith.constant 0 : index
    %get3A_0 = arith.constant 0 : index
    %get3A_1 = vector.load %arg0[%get3A, %get3A_0] : memref<8x2048xf32, #tpu.memory_space<vmem>>, vector<8x2048xf32>
    %iota3A = tpu.iota {dimensions = array<i32: 1>} : vector<8x2048xi32>
    %convert_element_type3A = arith.sitofp %iota3A : vector<8x2048xi32> to vector<8x2048xf32>
    %reduce_max3A = arith.constant dense<0xFF800000> : vector<8xf32>
    %reduce_max3A_2 = vector.multi_reduction <maximumf>, %get3A_1, %reduce_max3A [1] : vector<8x2048xf32> to vector<8xf32>
    %broadcast_in_dim3A = vector.shape_cast %reduce_max3A_2 : vector<8xf32> to vector<8x1xf32>
    %eq3A = vector.broadcast %broadcast_in_dim3A : vector<8x1xf32> to vector<8x2048xf32>
    %eq3A_3 = arith.cmpf oeq, %get3A_1, %eq3A : vector<8x2048xf32>
    %jit3A = arith.constant 2.048000e+03 : f32
    %broadcast_in_dim3A_4 = vector.broadcast %jit3A : f32 to vector<8x2048xf32>
    %select_n3A = arith.select %eq3A_3, %convert_element_type3A, %broadcast_in_dim3A_4 : vector<8x2048xi1>, vector<8x2048xf32>
    %reduce_min3A = arith.constant dense<0x7F800000> : vector<8xf32>
    %reduce_min3A_5 = vector.multi_reduction <minimumf>, %select_n3A, %reduce_min3A [1] : vector<8x2048xf32> to vector<8xf32>
    %broadcast_in_dim3A_6 = vector.shape_cast %reduce_min3A_5 : vector<8xf32> to vector<8x1xf32>
    %eq3A_7 = vector.broadcast %broadcast_in_dim3A_6 : vector<8x1xf32> to vector<8x2048xf32>
    %eq3A_8 = arith.cmpf oeq, %convert_element_type3A, %eq3A_7 : vector<8x2048xf32>
    %jit3A_9 = arith.constant 0xFF800000 : f32
    %broadcast_in_dim3A_10 = vector.broadcast %jit3A_9 : f32 to vector<8x2048xf32>
    %select_n3A_11 = arith.select %eq3A_8, %broadcast_in_dim3A_10, %get3A_1 : vector<8x2048xi1>, vector<8x2048xf32>
    %reduce_max3A_12 = arith.constant dense<0xFF800000> : vector<8xf32>
    %reduce_max3A_13 = vector.multi_reduction <maximumf>, %select_n3A_11, %reduce_max3A_12 [1] : vector<8x2048xf32> to vector<8xf32>
    %broadcast_in_dim3A_14 = vector.shape_cast %reduce_max3A_13 : vector<8xf32> to vector<8x1xf32>
    %eq3A_15 = vector.broadcast %broadcast_in_dim3A_14 : vector<8x1xf32> to vector<8x2048xf32>
    %eq3A_16 = arith.cmpf oeq, %select_n3A_11, %eq3A_15 : vector<8x2048xf32>
    %jit3A_17 = arith.constant 2.048000e+03 : f32
    %broadcast_in_dim3A_18 = vector.broadcast %jit3A_17 : f32 to vector<8x2048xf32>
    %select_n3A_19 = arith.select %eq3A_16, %convert_element_type3A, %broadcast_in_dim3A_18 : vector<8x2048xi1>, vector<8x2048xf32>
    %reduce_min3A_20 = arith.constant dense<0x7F800000> : vector<8xf32>
    %reduce_min3A_21 = vector.multi_reduction <minimumf>, %select_n3A_19, %reduce_min3A_20 [1] : vector<8x2048xf32> to vector<8xf32>
    %broadcast_in_dim3A_22 = vector.shape_cast %reduce_min3A_21 : vector<8xf32> to vector<8x1xf32>
    %eq3A_23 = vector.broadcast %broadcast_in_dim3A_22 : vector<8x1xf32> to vector<8x2048xf32>
    %eq3A_24 = arith.cmpf oeq, %convert_element_type3A, %eq3A_23 : vector<8x2048xf32>
    %jit3A_25 = arith.constant 0xFF800000 : f32
    %broadcast_in_dim3A_26 = vector.broadcast %jit3A_25 : f32 to vector<8x2048xf32>
    %select_n3A_27 = arith.select %eq3A_24, %broadcast_in_dim3A_26, %select_n3A_11 : vector<8x2048xi1>, vector<8x2048xf32>
    %reduce_max3A_28 = arith.constant dense<0xFF800000> : vector<8xf32>
    %reduce_max3A_29 = vector.multi_reduction <maximumf>, %select_n3A_27, %reduce_max3A_28 [1] : vector<8x2048xf32> to vector<8xf32>
    %broadcast_in_dim3A_30 = vector.shape_cast %reduce_max3A_29 : vector<8xf32> to vector<8x1xf32>
    %eq3A_31 = vector.broadcast %broadcast_in_dim3A_30 : vector<8x1xf32> to vector<8x2048xf32>
    %eq3A_32 = arith.cmpf oeq, %select_n3A_27, %eq3A_31 : vector<8x2048xf32>
    %jit3A_33 = arith.constant 2.048000e+03 : f32
    %broadcast_in_dim3A_34 = vector.broadcast %jit3A_33 : f32 to vector<8x2048xf32>
    %select_n3A_35 = arith.select %eq3A_32, %convert_element_type3A, %broadcast_in_dim3A_34 : vector<8x2048xi1>, vector<8x2048xf32>
    %reduce_min3A_36 = arith.constant dense<0x7F800000> : vector<8xf32>
    %reduce_min3A_37 = vector.multi_reduction <minimumf>, %select_n3A_35, %reduce_min3A_36 [1] : vector<8x2048xf32> to vector<8xf32>
    %broadcast_in_dim3A_38 = vector.shape_cast %reduce_min3A_37 : vector<8xf32> to vector<8x1xf32>
    %eq3A_39 = vector.broadcast %broadcast_in_dim3A_38 : vector<8x1xf32> to vector<8x2048xf32>
    %eq3A_40 = arith.cmpf oeq, %convert_element_type3A, %eq3A_39 : vector<8x2048xf32>
    %jit3A_41 = arith.constant 0xFF800000 : f32
    %broadcast_in_dim3A_42 = vector.broadcast %jit3A_41 : f32 to vector<8x2048xf32>
    %select_n3A_43 = arith.select %eq3A_40, %broadcast_in_dim3A_42, %select_n3A_27 : vector<8x2048xi1>, vector<8x2048xf32>
    %reduce_max3A_44 = arith.constant dense<0xFF800000> : vector<8xf32>
    %reduce_max3A_45 = vector.multi_reduction <maximumf>, %select_n3A_43, %reduce_max3A_44 [1] : vector<8x2048xf32> to vector<8xf32>
    %broadcast_in_dim3A_46 = vector.shape_cast %reduce_max3A_45 : vector<8xf32> to vector<8x1xf32>
    %eq3A_47 = vector.broadcast %broadcast_in_dim3A_46 : vector<8x1xf32> to vector<8x2048xf32>
    %eq3A_48 = arith.cmpf oeq, %select_n3A_43, %eq3A_47 : vector<8x2048xf32>
    %jit3A_49 = arith.constant 2.048000e+03 : f32
    %broadcast_in_dim3A_50 = vector.broadcast %jit3A_49 : f32 to vector<8x2048xf32>
    %select_n3A_51 = arith.select %eq3A_48, %convert_element_type3A, %broadcast_in_dim3A_50 : vector<8x2048xi1>, vector<8x2048xf32>
    %reduce_min3A_52 = arith.constant dense<0x7F800000> : vector<8xf32>
    %reduce_min3A_53 = vector.multi_reduction <minimumf>, %select_n3A_51, %reduce_min3A_52 [1] : vector<8x2048xf32> to vector<8xf32>
    %broadcast_in_dim3A_54 = vector.shape_cast %reduce_min3A_53 : vector<8xf32> to vector<8x1xf32>
    %eq3A_55 = vector.broadcast %broadcast_in_dim3A_54 : vector<8x1xf32> to vector<8x2048xf32>
    %eq3A_56 = arith.cmpf oeq, %convert_element_type3A, %eq3A_55 : vector<8x2048xf32>
    %jit3A_57 = arith.constant 0xFF800000 : f32
    %broadcast_in_dim3A_58 = vector.broadcast %jit3A_57 : f32 to vector<8x2048xf32>
    %select_n3A_59 = arith.select %eq3A_56, %broadcast_in_dim3A_58, %select_n3A_43 : vector<8x2048xi1>, vector<8x2048xf32>
    %reduce_max3A_60 = arith.constant dense<0xFF800000> : vector<8xf32>
    %reduce_max3A_61 = vector.multi_reduction <maximumf>, %select_n3A_59, %reduce_max3A_60 [1] : vector<8x2048xf32> to vector<8xf32>
    %broadcast_in_dim3A_62 = vector.shape_cast %reduce_max3A_61 : vector<8xf32> to vector<8x1xf32>
    %eq3A_63 = vector.broadcast %broadcast_in_dim3A_62 : vector<8x1xf32> to vector<8x2048xf32>
    %eq3A_64 = arith.cmpf oeq, %select_n3A_59, %eq3A_63 : vector<8x2048xf32>
    %jit3A_65 = arith.constant 2.048000e+03 : f32
    %broadcast_in_dim3A_66 = vector.broadcast %jit3A_65 : f32 to vector<8x2048xf32>
    %select_n3A_67 = arith.select %eq3A_64, %convert_element_type3A, %broadcast_in_dim3A_66 : vector<8x2048xi1>, vector<8x2048xf32>
    %reduce_min3A_68 = arith.constant dense<0x7F800000> : vector<8xf32>
    %reduce_min3A_69 = vector.multi_reduction <minimumf>, %select_n3A_67, %reduce_min3A_68 [1] : vector<8x2048xf32> to vector<8xf32>
    %broadcast_in_dim3A_70 = vector.shape_cast %reduce_min3A_69 : vector<8xf32> to vector<8x1xf32>
    %eq3A_71 = vector.broadcast %broadcast_in_dim3A_70 : vector<8x1xf32> to vector<8x2048xf32>
    %eq3A_72 = arith.cmpf oeq, %convert_element_type3A, %eq3A_71 : vector<8x2048xf32>
    %jit3A_73 = arith.constant 0xFF800000 : f32
    %broadcast_in_dim3A_74 = vector.broadcast %jit3A_73 : f32 to vector<8x2048xf32>
    %select_n3A_75 = arith.select %eq3A_72, %broadcast_in_dim3A_74, %select_n3A_59 : vector<8x2048xi1>, vector<8x2048xf32>
    %reduce_max3A_76 = arith.constant dense<0xFF800000> : vector<8xf32>
    %reduce_max3A_77 = vector.multi_reduction <maximumf>, %select_n3A_75, %reduce_max3A_76 [1] : vector<8x2048xf32> to vector<8xf32>
    %broadcast_in_dim3A_78 = vector.shape_cast %reduce_max3A_77 : vector<8xf32> to vector<8x1xf32>
    %eq3A_79 = vector.broadcast %broadcast_in_dim3A_78 : vector<8x1xf32> to vector<8x2048xf32>
    %eq3A_80 = arith.cmpf oeq, %select_n3A_75, %eq3A_79 : vector<8x2048xf32>
    %jit3A_81 = arith.constant 2.048000e+03 : f32
    %broadcast_in_dim3A_82 = vector.broadcast %jit3A_81 : f32 to vector<8x2048xf32>
    %select_n3A_83 = arith.select %eq3A_80, %convert_element_type3A, %broadcast_in_dim3A_82 : vector<8x2048xi1>, vector<8x2048xf32>
    %reduce_min3A_84 = arith.constant dense<0x7F800000> : vector<8xf32>
    %reduce_min3A_85 = vector.multi_reduction <minimumf>, %select_n3A_83, %reduce_min3A_84 [1] : vector<8x2048xf32> to vector<8xf32>
    %broadcast_in_dim3A_86 = vector.shape_cast %reduce_min3A_85 : vector<8xf32> to vector<8x1xf32>
    %eq3A_87 = vector.broadcast %broadcast_in_dim3A_86 : vector<8x1xf32> to vector<8x2048xf32>
    %eq3A_88 = arith.cmpf oeq, %convert_element_type3A, %eq3A_87 : vector<8x2048xf32>
    %jit3A_89 = arith.constant 0xFF800000 : f32
    %broadcast_in_dim3A_90 = vector.broadcast %jit3A_89 : f32 to vector<8x2048xf32>
    %select_n3A_91 = arith.select %eq3A_88, %broadcast_in_dim3A_90, %select_n3A_75 : vector<8x2048xi1>, vector<8x2048xf32>
    %reduce_max3A_92 = arith.constant dense<0xFF800000> : vector<8xf32>
    %reduce_max3A_93 = vector.multi_reduction <maximumf>, %select_n3A_91, %reduce_max3A_92 [1] : vector<8x2048xf32> to vector<8xf32>
    %broadcast_in_dim3A_94 = vector.shape_cast %reduce_max3A_93 : vector<8xf32> to vector<8x1xf32>
    %eq3A_95 = vector.broadcast %broadcast_in_dim3A_94 : vector<8x1xf32> to vector<8x2048xf32>
    %eq3A_96 = arith.cmpf oeq, %select_n3A_91, %eq3A_95 : vector<8x2048xf32>
    %jit3A_97 = arith.constant 2.048000e+03 : f32
    %broadcast_in_dim3A_98 = vector.broadcast %jit3A_97 : f32 to vector<8x2048xf32>
    %select_n3A_99 = arith.select %eq3A_96, %convert_element_type3A, %broadcast_in_dim3A_98 : vector<8x2048xi1>, vector<8x2048xf32>
    %reduce_min3A_100 = arith.constant dense<0x7F800000> : vector<8xf32>
    %reduce_min3A_101 = vector.multi_reduction <minimumf>, %select_n3A_99, %reduce_min3A_100 [1] : vector<8x2048xf32> to vector<8xf32>
    %broadcast_in_dim3A_102 = vector.shape_cast %reduce_min3A_101 : vector<8xf32> to vector<8x1xf32>
    %eq3A_103 = vector.broadcast %broadcast_in_dim3A_102 : vector<8x1xf32> to vector<8x2048xf32>
    %eq3A_104 = arith.cmpf oeq, %convert_element_type3A, %eq3A_103 : vector<8x2048xf32>
    %jit3A_105 = arith.constant 0xFF800000 : f32
    %broadcast_in_dim3A_106 = vector.broadcast %jit3A_105 : f32 to vector<8x2048xf32>
    %select_n3A_107 = arith.select %eq3A_104, %broadcast_in_dim3A_106, %select_n3A_91 : vector<8x2048xi1>, vector<8x2048xf32>
    %reduce_max3A_108 = arith.constant dense<0xFF800000> : vector<8xf32>
    %reduce_max3A_109 = vector.multi_reduction <maximumf>, %select_n3A_107, %reduce_max3A_108 [1] : vector<8x2048xf32> to vector<8xf32>
    %broadcast_in_dim3A_110 = vector.shape_cast %reduce_max3A_109 : vector<8xf32> to vector<8x1xf32>
    %eq3A_111 = vector.broadcast %broadcast_in_dim3A_110 : vector<8x1xf32> to vector<8x2048xf32>
    %eq3A_112 = arith.cmpf oeq, %select_n3A_107, %eq3A_111 : vector<8x2048xf32>
    %jit3A_113 = arith.constant 2.048000e+03 : f32
    %broadcast_in_dim3A_114 = vector.broadcast %jit3A_113 : f32 to vector<8x2048xf32>
    %select_n3A_115 = arith.select %eq3A_112, %convert_element_type3A, %broadcast_in_dim3A_114 : vector<8x2048xi1>, vector<8x2048xf32>
    %reduce_min3A_116 = arith.constant dense<0x7F800000> : vector<8xf32>
    %reduce_min3A_117 = vector.multi_reduction <minimumf>, %select_n3A_115, %reduce_min3A_116 [1] : vector<8x2048xf32> to vector<8xf32>
    %broadcast_in_dim3A_118 = vector.shape_cast %reduce_min3A_117 : vector<8xf32> to vector<8x1xf32>
    %eq3A_119 = vector.broadcast %broadcast_in_dim3A_118 : vector<8x1xf32> to vector<8x2048xf32>
    %eq3A_120 = arith.cmpf oeq, %convert_element_type3A, %eq3A_119 : vector<8x2048xf32>
    %jit3A_121 = arith.constant 0xFF800000 : f32
    %broadcast_in_dim3A_122 = vector.broadcast %jit3A_121 : f32 to vector<8x2048xf32>
    %select_n3A_123 = arith.select %eq3A_120, %broadcast_in_dim3A_122, %select_n3A_107 : vector<8x2048xi1>, vector<8x2048xf32>
    %reduce_max3A_124 = arith.constant dense<0xFF800000> : vector<8xf32>
    %reduce_max3A_125 = vector.multi_reduction <maximumf>, %select_n3A_123, %reduce_max3A_124 [1] : vector<8x2048xf32> to vector<8xf32>
    %broadcast_in_dim3A_126 = vector.shape_cast %reduce_max3A_125 : vector<8xf32> to vector<8x1xf32>
    %eq3A_127 = vector.broadcast %broadcast_in_dim3A_126 : vector<8x1xf32> to vector<8x2048xf32>
    %eq3A_128 = arith.cmpf oeq, %select_n3A_123, %eq3A_127 : vector<8x2048xf32>
    %jit3A_129 = arith.constant 2.048000e+03 : f32
    %broadcast_in_dim3A_130 = vector.broadcast %jit3A_129 : f32 to vector<8x2048xf32>
    %select_n3A_131 = arith.select %eq3A_128, %convert_element_type3A, %broadcast_in_dim3A_130 : vector<8x2048xi1>, vector<8x2048xf32>
    %reduce_min3A_132 = arith.constant dense<0x7F800000> : vector<8xf32>
    %reduce_min3A_133 = vector.multi_reduction <minimumf>, %select_n3A_131, %reduce_min3A_132 [1] : vector<8x2048xf32> to vector<8xf32>
    %broadcast_in_dim3A_134 = vector.shape_cast %reduce_min3A_133 : vector<8xf32> to vector<8x1xf32>
    %eq3A_135 = vector.broadcast %broadcast_in_dim3A_134 : vector<8x1xf32> to vector<8x2048xf32>
    %eq3A_136 = arith.cmpf oeq, %convert_element_type3A, %eq3A_135 : vector<8x2048xf32>
    %jit3A_137 = arith.constant 0xFF800000 : f32
    %broadcast_in_dim3A_138 = vector.broadcast %jit3A_137 : f32 to vector<8x2048xf32>
    %select_n3A_139 = arith.select %eq3A_136, %broadcast_in_dim3A_138, %select_n3A_123 : vector<8x2048xi1>, vector<8x2048xf32>
    %reduce_max3A_140 = arith.constant dense<0xFF800000> : vector<8xf32>
    %reduce_max3A_141 = vector.multi_reduction <maximumf>, %select_n3A_139, %reduce_max3A_140 [1] : vector<8x2048xf32> to vector<8xf32>
    %broadcast_in_dim3A_142 = vector.shape_cast %reduce_max3A_141 : vector<8xf32> to vector<8x1xf32>
    %eq3A_143 = vector.broadcast %broadcast_in_dim3A_142 : vector<8x1xf32> to vector<8x2048xf32>
    %eq3A_144 = arith.cmpf oeq, %select_n3A_139, %eq3A_143 : vector<8x2048xf32>
    %jit3A_145 = arith.constant 2.048000e+03 : f32
    %broadcast_in_dim3A_146 = vector.broadcast %jit3A_145 : f32 to vector<8x2048xf32>
    %select_n3A_147 = arith.select %eq3A_144, %convert_element_type3A, %broadcast_in_dim3A_146 : vector<8x2048xi1>, vector<8x2048xf32>
    %reduce_min3A_148 = arith.constant dense<0x7F800000> : vector<8xf32>
    %reduce_min3A_149 = vector.multi_reduction <minimumf>, %select_n3A_147, %reduce_min3A_148 [1] : vector<8x2048xf32> to vector<8xf32>
    %broadcast_in_dim3A_150 = vector.shape_cast %reduce_min3A_149 : vector<8xf32> to vector<8x1xf32>
    %eq3A_151 = vector.broadcast %broadcast_in_dim3A_150 : vector<8x1xf32> to vector<8x2048xf32>
    %eq3A_152 = arith.cmpf oeq, %convert_element_type3A, %eq3A_151 : vector<8x2048xf32>
    %jit3A_153 = arith.constant 0xFF800000 : f32
    %broadcast_in_dim3A_154 = vector.broadcast %jit3A_153 : f32 to vector<8x2048xf32>
    %select_n3A_155 = arith.select %eq3A_152, %broadcast_in_dim3A_154, %select_n3A_139 : vector<8x2048xi1>, vector<8x2048xf32>
    %reduce_max3A_156 = arith.constant dense<0xFF800000> : vector<8xf32>
    %reduce_max3A_157 = vector.multi_reduction <maximumf>, %select_n3A_155, %reduce_max3A_156 [1] : vector<8x2048xf32> to vector<8xf32>
    %broadcast_in_dim3A_158 = vector.shape_cast %reduce_max3A_157 : vector<8xf32> to vector<8x1xf32>
    %eq3A_159 = vector.broadcast %broadcast_in_dim3A_158 : vector<8x1xf32> to vector<8x2048xf32>
    %eq3A_160 = arith.cmpf oeq, %select_n3A_155, %eq3A_159 : vector<8x2048xf32>
    %jit3A_161 = arith.constant 2.048000e+03 : f32
    %broadcast_in_dim3A_162 = vector.broadcast %jit3A_161 : f32 to vector<8x2048xf32>
    %select_n3A_163 = arith.select %eq3A_160, %convert_element_type3A, %broadcast_in_dim3A_162 : vector<8x2048xi1>, vector<8x2048xf32>
    %reduce_min3A_164 = arith.constant dense<0x7F800000> : vector<8xf32>
    %reduce_min3A_165 = vector.multi_reduction <minimumf>, %select_n3A_163, %reduce_min3A_164 [1] : vector<8x2048xf32> to vector<8xf32>
    %broadcast_in_dim3A_166 = vector.shape_cast %reduce_min3A_165 : vector<8xf32> to vector<8x1xf32>
    %eq3A_167 = vector.broadcast %broadcast_in_dim3A_166 : vector<8x1xf32> to vector<8x2048xf32>
    %eq3A_168 = arith.cmpf oeq, %convert_element_type3A, %eq3A_167 : vector<8x2048xf32>
    %jit3A_169 = arith.constant 0xFF800000 : f32
    %broadcast_in_dim3A_170 = vector.broadcast %jit3A_169 : f32 to vector<8x2048xf32>
    %select_n3A_171 = arith.select %eq3A_168, %broadcast_in_dim3A_170, %select_n3A_155 : vector<8x2048xi1>, vector<8x2048xf32>
    %reduce_max3A_172 = arith.constant dense<0xFF800000> : vector<8xf32>
    %reduce_max3A_173 = vector.multi_reduction <maximumf>, %select_n3A_171, %reduce_max3A_172 [1] : vector<8x2048xf32> to vector<8xf32>
    %broadcast_in_dim3A_174 = vector.shape_cast %reduce_max3A_173 : vector<8xf32> to vector<8x1xf32>
    %eq3A_175 = vector.broadcast %broadcast_in_dim3A_174 : vector<8x1xf32> to vector<8x2048xf32>
    %eq3A_176 = arith.cmpf oeq, %select_n3A_171, %eq3A_175 : vector<8x2048xf32>
    %jit3A_177 = arith.constant 2.048000e+03 : f32
    %broadcast_in_dim3A_178 = vector.broadcast %jit3A_177 : f32 to vector<8x2048xf32>
    %select_n3A_179 = arith.select %eq3A_176, %convert_element_type3A, %broadcast_in_dim3A_178 : vector<8x2048xi1>, vector<8x2048xf32>
    %reduce_min3A_180 = arith.constant dense<0x7F800000> : vector<8xf32>
    %reduce_min3A_181 = vector.multi_reduction <minimumf>, %select_n3A_179, %reduce_min3A_180 [1] : vector<8x2048xf32> to vector<8xf32>
    %broadcast_in_dim3A_182 = vector.shape_cast %reduce_min3A_181 : vector<8xf32> to vector<8x1xf32>
    %eq3A_183 = vector.broadcast %broadcast_in_dim3A_182 : vector<8x1xf32> to vector<8x2048xf32>
    %eq3A_184 = arith.cmpf oeq, %convert_element_type3A, %eq3A_183 : vector<8x2048xf32>
    %jit3A_185 = arith.constant 0xFF800000 : f32
    %broadcast_in_dim3A_186 = vector.broadcast %jit3A_185 : f32 to vector<8x2048xf32>
    %select_n3A_187 = arith.select %eq3A_184, %broadcast_in_dim3A_186, %select_n3A_171 : vector<8x2048xi1>, vector<8x2048xf32>
    %reduce_max3A_188 = arith.constant dense<0xFF800000> : vector<8xf32>
    %reduce_max3A_189 = vector.multi_reduction <maximumf>, %select_n3A_187, %reduce_max3A_188 [1] : vector<8x2048xf32> to vector<8xf32>
    %broadcast_in_dim3A_190 = vector.shape_cast %reduce_max3A_189 : vector<8xf32> to vector<8x1xf32>
    %eq3A_191 = vector.broadcast %broadcast_in_dim3A_190 : vector<8x1xf32> to vector<8x2048xf32>
    %eq3A_192 = arith.cmpf oeq, %select_n3A_187, %eq3A_191 : vector<8x2048xf32>
    %jit3A_193 = arith.constant 2.048000e+03 : f32
    %broadcast_in_dim3A_194 = vector.broadcast %jit3A_193 : f32 to vector<8x2048xf32>
    %select_n3A_195 = arith.select %eq3A_192, %convert_element_type3A, %broadcast_in_dim3A_194 : vector<8x2048xi1>, vector<8x2048xf32>
    %reduce_min3A_196 = arith.constant dense<0x7F800000> : vector<8xf32>
    %reduce_min3A_197 = vector.multi_reduction <minimumf>, %select_n3A_195, %reduce_min3A_196 [1] : vector<8x2048xf32> to vector<8xf32>
    %broadcast_in_dim3A_198 = vector.shape_cast %reduce_min3A_197 : vector<8xf32> to vector<8x1xf32>
    %eq3A_199 = vector.broadcast %broadcast_in_dim3A_198 : vector<8x1xf32> to vector<8x2048xf32>
    %eq3A_200 = arith.cmpf oeq, %convert_element_type3A, %eq3A_199 : vector<8x2048xf32>
    %jit3A_201 = arith.constant 0xFF800000 : f32
    %broadcast_in_dim3A_202 = vector.broadcast %jit3A_201 : f32 to vector<8x2048xf32>
    %select_n3A_203 = arith.select %eq3A_200, %broadcast_in_dim3A_202, %select_n3A_187 : vector<8x2048xi1>, vector<8x2048xf32>
    %reduce_max3A_204 = arith.constant dense<0xFF800000> : vector<8xf32>
    %reduce_max3A_205 = vector.multi_reduction <maximumf>, %select_n3A_203, %reduce_max3A_204 [1] : vector<8x2048xf32> to vector<8xf32>
    %broadcast_in_dim3A_206 = vector.shape_cast %reduce_max3A_205 : vector<8xf32> to vector<8x1xf32>
    %eq3A_207 = vector.broadcast %broadcast_in_dim3A_206 : vector<8x1xf32> to vector<8x2048xf32>
    %eq3A_208 = arith.cmpf oeq, %select_n3A_203, %eq3A_207 : vector<8x2048xf32>
    %jit3A_209 = arith.constant 2.048000e+03 : f32
    %broadcast_in_dim3A_210 = vector.broadcast %jit3A_209 : f32 to vector<8x2048xf32>
    %select_n3A_211 = arith.select %eq3A_208, %convert_element_type3A, %broadcast_in_dim3A_210 : vector<8x2048xi1>, vector<8x2048xf32>
    %reduce_min3A_212 = arith.constant dense<0x7F800000> : vector<8xf32>
    %reduce_min3A_213 = vector.multi_reduction <minimumf>, %select_n3A_211, %reduce_min3A_212 [1] : vector<8x2048xf32> to vector<8xf32>
    %broadcast_in_dim3A_214 = vector.shape_cast %reduce_min3A_213 : vector<8xf32> to vector<8x1xf32>
    %eq3A_215 = vector.broadcast %broadcast_in_dim3A_214 : vector<8x1xf32> to vector<8x2048xf32>
    %eq3A_216 = arith.cmpf oeq, %convert_element_type3A, %eq3A_215 : vector<8x2048xf32>
    %jit3A_217 = arith.constant 0xFF800000 : f32
    %broadcast_in_dim3A_218 = vector.broadcast %jit3A_217 : f32 to vector<8x2048xf32>
    %select_n3A_219 = arith.select %eq3A_216, %broadcast_in_dim3A_218, %select_n3A_203 : vector<8x2048xi1>, vector<8x2048xf32>
    %reduce_max3A_220 = arith.constant dense<0xFF800000> : vector<8xf32>
    %reduce_max3A_221 = vector.multi_reduction <maximumf>, %select_n3A_219, %reduce_max3A_220 [1] : vector<8x2048xf32> to vector<8xf32>
    %broadcast_in_dim3A_222 = vector.shape_cast %reduce_max3A_221 : vector<8xf32> to vector<8x1xf32>
    %eq3A_223 = vector.broadcast %broadcast_in_dim3A_222 : vector<8x1xf32> to vector<8x2048xf32>
    %eq3A_224 = arith.cmpf oeq, %select_n3A_219, %eq3A_223 : vector<8x2048xf32>
    %jit3A_225 = arith.constant 2.048000e+03 : f32
    %broadcast_in_dim3A_226 = vector.broadcast %jit3A_225 : f32 to vector<8x2048xf32>
    %select_n3A_227 = arith.select %eq3A_224, %convert_element_type3A, %broadcast_in_dim3A_226 : vector<8x2048xi1>, vector<8x2048xf32>
    %reduce_min3A_228 = arith.constant dense<0x7F800000> : vector<8xf32>
    %reduce_min3A_229 = vector.multi_reduction <minimumf>, %select_n3A_227, %reduce_min3A_228 [1] : vector<8x2048xf32> to vector<8xf32>
    %broadcast_in_dim3A_230 = vector.shape_cast %reduce_min3A_229 : vector<8xf32> to vector<8x1xf32>
    %eq3A_231 = vector.broadcast %broadcast_in_dim3A_230 : vector<8x1xf32> to vector<8x2048xf32>
    %eq3A_232 = arith.cmpf oeq, %convert_element_type3A, %eq3A_231 : vector<8x2048xf32>
    %jit3A_233 = arith.constant 0xFF800000 : f32
    %broadcast_in_dim3A_234 = vector.broadcast %jit3A_233 : f32 to vector<8x2048xf32>
    %select_n3A_235 = arith.select %eq3A_232, %broadcast_in_dim3A_234, %select_n3A_219 : vector<8x2048xi1>, vector<8x2048xf32>
    %reduce_max3A_236 = arith.constant dense<0xFF800000> : vector<8xf32>
    %reduce_max3A_237 = vector.multi_reduction <maximumf>, %select_n3A_235, %reduce_max3A_236 [1] : vector<8x2048xf32> to vector<8xf32>
    %broadcast_in_dim3A_238 = vector.shape_cast %reduce_max3A_237 : vector<8xf32> to vector<8x1xf32>
    %eq3A_239 = vector.broadcast %broadcast_in_dim3A_238 : vector<8x1xf32> to vector<8x2048xf32>
    %eq3A_240 = arith.cmpf oeq, %select_n3A_235, %eq3A_239 : vector<8x2048xf32>
    %jit3A_241 = arith.constant 2.048000e+03 : f32
    %broadcast_in_dim3A_242 = vector.broadcast %jit3A_241 : f32 to vector<8x2048xf32>
    %select_n3A_243 = arith.select %eq3A_240, %convert_element_type3A, %broadcast_in_dim3A_242 : vector<8x2048xi1>, vector<8x2048xf32>
    %reduce_min3A_244 = arith.constant dense<0x7F800000> : vector<8xf32>
    %reduce_min3A_245 = vector.multi_reduction <minimumf>, %select_n3A_243, %reduce_min3A_244 [1] : vector<8x2048xf32> to vector<8xf32>
    %broadcast_in_dim3A_246 = vector.shape_cast %reduce_min3A_245 : vector<8xf32> to vector<8x1xf32>
    %eq3A_247 = vector.broadcast %broadcast_in_dim3A_246 : vector<8x1xf32> to vector<8x2048xf32>
    %eq3A_248 = arith.cmpf oeq, %convert_element_type3A, %eq3A_247 : vector<8x2048xf32>
    %jit3A_249 = arith.constant 0xFF800000 : f32
    %broadcast_in_dim3A_250 = vector.broadcast %jit3A_249 : f32 to vector<8x2048xf32>
    %select_n3A_251 = arith.select %eq3A_248, %broadcast_in_dim3A_250, %select_n3A_235 : vector<8x2048xi1>, vector<8x2048xf32>
    %reduce_max3A_252 = arith.constant dense<0xFF800000> : vector<8xf32>
    %reduce_max3A_253 = vector.multi_reduction <maximumf>, %select_n3A_251, %reduce_max3A_252 [1] : vector<8x2048xf32> to vector<8xf32>
    %broadcast_in_dim3A_254 = vector.shape_cast %reduce_max3A_253 : vector<8xf32> to vector<8x1xf32>
    %eq3A_255 = vector.broadcast %broadcast_in_dim3A_254 : vector<8x1xf32> to vector<8x2048xf32>
    %eq3A_256 = arith.cmpf oeq, %select_n3A_251, %eq3A_255 : vector<8x2048xf32>
    %jit3A_257 = arith.constant 2.048000e+03 : f32
    %broadcast_in_dim3A_258 = vector.broadcast %jit3A_257 : f32 to vector<8x2048xf32>
    %select_n3A_259 = arith.select %eq3A_256, %convert_element_type3A, %broadcast_in_dim3A_258 : vector<8x2048xi1>, vector<8x2048xf32>
    %reduce_min3A_260 = arith.constant dense<0x7F800000> : vector<8xf32>
    %reduce_min3A_261 = vector.multi_reduction <minimumf>, %select_n3A_259, %reduce_min3A_260 [1] : vector<8x2048xf32> to vector<8xf32>
    %broadcast_in_dim3A_262 = vector.shape_cast %reduce_min3A_261 : vector<8xf32> to vector<8x1xf32>
    %eq3A_263 = vector.broadcast %broadcast_in_dim3A_262 : vector<8x1xf32> to vector<8x2048xf32>
    %eq3A_264 = arith.cmpf oeq, %convert_element_type3A, %eq3A_263 : vector<8x2048xf32>
    %jit3A_265 = arith.constant 0xFF800000 : f32
    %broadcast_in_dim3A_266 = vector.broadcast %jit3A_265 : f32 to vector<8x2048xf32>
    %select_n3A_267 = arith.select %eq3A_264, %broadcast_in_dim3A_266, %select_n3A_251 : vector<8x2048xi1>, vector<8x2048xf32>
    %reduce_max3A_268 = arith.constant dense<0xFF800000> : vector<8xf32>
    %reduce_max3A_269 = vector.multi_reduction <maximumf>, %select_n3A_267, %reduce_max3A_268 [1] : vector<8x2048xf32> to vector<8xf32>
    %broadcast_in_dim3A_270 = vector.shape_cast %reduce_max3A_269 : vector<8xf32> to vector<8x1xf32>
    %eq3A_271 = vector.broadcast %broadcast_in_dim3A_270 : vector<8x1xf32> to vector<8x2048xf32>
    %eq3A_272 = arith.cmpf oeq, %select_n3A_267, %eq3A_271 : vector<8x2048xf32>
    %jit3A_273 = arith.constant 2.048000e+03 : f32
    %broadcast_in_dim3A_274 = vector.broadcast %jit3A_273 : f32 to vector<8x2048xf32>
    %select_n3A_275 = arith.select %eq3A_272, %convert_element_type3A, %broadcast_in_dim3A_274 : vector<8x2048xi1>, vector<8x2048xf32>
    %reduce_min3A_276 = arith.constant dense<0x7F800000> : vector<8xf32>
    %reduce_min3A_277 = vector.multi_reduction <minimumf>, %select_n3A_275, %reduce_min3A_276 [1] : vector<8x2048xf32> to vector<8xf32>
    %broadcast_in_dim3A_278 = vector.shape_cast %reduce_min3A_277 : vector<8xf32> to vector<8x1xf32>
    %eq3A_279 = vector.broadcast %broadcast_in_dim3A_278 : vector<8x1xf32> to vector<8x2048xf32>
    %eq3A_280 = arith.cmpf oeq, %convert_element_type3A, %eq3A_279 : vector<8x2048xf32>
    %jit3A_281 = arith.constant 0xFF800000 : f32
    %broadcast_in_dim3A_282 = vector.broadcast %jit3A_281 : f32 to vector<8x2048xf32>
    %select_n3A_283 = arith.select %eq3A_280, %broadcast_in_dim3A_282, %select_n3A_267 : vector<8x2048xi1>, vector<8x2048xf32>
    %reduce_max3A_284 = arith.constant dense<0xFF800000> : vector<8xf32>
    %reduce_max3A_285 = vector.multi_reduction <maximumf>, %select_n3A_283, %reduce_max3A_284 [1] : vector<8x2048xf32> to vector<8xf32>
    %broadcast_in_dim3A_286 = vector.shape_cast %reduce_max3A_285 : vector<8xf32> to vector<8x1xf32>
    %eq3A_287 = vector.broadcast %broadcast_in_dim3A_286 : vector<8x1xf32> to vector<8x2048xf32>
    %eq3A_288 = arith.cmpf oeq, %select_n3A_283, %eq3A_287 : vector<8x2048xf32>
    %jit3A_289 = arith.constant 2.048000e+03 : f32
    %broadcast_in_dim3A_290 = vector.broadcast %jit3A_289 : f32 to vector<8x2048xf32>
    %select_n3A_291 = arith.select %eq3A_288, %convert_element_type3A, %broadcast_in_dim3A_290 : vector<8x2048xi1>, vector<8x2048xf32>
    %reduce_min3A_292 = arith.constant dense<0x7F800000> : vector<8xf32>
    %reduce_min3A_293 = vector.multi_reduction <minimumf>, %select_n3A_291, %reduce_min3A_292 [1] : vector<8x2048xf32> to vector<8xf32>
    %broadcast_in_dim3A_294 = vector.shape_cast %reduce_min3A_293 : vector<8xf32> to vector<8x1xf32>
    %eq3A_295 = vector.broadcast %broadcast_in_dim3A_294 : vector<8x1xf32> to vector<8x2048xf32>
    %eq3A_296 = arith.cmpf oeq, %convert_element_type3A, %eq3A_295 : vector<8x2048xf32>
    %jit3A_297 = arith.constant 0xFF800000 : f32
    %broadcast_in_dim3A_298 = vector.broadcast %jit3A_297 : f32 to vector<8x2048xf32>
    %select_n3A_299 = arith.select %eq3A_296, %broadcast_in_dim3A_298, %select_n3A_283 : vector<8x2048xi1>, vector<8x2048xf32>
    %reduce_max3A_300 = arith.constant dense<0xFF800000> : vector<8xf32>
    %reduce_max3A_301 = vector.multi_reduction <maximumf>, %select_n3A_299, %reduce_max3A_300 [1] : vector<8x2048xf32> to vector<8xf32>
    %broadcast_in_dim3A_302 = vector.shape_cast %reduce_max3A_301 : vector<8xf32> to vector<8x1xf32>
    %eq3A_303 = vector.broadcast %broadcast_in_dim3A_302 : vector<8x1xf32> to vector<8x2048xf32>
    %eq3A_304 = arith.cmpf oeq, %select_n3A_299, %eq3A_303 : vector<8x2048xf32>
    %jit3A_305 = arith.constant 2.048000e+03 : f32
    %broadcast_in_dim3A_306 = vector.broadcast %jit3A_305 : f32 to vector<8x2048xf32>
    %select_n3A_307 = arith.select %eq3A_304, %convert_element_type3A, %broadcast_in_dim3A_306 : vector<8x2048xi1>, vector<8x2048xf32>
    %reduce_min3A_308 = arith.constant dense<0x7F800000> : vector<8xf32>
    %reduce_min3A_309 = vector.multi_reduction <minimumf>, %select_n3A_307, %reduce_min3A_308 [1] : vector<8x2048xf32> to vector<8xf32>
    %broadcast_in_dim3A_310 = vector.shape_cast %reduce_min3A_309 : vector<8xf32> to vector<8x1xf32>
    %eq3A_311 = vector.broadcast %broadcast_in_dim3A_310 : vector<8x1xf32> to vector<8x2048xf32>
    %eq3A_312 = arith.cmpf oeq, %convert_element_type3A, %eq3A_311 : vector<8x2048xf32>
    %jit3A_313 = arith.constant 0xFF800000 : f32
    %broadcast_in_dim3A_314 = vector.broadcast %jit3A_313 : f32 to vector<8x2048xf32>
    %select_n3A_315 = arith.select %eq3A_312, %broadcast_in_dim3A_314, %select_n3A_299 : vector<8x2048xi1>, vector<8x2048xf32>
    %reduce_max3A_316 = arith.constant dense<0xFF800000> : vector<8xf32>
    %reduce_max3A_317 = vector.multi_reduction <maximumf>, %select_n3A_315, %reduce_max3A_316 [1] : vector<8x2048xf32> to vector<8xf32>
    %broadcast_in_dim3A_318 = vector.shape_cast %reduce_max3A_317 : vector<8xf32> to vector<8x1xf32>
    %eq3A_319 = vector.broadcast %broadcast_in_dim3A_318 : vector<8x1xf32> to vector<8x2048xf32>
    %eq3A_320 = arith.cmpf oeq, %select_n3A_315, %eq3A_319 : vector<8x2048xf32>
    %jit3A_321 = arith.constant 2.048000e+03 : f32
    %broadcast_in_dim3A_322 = vector.broadcast %jit3A_321 : f32 to vector<8x2048xf32>
    %select_n3A_323 = arith.select %eq3A_320, %convert_element_type3A, %broadcast_in_dim3A_322 : vector<8x2048xi1>, vector<8x2048xf32>
    %reduce_min3A_324 = arith.constant dense<0x7F800000> : vector<8xf32>
    %reduce_min3A_325 = vector.multi_reduction <minimumf>, %select_n3A_323, %reduce_min3A_324 [1] : vector<8x2048xf32> to vector<8xf32>
    %broadcast_in_dim3A_326 = vector.shape_cast %reduce_min3A_325 : vector<8xf32> to vector<8x1xf32>
    %eq3A_327 = vector.broadcast %broadcast_in_dim3A_326 : vector<8x1xf32> to vector<8x2048xf32>
    %eq3A_328 = arith.cmpf oeq, %convert_element_type3A, %eq3A_327 : vector<8x2048xf32>
    %jit3A_329 = arith.constant 0xFF800000 : f32
    %broadcast_in_dim3A_330 = vector.broadcast %jit3A_329 : f32 to vector<8x2048xf32>
    %select_n3A_331 = arith.select %eq3A_328, %broadcast_in_dim3A_330, %select_n3A_315 : vector<8x2048xi1>, vector<8x2048xf32>
    %reduce_max3A_332 = arith.constant dense<0xFF800000> : vector<8xf32>
    %reduce_max3A_333 = vector.multi_reduction <maximumf>, %select_n3A_331, %reduce_max3A_332 [1] : vector<8x2048xf32> to vector<8xf32>
    %broadcast_in_dim3A_334 = vector.shape_cast %reduce_max3A_333 : vector<8xf32> to vector<8x1xf32>
    %eq3A_335 = vector.broadcast %broadcast_in_dim3A_334 : vector<8x1xf32> to vector<8x2048xf32>
    %eq3A_336 = arith.cmpf oeq, %select_n3A_331, %eq3A_335 : vector<8x2048xf32>
    %jit3A_337 = arith.constant 2.048000e+03 : f32
    %broadcast_in_dim3A_338 = vector.broadcast %jit3A_337 : f32 to vector<8x2048xf32>
    %select_n3A_339 = arith.select %eq3A_336, %convert_element_type3A, %broadcast_in_dim3A_338 : vector<8x2048xi1>, vector<8x2048xf32>
    %reduce_min3A_340 = arith.constant dense<0x7F800000> : vector<8xf32>
    %reduce_min3A_341 = vector.multi_reduction <minimumf>, %select_n3A_339, %reduce_min3A_340 [1] : vector<8x2048xf32> to vector<8xf32>
    %broadcast_in_dim3A_342 = vector.shape_cast %reduce_min3A_341 : vector<8xf32> to vector<8x1xf32>
    %eq3A_343 = vector.broadcast %broadcast_in_dim3A_342 : vector<8x1xf32> to vector<8x2048xf32>
    %eq3A_344 = arith.cmpf oeq, %convert_element_type3A, %eq3A_343 : vector<8x2048xf32>
    %jit3A_345 = arith.constant 0xFF800000 : f32
    %broadcast_in_dim3A_346 = vector.broadcast %jit3A_345 : f32 to vector<8x2048xf32>
    %select_n3A_347 = arith.select %eq3A_344, %broadcast_in_dim3A_346, %select_n3A_331 : vector<8x2048xi1>, vector<8x2048xf32>
    %reduce_max3A_348 = arith.constant dense<0xFF800000> : vector<8xf32>
    %reduce_max3A_349 = vector.multi_reduction <maximumf>, %select_n3A_347, %reduce_max3A_348 [1] : vector<8x2048xf32> to vector<8xf32>
    %broadcast_in_dim3A_350 = vector.shape_cast %reduce_max3A_349 : vector<8xf32> to vector<8x1xf32>
    %eq3A_351 = vector.broadcast %broadcast_in_dim3A_350 : vector<8x1xf32> to vector<8x2048xf32>
    %eq3A_352 = arith.cmpf oeq, %select_n3A_347, %eq3A_351 : vector<8x2048xf32>
    %jit3A_353 = arith.constant 2.048000e+03 : f32
    %broadcast_in_dim3A_354 = vector.broadcast %jit3A_353 : f32 to vector<8x2048xf32>
    %select_n3A_355 = arith.select %eq3A_352, %convert_element_type3A, %broadcast_in_dim3A_354 : vector<8x2048xi1>, vector<8x2048xf32>
    %reduce_min3A_356 = arith.constant dense<0x7F800000> : vector<8xf32>
    %reduce_min3A_357 = vector.multi_reduction <minimumf>, %select_n3A_355, %reduce_min3A_356 [1] : vector<8x2048xf32> to vector<8xf32>
    %broadcast_in_dim3A_358 = vector.shape_cast %reduce_min3A_357 : vector<8xf32> to vector<8x1xf32>
    %eq3A_359 = vector.broadcast %broadcast_in_dim3A_358 : vector<8x1xf32> to vector<8x2048xf32>
    %eq3A_360 = arith.cmpf oeq, %convert_element_type3A, %eq3A_359 : vector<8x2048xf32>
    %jit3A_361 = arith.constant 0xFF800000 : f32
    %broadcast_in_dim3A_362 = vector.broadcast %jit3A_361 : f32 to vector<8x2048xf32>
    %select_n3A_363 = arith.select %eq3A_360, %broadcast_in_dim3A_362, %select_n3A_347 : vector<8x2048xi1>, vector<8x2048xf32>
    %reduce_max3A_364 = arith.constant dense<0xFF800000> : vector<8xf32>
    %reduce_max3A_365 = vector.multi_reduction <maximumf>, %select_n3A_363, %reduce_max3A_364 [1] : vector<8x2048xf32> to vector<8xf32>
    %broadcast_in_dim3A_366 = vector.shape_cast %reduce_max3A_365 : vector<8xf32> to vector<8x1xf32>
    %eq3A_367 = vector.broadcast %broadcast_in_dim3A_366 : vector<8x1xf32> to vector<8x2048xf32>
    %eq3A_368 = arith.cmpf oeq, %select_n3A_363, %eq3A_367 : vector<8x2048xf32>
    %jit3A_369 = arith.constant 2.048000e+03 : f32
    %broadcast_in_dim3A_370 = vector.broadcast %jit3A_369 : f32 to vector<8x2048xf32>
    %select_n3A_371 = arith.select %eq3A_368, %convert_element_type3A, %broadcast_in_dim3A_370 : vector<8x2048xi1>, vector<8x2048xf32>
    %reduce_min3A_372 = arith.constant dense<0x7F800000> : vector<8xf32>
    %reduce_min3A_373 = vector.multi_reduction <minimumf>, %select_n3A_371, %reduce_min3A_372 [1] : vector<8x2048xf32> to vector<8xf32>
    %broadcast_in_dim3A_374 = vector.shape_cast %reduce_min3A_373 : vector<8xf32> to vector<8x1xf32>
    %eq3A_375 = vector.broadcast %broadcast_in_dim3A_374 : vector<8x1xf32> to vector<8x2048xf32>
    %eq3A_376 = arith.cmpf oeq, %convert_element_type3A, %eq3A_375 : vector<8x2048xf32>
    %jit3A_377 = arith.constant 0xFF800000 : f32
    %broadcast_in_dim3A_378 = vector.broadcast %jit3A_377 : f32 to vector<8x2048xf32>
    %select_n3A_379 = arith.select %eq3A_376, %broadcast_in_dim3A_378, %select_n3A_363 : vector<8x2048xi1>, vector<8x2048xf32>
    %reduce_max3A_380 = arith.constant dense<0xFF800000> : vector<8xf32>
    %reduce_max3A_381 = vector.multi_reduction <maximumf>, %select_n3A_379, %reduce_max3A_380 [1] : vector<8x2048xf32> to vector<8xf32>
    %broadcast_in_dim3A_382 = vector.shape_cast %reduce_max3A_381 : vector<8xf32> to vector<8x1xf32>
    %eq3A_383 = vector.broadcast %broadcast_in_dim3A_382 : vector<8x1xf32> to vector<8x2048xf32>
    %eq3A_384 = arith.cmpf oeq, %select_n3A_379, %eq3A_383 : vector<8x2048xf32>
    %jit3A_385 = arith.constant 2.048000e+03 : f32
    %broadcast_in_dim3A_386 = vector.broadcast %jit3A_385 : f32 to vector<8x2048xf32>
    %select_n3A_387 = arith.select %eq3A_384, %convert_element_type3A, %broadcast_in_dim3A_386 : vector<8x2048xi1>, vector<8x2048xf32>
    %reduce_min3A_388 = arith.constant dense<0x7F800000> : vector<8xf32>
    %reduce_min3A_389 = vector.multi_reduction <minimumf>, %select_n3A_387, %reduce_min3A_388 [1] : vector<8x2048xf32> to vector<8xf32>
    %broadcast_in_dim3A_390 = vector.shape_cast %reduce_min3A_389 : vector<8xf32> to vector<8x1xf32>
    %eq3A_391 = vector.broadcast %broadcast_in_dim3A_390 : vector<8x1xf32> to vector<8x2048xf32>
    %eq3A_392 = arith.cmpf oeq, %convert_element_type3A, %eq3A_391 : vector<8x2048xf32>
    %jit3A_393 = arith.constant 0xFF800000 : f32
    %broadcast_in_dim3A_394 = vector.broadcast %jit3A_393 : f32 to vector<8x2048xf32>
    %select_n3A_395 = arith.select %eq3A_392, %broadcast_in_dim3A_394, %select_n3A_379 : vector<8x2048xi1>, vector<8x2048xf32>
    %reduce_max3A_396 = arith.constant dense<0xFF800000> : vector<8xf32>
    %reduce_max3A_397 = vector.multi_reduction <maximumf>, %select_n3A_395, %reduce_max3A_396 [1] : vector<8x2048xf32> to vector<8xf32>
    %broadcast_in_dim3A_398 = vector.shape_cast %reduce_max3A_397 : vector<8xf32> to vector<8x1xf32>
    %eq3A_399 = vector.broadcast %broadcast_in_dim3A_398 : vector<8x1xf32> to vector<8x2048xf32>
    %eq3A_400 = arith.cmpf oeq, %select_n3A_395, %eq3A_399 : vector<8x2048xf32>
    %jit3A_401 = arith.constant 2.048000e+03 : f32
    %broadcast_in_dim3A_402 = vector.broadcast %jit3A_401 : f32 to vector<8x2048xf32>
    %select_n3A_403 = arith.select %eq3A_400, %convert_element_type3A, %broadcast_in_dim3A_402 : vector<8x2048xi1>, vector<8x2048xf32>
    %reduce_min3A_404 = arith.constant dense<0x7F800000> : vector<8xf32>
    %reduce_min3A_405 = vector.multi_reduction <minimumf>, %select_n3A_403, %reduce_min3A_404 [1] : vector<8x2048xf32> to vector<8xf32>
    %broadcast_in_dim3A_406 = vector.shape_cast %reduce_min3A_405 : vector<8xf32> to vector<8x1xf32>
    %eq3A_407 = vector.broadcast %broadcast_in_dim3A_406 : vector<8x1xf32> to vector<8x2048xf32>
    %eq3A_408 = arith.cmpf oeq, %convert_element_type3A, %eq3A_407 : vector<8x2048xf32>
    %jit3A_409 = arith.constant 0xFF800000 : f32
    %broadcast_in_dim3A_410 = vector.broadcast %jit3A_409 : f32 to vector<8x2048xf32>
    %select_n3A_411 = arith.select %eq3A_408, %broadcast_in_dim3A_410, %select_n3A_395 : vector<8x2048xi1>, vector<8x2048xf32>
    %reduce_max3A_412 = arith.constant dense<0xFF800000> : vector<8xf32>
    %reduce_max3A_413 = vector.multi_reduction <maximumf>, %select_n3A_411, %reduce_max3A_412 [1] : vector<8x2048xf32> to vector<8xf32>
    %broadcast_in_dim3A_414 = vector.shape_cast %reduce_max3A_413 : vector<8xf32> to vector<8x1xf32>
    %eq3A_415 = vector.broadcast %broadcast_in_dim3A_414 : vector<8x1xf32> to vector<8x2048xf32>
    %eq3A_416 = arith.cmpf oeq, %select_n3A_411, %eq3A_415 : vector<8x2048xf32>
    %jit3A_417 = arith.constant 2.048000e+03 : f32
    %broadcast_in_dim3A_418 = vector.broadcast %jit3A_417 : f32 to vector<8x2048xf32>
    %select_n3A_419 = arith.select %eq3A_416, %convert_element_type3A, %broadcast_in_dim3A_418 : vector<8x2048xi1>, vector<8x2048xf32>
    %reduce_min3A_420 = arith.constant dense<0x7F800000> : vector<8xf32>
    %reduce_min3A_421 = vector.multi_reduction <minimumf>, %select_n3A_419, %reduce_min3A_420 [1] : vector<8x2048xf32> to vector<8xf32>
    %broadcast_in_dim3A_422 = vector.shape_cast %reduce_min3A_421 : vector<8xf32> to vector<8x1xf32>
    %eq3A_423 = vector.broadcast %broadcast_in_dim3A_422 : vector<8x1xf32> to vector<8x2048xf32>
    %eq3A_424 = arith.cmpf oeq, %convert_element_type3A, %eq3A_423 : vector<8x2048xf32>
    %jit3A_425 = arith.constant 0xFF800000 : f32
    %broadcast_in_dim3A_426 = vector.broadcast %jit3A_425 : f32 to vector<8x2048xf32>
    %select_n3A_427 = arith.select %eq3A_424, %broadcast_in_dim3A_426, %select_n3A_411 : vector<8x2048xi1>, vector<8x2048xf32>
    %reduce_max3A_428 = arith.constant dense<0xFF800000> : vector<8xf32>
    %reduce_max3A_429 = vector.multi_reduction <maximumf>, %select_n3A_427, %reduce_max3A_428 [1] : vector<8x2048xf32> to vector<8xf32>
    %broadcast_in_dim3A_430 = vector.shape_cast %reduce_max3A_429 : vector<8xf32> to vector<8x1xf32>
    %eq3A_431 = vector.broadcast %broadcast_in_dim3A_430 : vector<8x1xf32> to vector<8x2048xf32>
    %eq3A_432 = arith.cmpf oeq, %select_n3A_427, %eq3A_431 : vector<8x2048xf32>
    %jit3A_433 = arith.constant 2.048000e+03 : f32
    %broadcast_in_dim3A_434 = vector.broadcast %jit3A_433 : f32 to vector<8x2048xf32>
    %select_n3A_435 = arith.select %eq3A_432, %convert_element_type3A, %broadcast_in_dim3A_434 : vector<8x2048xi1>, vector<8x2048xf32>
    %reduce_min3A_436 = arith.constant dense<0x7F800000> : vector<8xf32>
    %reduce_min3A_437 = vector.multi_reduction <minimumf>, %select_n3A_435, %reduce_min3A_436 [1] : vector<8x2048xf32> to vector<8xf32>
    %broadcast_in_dim3A_438 = vector.shape_cast %reduce_min3A_437 : vector<8xf32> to vector<8x1xf32>
    %eq3A_439 = vector.broadcast %broadcast_in_dim3A_438 : vector<8x1xf32> to vector<8x2048xf32>
    %eq3A_440 = arith.cmpf oeq, %convert_element_type3A, %eq3A_439 : vector<8x2048xf32>
    %jit3A_441 = arith.constant 0xFF800000 : f32
    %broadcast_in_dim3A_442 = vector.broadcast %jit3A_441 : f32 to vector<8x2048xf32>
    %select_n3A_443 = arith.select %eq3A_440, %broadcast_in_dim3A_442, %select_n3A_427 : vector<8x2048xi1>, vector<8x2048xf32>
    %reduce_max3A_444 = arith.constant dense<0xFF800000> : vector<8xf32>
    %reduce_max3A_445 = vector.multi_reduction <maximumf>, %select_n3A_443, %reduce_max3A_444 [1] : vector<8x2048xf32> to vector<8xf32>
    %broadcast_in_dim3A_446 = vector.shape_cast %reduce_max3A_445 : vector<8xf32> to vector<8x1xf32>
    %eq3A_447 = vector.broadcast %broadcast_in_dim3A_446 : vector<8x1xf32> to vector<8x2048xf32>
    %eq3A_448 = arith.cmpf oeq, %select_n3A_443, %eq3A_447 : vector<8x2048xf32>
    %jit3A_449 = arith.constant 2.048000e+03 : f32
    %broadcast_in_dim3A_450 = vector.broadcast %jit3A_449 : f32 to vector<8x2048xf32>
    %select_n3A_451 = arith.select %eq3A_448, %convert_element_type3A, %broadcast_in_dim3A_450 : vector<8x2048xi1>, vector<8x2048xf32>
    %reduce_min3A_452 = arith.constant dense<0x7F800000> : vector<8xf32>
    %reduce_min3A_453 = vector.multi_reduction <minimumf>, %select_n3A_451, %reduce_min3A_452 [1] : vector<8x2048xf32> to vector<8xf32>
    %broadcast_in_dim3A_454 = vector.shape_cast %reduce_min3A_453 : vector<8xf32> to vector<8x1xf32>
    %eq3A_455 = vector.broadcast %broadcast_in_dim3A_454 : vector<8x1xf32> to vector<8x2048xf32>
    %eq3A_456 = arith.cmpf oeq, %convert_element_type3A, %eq3A_455 : vector<8x2048xf32>
    %jit3A_457 = arith.constant 0xFF800000 : f32
    %broadcast_in_dim3A_458 = vector.broadcast %jit3A_457 : f32 to vector<8x2048xf32>
    %select_n3A_459 = arith.select %eq3A_456, %broadcast_in_dim3A_458, %select_n3A_443 : vector<8x2048xi1>, vector<8x2048xf32>
    %reduce_max3A_460 = arith.constant dense<0xFF800000> : vector<8xf32>
    %reduce_max3A_461 = vector.multi_reduction <maximumf>, %select_n3A_459, %reduce_max3A_460 [1] : vector<8x2048xf32> to vector<8xf32>
    %broadcast_in_dim3A_462 = vector.shape_cast %reduce_max3A_461 : vector<8xf32> to vector<8x1xf32>
    %eq3A_463 = vector.broadcast %broadcast_in_dim3A_462 : vector<8x1xf32> to vector<8x2048xf32>
    %eq3A_464 = arith.cmpf oeq, %select_n3A_459, %eq3A_463 : vector<8x2048xf32>
    %jit3A_465 = arith.constant 2.048000e+03 : f32
    %broadcast_in_dim3A_466 = vector.broadcast %jit3A_465 : f32 to vector<8x2048xf32>
    %select_n3A_467 = arith.select %eq3A_464, %convert_element_type3A, %broadcast_in_dim3A_466 : vector<8x2048xi1>, vector<8x2048xf32>
    %reduce_min3A_468 = arith.constant dense<0x7F800000> : vector<8xf32>
    %reduce_min3A_469 = vector.multi_reduction <minimumf>, %select_n3A_467, %reduce_min3A_468 [1] : vector<8x2048xf32> to vector<8xf32>
    %broadcast_in_dim3A_470 = vector.shape_cast %reduce_min3A_469 : vector<8xf32> to vector<8x1xf32>
    %concatenate3A = tpu.concatenate %broadcast_in_dim3A_6, %broadcast_in_dim3A_22, %broadcast_in_dim3A_38, %broadcast_in_dim3A_54, %broadcast_in_dim3A_70, %broadcast_in_dim3A_86, %broadcast_in_dim3A_102, %broadcast_in_dim3A_118, %broadcast_in_dim3A_134, %broadcast_in_dim3A_150, %broadcast_in_dim3A_166, %broadcast_in_dim3A_182, %broadcast_in_dim3A_198, %broadcast_in_dim3A_214, %broadcast_in_dim3A_230, %broadcast_in_dim3A_246, %broadcast_in_dim3A_262, %broadcast_in_dim3A_278, %broadcast_in_dim3A_294, %broadcast_in_dim3A_310, %broadcast_in_dim3A_326, %broadcast_in_dim3A_342, %broadcast_in_dim3A_358, %broadcast_in_dim3A_374, %broadcast_in_dim3A_390, %broadcast_in_dim3A_406, %broadcast_in_dim3A_422, %broadcast_in_dim3A_438, %broadcast_in_dim3A_454, %broadcast_in_dim3A_470 in 1 : vector<8x1xf32>, vector<8x1xf32>, vector<8x1xf32>, vector<8x1xf32>, vector<8x1xf32>, vector<8x1xf32>, vector<8x1xf32>, vector<8x1xf32>, vector<8x1xf32>, vector<8x1xf32>, vector<8x1xf32>, vector<8x1xf32>, vector<8x1xf32>, vector<8x1xf32>, vector<8x1xf32>, vector<8x1xf32>, vector<8x1xf32>, vector<8x1xf32>, vector<8x1xf32>, vector<8x1xf32>, vector<8x1xf32>, vector<8x1xf32>, vector<8x1xf32>, vector<8x1xf32>, vector<8x1xf32>, vector<8x1xf32>, vector<8x1xf32>, vector<8x1xf32>, vector<8x1xf32>, vector<8x1xf32> -> vector<8x30xf32>
    %broadcast_in_dim3A_471 = arith.constant 0.000000e+00 : f32
    %broadcast_in_dim3A_472 = vector.broadcast %broadcast_in_dim3A_471 : f32 to vector<8x30xf32>
    %slice3A = vector.extract_strided_slice %concatenate3A {offsets = [0, 0], sizes = [8, 1], strides = [1, 1]} : vector<8x30xf32> to vector<8x1xf32>
    %lt3A = vector.broadcast %slice3A : vector<8x1xf32> to vector<8x30xf32>
    %lt3A_473 = arith.cmpf olt, %lt3A, %concatenate3A : vector<8x30xf32>
    %convert_element_type3A_474 = arith.extui %lt3A_473 : vector<8x30xi1> to vector<8x30xi32>
    %convert_element_type3A_475 = arith.sitofp %convert_element_type3A_474 : vector<8x30xi32> to vector<8x30xf32>
    %add3A = arith.addf %broadcast_in_dim3A_472, %convert_element_type3A_475 : vector<8x30xf32>
    %slice3A_476 = vector.extract_strided_slice %concatenate3A {offsets = [0, 1], sizes = [8, 1], strides = [1, 1]} : vector<8x30xf32> to vector<8x1xf32>
    %lt3A_477 = vector.broadcast %slice3A_476 : vector<8x1xf32> to vector<8x30xf32>
    %lt3A_478 = arith.cmpf olt, %lt3A_477, %concatenate3A : vector<8x30xf32>
    %convert_element_type3A_479 = arith.extui %lt3A_478 : vector<8x30xi1> to vector<8x30xi32>
    %convert_element_type3A_480 = arith.sitofp %convert_element_type3A_479 : vector<8x30xi32> to vector<8x30xf32>
    %add3A_481 = arith.addf %add3A, %convert_element_type3A_480 : vector<8x30xf32>
    %slice3A_482 = vector.extract_strided_slice %concatenate3A {offsets = [0, 2], sizes = [8, 1], strides = [1, 1]} : vector<8x30xf32> to vector<8x1xf32>
    %lt3A_483 = vector.broadcast %slice3A_482 : vector<8x1xf32> to vector<8x30xf32>
    %lt3A_484 = arith.cmpf olt, %lt3A_483, %concatenate3A : vector<8x30xf32>
    %convert_element_type3A_485 = arith.extui %lt3A_484 : vector<8x30xi1> to vector<8x30xi32>
    %convert_element_type3A_486 = arith.sitofp %convert_element_type3A_485 : vector<8x30xi32> to vector<8x30xf32>
    %add3A_487 = arith.addf %add3A_481, %convert_element_type3A_486 : vector<8x30xf32>
    %slice3A_488 = vector.extract_strided_slice %concatenate3A {offsets = [0, 3], sizes = [8, 1], strides = [1, 1]} : vector<8x30xf32> to vector<8x1xf32>
    %lt3A_489 = vector.broadcast %slice3A_488 : vector<8x1xf32> to vector<8x30xf32>
    %lt3A_490 = arith.cmpf olt, %lt3A_489, %concatenate3A : vector<8x30xf32>
    %convert_element_type3A_491 = arith.extui %lt3A_490 : vector<8x30xi1> to vector<8x30xi32>
    %convert_element_type3A_492 = arith.sitofp %convert_element_type3A_491 : vector<8x30xi32> to vector<8x30xf32>
    %add3A_493 = arith.addf %add3A_487, %convert_element_type3A_492 : vector<8x30xf32>
    %slice3A_494 = vector.extract_strided_slice %concatenate3A {offsets = [0, 4], sizes = [8, 1], strides = [1, 1]} : vector<8x30xf32> to vector<8x1xf32>
    %lt3A_495 = vector.broadcast %slice3A_494 : vector<8x1xf32> to vector<8x30xf32>
    %lt3A_496 = arith.cmpf olt, %lt3A_495, %concatenate3A : vector<8x30xf32>
    %convert_element_type3A_497 = arith.extui %lt3A_496 : vector<8x30xi1> to vector<8x30xi32>
    %convert_element_type3A_498 = arith.sitofp %convert_element_type3A_497 : vector<8x30xi32> to vector<8x30xf32>
    %add3A_499 = arith.addf %add3A_493, %convert_element_type3A_498 : vector<8x30xf32>
    %slice3A_500 = vector.extract_strided_slice %concatenate3A {offsets = [0, 5], sizes = [8, 1], strides = [1, 1]} : vector<8x30xf32> to vector<8x1xf32>
    %lt3A_501 = vector.broadcast %slice3A_500 : vector<8x1xf32> to vector<8x30xf32>
    %lt3A_502 = arith.cmpf olt, %lt3A_501, %concatenate3A : vector<8x30xf32>
    %convert_element_type3A_503 = arith.extui %lt3A_502 : vector<8x30xi1> to vector<8x30xi32>
    %convert_element_type3A_504 = arith.sitofp %convert_element_type3A_503 : vector<8x30xi32> to vector<8x30xf32>
    %add3A_505 = arith.addf %add3A_499, %convert_element_type3A_504 : vector<8x30xf32>
    %slice3A_506 = vector.extract_strided_slice %concatenate3A {offsets = [0, 6], sizes = [8, 1], strides = [1, 1]} : vector<8x30xf32> to vector<8x1xf32>
    %lt3A_507 = vector.broadcast %slice3A_506 : vector<8x1xf32> to vector<8x30xf32>
    %lt3A_508 = arith.cmpf olt, %lt3A_507, %concatenate3A : vector<8x30xf32>
    %convert_element_type3A_509 = arith.extui %lt3A_508 : vector<8x30xi1> to vector<8x30xi32>
    %convert_element_type3A_510 = arith.sitofp %convert_element_type3A_509 : vector<8x30xi32> to vector<8x30xf32>
    %add3A_511 = arith.addf %add3A_505, %convert_element_type3A_510 : vector<8x30xf32>
    %slice3A_512 = vector.extract_strided_slice %concatenate3A {offsets = [0, 7], sizes = [8, 1], strides = [1, 1]} : vector<8x30xf32> to vector<8x1xf32>
    %lt3A_513 = vector.broadcast %slice3A_512 : vector<8x1xf32> to vector<8x30xf32>
    %lt3A_514 = arith.cmpf olt, %lt3A_513, %concatenate3A : vector<8x30xf32>
    %convert_element_type3A_515 = arith.extui %lt3A_514 : vector<8x30xi1> to vector<8x30xi32>
    %convert_element_type3A_516 = arith.sitofp %convert_element_type3A_515 : vector<8x30xi32> to vector<8x30xf32>
    %add3A_517 = arith.addf %add3A_511, %convert_element_type3A_516 : vector<8x30xf32>
    %slice3A_518 = vector.extract_strided_slice %concatenate3A {offsets = [0, 8], sizes = [8, 1], strides = [1, 1]} : vector<8x30xf32> to vector<8x1xf32>
    %lt3A_519 = vector.broadcast %slice3A_518 : vector<8x1xf32> to vector<8x30xf32>
    %lt3A_520 = arith.cmpf olt, %lt3A_519, %concatenate3A : vector<8x30xf32>
    %convert_element_type3A_521 = arith.extui %lt3A_520 : vector<8x30xi1> to vector<8x30xi32>
    %convert_element_type3A_522 = arith.sitofp %convert_element_type3A_521 : vector<8x30xi32> to vector<8x30xf32>
    %add3A_523 = arith.addf %add3A_517, %convert_element_type3A_522 : vector<8x30xf32>
    %slice3A_524 = vector.extract_strided_slice %concatenate3A {offsets = [0, 9], sizes = [8, 1], strides = [1, 1]} : vector<8x30xf32> to vector<8x1xf32>
    %lt3A_525 = vector.broadcast %slice3A_524 : vector<8x1xf32> to vector<8x30xf32>
    %lt3A_526 = arith.cmpf olt, %lt3A_525, %concatenate3A : vector<8x30xf32>
    %convert_element_type3A_527 = arith.extui %lt3A_526 : vector<8x30xi1> to vector<8x30xi32>
    %convert_element_type3A_528 = arith.sitofp %convert_element_type3A_527 : vector<8x30xi32> to vector<8x30xf32>
    %add3A_529 = arith.addf %add3A_523, %convert_element_type3A_528 : vector<8x30xf32>
    %slice3A_530 = vector.extract_strided_slice %concatenate3A {offsets = [0, 10], sizes = [8, 1], strides = [1, 1]} : vector<8x30xf32> to vector<8x1xf32>
    %lt3A_531 = vector.broadcast %slice3A_530 : vector<8x1xf32> to vector<8x30xf32>
    %lt3A_532 = arith.cmpf olt, %lt3A_531, %concatenate3A : vector<8x30xf32>
    %convert_element_type3A_533 = arith.extui %lt3A_532 : vector<8x30xi1> to vector<8x30xi32>
    %convert_element_type3A_534 = arith.sitofp %convert_element_type3A_533 : vector<8x30xi32> to vector<8x30xf32>
    %add3A_535 = arith.addf %add3A_529, %convert_element_type3A_534 : vector<8x30xf32>
    %slice3A_536 = vector.extract_strided_slice %concatenate3A {offsets = [0, 11], sizes = [8, 1], strides = [1, 1]} : vector<8x30xf32> to vector<8x1xf32>
    %lt3A_537 = vector.broadcast %slice3A_536 : vector<8x1xf32> to vector<8x30xf32>
    %lt3A_538 = arith.cmpf olt, %lt3A_537, %concatenate3A : vector<8x30xf32>
    %convert_element_type3A_539 = arith.extui %lt3A_538 : vector<8x30xi1> to vector<8x30xi32>
    %convert_element_type3A_540 = arith.sitofp %convert_element_type3A_539 : vector<8x30xi32> to vector<8x30xf32>
    %add3A_541 = arith.addf %add3A_535, %convert_element_type3A_540 : vector<8x30xf32>
    %slice3A_542 = vector.extract_strided_slice %concatenate3A {offsets = [0, 12], sizes = [8, 1], strides = [1, 1]} : vector<8x30xf32> to vector<8x1xf32>
    %lt3A_543 = vector.broadcast %slice3A_542 : vector<8x1xf32> to vector<8x30xf32>
    %lt3A_544 = arith.cmpf olt, %lt3A_543, %concatenate3A : vector<8x30xf32>
    %convert_element_type3A_545 = arith.extui %lt3A_544 : vector<8x30xi1> to vector<8x30xi32>
    %convert_element_type3A_546 = arith.sitofp %convert_element_type3A_545 : vector<8x30xi32> to vector<8x30xf32>
    %add3A_547 = arith.addf %add3A_541, %convert_element_type3A_546 : vector<8x30xf32>
    %slice3A_548 = vector.extract_strided_slice %concatenate3A {offsets = [0, 13], sizes = [8, 1], strides = [1, 1]} : vector<8x30xf32> to vector<8x1xf32>
    %lt3A_549 = vector.broadcast %slice3A_548 : vector<8x1xf32> to vector<8x30xf32>
    %lt3A_550 = arith.cmpf olt, %lt3A_549, %concatenate3A : vector<8x30xf32>
    %convert_element_type3A_551 = arith.extui %lt3A_550 : vector<8x30xi1> to vector<8x30xi32>
    %convert_element_type3A_552 = arith.sitofp %convert_element_type3A_551 : vector<8x30xi32> to vector<8x30xf32>
    %add3A_553 = arith.addf %add3A_547, %convert_element_type3A_552 : vector<8x30xf32>
    %slice3A_554 = vector.extract_strided_slice %concatenate3A {offsets = [0, 14], sizes = [8, 1], strides = [1, 1]} : vector<8x30xf32> to vector<8x1xf32>
    %lt3A_555 = vector.broadcast %slice3A_554 : vector<8x1xf32> to vector<8x30xf32>
    %lt3A_556 = arith.cmpf olt, %lt3A_555, %concatenate3A : vector<8x30xf32>
    %convert_element_type3A_557 = arith.extui %lt3A_556 : vector<8x30xi1> to vector<8x30xi32>
    %convert_element_type3A_558 = arith.sitofp %convert_element_type3A_557 : vector<8x30xi32> to vector<8x30xf32>
    %add3A_559 = arith.addf %add3A_553, %convert_element_type3A_558 : vector<8x30xf32>
    %slice3A_560 = vector.extract_strided_slice %concatenate3A {offsets = [0, 15], sizes = [8, 1], strides = [1, 1]} : vector<8x30xf32> to vector<8x1xf32>
    %lt3A_561 = vector.broadcast %slice3A_560 : vector<8x1xf32> to vector<8x30xf32>
    %lt3A_562 = arith.cmpf olt, %lt3A_561, %concatenate3A : vector<8x30xf32>
    %convert_element_type3A_563 = arith.extui %lt3A_562 : vector<8x30xi1> to vector<8x30xi32>
    %convert_element_type3A_564 = arith.sitofp %convert_element_type3A_563 : vector<8x30xi32> to vector<8x30xf32>
    %add3A_565 = arith.addf %add3A_559, %convert_element_type3A_564 : vector<8x30xf32>
    %slice3A_566 = vector.extract_strided_slice %concatenate3A {offsets = [0, 16], sizes = [8, 1], strides = [1, 1]} : vector<8x30xf32> to vector<8x1xf32>
    %lt3A_567 = vector.broadcast %slice3A_566 : vector<8x1xf32> to vector<8x30xf32>
    %lt3A_568 = arith.cmpf olt, %lt3A_567, %concatenate3A : vector<8x30xf32>
    %convert_element_type3A_569 = arith.extui %lt3A_568 : vector<8x30xi1> to vector<8x30xi32>
    %convert_element_type3A_570 = arith.sitofp %convert_element_type3A_569 : vector<8x30xi32> to vector<8x30xf32>
    %add3A_571 = arith.addf %add3A_565, %convert_element_type3A_570 : vector<8x30xf32>
    %slice3A_572 = vector.extract_strided_slice %concatenate3A {offsets = [0, 17], sizes = [8, 1], strides = [1, 1]} : vector<8x30xf32> to vector<8x1xf32>
    %lt3A_573 = vector.broadcast %slice3A_572 : vector<8x1xf32> to vector<8x30xf32>
    %lt3A_574 = arith.cmpf olt, %lt3A_573, %concatenate3A : vector<8x30xf32>
    %convert_element_type3A_575 = arith.extui %lt3A_574 : vector<8x30xi1> to vector<8x30xi32>
    %convert_element_type3A_576 = arith.sitofp %convert_element_type3A_575 : vector<8x30xi32> to vector<8x30xf32>
    %add3A_577 = arith.addf %add3A_571, %convert_element_type3A_576 : vector<8x30xf32>
    %slice3A_578 = vector.extract_strided_slice %concatenate3A {offsets = [0, 18], sizes = [8, 1], strides = [1, 1]} : vector<8x30xf32> to vector<8x1xf32>
    %lt3A_579 = vector.broadcast %slice3A_578 : vector<8x1xf32> to vector<8x30xf32>
    %lt3A_580 = arith.cmpf olt, %lt3A_579, %concatenate3A : vector<8x30xf32>
    %convert_element_type3A_581 = arith.extui %lt3A_580 : vector<8x30xi1> to vector<8x30xi32>
    %convert_element_type3A_582 = arith.sitofp %convert_element_type3A_581 : vector<8x30xi32> to vector<8x30xf32>
    %add3A_583 = arith.addf %add3A_577, %convert_element_type3A_582 : vector<8x30xf32>
    %slice3A_584 = vector.extract_strided_slice %concatenate3A {offsets = [0, 19], sizes = [8, 1], strides = [1, 1]} : vector<8x30xf32> to vector<8x1xf32>
    %lt3A_585 = vector.broadcast %slice3A_584 : vector<8x1xf32> to vector<8x30xf32>
    %lt3A_586 = arith.cmpf olt, %lt3A_585, %concatenate3A : vector<8x30xf32>
    %convert_element_type3A_587 = arith.extui %lt3A_586 : vector<8x30xi1> to vector<8x30xi32>
    %convert_element_type3A_588 = arith.sitofp %convert_element_type3A_587 : vector<8x30xi32> to vector<8x30xf32>
    %add3A_589 = arith.addf %add3A_583, %convert_element_type3A_588 : vector<8x30xf32>
    %slice3A_590 = vector.extract_strided_slice %concatenate3A {offsets = [0, 20], sizes = [8, 1], strides = [1, 1]} : vector<8x30xf32> to vector<8x1xf32>
    %lt3A_591 = vector.broadcast %slice3A_590 : vector<8x1xf32> to vector<8x30xf32>
    %lt3A_592 = arith.cmpf olt, %lt3A_591, %concatenate3A : vector<8x30xf32>
    %convert_element_type3A_593 = arith.extui %lt3A_592 : vector<8x30xi1> to vector<8x30xi32>
    %convert_element_type3A_594 = arith.sitofp %convert_element_type3A_593 : vector<8x30xi32> to vector<8x30xf32>
    %add3A_595 = arith.addf %add3A_589, %convert_element_type3A_594 : vector<8x30xf32>
    %slice3A_596 = vector.extract_strided_slice %concatenate3A {offsets = [0, 21], sizes = [8, 1], strides = [1, 1]} : vector<8x30xf32> to vector<8x1xf32>
    %lt3A_597 = vector.broadcast %slice3A_596 : vector<8x1xf32> to vector<8x30xf32>
    %lt3A_598 = arith.cmpf olt, %lt3A_597, %concatenate3A : vector<8x30xf32>
    %convert_element_type3A_599 = arith.extui %lt3A_598 : vector<8x30xi1> to vector<8x30xi32>
    %convert_element_type3A_600 = arith.sitofp %convert_element_type3A_599 : vector<8x30xi32> to vector<8x30xf32>
    %add3A_601 = arith.addf %add3A_595, %convert_element_type3A_600 : vector<8x30xf32>
    %slice3A_602 = vector.extract_strided_slice %concatenate3A {offsets = [0, 22], sizes = [8, 1], strides = [1, 1]} : vector<8x30xf32> to vector<8x1xf32>
    %lt3A_603 = vector.broadcast %slice3A_602 : vector<8x1xf32> to vector<8x30xf32>
    %lt3A_604 = arith.cmpf olt, %lt3A_603, %concatenate3A : vector<8x30xf32>
    %convert_element_type3A_605 = arith.extui %lt3A_604 : vector<8x30xi1> to vector<8x30xi32>
    %convert_element_type3A_606 = arith.sitofp %convert_element_type3A_605 : vector<8x30xi32> to vector<8x30xf32>
    %add3A_607 = arith.addf %add3A_601, %convert_element_type3A_606 : vector<8x30xf32>
    %slice3A_608 = vector.extract_strided_slice %concatenate3A {offsets = [0, 23], sizes = [8, 1], strides = [1, 1]} : vector<8x30xf32> to vector<8x1xf32>
    %lt3A_609 = vector.broadcast %slice3A_608 : vector<8x1xf32> to vector<8x30xf32>
    %lt3A_610 = arith.cmpf olt, %lt3A_609, %concatenate3A : vector<8x30xf32>
    %convert_element_type3A_611 = arith.extui %lt3A_610 : vector<8x30xi1> to vector<8x30xi32>
    %convert_element_type3A_612 = arith.sitofp %convert_element_type3A_611 : vector<8x30xi32> to vector<8x30xf32>
    %add3A_613 = arith.addf %add3A_607, %convert_element_type3A_612 : vector<8x30xf32>
    %slice3A_614 = vector.extract_strided_slice %concatenate3A {offsets = [0, 24], sizes = [8, 1], strides = [1, 1]} : vector<8x30xf32> to vector<8x1xf32>
    %lt3A_615 = vector.broadcast %slice3A_614 : vector<8x1xf32> to vector<8x30xf32>
    %lt3A_616 = arith.cmpf olt, %lt3A_615, %concatenate3A : vector<8x30xf32>
    %convert_element_type3A_617 = arith.extui %lt3A_616 : vector<8x30xi1> to vector<8x30xi32>
    %convert_element_type3A_618 = arith.sitofp %convert_element_type3A_617 : vector<8x30xi32> to vector<8x30xf32>
    %add3A_619 = arith.addf %add3A_613, %convert_element_type3A_618 : vector<8x30xf32>
    %slice3A_620 = vector.extract_strided_slice %concatenate3A {offsets = [0, 25], sizes = [8, 1], strides = [1, 1]} : vector<8x30xf32> to vector<8x1xf32>
    %lt3A_621 = vector.broadcast %slice3A_620 : vector<8x1xf32> to vector<8x30xf32>
    %lt3A_622 = arith.cmpf olt, %lt3A_621, %concatenate3A : vector<8x30xf32>
    %convert_element_type3A_623 = arith.extui %lt3A_622 : vector<8x30xi1> to vector<8x30xi32>
    %convert_element_type3A_624 = arith.sitofp %convert_element_type3A_623 : vector<8x30xi32> to vector<8x30xf32>
    %add3A_625 = arith.addf %add3A_619, %convert_element_type3A_624 : vector<8x30xf32>
    %slice3A_626 = vector.extract_strided_slice %concatenate3A {offsets = [0, 26], sizes = [8, 1], strides = [1, 1]} : vector<8x30xf32> to vector<8x1xf32>
    %lt3A_627 = vector.broadcast %slice3A_626 : vector<8x1xf32> to vector<8x30xf32>
    %lt3A_628 = arith.cmpf olt, %lt3A_627, %concatenate3A : vector<8x30xf32>
    %convert_element_type3A_629 = arith.extui %lt3A_628 : vector<8x30xi1> to vector<8x30xi32>
    %convert_element_type3A_630 = arith.sitofp %convert_element_type3A_629 : vector<8x30xi32> to vector<8x30xf32>
    %add3A_631 = arith.addf %add3A_625, %convert_element_type3A_630 : vector<8x30xf32>
    %slice3A_632 = vector.extract_strided_slice %concatenate3A {offsets = [0, 27], sizes = [8, 1], strides = [1, 1]} : vector<8x30xf32> to vector<8x1xf32>
    %lt3A_633 = vector.broadcast %slice3A_632 : vector<8x1xf32> to vector<8x30xf32>
    %lt3A_634 = arith.cmpf olt, %lt3A_633, %concatenate3A : vector<8x30xf32>
    %convert_element_type3A_635 = arith.extui %lt3A_634 : vector<8x30xi1> to vector<8x30xi32>
    %convert_element_type3A_636 = arith.sitofp %convert_element_type3A_635 : vector<8x30xi32> to vector<8x30xf32>
    %add3A_637 = arith.addf %add3A_631, %convert_element_type3A_636 : vector<8x30xf32>
    %slice3A_638 = vector.extract_strided_slice %concatenate3A {offsets = [0, 28], sizes = [8, 1], strides = [1, 1]} : vector<8x30xf32> to vector<8x1xf32>
    %lt3A_639 = vector.broadcast %slice3A_638 : vector<8x1xf32> to vector<8x30xf32>
    %lt3A_640 = arith.cmpf olt, %lt3A_639, %concatenate3A : vector<8x30xf32>
    %convert_element_type3A_641 = arith.extui %lt3A_640 : vector<8x30xi1> to vector<8x30xi32>
    %convert_element_type3A_642 = arith.sitofp %convert_element_type3A_641 : vector<8x30xi32> to vector<8x30xf32>
    %add3A_643 = arith.addf %add3A_637, %convert_element_type3A_642 : vector<8x30xf32>
    %slice3A_644 = vector.extract_strided_slice %concatenate3A {offsets = [0, 29], sizes = [8, 1], strides = [1, 1]} : vector<8x30xf32> to vector<8x1xf32>
    %lt3A_645 = vector.broadcast %slice3A_644 : vector<8x1xf32> to vector<8x30xf32>
    %lt3A_646 = arith.cmpf olt, %lt3A_645, %concatenate3A : vector<8x30xf32>
    %convert_element_type3A_647 = arith.extui %lt3A_646 : vector<8x30xi1> to vector<8x30xi32>
    %convert_element_type3A_648 = arith.sitofp %convert_element_type3A_647 : vector<8x30xi32> to vector<8x30xf32>
    %add3A_649 = arith.addf %add3A_643, %convert_element_type3A_648 : vector<8x30xf32>
    %iota3A_650 = tpu.iota {dimensions = array<i32: 1>} : vector<8x30xi32>
    %convert_element_type3A_651 = arith.sitofp %iota3A_650 : vector<8x30xi32> to vector<8x30xf32>
    %broadcast_in_dim3A_652 = arith.constant 0.000000e+00 : f32
    %broadcast_in_dim3A_653 = vector.broadcast %broadcast_in_dim3A_652 : f32 to vector<8x30xf32>
    %slice3A_654 = vector.extract_strided_slice %add3A_649 {offsets = [0, 0], sizes = [8, 1], strides = [1, 1]} : vector<8x30xf32> to vector<8x1xf32>
    %eq3A_655 = vector.broadcast %slice3A_654 : vector<8x1xf32> to vector<8x30xf32>
    %eq3A_656 = arith.cmpf oeq, %eq3A_655, %convert_element_type3A_651 : vector<8x30xf32>
    %slice3A_657 = vector.extract_strided_slice %concatenate3A {offsets = [0, 0], sizes = [8, 1], strides = [1, 1]} : vector<8x30xf32> to vector<8x1xf32>
    %jit3A_658 = arith.constant 0.000000e+00 : f32
    %broadcast_in_dim3A_659 = vector.shape_cast %slice3A_657 : vector<8x1xf32> to vector<8x1xf32>
    %broadcast_in_dim3A_660 = vector.broadcast %broadcast_in_dim3A_659 : vector<8x1xf32> to vector<8x30xf32>
    %broadcast_in_dim3A_661 = vector.broadcast %jit3A_658 : f32 to vector<8x30xf32>
    %select_n3A_662 = arith.select %eq3A_656, %broadcast_in_dim3A_660, %broadcast_in_dim3A_661 : vector<8x30xi1>, vector<8x30xf32>
    %add3A_663 = arith.addf %broadcast_in_dim3A_653, %select_n3A_662 : vector<8x30xf32>
    %slice3A_664 = vector.extract_strided_slice %add3A_649 {offsets = [0, 1], sizes = [8, 1], strides = [1, 1]} : vector<8x30xf32> to vector<8x1xf32>
    %eq3A_665 = vector.broadcast %slice3A_664 : vector<8x1xf32> to vector<8x30xf32>
    %eq3A_666 = arith.cmpf oeq, %eq3A_665, %convert_element_type3A_651 : vector<8x30xf32>
    %slice3A_667 = vector.extract_strided_slice %concatenate3A {offsets = [0, 1], sizes = [8, 1], strides = [1, 1]} : vector<8x30xf32> to vector<8x1xf32>
    %jit3A_668 = arith.constant 0.000000e+00 : f32
    %broadcast_in_dim3A_669 = vector.shape_cast %slice3A_667 : vector<8x1xf32> to vector<8x1xf32>
    %broadcast_in_dim3A_670 = vector.broadcast %broadcast_in_dim3A_669 : vector<8x1xf32> to vector<8x30xf32>
    %broadcast_in_dim3A_671 = vector.broadcast %jit3A_668 : f32 to vector<8x30xf32>
    %select_n3A_672 = arith.select %eq3A_666, %broadcast_in_dim3A_670, %broadcast_in_dim3A_671 : vector<8x30xi1>, vector<8x30xf32>
    %add3A_673 = arith.addf %add3A_663, %select_n3A_672 : vector<8x30xf32>
    %slice3A_674 = vector.extract_strided_slice %add3A_649 {offsets = [0, 2], sizes = [8, 1], strides = [1, 1]} : vector<8x30xf32> to vector<8x1xf32>
    %eq3A_675 = vector.broadcast %slice3A_674 : vector<8x1xf32> to vector<8x30xf32>
    %eq3A_676 = arith.cmpf oeq, %eq3A_675, %convert_element_type3A_651 : vector<8x30xf32>
    %slice3A_677 = vector.extract_strided_slice %concatenate3A {offsets = [0, 2], sizes = [8, 1], strides = [1, 1]} : vector<8x30xf32> to vector<8x1xf32>
    %jit3A_678 = arith.constant 0.000000e+00 : f32
    %broadcast_in_dim3A_679 = vector.shape_cast %slice3A_677 : vector<8x1xf32> to vector<8x1xf32>
    %broadcast_in_dim3A_680 = vector.broadcast %broadcast_in_dim3A_679 : vector<8x1xf32> to vector<8x30xf32>
    %broadcast_in_dim3A_681 = vector.broadcast %jit3A_678 : f32 to vector<8x30xf32>
    %select_n3A_682 = arith.select %eq3A_676, %broadcast_in_dim3A_680, %broadcast_in_dim3A_681 : vector<8x30xi1>, vector<8x30xf32>
    %add3A_683 = arith.addf %add3A_673, %select_n3A_682 : vector<8x30xf32>
    %slice3A_684 = vector.extract_strided_slice %add3A_649 {offsets = [0, 3], sizes = [8, 1], strides = [1, 1]} : vector<8x30xf32> to vector<8x1xf32>
    %eq3A_685 = vector.broadcast %slice3A_684 : vector<8x1xf32> to vector<8x30xf32>
    %eq3A_686 = arith.cmpf oeq, %eq3A_685, %convert_element_type3A_651 : vector<8x30xf32>
    %slice3A_687 = vector.extract_strided_slice %concatenate3A {offsets = [0, 3], sizes = [8, 1], strides = [1, 1]} : vector<8x30xf32> to vector<8x1xf32>
    %jit3A_688 = arith.constant 0.000000e+00 : f32
    %broadcast_in_dim3A_689 = vector.shape_cast %slice3A_687 : vector<8x1xf32> to vector<8x1xf32>
    %broadcast_in_dim3A_690 = vector.broadcast %broadcast_in_dim3A_689 : vector<8x1xf32> to vector<8x30xf32>
    %broadcast_in_dim3A_691 = vector.broadcast %jit3A_688 : f32 to vector<8x30xf32>
    %select_n3A_692 = arith.select %eq3A_686, %broadcast_in_dim3A_690, %broadcast_in_dim3A_691 : vector<8x30xi1>, vector<8x30xf32>
    %add3A_693 = arith.addf %add3A_683, %select_n3A_692 : vector<8x30xf32>
    %slice3A_694 = vector.extract_strided_slice %add3A_649 {offsets = [0, 4], sizes = [8, 1], strides = [1, 1]} : vector<8x30xf32> to vector<8x1xf32>
    %eq3A_695 = vector.broadcast %slice3A_694 : vector<8x1xf32> to vector<8x30xf32>
    %eq3A_696 = arith.cmpf oeq, %eq3A_695, %convert_element_type3A_651 : vector<8x30xf32>
    %slice3A_697 = vector.extract_strided_slice %concatenate3A {offsets = [0, 4], sizes = [8, 1], strides = [1, 1]} : vector<8x30xf32> to vector<8x1xf32>
    %jit3A_698 = arith.constant 0.000000e+00 : f32
    %broadcast_in_dim3A_699 = vector.shape_cast %slice3A_697 : vector<8x1xf32> to vector<8x1xf32>
    %broadcast_in_dim3A_700 = vector.broadcast %broadcast_in_dim3A_699 : vector<8x1xf32> to vector<8x30xf32>
    %broadcast_in_dim3A_701 = vector.broadcast %jit3A_698 : f32 to vector<8x30xf32>
    %select_n3A_702 = arith.select %eq3A_696, %broadcast_in_dim3A_700, %broadcast_in_dim3A_701 : vector<8x30xi1>, vector<8x30xf32>
    %add3A_703 = arith.addf %add3A_693, %select_n3A_702 : vector<8x30xf32>
    %slice3A_704 = vector.extract_strided_slice %add3A_649 {offsets = [0, 5], sizes = [8, 1], strides = [1, 1]} : vector<8x30xf32> to vector<8x1xf32>
    %eq3A_705 = vector.broadcast %slice3A_704 : vector<8x1xf32> to vector<8x30xf32>
    %eq3A_706 = arith.cmpf oeq, %eq3A_705, %convert_element_type3A_651 : vector<8x30xf32>
    %slice3A_707 = vector.extract_strided_slice %concatenate3A {offsets = [0, 5], sizes = [8, 1], strides = [1, 1]} : vector<8x30xf32> to vector<8x1xf32>
    %jit3A_708 = arith.constant 0.000000e+00 : f32
    %broadcast_in_dim3A_709 = vector.shape_cast %slice3A_707 : vector<8x1xf32> to vector<8x1xf32>
    %broadcast_in_dim3A_710 = vector.broadcast %broadcast_in_dim3A_709 : vector<8x1xf32> to vector<8x30xf32>
    %broadcast_in_dim3A_711 = vector.broadcast %jit3A_708 : f32 to vector<8x30xf32>
    %select_n3A_712 = arith.select %eq3A_706, %broadcast_in_dim3A_710, %broadcast_in_dim3A_711 : vector<8x30xi1>, vector<8x30xf32>
    %add3A_713 = arith.addf %add3A_703, %select_n3A_712 : vector<8x30xf32>
    %slice3A_714 = vector.extract_strided_slice %add3A_649 {offsets = [0, 6], sizes = [8, 1], strides = [1, 1]} : vector<8x30xf32> to vector<8x1xf32>
    %eq3A_715 = vector.broadcast %slice3A_714 : vector<8x1xf32> to vector<8x30xf32>
    %eq3A_716 = arith.cmpf oeq, %eq3A_715, %convert_element_type3A_651 : vector<8x30xf32>
    %slice3A_717 = vector.extract_strided_slice %concatenate3A {offsets = [0, 6], sizes = [8, 1], strides = [1, 1]} : vector<8x30xf32> to vector<8x1xf32>
    %jit3A_718 = arith.constant 0.000000e+00 : f32
    %broadcast_in_dim3A_719 = vector.shape_cast %slice3A_717 : vector<8x1xf32> to vector<8x1xf32>
    %broadcast_in_dim3A_720 = vector.broadcast %broadcast_in_dim3A_719 : vector<8x1xf32> to vector<8x30xf32>
    %broadcast_in_dim3A_721 = vector.broadcast %jit3A_718 : f32 to vector<8x30xf32>
    %select_n3A_722 = arith.select %eq3A_716, %broadcast_in_dim3A_720, %broadcast_in_dim3A_721 : vector<8x30xi1>, vector<8x30xf32>
    %add3A_723 = arith.addf %add3A_713, %select_n3A_722 : vector<8x30xf32>
    %slice3A_724 = vector.extract_strided_slice %add3A_649 {offsets = [0, 7], sizes = [8, 1], strides = [1, 1]} : vector<8x30xf32> to vector<8x1xf32>
    %eq3A_725 = vector.broadcast %slice3A_724 : vector<8x1xf32> to vector<8x30xf32>
    %eq3A_726 = arith.cmpf oeq, %eq3A_725, %convert_element_type3A_651 : vector<8x30xf32>
    %slice3A_727 = vector.extract_strided_slice %concatenate3A {offsets = [0, 7], sizes = [8, 1], strides = [1, 1]} : vector<8x30xf32> to vector<8x1xf32>
    %jit3A_728 = arith.constant 0.000000e+00 : f32
    %broadcast_in_dim3A_729 = vector.shape_cast %slice3A_727 : vector<8x1xf32> to vector<8x1xf32>
    %broadcast_in_dim3A_730 = vector.broadcast %broadcast_in_dim3A_729 : vector<8x1xf32> to vector<8x30xf32>
    %broadcast_in_dim3A_731 = vector.broadcast %jit3A_728 : f32 to vector<8x30xf32>
    %select_n3A_732 = arith.select %eq3A_726, %broadcast_in_dim3A_730, %broadcast_in_dim3A_731 : vector<8x30xi1>, vector<8x30xf32>
    %add3A_733 = arith.addf %add3A_723, %select_n3A_732 : vector<8x30xf32>
    %slice3A_734 = vector.extract_strided_slice %add3A_649 {offsets = [0, 8], sizes = [8, 1], strides = [1, 1]} : vector<8x30xf32> to vector<8x1xf32>
    %eq3A_735 = vector.broadcast %slice3A_734 : vector<8x1xf32> to vector<8x30xf32>
    %eq3A_736 = arith.cmpf oeq, %eq3A_735, %convert_element_type3A_651 : vector<8x30xf32>
    %slice3A_737 = vector.extract_strided_slice %concatenate3A {offsets = [0, 8], sizes = [8, 1], strides = [1, 1]} : vector<8x30xf32> to vector<8x1xf32>
    %jit3A_738 = arith.constant 0.000000e+00 : f32
    %broadcast_in_dim3A_739 = vector.shape_cast %slice3A_737 : vector<8x1xf32> to vector<8x1xf32>
    %broadcast_in_dim3A_740 = vector.broadcast %broadcast_in_dim3A_739 : vector<8x1xf32> to vector<8x30xf32>
    %broadcast_in_dim3A_741 = vector.broadcast %jit3A_738 : f32 to vector<8x30xf32>
    %select_n3A_742 = arith.select %eq3A_736, %broadcast_in_dim3A_740, %broadcast_in_dim3A_741 : vector<8x30xi1>, vector<8x30xf32>
    %add3A_743 = arith.addf %add3A_733, %select_n3A_742 : vector<8x30xf32>
    %slice3A_744 = vector.extract_strided_slice %add3A_649 {offsets = [0, 9], sizes = [8, 1], strides = [1, 1]} : vector<8x30xf32> to vector<8x1xf32>
    %eq3A_745 = vector.broadcast %slice3A_744 : vector<8x1xf32> to vector<8x30xf32>
    %eq3A_746 = arith.cmpf oeq, %eq3A_745, %convert_element_type3A_651 : vector<8x30xf32>
    %slice3A_747 = vector.extract_strided_slice %concatenate3A {offsets = [0, 9], sizes = [8, 1], strides = [1, 1]} : vector<8x30xf32> to vector<8x1xf32>
    %jit3A_748 = arith.constant 0.000000e+00 : f32
    %broadcast_in_dim3A_749 = vector.shape_cast %slice3A_747 : vector<8x1xf32> to vector<8x1xf32>
    %broadcast_in_dim3A_750 = vector.broadcast %broadcast_in_dim3A_749 : vector<8x1xf32> to vector<8x30xf32>
    %broadcast_in_dim3A_751 = vector.broadcast %jit3A_748 : f32 to vector<8x30xf32>
    %select_n3A_752 = arith.select %eq3A_746, %broadcast_in_dim3A_750, %broadcast_in_dim3A_751 : vector<8x30xi1>, vector<8x30xf32>
    %add3A_753 = arith.addf %add3A_743, %select_n3A_752 : vector<8x30xf32>
    %slice3A_754 = vector.extract_strided_slice %add3A_649 {offsets = [0, 10], sizes = [8, 1], strides = [1, 1]} : vector<8x30xf32> to vector<8x1xf32>
    %eq3A_755 = vector.broadcast %slice3A_754 : vector<8x1xf32> to vector<8x30xf32>
    %eq3A_756 = arith.cmpf oeq, %eq3A_755, %convert_element_type3A_651 : vector<8x30xf32>
    %slice3A_757 = vector.extract_strided_slice %concatenate3A {offsets = [0, 10], sizes = [8, 1], strides = [1, 1]} : vector<8x30xf32> to vector<8x1xf32>
    %jit3A_758 = arith.constant 0.000000e+00 : f32
    %broadcast_in_dim3A_759 = vector.shape_cast %slice3A_757 : vector<8x1xf32> to vector<8x1xf32>
    %broadcast_in_dim3A_760 = vector.broadcast %broadcast_in_dim3A_759 : vector<8x1xf32> to vector<8x30xf32>
    %broadcast_in_dim3A_761 = vector.broadcast %jit3A_758 : f32 to vector<8x30xf32>
    %select_n3A_762 = arith.select %eq3A_756, %broadcast_in_dim3A_760, %broadcast_in_dim3A_761 : vector<8x30xi1>, vector<8x30xf32>
    %add3A_763 = arith.addf %add3A_753, %select_n3A_762 : vector<8x30xf32>
    %slice3A_764 = vector.extract_strided_slice %add3A_649 {offsets = [0, 11], sizes = [8, 1], strides = [1, 1]} : vector<8x30xf32> to vector<8x1xf32>
    %eq3A_765 = vector.broadcast %slice3A_764 : vector<8x1xf32> to vector<8x30xf32>
    %eq3A_766 = arith.cmpf oeq, %eq3A_765, %convert_element_type3A_651 : vector<8x30xf32>
    %slice3A_767 = vector.extract_strided_slice %concatenate3A {offsets = [0, 11], sizes = [8, 1], strides = [1, 1]} : vector<8x30xf32> to vector<8x1xf32>
    %jit3A_768 = arith.constant 0.000000e+00 : f32
    %broadcast_in_dim3A_769 = vector.shape_cast %slice3A_767 : vector<8x1xf32> to vector<8x1xf32>
    %broadcast_in_dim3A_770 = vector.broadcast %broadcast_in_dim3A_769 : vector<8x1xf32> to vector<8x30xf32>
    %broadcast_in_dim3A_771 = vector.broadcast %jit3A_768 : f32 to vector<8x30xf32>
    %select_n3A_772 = arith.select %eq3A_766, %broadcast_in_dim3A_770, %broadcast_in_dim3A_771 : vector<8x30xi1>, vector<8x30xf32>
    %add3A_773 = arith.addf %add3A_763, %select_n3A_772 : vector<8x30xf32>
    %slice3A_774 = vector.extract_strided_slice %add3A_649 {offsets = [0, 12], sizes = [8, 1], strides = [1, 1]} : vector<8x30xf32> to vector<8x1xf32>
    %eq3A_775 = vector.broadcast %slice3A_774 : vector<8x1xf32> to vector<8x30xf32>
    %eq3A_776 = arith.cmpf oeq, %eq3A_775, %convert_element_type3A_651 : vector<8x30xf32>
    %slice3A_777 = vector.extract_strided_slice %concatenate3A {offsets = [0, 12], sizes = [8, 1], strides = [1, 1]} : vector<8x30xf32> to vector<8x1xf32>
    %jit3A_778 = arith.constant 0.000000e+00 : f32
    %broadcast_in_dim3A_779 = vector.shape_cast %slice3A_777 : vector<8x1xf32> to vector<8x1xf32>
    %broadcast_in_dim3A_780 = vector.broadcast %broadcast_in_dim3A_779 : vector<8x1xf32> to vector<8x30xf32>
    %broadcast_in_dim3A_781 = vector.broadcast %jit3A_778 : f32 to vector<8x30xf32>
    %select_n3A_782 = arith.select %eq3A_776, %broadcast_in_dim3A_780, %broadcast_in_dim3A_781 : vector<8x30xi1>, vector<8x30xf32>
    %add3A_783 = arith.addf %add3A_773, %select_n3A_782 : vector<8x30xf32>
    %slice3A_784 = vector.extract_strided_slice %add3A_649 {offsets = [0, 13], sizes = [8, 1], strides = [1, 1]} : vector<8x30xf32> to vector<8x1xf32>
    %eq3A_785 = vector.broadcast %slice3A_784 : vector<8x1xf32> to vector<8x30xf32>
    %eq3A_786 = arith.cmpf oeq, %eq3A_785, %convert_element_type3A_651 : vector<8x30xf32>
    %slice3A_787 = vector.extract_strided_slice %concatenate3A {offsets = [0, 13], sizes = [8, 1], strides = [1, 1]} : vector<8x30xf32> to vector<8x1xf32>
    %jit3A_788 = arith.constant 0.000000e+00 : f32
    %broadcast_in_dim3A_789 = vector.shape_cast %slice3A_787 : vector<8x1xf32> to vector<8x1xf32>
    %broadcast_in_dim3A_790 = vector.broadcast %broadcast_in_dim3A_789 : vector<8x1xf32> to vector<8x30xf32>
    %broadcast_in_dim3A_791 = vector.broadcast %jit3A_788 : f32 to vector<8x30xf32>
    %select_n3A_792 = arith.select %eq3A_786, %broadcast_in_dim3A_790, %broadcast_in_dim3A_791 : vector<8x30xi1>, vector<8x30xf32>
    %add3A_793 = arith.addf %add3A_783, %select_n3A_792 : vector<8x30xf32>
    %slice3A_794 = vector.extract_strided_slice %add3A_649 {offsets = [0, 14], sizes = [8, 1], strides = [1, 1]} : vector<8x30xf32> to vector<8x1xf32>
    %eq3A_795 = vector.broadcast %slice3A_794 : vector<8x1xf32> to vector<8x30xf32>
    %eq3A_796 = arith.cmpf oeq, %eq3A_795, %convert_element_type3A_651 : vector<8x30xf32>
    %slice3A_797 = vector.extract_strided_slice %concatenate3A {offsets = [0, 14], sizes = [8, 1], strides = [1, 1]} : vector<8x30xf32> to vector<8x1xf32>
    %jit3A_798 = arith.constant 0.000000e+00 : f32
    %broadcast_in_dim3A_799 = vector.shape_cast %slice3A_797 : vector<8x1xf32> to vector<8x1xf32>
    %broadcast_in_dim3A_800 = vector.broadcast %broadcast_in_dim3A_799 : vector<8x1xf32> to vector<8x30xf32>
    %broadcast_in_dim3A_801 = vector.broadcast %jit3A_798 : f32 to vector<8x30xf32>
    %select_n3A_802 = arith.select %eq3A_796, %broadcast_in_dim3A_800, %broadcast_in_dim3A_801 : vector<8x30xi1>, vector<8x30xf32>
    %add3A_803 = arith.addf %add3A_793, %select_n3A_802 : vector<8x30xf32>
    %slice3A_804 = vector.extract_strided_slice %add3A_649 {offsets = [0, 15], sizes = [8, 1], strides = [1, 1]} : vector<8x30xf32> to vector<8x1xf32>
    %eq3A_805 = vector.broadcast %slice3A_804 : vector<8x1xf32> to vector<8x30xf32>
    %eq3A_806 = arith.cmpf oeq, %eq3A_805, %convert_element_type3A_651 : vector<8x30xf32>
    %slice3A_807 = vector.extract_strided_slice %concatenate3A {offsets = [0, 15], sizes = [8, 1], strides = [1, 1]} : vector<8x30xf32> to vector<8x1xf32>
    %jit3A_808 = arith.constant 0.000000e+00 : f32
    %broadcast_in_dim3A_809 = vector.shape_cast %slice3A_807 : vector<8x1xf32> to vector<8x1xf32>
    %broadcast_in_dim3A_810 = vector.broadcast %broadcast_in_dim3A_809 : vector<8x1xf32> to vector<8x30xf32>
    %broadcast_in_dim3A_811 = vector.broadcast %jit3A_808 : f32 to vector<8x30xf32>
    %select_n3A_812 = arith.select %eq3A_806, %broadcast_in_dim3A_810, %broadcast_in_dim3A_811 : vector<8x30xi1>, vector<8x30xf32>
    %add3A_813 = arith.addf %add3A_803, %select_n3A_812 : vector<8x30xf32>
    %slice3A_814 = vector.extract_strided_slice %add3A_649 {offsets = [0, 16], sizes = [8, 1], strides = [1, 1]} : vector<8x30xf32> to vector<8x1xf32>
    %eq3A_815 = vector.broadcast %slice3A_814 : vector<8x1xf32> to vector<8x30xf32>
    %eq3A_816 = arith.cmpf oeq, %eq3A_815, %convert_element_type3A_651 : vector<8x30xf32>
    %slice3A_817 = vector.extract_strided_slice %concatenate3A {offsets = [0, 16], sizes = [8, 1], strides = [1, 1]} : vector<8x30xf32> to vector<8x1xf32>
    %jit3A_818 = arith.constant 0.000000e+00 : f32
    %broadcast_in_dim3A_819 = vector.shape_cast %slice3A_817 : vector<8x1xf32> to vector<8x1xf32>
    %broadcast_in_dim3A_820 = vector.broadcast %broadcast_in_dim3A_819 : vector<8x1xf32> to vector<8x30xf32>
    %broadcast_in_dim3A_821 = vector.broadcast %jit3A_818 : f32 to vector<8x30xf32>
    %select_n3A_822 = arith.select %eq3A_816, %broadcast_in_dim3A_820, %broadcast_in_dim3A_821 : vector<8x30xi1>, vector<8x30xf32>
    %add3A_823 = arith.addf %add3A_813, %select_n3A_822 : vector<8x30xf32>
    %slice3A_824 = vector.extract_strided_slice %add3A_649 {offsets = [0, 17], sizes = [8, 1], strides = [1, 1]} : vector<8x30xf32> to vector<8x1xf32>
    %eq3A_825 = vector.broadcast %slice3A_824 : vector<8x1xf32> to vector<8x30xf32>
    %eq3A_826 = arith.cmpf oeq, %eq3A_825, %convert_element_type3A_651 : vector<8x30xf32>
    %slice3A_827 = vector.extract_strided_slice %concatenate3A {offsets = [0, 17], sizes = [8, 1], strides = [1, 1]} : vector<8x30xf32> to vector<8x1xf32>
    %jit3A_828 = arith.constant 0.000000e+00 : f32
    %broadcast_in_dim3A_829 = vector.shape_cast %slice3A_827 : vector<8x1xf32> to vector<8x1xf32>
    %broadcast_in_dim3A_830 = vector.broadcast %broadcast_in_dim3A_829 : vector<8x1xf32> to vector<8x30xf32>
    %broadcast_in_dim3A_831 = vector.broadcast %jit3A_828 : f32 to vector<8x30xf32>
    %select_n3A_832 = arith.select %eq3A_826, %broadcast_in_dim3A_830, %broadcast_in_dim3A_831 : vector<8x30xi1>, vector<8x30xf32>
    %add3A_833 = arith.addf %add3A_823, %select_n3A_832 : vector<8x30xf32>
    %slice3A_834 = vector.extract_strided_slice %add3A_649 {offsets = [0, 18], sizes = [8, 1], strides = [1, 1]} : vector<8x30xf32> to vector<8x1xf32>
    %eq3A_835 = vector.broadcast %slice3A_834 : vector<8x1xf32> to vector<8x30xf32>
    %eq3A_836 = arith.cmpf oeq, %eq3A_835, %convert_element_type3A_651 : vector<8x30xf32>
    %slice3A_837 = vector.extract_strided_slice %concatenate3A {offsets = [0, 18], sizes = [8, 1], strides = [1, 1]} : vector<8x30xf32> to vector<8x1xf32>
    %jit3A_838 = arith.constant 0.000000e+00 : f32
    %broadcast_in_dim3A_839 = vector.shape_cast %slice3A_837 : vector<8x1xf32> to vector<8x1xf32>
    %broadcast_in_dim3A_840 = vector.broadcast %broadcast_in_dim3A_839 : vector<8x1xf32> to vector<8x30xf32>
    %broadcast_in_dim3A_841 = vector.broadcast %jit3A_838 : f32 to vector<8x30xf32>
    %select_n3A_842 = arith.select %eq3A_836, %broadcast_in_dim3A_840, %broadcast_in_dim3A_841 : vector<8x30xi1>, vector<8x30xf32>
    %add3A_843 = arith.addf %add3A_833, %select_n3A_842 : vector<8x30xf32>
    %slice3A_844 = vector.extract_strided_slice %add3A_649 {offsets = [0, 19], sizes = [8, 1], strides = [1, 1]} : vector<8x30xf32> to vector<8x1xf32>
    %eq3A_845 = vector.broadcast %slice3A_844 : vector<8x1xf32> to vector<8x30xf32>
    %eq3A_846 = arith.cmpf oeq, %eq3A_845, %convert_element_type3A_651 : vector<8x30xf32>
    %slice3A_847 = vector.extract_strided_slice %concatenate3A {offsets = [0, 19], sizes = [8, 1], strides = [1, 1]} : vector<8x30xf32> to vector<8x1xf32>
    %jit3A_848 = arith.constant 0.000000e+00 : f32
    %broadcast_in_dim3A_849 = vector.shape_cast %slice3A_847 : vector<8x1xf32> to vector<8x1xf32>
    %broadcast_in_dim3A_850 = vector.broadcast %broadcast_in_dim3A_849 : vector<8x1xf32> to vector<8x30xf32>
    %broadcast_in_dim3A_851 = vector.broadcast %jit3A_848 : f32 to vector<8x30xf32>
    %select_n3A_852 = arith.select %eq3A_846, %broadcast_in_dim3A_850, %broadcast_in_dim3A_851 : vector<8x30xi1>, vector<8x30xf32>
    %add3A_853 = arith.addf %add3A_843, %select_n3A_852 : vector<8x30xf32>
    %slice3A_854 = vector.extract_strided_slice %add3A_649 {offsets = [0, 20], sizes = [8, 1], strides = [1, 1]} : vector<8x30xf32> to vector<8x1xf32>
    %eq3A_855 = vector.broadcast %slice3A_854 : vector<8x1xf32> to vector<8x30xf32>
    %eq3A_856 = arith.cmpf oeq, %eq3A_855, %convert_element_type3A_651 : vector<8x30xf32>
    %slice3A_857 = vector.extract_strided_slice %concatenate3A {offsets = [0, 20], sizes = [8, 1], strides = [1, 1]} : vector<8x30xf32> to vector<8x1xf32>
    %jit3A_858 = arith.constant 0.000000e+00 : f32
    %broadcast_in_dim3A_859 = vector.shape_cast %slice3A_857 : vector<8x1xf32> to vector<8x1xf32>
    %broadcast_in_dim3A_860 = vector.broadcast %broadcast_in_dim3A_859 : vector<8x1xf32> to vector<8x30xf32>
    %broadcast_in_dim3A_861 = vector.broadcast %jit3A_858 : f32 to vector<8x30xf32>
    %select_n3A_862 = arith.select %eq3A_856, %broadcast_in_dim3A_860, %broadcast_in_dim3A_861 : vector<8x30xi1>, vector<8x30xf32>
    %add3A_863 = arith.addf %add3A_853, %select_n3A_862 : vector<8x30xf32>
    %slice3A_864 = vector.extract_strided_slice %add3A_649 {offsets = [0, 21], sizes = [8, 1], strides = [1, 1]} : vector<8x30xf32> to vector<8x1xf32>
    %eq3A_865 = vector.broadcast %slice3A_864 : vector<8x1xf32> to vector<8x30xf32>
    %eq3A_866 = arith.cmpf oeq, %eq3A_865, %convert_element_type3A_651 : vector<8x30xf32>
    %slice3A_867 = vector.extract_strided_slice %concatenate3A {offsets = [0, 21], sizes = [8, 1], strides = [1, 1]} : vector<8x30xf32> to vector<8x1xf32>
    %jit3A_868 = arith.constant 0.000000e+00 : f32
    %broadcast_in_dim3A_869 = vector.shape_cast %slice3A_867 : vector<8x1xf32> to vector<8x1xf32>
    %broadcast_in_dim3A_870 = vector.broadcast %broadcast_in_dim3A_869 : vector<8x1xf32> to vector<8x30xf32>
    %broadcast_in_dim3A_871 = vector.broadcast %jit3A_868 : f32 to vector<8x30xf32>
    %select_n3A_872 = arith.select %eq3A_866, %broadcast_in_dim3A_870, %broadcast_in_dim3A_871 : vector<8x30xi1>, vector<8x30xf32>
    %add3A_873 = arith.addf %add3A_863, %select_n3A_872 : vector<8x30xf32>
    %slice3A_874 = vector.extract_strided_slice %add3A_649 {offsets = [0, 22], sizes = [8, 1], strides = [1, 1]} : vector<8x30xf32> to vector<8x1xf32>
    %eq3A_875 = vector.broadcast %slice3A_874 : vector<8x1xf32> to vector<8x30xf32>
    %eq3A_876 = arith.cmpf oeq, %eq3A_875, %convert_element_type3A_651 : vector<8x30xf32>
    %slice3A_877 = vector.extract_strided_slice %concatenate3A {offsets = [0, 22], sizes = [8, 1], strides = [1, 1]} : vector<8x30xf32> to vector<8x1xf32>
    %jit3A_878 = arith.constant 0.000000e+00 : f32
    %broadcast_in_dim3A_879 = vector.shape_cast %slice3A_877 : vector<8x1xf32> to vector<8x1xf32>
    %broadcast_in_dim3A_880 = vector.broadcast %broadcast_in_dim3A_879 : vector<8x1xf32> to vector<8x30xf32>
    %broadcast_in_dim3A_881 = vector.broadcast %jit3A_878 : f32 to vector<8x30xf32>
    %select_n3A_882 = arith.select %eq3A_876, %broadcast_in_dim3A_880, %broadcast_in_dim3A_881 : vector<8x30xi1>, vector<8x30xf32>
    %add3A_883 = arith.addf %add3A_873, %select_n3A_882 : vector<8x30xf32>
    %slice3A_884 = vector.extract_strided_slice %add3A_649 {offsets = [0, 23], sizes = [8, 1], strides = [1, 1]} : vector<8x30xf32> to vector<8x1xf32>
    %eq3A_885 = vector.broadcast %slice3A_884 : vector<8x1xf32> to vector<8x30xf32>
    %eq3A_886 = arith.cmpf oeq, %eq3A_885, %convert_element_type3A_651 : vector<8x30xf32>
    %slice3A_887 = vector.extract_strided_slice %concatenate3A {offsets = [0, 23], sizes = [8, 1], strides = [1, 1]} : vector<8x30xf32> to vector<8x1xf32>
    %jit3A_888 = arith.constant 0.000000e+00 : f32
    %broadcast_in_dim3A_889 = vector.shape_cast %slice3A_887 : vector<8x1xf32> to vector<8x1xf32>
    %broadcast_in_dim3A_890 = vector.broadcast %broadcast_in_dim3A_889 : vector<8x1xf32> to vector<8x30xf32>
    %broadcast_in_dim3A_891 = vector.broadcast %jit3A_888 : f32 to vector<8x30xf32>
    %select_n3A_892 = arith.select %eq3A_886, %broadcast_in_dim3A_890, %broadcast_in_dim3A_891 : vector<8x30xi1>, vector<8x30xf32>
    %add3A_893 = arith.addf %add3A_883, %select_n3A_892 : vector<8x30xf32>
    %slice3A_894 = vector.extract_strided_slice %add3A_649 {offsets = [0, 24], sizes = [8, 1], strides = [1, 1]} : vector<8x30xf32> to vector<8x1xf32>
    %eq3A_895 = vector.broadcast %slice3A_894 : vector<8x1xf32> to vector<8x30xf32>
    %eq3A_896 = arith.cmpf oeq, %eq3A_895, %convert_element_type3A_651 : vector<8x30xf32>
    %slice3A_897 = vector.extract_strided_slice %concatenate3A {offsets = [0, 24], sizes = [8, 1], strides = [1, 1]} : vector<8x30xf32> to vector<8x1xf32>
    %jit3A_898 = arith.constant 0.000000e+00 : f32
    %broadcast_in_dim3A_899 = vector.shape_cast %slice3A_897 : vector<8x1xf32> to vector<8x1xf32>
    %broadcast_in_dim3A_900 = vector.broadcast %broadcast_in_dim3A_899 : vector<8x1xf32> to vector<8x30xf32>
    %broadcast_in_dim3A_901 = vector.broadcast %jit3A_898 : f32 to vector<8x30xf32>
    %select_n3A_902 = arith.select %eq3A_896, %broadcast_in_dim3A_900, %broadcast_in_dim3A_901 : vector<8x30xi1>, vector<8x30xf32>
    %add3A_903 = arith.addf %add3A_893, %select_n3A_902 : vector<8x30xf32>
    %slice3A_904 = vector.extract_strided_slice %add3A_649 {offsets = [0, 25], sizes = [8, 1], strides = [1, 1]} : vector<8x30xf32> to vector<8x1xf32>
    %eq3A_905 = vector.broadcast %slice3A_904 : vector<8x1xf32> to vector<8x30xf32>
    %eq3A_906 = arith.cmpf oeq, %eq3A_905, %convert_element_type3A_651 : vector<8x30xf32>
    %slice3A_907 = vector.extract_strided_slice %concatenate3A {offsets = [0, 25], sizes = [8, 1], strides = [1, 1]} : vector<8x30xf32> to vector<8x1xf32>
    %jit3A_908 = arith.constant 0.000000e+00 : f32
    %broadcast_in_dim3A_909 = vector.shape_cast %slice3A_907 : vector<8x1xf32> to vector<8x1xf32>
    %broadcast_in_dim3A_910 = vector.broadcast %broadcast_in_dim3A_909 : vector<8x1xf32> to vector<8x30xf32>
    %broadcast_in_dim3A_911 = vector.broadcast %jit3A_908 : f32 to vector<8x30xf32>
    %select_n3A_912 = arith.select %eq3A_906, %broadcast_in_dim3A_910, %broadcast_in_dim3A_911 : vector<8x30xi1>, vector<8x30xf32>
    %add3A_913 = arith.addf %add3A_903, %select_n3A_912 : vector<8x30xf32>
    %slice3A_914 = vector.extract_strided_slice %add3A_649 {offsets = [0, 26], sizes = [8, 1], strides = [1, 1]} : vector<8x30xf32> to vector<8x1xf32>
    %eq3A_915 = vector.broadcast %slice3A_914 : vector<8x1xf32> to vector<8x30xf32>
    %eq3A_916 = arith.cmpf oeq, %eq3A_915, %convert_element_type3A_651 : vector<8x30xf32>
    %slice3A_917 = vector.extract_strided_slice %concatenate3A {offsets = [0, 26], sizes = [8, 1], strides = [1, 1]} : vector<8x30xf32> to vector<8x1xf32>
    %jit3A_918 = arith.constant 0.000000e+00 : f32
    %broadcast_in_dim3A_919 = vector.shape_cast %slice3A_917 : vector<8x1xf32> to vector<8x1xf32>
    %broadcast_in_dim3A_920 = vector.broadcast %broadcast_in_dim3A_919 : vector<8x1xf32> to vector<8x30xf32>
    %broadcast_in_dim3A_921 = vector.broadcast %jit3A_918 : f32 to vector<8x30xf32>
    %select_n3A_922 = arith.select %eq3A_916, %broadcast_in_dim3A_920, %broadcast_in_dim3A_921 : vector<8x30xi1>, vector<8x30xf32>
    %add3A_923 = arith.addf %add3A_913, %select_n3A_922 : vector<8x30xf32>
    %slice3A_924 = vector.extract_strided_slice %add3A_649 {offsets = [0, 27], sizes = [8, 1], strides = [1, 1]} : vector<8x30xf32> to vector<8x1xf32>
    %eq3A_925 = vector.broadcast %slice3A_924 : vector<8x1xf32> to vector<8x30xf32>
    %eq3A_926 = arith.cmpf oeq, %eq3A_925, %convert_element_type3A_651 : vector<8x30xf32>
    %slice3A_927 = vector.extract_strided_slice %concatenate3A {offsets = [0, 27], sizes = [8, 1], strides = [1, 1]} : vector<8x30xf32> to vector<8x1xf32>
    %jit3A_928 = arith.constant 0.000000e+00 : f32
    %broadcast_in_dim3A_929 = vector.shape_cast %slice3A_927 : vector<8x1xf32> to vector<8x1xf32>
    %broadcast_in_dim3A_930 = vector.broadcast %broadcast_in_dim3A_929 : vector<8x1xf32> to vector<8x30xf32>
    %broadcast_in_dim3A_931 = vector.broadcast %jit3A_928 : f32 to vector<8x30xf32>
    %select_n3A_932 = arith.select %eq3A_926, %broadcast_in_dim3A_930, %broadcast_in_dim3A_931 : vector<8x30xi1>, vector<8x30xf32>
    %add3A_933 = arith.addf %add3A_923, %select_n3A_932 : vector<8x30xf32>
    %slice3A_934 = vector.extract_strided_slice %add3A_649 {offsets = [0, 28], sizes = [8, 1], strides = [1, 1]} : vector<8x30xf32> to vector<8x1xf32>
    %eq3A_935 = vector.broadcast %slice3A_934 : vector<8x1xf32> to vector<8x30xf32>
    %eq3A_936 = arith.cmpf oeq, %eq3A_935, %convert_element_type3A_651 : vector<8x30xf32>
    %slice3A_937 = vector.extract_strided_slice %concatenate3A {offsets = [0, 28], sizes = [8, 1], strides = [1, 1]} : vector<8x30xf32> to vector<8x1xf32>
    %jit3A_938 = arith.constant 0.000000e+00 : f32
    %broadcast_in_dim3A_939 = vector.shape_cast %slice3A_937 : vector<8x1xf32> to vector<8x1xf32>
    %broadcast_in_dim3A_940 = vector.broadcast %broadcast_in_dim3A_939 : vector<8x1xf32> to vector<8x30xf32>
    %broadcast_in_dim3A_941 = vector.broadcast %jit3A_938 : f32 to vector<8x30xf32>
    %select_n3A_942 = arith.select %eq3A_936, %broadcast_in_dim3A_940, %broadcast_in_dim3A_941 : vector<8x30xi1>, vector<8x30xf32>
    %add3A_943 = arith.addf %add3A_933, %select_n3A_942 : vector<8x30xf32>
    %slice3A_944 = vector.extract_strided_slice %add3A_649 {offsets = [0, 29], sizes = [8, 1], strides = [1, 1]} : vector<8x30xf32> to vector<8x1xf32>
    %eq3A_945 = vector.broadcast %slice3A_944 : vector<8x1xf32> to vector<8x30xf32>
    %eq3A_946 = arith.cmpf oeq, %eq3A_945, %convert_element_type3A_651 : vector<8x30xf32>
    %slice3A_947 = vector.extract_strided_slice %concatenate3A {offsets = [0, 29], sizes = [8, 1], strides = [1, 1]} : vector<8x30xf32> to vector<8x1xf32>
    %jit3A_948 = arith.constant 0.000000e+00 : f32
    %broadcast_in_dim3A_949 = vector.shape_cast %slice3A_947 : vector<8x1xf32> to vector<8x1xf32>
    %broadcast_in_dim3A_950 = vector.broadcast %broadcast_in_dim3A_949 : vector<8x1xf32> to vector<8x30xf32>
    %broadcast_in_dim3A_951 = vector.broadcast %jit3A_948 : f32 to vector<8x30xf32>
    %select_n3A_952 = arith.select %eq3A_946, %broadcast_in_dim3A_950, %broadcast_in_dim3A_951 : vector<8x30xi1>, vector<8x30xf32>
    %add3A_953 = arith.addf %add3A_943, %select_n3A_952 : vector<8x30xf32>
    %convert_element_type3A_954 = arith.fptosi %add3A_953 : vector<8x30xf32> to vector<8x30xi32>
    %swap3A = arith.constant 0 : index
    %swap3A_955 = arith.constant 0 : index
    %swap3A_956 = vector.load %arg2[%swap3A, %swap3A_955] : memref<8x30xi32, #tpu.memory_space<vmem>>, vector<8x30xi32>
    tpu.vector_store %arg2[%swap3A, %swap3A_955], %convert_element_type3A_954 {strides = array<i32>} : memref<8x30xi32, #tpu.memory_space<vmem>>, vector<8x30xi32>,
    %get3A_957 = arith.constant 0 : index
    %get3A_958 = arith.constant 0 : index
    %get3A_959 = vector.load %arg1[%get3A_957, %get3A_958] : memref<8x512xf32, #tpu.memory_space<vmem>>, vector<8x512xf32>
    %iota3A_960 = tpu.iota {dimensions = array<i32: 1>} : vector<8x512xi32>
    %convert_element_type3A_961 = arith.sitofp %iota3A_960 : vector<8x512xi32> to vector<8x512xf32>
    %reduce_max3A_962 = arith.constant dense<0xFF800000> : vector<8xf32>
    %reduce_max3A_963 = vector.multi_reduction <maximumf>, %get3A_959, %reduce_max3A_962 [1] : vector<8x512xf32> to vector<8xf32>
    %broadcast_in_dim3A_964 = vector.shape_cast %reduce_max3A_963 : vector<8xf32> to vector<8x1xf32>
    %eq3A_965 = vector.broadcast %broadcast_in_dim3A_964 : vector<8x1xf32> to vector<8x512xf32>
    %eq3A_966 = arith.cmpf oeq, %get3A_959, %eq3A_965 : vector<8x512xf32>
    %jit3A_967 = arith.constant 5.120000e+02 : f32
    %broadcast_in_dim3A_968 = vector.broadcast %jit3A_967 : f32 to vector<8x512xf32>
    %select_n3A_969 = arith.select %eq3A_966, %convert_element_type3A_961, %broadcast_in_dim3A_968 : vector<8x512xi1>, vector<8x512xf32>
    %reduce_min3A_970 = arith.constant dense<0x7F800000> : vector<8xf32>
    %reduce_min3A_971 = vector.multi_reduction <minimumf>, %select_n3A_969, %reduce_min3A_970 [1] : vector<8x512xf32> to vector<8xf32>
    %broadcast_in_dim3A_972 = vector.shape_cast %reduce_min3A_971 : vector<8xf32> to vector<8x1xf32>
    %eq3A_973 = vector.broadcast %broadcast_in_dim3A_972 : vector<8x1xf32> to vector<8x512xf32>
    %eq3A_974 = arith.cmpf oeq, %convert_element_type3A_961, %eq3A_973 : vector<8x512xf32>
    %jit3A_975 = arith.constant 0xFF800000 : f32
    %broadcast_in_dim3A_976 = vector.broadcast %jit3A_975 : f32 to vector<8x512xf32>
    %select_n3A_977 = arith.select %eq3A_974, %broadcast_in_dim3A_976, %get3A_959 : vector<8x512xi1>, vector<8x512xf32>
    %reduce_max3A_978 = arith.constant dense<0xFF800000> : vector<8xf32>
    %reduce_max3A_979 = vector.multi_reduction <maximumf>, %select_n3A_977, %reduce_max3A_978 [1] : vector<8x512xf32> to vector<8xf32>
    %broadcast_in_dim3A_980 = vector.shape_cast %reduce_max3A_979 : vector<8xf32> to vector<8x1xf32>
    %eq3A_981 = vector.broadcast %broadcast_in_dim3A_980 : vector<8x1xf32> to vector<8x512xf32>
    %eq3A_982 = arith.cmpf oeq, %select_n3A_977, %eq3A_981 : vector<8x512xf32>
    %jit3A_983 = arith.constant 5.120000e+02 : f32
    %broadcast_in_dim3A_984 = vector.broadcast %jit3A_983 : f32 to vector<8x512xf32>
    %select_n3A_985 = arith.select %eq3A_982, %convert_element_type3A_961, %broadcast_in_dim3A_984 : vector<8x512xi1>, vector<8x512xf32>
    %reduce_min3A_986 = arith.constant dense<0x7F800000> : vector<8xf32>
    %reduce_min3A_987 = vector.multi_reduction <minimumf>, %select_n3A_985, %reduce_min3A_986 [1] : vector<8x512xf32> to vector<8xf32>
    %broadcast_in_dim3A_988 = vector.shape_cast %reduce_min3A_987 : vector<8xf32> to vector<8x1xf32>
    %eq3A_989 = vector.broadcast %broadcast_in_dim3A_988 : vector<8x1xf32> to vector<8x512xf32>
    %eq3A_990 = arith.cmpf oeq, %convert_element_type3A_961, %eq3A_989 : vector<8x512xf32>
    %jit3A_991 = arith.constant 0xFF800000 : f32
    %broadcast_in_dim3A_992 = vector.broadcast %jit3A_991 : f32 to vector<8x512xf32>
    %select_n3A_993 = arith.select %eq3A_990, %broadcast_in_dim3A_992, %select_n3A_977 : vector<8x512xi1>, vector<8x512xf32>
    %reduce_max3A_994 = arith.constant dense<0xFF800000> : vector<8xf32>
    %reduce_max3A_995 = vector.multi_reduction <maximumf>, %select_n3A_993, %reduce_max3A_994 [1] : vector<8x512xf32> to vector<8xf32>
    %broadcast_in_dim3A_996 = vector.shape_cast %reduce_max3A_995 : vector<8xf32> to vector<8x1xf32>
    %eq3A_997 = vector.broadcast %broadcast_in_dim3A_996 : vector<8x1xf32> to vector<8x512xf32>
    %eq3A_998 = arith.cmpf oeq, %select_n3A_993, %eq3A_997 : vector<8x512xf32>
    %jit3A_999 = arith.constant 5.120000e+02 : f32
    %broadcast_in_dim3A_1000 = vector.broadcast %jit3A_999 : f32 to vector<8x512xf32>
    %select_n3A_1001 = arith.select %eq3A_998, %convert_element_type3A_961, %broadcast_in_dim3A_1000 : vector<8x512xi1>, vector<8x512xf32>
    %reduce_min3A_1002 = arith.constant dense<0x7F800000> : vector<8xf32>
    %reduce_min3A_1003 = vector.multi_reduction <minimumf>, %select_n3A_1001, %reduce_min3A_1002 [1] : vector<8x512xf32> to vector<8xf32>
    %broadcast_in_dim3A_1004 = vector.shape_cast %reduce_min3A_1003 : vector<8xf32> to vector<8x1xf32>
    %eq3A_1005 = vector.broadcast %broadcast_in_dim3A_1004 : vector<8x1xf32> to vector<8x512xf32>
    %eq3A_1006 = arith.cmpf oeq, %convert_element_type3A_961, %eq3A_1005 : vector<8x512xf32>
    %jit3A_1007 = arith.constant 0xFF800000 : f32
    %broadcast_in_dim3A_1008 = vector.broadcast %jit3A_1007 : f32 to vector<8x512xf32>
    %select_n3A_1009 = arith.select %eq3A_1006, %broadcast_in_dim3A_1008, %select_n3A_993 : vector<8x512xi1>, vector<8x512xf32>
    %reduce_max3A_1010 = arith.constant dense<0xFF800000> : vector<8xf32>
    %reduce_max3A_1011 = vector.multi_reduction <maximumf>, %select_n3A_1009, %reduce_max3A_1010 [1] : vector<8x512xf32> to vector<8xf32>
    %broadcast_in_dim3A_1012 = vector.shape_cast %reduce_max3A_1011 : vector<8xf32> to vector<8x1xf32>
    %eq3A_1013 = vector.broadcast %broadcast_in_dim3A_1012 : vector<8x1xf32> to vector<8x512xf32>
    %eq3A_1014 = arith.cmpf oeq, %select_n3A_1009, %eq3A_1013 : vector<8x512xf32>
    %jit3A_1015 = arith.constant 5.120000e+02 : f32
    %broadcast_in_dim3A_1016 = vector.broadcast %jit3A_1015 : f32 to vector<8x512xf32>
    %select_n3A_1017 = arith.select %eq3A_1014, %convert_element_type3A_961, %broadcast_in_dim3A_1016 : vector<8x512xi1>, vector<8x512xf32>
    %reduce_min3A_1018 = arith.constant dense<0x7F800000> : vector<8xf32>
    %reduce_min3A_1019 = vector.multi_reduction <minimumf>, %select_n3A_1017, %reduce_min3A_1018 [1] : vector<8x512xf32> to vector<8xf32>
    %broadcast_in_dim3A_1020 = vector.shape_cast %reduce_min3A_1019 : vector<8xf32> to vector<8x1xf32>
    %eq3A_1021 = vector.broadcast %broadcast_in_dim3A_1020 : vector<8x1xf32> to vector<8x512xf32>
    %eq3A_1022 = arith.cmpf oeq, %convert_element_type3A_961, %eq3A_1021 : vector<8x512xf32>
    %jit3A_1023 = arith.constant 0xFF800000 : f32
    %broadcast_in_dim3A_1024 = vector.broadcast %jit3A_1023 : f32 to vector<8x512xf32>
    %select_n3A_1025 = arith.select %eq3A_1022, %broadcast_in_dim3A_1024, %select_n3A_1009 : vector<8x512xi1>, vector<8x512xf32>
    %reduce_max3A_1026 = arith.constant dense<0xFF800000> : vector<8xf32>
    %reduce_max3A_1027 = vector.multi_reduction <maximumf>, %select_n3A_1025, %reduce_max3A_1026 [1] : vector<8x512xf32> to vector<8xf32>
    %broadcast_in_dim3A_1028 = vector.shape_cast %reduce_max3A_1027 : vector<8xf32> to vector<8x1xf32>
    %eq3A_1029 = vector.broadcast %broadcast_in_dim3A_1028 : vector<8x1xf32> to vector<8x512xf32>
    %eq3A_1030 = arith.cmpf oeq, %select_n3A_1025, %eq3A_1029 : vector<8x512xf32>
    %jit3A_1031 = arith.constant 5.120000e+02 : f32
    %broadcast_in_dim3A_1032 = vector.broadcast %jit3A_1031 : f32 to vector<8x512xf32>
    %select_n3A_1033 = arith.select %eq3A_1030, %convert_element_type3A_961, %broadcast_in_dim3A_1032 : vector<8x512xi1>, vector<8x512xf32>
    %reduce_min3A_1034 = arith.constant dense<0x7F800000> : vector<8xf32>
    %reduce_min3A_1035 = vector.multi_reduction <minimumf>, %select_n3A_1033, %reduce_min3A_1034 [1] : vector<8x512xf32> to vector<8xf32>
    %broadcast_in_dim3A_1036 = vector.shape_cast %reduce_min3A_1035 : vector<8xf32> to vector<8x1xf32>
    %eq3A_1037 = vector.broadcast %broadcast_in_dim3A_1036 : vector<8x1xf32> to vector<8x512xf32>
    %eq3A_1038 = arith.cmpf oeq, %convert_element_type3A_961, %eq3A_1037 : vector<8x512xf32>
    %jit3A_1039 = arith.constant 0xFF800000 : f32
    %broadcast_in_dim3A_1040 = vector.broadcast %jit3A_1039 : f32 to vector<8x512xf32>
    %select_n3A_1041 = arith.select %eq3A_1038, %broadcast_in_dim3A_1040, %select_n3A_1025 : vector<8x512xi1>, vector<8x512xf32>
    %reduce_max3A_1042 = arith.constant dense<0xFF800000> : vector<8xf32>
    %reduce_max3A_1043 = vector.multi_reduction <maximumf>, %select_n3A_1041, %reduce_max3A_1042 [1] : vector<8x512xf32> to vector<8xf32>
    %broadcast_in_dim3A_1044 = vector.shape_cast %reduce_max3A_1043 : vector<8xf32> to vector<8x1xf32>
    %eq3A_1045 = vector.broadcast %broadcast_in_dim3A_1044 : vector<8x1xf32> to vector<8x512xf32>
    %eq3A_1046 = arith.cmpf oeq, %select_n3A_1041, %eq3A_1045 : vector<8x512xf32>
    %jit3A_1047 = arith.constant 5.120000e+02 : f32
    %broadcast_in_dim3A_1048 = vector.broadcast %jit3A_1047 : f32 to vector<8x512xf32>
    %select_n3A_1049 = arith.select %eq3A_1046, %convert_element_type3A_961, %broadcast_in_dim3A_1048 : vector<8x512xi1>, vector<8x512xf32>
    %reduce_min3A_1050 = arith.constant dense<0x7F800000> : vector<8xf32>
    %reduce_min3A_1051 = vector.multi_reduction <minimumf>, %select_n3A_1049, %reduce_min3A_1050 [1] : vector<8x512xf32> to vector<8xf32>
    %broadcast_in_dim3A_1052 = vector.shape_cast %reduce_min3A_1051 : vector<8xf32> to vector<8x1xf32>
    %eq3A_1053 = vector.broadcast %broadcast_in_dim3A_1052 : vector<8x1xf32> to vector<8x512xf32>
    %eq3A_1054 = arith.cmpf oeq, %convert_element_type3A_961, %eq3A_1053 : vector<8x512xf32>
    %jit3A_1055 = arith.constant 0xFF800000 : f32
    %broadcast_in_dim3A_1056 = vector.broadcast %jit3A_1055 : f32 to vector<8x512xf32>
    %select_n3A_1057 = arith.select %eq3A_1054, %broadcast_in_dim3A_1056, %select_n3A_1041 : vector<8x512xi1>, vector<8x512xf32>
    %reduce_max3A_1058 = arith.constant dense<0xFF800000> : vector<8xf32>
    %reduce_max3A_1059 = vector.multi_reduction <maximumf>, %select_n3A_1057, %reduce_max3A_1058 [1] : vector<8x512xf32> to vector<8xf32>
    %broadcast_in_dim3A_1060 = vector.shape_cast %reduce_max3A_1059 : vector<8xf32> to vector<8x1xf32>
    %eq3A_1061 = vector.broadcast %broadcast_in_dim3A_1060 : vector<8x1xf32> to vector<8x512xf32>
    %eq3A_1062 = arith.cmpf oeq, %select_n3A_1057, %eq3A_1061 : vector<8x512xf32>
    %jit3A_1063 = arith.constant 5.120000e+02 : f32
    %broadcast_in_dim3A_1064 = vector.broadcast %jit3A_1063 : f32 to vector<8x512xf32>
    %select_n3A_1065 = arith.select %eq3A_1062, %convert_element_type3A_961, %broadcast_in_dim3A_1064 : vector<8x512xi1>, vector<8x512xf32>
    %reduce_min3A_1066 = arith.constant dense<0x7F800000> : vector<8xf32>
    %reduce_min3A_1067 = vector.multi_reduction <minimumf>, %select_n3A_1065, %reduce_min3A_1066 [1] : vector<8x512xf32> to vector<8xf32>
    %broadcast_in_dim3A_1068 = vector.shape_cast %reduce_min3A_1067 : vector<8xf32> to vector<8x1xf32>
    %eq3A_1069 = vector.broadcast %broadcast_in_dim3A_1068 : vector<8x1xf32> to vector<8x512xf32>
    %eq3A_1070 = arith.cmpf oeq, %convert_element_type3A_961, %eq3A_1069 : vector<8x512xf32>
    %jit3A_1071 = arith.constant 0xFF800000 : f32
    %broadcast_in_dim3A_1072 = vector.broadcast %jit3A_1071 : f32 to vector<8x512xf32>
    %select_n3A_1073 = arith.select %eq3A_1070, %broadcast_in_dim3A_1072, %select_n3A_1057 : vector<8x512xi1>, vector<8x512xf32>
    %reduce_max3A_1074 = arith.constant dense<0xFF800000> : vector<8xf32>
    %reduce_max3A_1075 = vector.multi_reduction <maximumf>, %select_n3A_1073, %reduce_max3A_1074 [1] : vector<8x512xf32> to vector<8xf32>
    %broadcast_in_dim3A_1076 = vector.shape_cast %reduce_max3A_1075 : vector<8xf32> to vector<8x1xf32>
    %eq3A_1077 = vector.broadcast %broadcast_in_dim3A_1076 : vector<8x1xf32> to vector<8x512xf32>
    %eq3A_1078 = arith.cmpf oeq, %select_n3A_1073, %eq3A_1077 : vector<8x512xf32>
    %jit3A_1079 = arith.constant 5.120000e+02 : f32
    %broadcast_in_dim3A_1080 = vector.broadcast %jit3A_1079 : f32 to vector<8x512xf32>
    %select_n3A_1081 = arith.select %eq3A_1078, %convert_element_type3A_961, %broadcast_in_dim3A_1080 : vector<8x512xi1>, vector<8x512xf32>
    %reduce_min3A_1082 = arith.constant dense<0x7F800000> : vector<8xf32>
    %reduce_min3A_1083 = vector.multi_reduction <minimumf>, %select_n3A_1081, %reduce_min3A_1082 [1] : vector<8x512xf32> to vector<8xf32>
    %broadcast_in_dim3A_1084 = vector.shape_cast %reduce_min3A_1083 : vector<8xf32> to vector<8x1xf32>
    %eq3A_1085 = vector.broadcast %broadcast_in_dim3A_1084 : vector<8x1xf32> to vector<8x512xf32>
    %eq3A_1086 = arith.cmpf oeq, %convert_element_type3A_961, %eq3A_1085 : vector<8x512xf32>
    %jit3A_1087 = arith.constant 0xFF800000 : f32
    %broadcast_in_dim3A_1088 = vector.broadcast %jit3A_1087 : f32 to vector<8x512xf32>
    %select_n3A_1089 = arith.select %eq3A_1086, %broadcast_in_dim3A_1088, %select_n3A_1073 : vector<8x512xi1>, vector<8x512xf32>
    %reduce_max3A_1090 = arith.constant dense<0xFF800000> : vector<8xf32>
    %reduce_max3A_1091 = vector.multi_reduction <maximumf>, %select_n3A_1089, %reduce_max3A_1090 [1] : vector<8x512xf32> to vector<8xf32>
    %broadcast_in_dim3A_1092 = vector.shape_cast %reduce_max3A_1091 : vector<8xf32> to vector<8x1xf32>
    %eq3A_1093 = vector.broadcast %broadcast_in_dim3A_1092 : vector<8x1xf32> to vector<8x512xf32>
    %eq3A_1094 = arith.cmpf oeq, %select_n3A_1089, %eq3A_1093 : vector<8x512xf32>
    %jit3A_1095 = arith.constant 5.120000e+02 : f32
    %broadcast_in_dim3A_1096 = vector.broadcast %jit3A_1095 : f32 to vector<8x512xf32>
    %select_n3A_1097 = arith.select %eq3A_1094, %convert_element_type3A_961, %broadcast_in_dim3A_1096 : vector<8x512xi1>, vector<8x512xf32>
    %reduce_min3A_1098 = arith.constant dense<0x7F800000> : vector<8xf32>
    %reduce_min3A_1099 = vector.multi_reduction <minimumf>, %select_n3A_1097, %reduce_min3A_1098 [1] : vector<8x512xf32> to vector<8xf32>
    %broadcast_in_dim3A_1100 = vector.shape_cast %reduce_min3A_1099 : vector<8xf32> to vector<8x1xf32>
    %eq3A_1101 = vector.broadcast %broadcast_in_dim3A_1100 : vector<8x1xf32> to vector<8x512xf32>
    %eq3A_1102 = arith.cmpf oeq, %convert_element_type3A_961, %eq3A_1101 : vector<8x512xf32>
    %jit3A_1103 = arith.constant 0xFF800000 : f32
    %broadcast_in_dim3A_1104 = vector.broadcast %jit3A_1103 : f32 to vector<8x512xf32>
    %select_n3A_1105 = arith.select %eq3A_1102, %broadcast_in_dim3A_1104, %select_n3A_1089 : vector<8x512xi1>, vector<8x512xf32>
    %reduce_max3A_1106 = arith.constant dense<0xFF800000> : vector<8xf32>
    %reduce_max3A_1107 = vector.multi_reduction <maximumf>, %select_n3A_1105, %reduce_max3A_1106 [1] : vector<8x512xf32> to vector<8xf32>
    %broadcast_in_dim3A_1108 = vector.shape_cast %reduce_max3A_1107 : vector<8xf32> to vector<8x1xf32>
    %eq3A_1109 = vector.broadcast %broadcast_in_dim3A_1108 : vector<8x1xf32> to vector<8x512xf32>
    %eq3A_1110 = arith.cmpf oeq, %select_n3A_1105, %eq3A_1109 : vector<8x512xf32>
    %jit3A_1111 = arith.constant 5.120000e+02 : f32
    %broadcast_in_dim3A_1112 = vector.broadcast %jit3A_1111 : f32 to vector<8x512xf32>
    %select_n3A_1113 = arith.select %eq3A_1110, %convert_element_type3A_961, %broadcast_in_dim3A_1112 : vector<8x512xi1>, vector<8x512xf32>
    %reduce_min3A_1114 = arith.constant dense<0x7F800000> : vector<8xf32>
    %reduce_min3A_1115 = vector.multi_reduction <minimumf>, %select_n3A_1113, %reduce_min3A_1114 [1] : vector<8x512xf32> to vector<8xf32>
    %broadcast_in_dim3A_1116 = vector.shape_cast %reduce_min3A_1115 : vector<8xf32> to vector<8x1xf32>
    %concatenate3A_1117 = tpu.concatenate %broadcast_in_dim3A_972, %broadcast_in_dim3A_988, %broadcast_in_dim3A_1004, %broadcast_in_dim3A_1020, %broadcast_in_dim3A_1036, %broadcast_in_dim3A_1052, %broadcast_in_dim3A_1068, %broadcast_in_dim3A_1084, %broadcast_in_dim3A_1100, %broadcast_in_dim3A_1116 in 1 : vector<8x1xf32>, vector<8x1xf32>, vector<8x1xf32>, vector<8x1xf32>, vector<8x1xf32>, vector<8x1xf32>, vector<8x1xf32>, vector<8x1xf32>, vector<8x1xf32>, vector<8x1xf32> -> vector<8x10xf32>
    %broadcast_in_dim3A_1118 = arith.constant 0.000000e+00 : f32
    %broadcast_in_dim3A_1119 = vector.broadcast %broadcast_in_dim3A_1118 : f32 to vector<8x10xf32>
    %slice3A_1120 = vector.extract_strided_slice %concatenate3A_1117 {offsets = [0, 0], sizes = [8, 1], strides = [1, 1]} : vector<8x10xf32> to vector<8x1xf32>
    %lt3A_1121 = vector.broadcast %slice3A_1120 : vector<8x1xf32> to vector<8x10xf32>
    %lt3A_1122 = arith.cmpf olt, %lt3A_1121, %concatenate3A_1117 : vector<8x10xf32>
    %convert_element_type3A_1123 = arith.extui %lt3A_1122 : vector<8x10xi1> to vector<8x10xi32>
    %convert_element_type3A_1124 = arith.sitofp %convert_element_type3A_1123 : vector<8x10xi32> to vector<8x10xf32>
    %add3A_1125 = arith.addf %broadcast_in_dim3A_1119, %convert_element_type3A_1124 : vector<8x10xf32>
    %slice3A_1126 = vector.extract_strided_slice %concatenate3A_1117 {offsets = [0, 1], sizes = [8, 1], strides = [1, 1]} : vector<8x10xf32> to vector<8x1xf32>
    %lt3A_1127 = vector.broadcast %slice3A_1126 : vector<8x1xf32> to vector<8x10xf32>
    %lt3A_1128 = arith.cmpf olt, %lt3A_1127, %concatenate3A_1117 : vector<8x10xf32>
    %convert_element_type3A_1129 = arith.extui %lt3A_1128 : vector<8x10xi1> to vector<8x10xi32>
    %convert_element_type3A_1130 = arith.sitofp %convert_element_type3A_1129 : vector<8x10xi32> to vector<8x10xf32>
    %add3A_1131 = arith.addf %add3A_1125, %convert_element_type3A_1130 : vector<8x10xf32>
    %slice3A_1132 = vector.extract_strided_slice %concatenate3A_1117 {offsets = [0, 2], sizes = [8, 1], strides = [1, 1]} : vector<8x10xf32> to vector<8x1xf32>
    %lt3A_1133 = vector.broadcast %slice3A_1132 : vector<8x1xf32> to vector<8x10xf32>
    %lt3A_1134 = arith.cmpf olt, %lt3A_1133, %concatenate3A_1117 : vector<8x10xf32>
    %convert_element_type3A_1135 = arith.extui %lt3A_1134 : vector<8x10xi1> to vector<8x10xi32>
    %convert_element_type3A_1136 = arith.sitofp %convert_element_type3A_1135 : vector<8x10xi32> to vector<8x10xf32>
    %add3A_1137 = arith.addf %add3A_1131, %convert_element_type3A_1136 : vector<8x10xf32>
    %slice3A_1138 = vector.extract_strided_slice %concatenate3A_1117 {offsets = [0, 3], sizes = [8, 1], strides = [1, 1]} : vector<8x10xf32> to vector<8x1xf32>
    %lt3A_1139 = vector.broadcast %slice3A_1138 : vector<8x1xf32> to vector<8x10xf32>
    %lt3A_1140 = arith.cmpf olt, %lt3A_1139, %concatenate3A_1117 : vector<8x10xf32>
    %convert_element_type3A_1141 = arith.extui %lt3A_1140 : vector<8x10xi1> to vector<8x10xi32>
    %convert_element_type3A_1142 = arith.sitofp %convert_element_type3A_1141 : vector<8x10xi32> to vector<8x10xf32>
    %add3A_1143 = arith.addf %add3A_1137, %convert_element_type3A_1142 : vector<8x10xf32>
    %slice3A_1144 = vector.extract_strided_slice %concatenate3A_1117 {offsets = [0, 4], sizes = [8, 1], strides = [1, 1]} : vector<8x10xf32> to vector<8x1xf32>
    %lt3A_1145 = vector.broadcast %slice3A_1144 : vector<8x1xf32> to vector<8x10xf32>
    %lt3A_1146 = arith.cmpf olt, %lt3A_1145, %concatenate3A_1117 : vector<8x10xf32>
    %convert_element_type3A_1147 = arith.extui %lt3A_1146 : vector<8x10xi1> to vector<8x10xi32>
    %convert_element_type3A_1148 = arith.sitofp %convert_element_type3A_1147 : vector<8x10xi32> to vector<8x10xf32>
    %add3A_1149 = arith.addf %add3A_1143, %convert_element_type3A_1148 : vector<8x10xf32>
    %slice3A_1150 = vector.extract_strided_slice %concatenate3A_1117 {offsets = [0, 5], sizes = [8, 1], strides = [1, 1]} : vector<8x10xf32> to vector<8x1xf32>
    %lt3A_1151 = vector.broadcast %slice3A_1150 : vector<8x1xf32> to vector<8x10xf32>
    %lt3A_1152 = arith.cmpf olt, %lt3A_1151, %concatenate3A_1117 : vector<8x10xf32>
    %convert_element_type3A_1153 = arith.extui %lt3A_1152 : vector<8x10xi1> to vector<8x10xi32>
    %convert_element_type3A_1154 = arith.sitofp %convert_element_type3A_1153 : vector<8x10xi32> to vector<8x10xf32>
    %add3A_1155 = arith.addf %add3A_1149, %convert_element_type3A_1154 : vector<8x10xf32>
    %slice3A_1156 = vector.extract_strided_slice %concatenate3A_1117 {offsets = [0, 6], sizes = [8, 1], strides = [1, 1]} : vector<8x10xf32> to vector<8x1xf32>
    %lt3A_1157 = vector.broadcast %slice3A_1156 : vector<8x1xf32> to vector<8x10xf32>
    %lt3A_1158 = arith.cmpf olt, %lt3A_1157, %concatenate3A_1117 : vector<8x10xf32>
    %convert_element_type3A_1159 = arith.extui %lt3A_1158 : vector<8x10xi1> to vector<8x10xi32>
    %convert_element_type3A_1160 = arith.sitofp %convert_element_type3A_1159 : vector<8x10xi32> to vector<8x10xf32>
    %add3A_1161 = arith.addf %add3A_1155, %convert_element_type3A_1160 : vector<8x10xf32>
    %slice3A_1162 = vector.extract_strided_slice %concatenate3A_1117 {offsets = [0, 7], sizes = [8, 1], strides = [1, 1]} : vector<8x10xf32> to vector<8x1xf32>
    %lt3A_1163 = vector.broadcast %slice3A_1162 : vector<8x1xf32> to vector<8x10xf32>
    %lt3A_1164 = arith.cmpf olt, %lt3A_1163, %concatenate3A_1117 : vector<8x10xf32>
    %convert_element_type3A_1165 = arith.extui %lt3A_1164 : vector<8x10xi1> to vector<8x10xi32>
    %convert_element_type3A_1166 = arith.sitofp %convert_element_type3A_1165 : vector<8x10xi32> to vector<8x10xf32>
    %add3A_1167 = arith.addf %add3A_1161, %convert_element_type3A_1166 : vector<8x10xf32>
    %slice3A_1168 = vector.extract_strided_slice %concatenate3A_1117 {offsets = [0, 8], sizes = [8, 1], strides = [1, 1]} : vector<8x10xf32> to vector<8x1xf32>
    %lt3A_1169 = vector.broadcast %slice3A_1168 : vector<8x1xf32> to vector<8x10xf32>
    %lt3A_1170 = arith.cmpf olt, %lt3A_1169, %concatenate3A_1117 : vector<8x10xf32>
    %convert_element_type3A_1171 = arith.extui %lt3A_1170 : vector<8x10xi1> to vector<8x10xi32>
    %convert_element_type3A_1172 = arith.sitofp %convert_element_type3A_1171 : vector<8x10xi32> to vector<8x10xf32>
    %add3A_1173 = arith.addf %add3A_1167, %convert_element_type3A_1172 : vector<8x10xf32>
    %slice3A_1174 = vector.extract_strided_slice %concatenate3A_1117 {offsets = [0, 9], sizes = [8, 1], strides = [1, 1]} : vector<8x10xf32> to vector<8x1xf32>
    %lt3A_1175 = vector.broadcast %slice3A_1174 : vector<8x1xf32> to vector<8x10xf32>
    %lt3A_1176 = arith.cmpf olt, %lt3A_1175, %concatenate3A_1117 : vector<8x10xf32>
    %convert_element_type3A_1177 = arith.extui %lt3A_1176 : vector<8x10xi1> to vector<8x10xi32>
    %convert_element_type3A_1178 = arith.sitofp %convert_element_type3A_1177 : vector<8x10xi32> to vector<8x10xf32>
    %add3A_1179 = arith.addf %add3A_1173, %convert_element_type3A_1178 : vector<8x10xf32>
    %iota3A_1180 = tpu.iota {dimensions = array<i32: 1>} : vector<8x10xi32>
    %convert_element_type3A_1181 = arith.sitofp %iota3A_1180 : vector<8x10xi32> to vector<8x10xf32>
    %broadcast_in_dim3A_1182 = arith.constant 0.000000e+00 : f32
    %broadcast_in_dim3A_1183 = vector.broadcast %broadcast_in_dim3A_1182 : f32 to vector<8x10xf32>
    %slice3A_1184 = vector.extract_strided_slice %add3A_1179 {offsets = [0, 0], sizes = [8, 1], strides = [1, 1]} : vector<8x10xf32> to vector<8x1xf32>
    %eq3A_1185 = vector.broadcast %slice3A_1184 : vector<8x1xf32> to vector<8x10xf32>
    %eq3A_1186 = arith.cmpf oeq, %eq3A_1185, %convert_element_type3A_1181 : vector<8x10xf32>
    %slice3A_1187 = vector.extract_strided_slice %concatenate3A_1117 {offsets = [0, 0], sizes = [8, 1], strides = [1, 1]} : vector<8x10xf32> to vector<8x1xf32>
    %jit3A_1188 = arith.constant 0.000000e+00 : f32
    %broadcast_in_dim3A_1189 = vector.shape_cast %slice3A_1187 : vector<8x1xf32> to vector<8x1xf32>
    %broadcast_in_dim3A_1190 = vector.broadcast %broadcast_in_dim3A_1189 : vector<8x1xf32> to vector<8x10xf32>
    %broadcast_in_dim3A_1191 = vector.broadcast %jit3A_1188 : f32 to vector<8x10xf32>
    %select_n3A_1192 = arith.select %eq3A_1186, %broadcast_in_dim3A_1190, %broadcast_in_dim3A_1191 : vector<8x10xi1>, vector<8x10xf32>
    %add3A_1193 = arith.addf %broadcast_in_dim3A_1183, %select_n3A_1192 : vector<8x10xf32>
    %slice3A_1194 = vector.extract_strided_slice %add3A_1179 {offsets = [0, 1], sizes = [8, 1], strides = [1, 1]} : vector<8x10xf32> to vector<8x1xf32>
    %eq3A_1195 = vector.broadcast %slice3A_1194 : vector<8x1xf32> to vector<8x10xf32>
    %eq3A_1196 = arith.cmpf oeq, %eq3A_1195, %convert_element_type3A_1181 : vector<8x10xf32>
    %slice3A_1197 = vector.extract_strided_slice %concatenate3A_1117 {offsets = [0, 1], sizes = [8, 1], strides = [1, 1]} : vector<8x10xf32> to vector<8x1xf32>
    %jit3A_1198 = arith.constant 0.000000e+00 : f32
    %broadcast_in_dim3A_1199 = vector.shape_cast %slice3A_1197 : vector<8x1xf32> to vector<8x1xf32>
    %broadcast_in_dim3A_1200 = vector.broadcast %broadcast_in_dim3A_1199 : vector<8x1xf32> to vector<8x10xf32>
    %broadcast_in_dim3A_1201 = vector.broadcast %jit3A_1198 : f32 to vector<8x10xf32>
    %select_n3A_1202 = arith.select %eq3A_1196, %broadcast_in_dim3A_1200, %broadcast_in_dim3A_1201 : vector<8x10xi1>, vector<8x10xf32>
    %add3A_1203 = arith.addf %add3A_1193, %select_n3A_1202 : vector<8x10xf32>
    %slice3A_1204 = vector.extract_strided_slice %add3A_1179 {offsets = [0, 2], sizes = [8, 1], strides = [1, 1]} : vector<8x10xf32> to vector<8x1xf32>
    %eq3A_1205 = vector.broadcast %slice3A_1204 : vector<8x1xf32> to vector<8x10xf32>
    %eq3A_1206 = arith.cmpf oeq, %eq3A_1205, %convert_element_type3A_1181 : vector<8x10xf32>
    %slice3A_1207 = vector.extract_strided_slice %concatenate3A_1117 {offsets = [0, 2], sizes = [8, 1], strides = [1, 1]} : vector<8x10xf32> to vector<8x1xf32>
    %jit3A_1208 = arith.constant 0.000000e+00 : f32
    %broadcast_in_dim3A_1209 = vector.shape_cast %slice3A_1207 : vector<8x1xf32> to vector<8x1xf32>
    %broadcast_in_dim3A_1210 = vector.broadcast %broadcast_in_dim3A_1209 : vector<8x1xf32> to vector<8x10xf32>
    %broadcast_in_dim3A_1211 = vector.broadcast %jit3A_1208 : f32 to vector<8x10xf32>
    %select_n3A_1212 = arith.select %eq3A_1206, %broadcast_in_dim3A_1210, %broadcast_in_dim3A_1211 : vector<8x10xi1>, vector<8x10xf32>
    %add3A_1213 = arith.addf %add3A_1203, %select_n3A_1212 : vector<8x10xf32>
    %slice3A_1214 = vector.extract_strided_slice %add3A_1179 {offsets = [0, 3], sizes = [8, 1], strides = [1, 1]} : vector<8x10xf32> to vector<8x1xf32>
    %eq3A_1215 = vector.broadcast %slice3A_1214 : vector<8x1xf32> to vector<8x10xf32>
    %eq3A_1216 = arith.cmpf oeq, %eq3A_1215, %convert_element_type3A_1181 : vector<8x10xf32>
    %slice3A_1217 = vector.extract_strided_slice %concatenate3A_1117 {offsets = [0, 3], sizes = [8, 1], strides = [1, 1]} : vector<8x10xf32> to vector<8x1xf32>
    %jit3A_1218 = arith.constant 0.000000e+00 : f32
    %broadcast_in_dim3A_1219 = vector.shape_cast %slice3A_1217 : vector<8x1xf32> to vector<8x1xf32>
    %broadcast_in_dim3A_1220 = vector.broadcast %broadcast_in_dim3A_1219 : vector<8x1xf32> to vector<8x10xf32>
    %broadcast_in_dim3A_1221 = vector.broadcast %jit3A_1218 : f32 to vector<8x10xf32>
    %select_n3A_1222 = arith.select %eq3A_1216, %broadcast_in_dim3A_1220, %broadcast_in_dim3A_1221 : vector<8x10xi1>, vector<8x10xf32>
    %add3A_1223 = arith.addf %add3A_1213, %select_n3A_1222 : vector<8x10xf32>
    %slice3A_1224 = vector.extract_strided_slice %add3A_1179 {offsets = [0, 4], sizes = [8, 1], strides = [1, 1]} : vector<8x10xf32> to vector<8x1xf32>
    %eq3A_1225 = vector.broadcast %slice3A_1224 : vector<8x1xf32> to vector<8x10xf32>
    %eq3A_1226 = arith.cmpf oeq, %eq3A_1225, %convert_element_type3A_1181 : vector<8x10xf32>
    %slice3A_1227 = vector.extract_strided_slice %concatenate3A_1117 {offsets = [0, 4], sizes = [8, 1], strides = [1, 1]} : vector<8x10xf32> to vector<8x1xf32>
    %jit3A_1228 = arith.constant 0.000000e+00 : f32
    %broadcast_in_dim3A_1229 = vector.shape_cast %slice3A_1227 : vector<8x1xf32> to vector<8x1xf32>
    %broadcast_in_dim3A_1230 = vector.broadcast %broadcast_in_dim3A_1229 : vector<8x1xf32> to vector<8x10xf32>
    %broadcast_in_dim3A_1231 = vector.broadcast %jit3A_1228 : f32 to vector<8x10xf32>
    %select_n3A_1232 = arith.select %eq3A_1226, %broadcast_in_dim3A_1230, %broadcast_in_dim3A_1231 : vector<8x10xi1>, vector<8x10xf32>
    %add3A_1233 = arith.addf %add3A_1223, %select_n3A_1232 : vector<8x10xf32>
    %slice3A_1234 = vector.extract_strided_slice %add3A_1179 {offsets = [0, 5], sizes = [8, 1], strides = [1, 1]} : vector<8x10xf32> to vector<8x1xf32>
    %eq3A_1235 = vector.broadcast %slice3A_1234 : vector<8x1xf32> to vector<8x10xf32>
    %eq3A_1236 = arith.cmpf oeq, %eq3A_1235, %convert_element_type3A_1181 : vector<8x10xf32>
    %slice3A_1237 = vector.extract_strided_slice %concatenate3A_1117 {offsets = [0, 5], sizes = [8, 1], strides = [1, 1]} : vector<8x10xf32> to vector<8x1xf32>
    %jit3A_1238 = arith.constant 0.000000e+00 : f32
    %broadcast_in_dim3A_1239 = vector.shape_cast %slice3A_1237 : vector<8x1xf32> to vector<8x1xf32>
    %broadcast_in_dim3A_1240 = vector.broadcast %broadcast_in_dim3A_1239 : vector<8x1xf32> to vector<8x10xf32>
    %broadcast_in_dim3A_1241 = vector.broadcast %jit3A_1238 : f32 to vector<8x10xf32>
    %select_n3A_1242 = arith.select %eq3A_1236, %broadcast_in_dim3A_1240, %broadcast_in_dim3A_1241 : vector<8x10xi1>, vector<8x10xf32>
    %add3A_1243 = arith.addf %add3A_1233, %select_n3A_1242 : vector<8x10xf32>
    %slice3A_1244 = vector.extract_strided_slice %add3A_1179 {offsets = [0, 6], sizes = [8, 1], strides = [1, 1]} : vector<8x10xf32> to vector<8x1xf32>
    %eq3A_1245 = vector.broadcast %slice3A_1244 : vector<8x1xf32> to vector<8x10xf32>
    %eq3A_1246 = arith.cmpf oeq, %eq3A_1245, %convert_element_type3A_1181 : vector<8x10xf32>
    %slice3A_1247 = vector.extract_strided_slice %concatenate3A_1117 {offsets = [0, 6], sizes = [8, 1], strides = [1, 1]} : vector<8x10xf32> to vector<8x1xf32>
    %jit3A_1248 = arith.constant 0.000000e+00 : f32
    %broadcast_in_dim3A_1249 = vector.shape_cast %slice3A_1247 : vector<8x1xf32> to vector<8x1xf32>
    %broadcast_in_dim3A_1250 = vector.broadcast %broadcast_in_dim3A_1249 : vector<8x1xf32> to vector<8x10xf32>
    %broadcast_in_dim3A_1251 = vector.broadcast %jit3A_1248 : f32 to vector<8x10xf32>
    %select_n3A_1252 = arith.select %eq3A_1246, %broadcast_in_dim3A_1250, %broadcast_in_dim3A_1251 : vector<8x10xi1>, vector<8x10xf32>
    %add3A_1253 = arith.addf %add3A_1243, %select_n3A_1252 : vector<8x10xf32>
    %slice3A_1254 = vector.extract_strided_slice %add3A_1179 {offsets = [0, 7], sizes = [8, 1], strides = [1, 1]} : vector<8x10xf32> to vector<8x1xf32>
    %eq3A_1255 = vector.broadcast %slice3A_1254 : vector<8x1xf32> to vector<8x10xf32>
    %eq3A_1256 = arith.cmpf oeq, %eq3A_1255, %convert_element_type3A_1181 : vector<8x10xf32>
    %slice3A_1257 = vector.extract_strided_slice %concatenate3A_1117 {offsets = [0, 7], sizes = [8, 1], strides = [1, 1]} : vector<8x10xf32> to vector<8x1xf32>
    %jit3A_1258 = arith.constant 0.000000e+00 : f32
    %broadcast_in_dim3A_1259 = vector.shape_cast %slice3A_1257 : vector<8x1xf32> to vector<8x1xf32>
    %broadcast_in_dim3A_1260 = vector.broadcast %broadcast_in_dim3A_1259 : vector<8x1xf32> to vector<8x10xf32>
    %broadcast_in_dim3A_1261 = vector.broadcast %jit3A_1258 : f32 to vector<8x10xf32>
    %select_n3A_1262 = arith.select %eq3A_1256, %broadcast_in_dim3A_1260, %broadcast_in_dim3A_1261 : vector<8x10xi1>, vector<8x10xf32>
    %add3A_1263 = arith.addf %add3A_1253, %select_n3A_1262 : vector<8x10xf32>
    %slice3A_1264 = vector.extract_strided_slice %add3A_1179 {offsets = [0, 8], sizes = [8, 1], strides = [1, 1]} : vector<8x10xf32> to vector<8x1xf32>
    %eq3A_1265 = vector.broadcast %slice3A_1264 : vector<8x1xf32> to vector<8x10xf32>
    %eq3A_1266 = arith.cmpf oeq, %eq3A_1265, %convert_element_type3A_1181 : vector<8x10xf32>
    %slice3A_1267 = vector.extract_strided_slice %concatenate3A_1117 {offsets = [0, 8], sizes = [8, 1], strides = [1, 1]} : vector<8x10xf32> to vector<8x1xf32>
    %jit3A_1268 = arith.constant 0.000000e+00 : f32
    %broadcast_in_dim3A_1269 = vector.shape_cast %slice3A_1267 : vector<8x1xf32> to vector<8x1xf32>
    %broadcast_in_dim3A_1270 = vector.broadcast %broadcast_in_dim3A_1269 : vector<8x1xf32> to vector<8x10xf32>
    %broadcast_in_dim3A_1271 = vector.broadcast %jit3A_1268 : f32 to vector<8x10xf32>
    %select_n3A_1272 = arith.select %eq3A_1266, %broadcast_in_dim3A_1270, %broadcast_in_dim3A_1271 : vector<8x10xi1>, vector<8x10xf32>
    %add3A_1273 = arith.addf %add3A_1263, %select_n3A_1272 : vector<8x10xf32>
    %slice3A_1274 = vector.extract_strided_slice %add3A_1179 {offsets = [0, 9], sizes = [8, 1], strides = [1, 1]} : vector<8x10xf32> to vector<8x1xf32>
    %eq3A_1275 = vector.broadcast %slice3A_1274 : vector<8x1xf32> to vector<8x10xf32>
    %eq3A_1276 = arith.cmpf oeq, %eq3A_1275, %convert_element_type3A_1181 : vector<8x10xf32>
    %slice3A_1277 = vector.extract_strided_slice %concatenate3A_1117 {offsets = [0, 9], sizes = [8, 1], strides = [1, 1]} : vector<8x10xf32> to vector<8x1xf32>
    %jit3A_1278 = arith.constant 0.000000e+00 : f32
    %broadcast_in_dim3A_1279 = vector.shape_cast %slice3A_1277 : vector<8x1xf32> to vector<8x1xf32>
    %broadcast_in_dim3A_1280 = vector.broadcast %broadcast_in_dim3A_1279 : vector<8x1xf32> to vector<8x10xf32>
    %broadcast_in_dim3A_1281 = vector.broadcast %jit3A_1278 : f32 to vector<8x10xf32>
    %select_n3A_1282 = arith.select %eq3A_1276, %broadcast_in_dim3A_1280, %broadcast_in_dim3A_1281 : vector<8x10xi1>, vector<8x10xf32>
    %add3A_1283 = arith.addf %add3A_1273, %select_n3A_1282 : vector<8x10xf32>
    %convert_element_type3A_1284 = arith.fptosi %add3A_1283 : vector<8x10xf32> to vector<8x10xi32>
    %swap3A_1285 = arith.constant 0 : index
    %swap3A_1286 = arith.constant 0 : index
    %swap3A_1287 = vector.load %arg3[%swap3A_1285, %swap3A_1286] : memref<8x10xi32, #tpu.memory_space<vmem>>, vector<8x10xi32>
    tpu.vector_store %arg3[%swap3A_1285, %swap3A_1286], %convert_element_type3A_1284 {strides = array<i32>} : memref<8x10xi32, #tpu.memory_space<vmem>>, vector<8x10xi32>,
    return
  }
}

module attributes {stable_mosaic.version = 14 : i64} {
  func.func @_k4_body(%arg0: i32, %arg1: memref<1x512x768xf32, #tpu.memory_space<vmem>>, %arg2: memref<1x1x512xf32, #tpu.memory_space<vmem>>, %arg3: memref<1x2048x2xi32, #tpu.memory_space<vmem>>, %arg4: memref<1x512x2xi32, #tpu.memory_space<vmem>>, %arg5: memref<1x1x2048xf32, #tpu.memory_space<vmem>>, %arg6: memref<1x1x512xf32, #tpu.memory_space<vmem>>, %arg7: memref<1x1x30xi32, #tpu.memory_space<vmem>>, %arg8: memref<1x1x10xi32, #tpu.memory_space<vmem>>, %arg9: memref<64x128xf32, #tpu.memory_space<vmem>>, %arg10: memref<1536x768xf32, #tpu.memory_space<vmem>>, %arg11: memref<2432x768xf32, #tpu.memory_space<vmem>>, %arg12: memref<1x768xf32, #tpu.memory_space<vmem>>, %arg13: memref<768x66xf32, #tpu.memory_space<vmem>>, %arg14: memref<1x66xf32, #tpu.memory_space<vmem>>, %arg15: memref<1x300x67xf32, #tpu.memory_space<vmem>>, %arg16: memref<1x30x2xi32, #tpu.memory_space<vmem>>, %arg17: memref<1x10x2xi32, #tpu.memory_space<vmem>>) attributes {dimension_semantics = [#tpu.dimension_semantics<arbitrary>], iteration_bounds = array<i64: 8>, scalar_prefetch = 0 : i64, scratch_operands = 0 : i64, tpu.core_type = #tpu.core_type<tc>, window_params = [{transform_indices = @transform_0, window_bounds = array<i64: 1, 512, 768>}, {transform_indices = @transform_1, window_bounds = array<i64: 1, 1, 512>}, {transform_indices = @transform_2, window_bounds = array<i64: 1, 2048, 2>}, {transform_indices = @transform_3, window_bounds = array<i64: 1, 512, 2>}, {transform_indices = @transform_4, window_bounds = array<i64: 1, 1, 2048>}, {transform_indices = @transform_5, window_bounds = array<i64: 1, 1, 512>}, {transform_indices = @transform_6, window_bounds = array<i64: 1, 1, 30>}, {transform_indices = @transform_7, window_bounds = array<i64: 1, 1, 10>}, {pipeline_mode = #tpu.pipeline_mode<synchronous>, transform_indices = @transform_8, window_bounds = array<i64: 64, 128>}, {pipeline_mode = #tpu.pipeline_mode<synchronous>, transform_indices = @transform_9, window_bounds = array<i64: 1536, 768>}, {pipeline_mode = #tpu.pipeline_mode<synchronous>, transform_indices = @transform_10, window_bounds = array<i64: 2432, 768>}, {pipeline_mode = #tpu.pipeline_mode<synchronous>, transform_indices = @transform_11, window_bounds = array<i64: 1, 768>}, {pipeline_mode = #tpu.pipeline_mode<synchronous>, transform_indices = @transform_12, window_bounds = array<i64: 768, 66>}, {pipeline_mode = #tpu.pipeline_mode<synchronous>, transform_indices = @transform_13, window_bounds = array<i64: 1, 66>}, {transform_indices = @transform_14, window_bounds = array<i64: 1, 300, 67>}, {transform_indices = @transform_15, window_bounds = array<i64: 1, 30, 2>}, {transform_indices = @transform_16, window_bounds = array<i64: 1, 10, 2>}]} {
    %get3A = arith.constant 0 : index
    %get3A_0 = arith.constant 0 : index
    %get3A_1 = arith.constant 0 : index
    %get3A_2 = vector.load %arg1[%get3A, %get3A_0, %get3A_1] : memref<1x512x768xf32, #tpu.memory_space<vmem>>, vector<1x512x768xf32>
    %get3A_3 = vector.shape_cast %get3A_2 : vector<1x512x768xf32> to vector<512x768xf32>
    %get3A_4 = arith.constant 0 : index
    %get3A_5 = arith.constant 0 : index
    %get3A_6 = arith.constant 0 : index
    %get3A_7 = vector.load %arg2[%get3A_4, %get3A_5, %get3A_6] : memref<1x1x512xf32, #tpu.memory_space<vmem>>, vector<1x1x512xf32>
    %get3A_8 = vector.shape_cast %get3A_7 : vector<1x1x512xf32> to vector<1x512xf32>
    %get3A_9 = arith.constant 0 : index
    %get3A_10 = arith.constant 0 : index
    %get3A_11 = arith.constant 0 : index
    %get3A_12 = vector.load %arg7[%get3A_9, %get3A_10, %get3A_11] : memref<1x1x30xi32, #tpu.memory_space<vmem>>, vector<1x1x30xi32>
    %get3A_13 = vector.shape_cast %get3A_12 : vector<1x1x30xi32> to vector<30xi32>
    %get3A_14 = arith.constant 0 : index
    %get3A_15 = arith.constant 0 : index
    %get3A_16 = arith.constant 0 : index
    %get3A_17 = vector.load %arg8[%get3A_14, %get3A_15, %get3A_16] : memref<1x1x10xi32, #tpu.memory_space<vmem>>, vector<1x1x10xi32>
    %get3A_18 = vector.shape_cast %get3A_17 : vector<1x1x10xi32> to vector<10xi32>
    %iota3A = tpu.iota {dimensions = array<i32: 1>} : vector<30x2048xi32>
    %broadcast_in_dim3A = vector.shape_cast %get3A_13 : vector<30xi32> to vector<30x1xi32>
    %eq3A = vector.broadcast %broadcast_in_dim3A : vector<30x1xi32> to vector<30x2048xi32>
    %eq3A_19 = arith.cmpi eq, %iota3A, %eq3A : vector<30x2048xi32>
    %convert_element_type3A = arith.extui %eq3A_19 : vector<30x2048xi1> to vector<30x2048xi32>
    %convert_element_type3A_20 = arith.sitofp %convert_element_type3A : vector<30x2048xi32> to vector<30x2048xf32>
    %get3A_21 = arith.constant 0 : index
    %get3A_22 = arith.constant 0 : index
    %get3A_23 = arith.constant 0 : index
    %get3A_24 = vector.load %arg3[%get3A_21, %get3A_22, %get3A_23] : memref<1x2048x2xi32, #tpu.memory_space<vmem>>, vector<1x2048x2xi32>
    %get3A_25 = vector.shape_cast %get3A_24 : vector<1x2048x2xi32> to vector<2048x2xi32>
    %convert_element_type3A_26 = arith.sitofp %get3A_25 : vector<2048x2xi32> to vector<2048x2xf32>
    %get3A_27 = arith.constant 0 : index
    %get3A_28 = arith.constant 0 : index
    %get3A_29 = arith.constant 0 : index
    %get3A_30 = vector.load %arg5[%get3A_27, %get3A_28, %get3A_29] : memref<1x1x2048xf32, #tpu.memory_space<vmem>>, vector<1x1x2048xf32>
    %get3A_31 = vector.shape_cast %get3A_30 : vector<1x1x2048xf32> to vector<1x2048xf32>
    %transpose3A = tpu.transpose %get3A_31, [1, 0] : vector<1x2048xf32> -> vector<2048x1xf32>
    %concatenate3A = tpu.concatenate %convert_element_type3A_26, %transpose3A in 1 : vector<2048x2xf32>, vector<2048x1xf32> -> vector<2048x3xf32>
    %convert_element_type3A_32 = arith.truncf %concatenate3A : vector<2048x3xf32> to vector<2048x3xbf16>
    %convert_element_type3A_33 = arith.extf %convert_element_type3A_32 : vector<2048x3xbf16> to vector<2048x3xf32>
    %sub3A = arith.subf %concatenate3A, %convert_element_type3A_33 : vector<2048x3xf32>
    %convert_element_type3A_34 = arith.truncf %sub3A : vector<2048x3xf32> to vector<2048x3xbf16>
    %convert_element_type3A_35 = arith.extf %convert_element_type3A_34 : vector<2048x3xbf16> to vector<2048x3xf32>
    %sub3A_36 = arith.subf %sub3A, %convert_element_type3A_35 : vector<2048x3xf32>
    %dot_general3A = arith.constant dense<0.000000e+00> : vector<30x3xf32>
    %dot_general3A_37 = tpu.matmul %convert_element_type3A_20, %convert_element_type3A_33, %dot_general3A {dimension_numbers = #tpu.dot_dimension_numbers<[1], [0], [0], [1], [0, 0, 1, 1], [], []>, transpose_lhs_hint = false} : vector<30x2048xf32>, vector<2048x3xf32>, vector<30x3xf32> -> vector<30x3xf32>
    %dot_general3A_38 = arith.constant dense<0.000000e+00> : vector<30x3xf32>
    %dot_general3A_39 = tpu.matmul %convert_element_type3A_20, %convert_element_type3A_35, %dot_general3A_38 {dimension_numbers = #tpu.dot_dimension_numbers<[1], [0], [0], [1], [0, 0, 1, 1], [], []>, transpose_lhs_hint = false} : vector<30x2048xf32>, vector<2048x3xf32>, vector<30x3xf32> -> vector<30x3xf32>
    %add3A = arith.addf %dot_general3A_37, %dot_general3A_39 : vector<30x3xf32>
    %dot_general3A_40 = arith.constant dense<0.000000e+00> : vector<30x3xf32>
    %dot_general3A_41 = tpu.matmul %convert_element_type3A_20, %sub3A_36, %dot_general3A_40 {dimension_numbers = #tpu.dot_dimension_numbers<[1], [0], [0], [1], [0, 0, 1, 1], [], []>, transpose_lhs_hint = false} : vector<30x2048xf32>, vector<2048x3xf32>, vector<30x3xf32> -> vector<30x3xf32>
    %add3A_42 = arith.addf %add3A, %dot_general3A_41 : vector<30x3xf32>
    %slice3A = vector.extract_strided_slice %add3A_42 {offsets = [0, 0], sizes = [30, 2], strides = [1, 1]} : vector<30x3xf32> to vector<30x2xf32>
    %convert_element_type3A_43 = arith.fptosi %slice3A : vector<30x2xf32> to vector<30x2xi32>
    %swap3A = arith.constant 0 : index
    %swap3A_44 = arith.constant 0 : index
    %swap3A_45 = arith.constant 0 : index
    %swap3A_46 = vector.load %arg16[%swap3A, %swap3A_44, %swap3A_45] : memref<1x30x2xi32, #tpu.memory_space<vmem>>, vector<1x30x2xi32>
    %swap3A_47 = vector.shape_cast %swap3A_46 : vector<1x30x2xi32> to vector<30x2xi32>
    %swap3A_48 = vector.shape_cast %convert_element_type3A_43 : vector<30x2xi32> to vector<1x30x2xi32>
    tpu.vector_store %arg16[%swap3A, %swap3A_44, %swap3A_45], %swap3A_48 {strides = array<i32>} : memref<1x30x2xi32, #tpu.memory_space<vmem>>, vector<1x30x2xi32>,
    %slice3A_49 = vector.extract_strided_slice %add3A_42 {offsets = [0, 2], sizes = [30, 1], strides = [1, 1]} : vector<30x3xf32> to vector<30x1xf32>
    %iota3A_50 = tpu.iota {dimensions = array<i32: 1>} : vector<10x512xi32>
    %broadcast_in_dim3A_51 = vector.shape_cast %get3A_18 : vector<10xi32> to vector<10x1xi32>
    %eq3A_52 = vector.broadcast %broadcast_in_dim3A_51 : vector<10x1xi32> to vector<10x512xi32>
    %eq3A_53 = arith.cmpi eq, %iota3A_50, %eq3A_52 : vector<10x512xi32>
    %convert_element_type3A_54 = arith.extui %eq3A_53 : vector<10x512xi1> to vector<10x512xi32>
    %convert_element_type3A_55 = arith.sitofp %convert_element_type3A_54 : vector<10x512xi32> to vector<10x512xf32>
    %get3A_56 = arith.constant 0 : index
    %get3A_57 = arith.constant 0 : index
    %get3A_58 = arith.constant 0 : index
    %get3A_59 = vector.load %arg4[%get3A_56, %get3A_57, %get3A_58] : memref<1x512x2xi32, #tpu.memory_space<vmem>>, vector<1x512x2xi32>
    %get3A_60 = vector.shape_cast %get3A_59 : vector<1x512x2xi32> to vector<512x2xi32>
    %convert_element_type3A_61 = arith.sitofp %get3A_60 : vector<512x2xi32> to vector<512x2xf32>
    %get3A_62 = arith.constant 0 : index
    %get3A_63 = arith.constant 0 : index
    %get3A_64 = arith.constant 0 : index
    %get3A_65 = vector.load %arg6[%get3A_62, %get3A_63, %get3A_64] : memref<1x1x512xf32, #tpu.memory_space<vmem>>, vector<1x1x512xf32>
    %get3A_66 = vector.shape_cast %get3A_65 : vector<1x1x512xf32> to vector<1x512xf32>
    %transpose3A_67 = tpu.transpose %get3A_66, [1, 0] : vector<1x512xf32> -> vector<512x1xf32>
    %concatenate3A_68 = tpu.concatenate %convert_element_type3A_61, %transpose3A_67 in 1 : vector<512x2xf32>, vector<512x1xf32> -> vector<512x3xf32>
    %convert_element_type3A_69 = arith.truncf %concatenate3A_68 : vector<512x3xf32> to vector<512x3xbf16>
    %convert_element_type3A_70 = arith.extf %convert_element_type3A_69 : vector<512x3xbf16> to vector<512x3xf32>
    %sub3A_71 = arith.subf %concatenate3A_68, %convert_element_type3A_70 : vector<512x3xf32>
    %convert_element_type3A_72 = arith.truncf %sub3A_71 : vector<512x3xf32> to vector<512x3xbf16>
    %convert_element_type3A_73 = arith.extf %convert_element_type3A_72 : vector<512x3xbf16> to vector<512x3xf32>
    %sub3A_74 = arith.subf %sub3A_71, %convert_element_type3A_73 : vector<512x3xf32>
    %dot_general3A_75 = arith.constant dense<0.000000e+00> : vector<10x3xf32>
    %dot_general3A_76 = tpu.matmul %convert_element_type3A_55, %convert_element_type3A_70, %dot_general3A_75 {dimension_numbers = #tpu.dot_dimension_numbers<[1], [0], [0], [1], [0, 0, 1, 1], [], []>, transpose_lhs_hint = false} : vector<10x512xf32>, vector<512x3xf32>, vector<10x3xf32> -> vector<10x3xf32>
    %dot_general3A_77 = arith.constant dense<0.000000e+00> : vector<10x3xf32>
    %dot_general3A_78 = tpu.matmul %convert_element_type3A_55, %convert_element_type3A_73, %dot_general3A_77 {dimension_numbers = #tpu.dot_dimension_numbers<[1], [0], [0], [1], [0, 0, 1, 1], [], []>, transpose_lhs_hint = false} : vector<10x512xf32>, vector<512x3xf32>, vector<10x3xf32> -> vector<10x3xf32>
    %add3A_79 = arith.addf %dot_general3A_76, %dot_general3A_78 : vector<10x3xf32>
    %dot_general3A_80 = arith.constant dense<0.000000e+00> : vector<10x3xf32>
    %dot_general3A_81 = tpu.matmul %convert_element_type3A_55, %sub3A_74, %dot_general3A_80 {dimension_numbers = #tpu.dot_dimension_numbers<[1], [0], [0], [1], [0, 0, 1, 1], [], []>, transpose_lhs_hint = false} : vector<10x512xf32>, vector<512x3xf32>, vector<10x3xf32> -> vector<10x3xf32>
    %add3A_82 = arith.addf %add3A_79, %dot_general3A_81 : vector<10x3xf32>
    %slice3A_83 = vector.extract_strided_slice %add3A_82 {offsets = [0, 0], sizes = [10, 2], strides = [1, 1]} : vector<10x3xf32> to vector<10x2xf32>
    %convert_element_type3A_84 = arith.fptosi %slice3A_83 : vector<10x2xf32> to vector<10x2xi32>
    %swap3A_85 = arith.constant 0 : index
    %swap3A_86 = arith.constant 0 : index
    %swap3A_87 = arith.constant 0 : index
    %swap3A_88 = vector.load %arg17[%swap3A_85, %swap3A_86, %swap3A_87] : memref<1x10x2xi32, #tpu.memory_space<vmem>>, vector<1x10x2xi32>
    %swap3A_89 = vector.shape_cast %swap3A_88 : vector<1x10x2xi32> to vector<10x2xi32>
    %swap3A_90 = vector.shape_cast %convert_element_type3A_84 : vector<10x2xi32> to vector<1x10x2xi32>
    tpu.vector_store %arg17[%swap3A_85, %swap3A_86, %swap3A_87], %swap3A_90 {strides = array<i32>} : memref<1x10x2xi32, #tpu.memory_space<vmem>>, vector<1x10x2xi32>,
    %slice3A_91 = vector.extract_strided_slice %add3A_82 {offsets = [0, 2], sizes = [10, 1], strides = [1, 1]} : vector<10x3xf32> to vector<10x1xf32>
    %slice3A_92 = vector.extract_strided_slice %slice3A {offsets = [0, 0], sizes = [30, 1], strides = [1, 1]} : vector<30x2xf32> to vector<30x1xf32>
    %convert_element_type3A_93 = arith.fptosi %slice3A_92 : vector<30x1xf32> to vector<30x1xi32>
    %slice3A_94 = vector.extract_strided_slice %slice3A {offsets = [0, 1], sizes = [30, 1], strides = [1, 1]} : vector<30x2xf32> to vector<30x1xf32>
    %convert_element_type3A_95 = arith.fptosi %slice3A_94 : vector<30x1xf32> to vector<30x1xi32>
    %sub3A_96 = arith.subi %convert_element_type3A_95, %convert_element_type3A_93 : vector<30x1xi32>
    %iota3A_97 = tpu.iota {dimensions = array<i32: 1>} : vector<30x512xi32>
    %ge3A = vector.broadcast %convert_element_type3A_93 : vector<30x1xi32> to vector<30x512xi32>
    %ge3A_98 = arith.cmpi sge, %iota3A_97, %ge3A : vector<30x512xi32>
    %le3A = vector.broadcast %convert_element_type3A_95 : vector<30x1xi32> to vector<30x512xi32>
    %le3A_99 = arith.cmpi sle, %iota3A_97, %le3A : vector<30x512xi32>
    %and3A = arith.andi %ge3A_98, %le3A_99 : vector<30x512xi1>
    %jit3A = arith.constant -1.000000e+30 : f32
    %broadcast_in_dim3A_100 = vector.shape_cast %get3A_8 : vector<1x512xf32> to vector<1x512xf32>
    %broadcast_in_dim3A_101 = vector.broadcast %broadcast_in_dim3A_100 : vector<1x512xf32> to vector<30x512xf32>
    %broadcast_in_dim3A_102 = vector.broadcast %jit3A : f32 to vector<30x512xf32>
    %select_n3A = arith.select %and3A, %broadcast_in_dim3A_101, %broadcast_in_dim3A_102 : vector<30x512xi1>, vector<30x512xf32>
    %reduce_max3A = arith.constant dense<0xFF800000> : vector<30xf32>
    %reduce_max3A_103 = vector.multi_reduction <maximumf>, %select_n3A, %reduce_max3A [1] : vector<30x512xf32> to vector<30xf32>
    %broadcast_in_dim3A_104 = vector.shape_cast %reduce_max3A_103 : vector<30xf32> to vector<30x1xf32>
    %sub3A_105 = vector.broadcast %broadcast_in_dim3A_104 : vector<30x1xf32> to vector<30x512xf32>
    %sub3A_106 = arith.subf %select_n3A, %sub3A_105 : vector<30x512xf32>
    %exp3A = math.exp %sub3A_106 : vector<30x512xf32>
    %reduce_sum3A = arith.constant dense<0.000000e+00> : vector<30xf32>
    %reduce_sum3A_107 = vector.multi_reduction <add>, %exp3A, %reduce_sum3A [1] : vector<30x512xf32> to vector<30xf32>
    %broadcast_in_dim3A_108 = vector.shape_cast %reduce_sum3A_107 : vector<30xf32> to vector<30x1xf32>
    %div3A = vector.broadcast %broadcast_in_dim3A_108 : vector<30x1xf32> to vector<30x512xf32>
    %div3A_109 = arith.divf %exp3A, %div3A : vector<30x512xf32>
    %dot_general3A_110 = arith.constant dense<0.000000e+00> : vector<30x768xf32>
    %dot_general3A_111 = tpu.matmul %div3A_109, %get3A_3, %dot_general3A_110 {dimension_numbers = #tpu.dot_dimension_numbers<[1], [0], [0], [1], [0, 0, 1, 1], [], []>, transpose_lhs_hint = false} : vector<30x512xf32>, vector<512x768xf32>, vector<30x768xf32> -> vector<30x768xf32>
    %eq3A_112 = vector.broadcast %convert_element_type3A_93 : vector<30x1xi32> to vector<30x512xi32>
    %eq3A_113 = arith.cmpi eq, %iota3A_97, %eq3A_112 : vector<30x512xi32>
    %convert_element_type3A_114 = arith.extui %eq3A_113 : vector<30x512xi1> to vector<30x512xi32>
    %convert_element_type3A_115 = arith.sitofp %convert_element_type3A_114 : vector<30x512xi32> to vector<30x512xf32>
    %eq3A_116 = vector.broadcast %convert_element_type3A_95 : vector<30x1xi32> to vector<30x512xi32>
    %eq3A_117 = arith.cmpi eq, %iota3A_97, %eq3A_116 : vector<30x512xi32>
    %convert_element_type3A_118 = arith.extui %eq3A_117 : vector<30x512xi1> to vector<30x512xi32>
    %convert_element_type3A_119 = arith.sitofp %convert_element_type3A_118 : vector<30x512xi32> to vector<30x512xf32>
    %convert_element_type3A_120 = arith.truncf %get3A_3 : vector<512x768xf32> to vector<512x768xbf16>
    %convert_element_type3A_121 = arith.extf %convert_element_type3A_120 : vector<512x768xbf16> to vector<512x768xf32>
    %sub3A_122 = arith.subf %get3A_3, %convert_element_type3A_121 : vector<512x768xf32>
    %convert_element_type3A_123 = arith.truncf %sub3A_122 : vector<512x768xf32> to vector<512x768xbf16>
    %convert_element_type3A_124 = arith.extf %convert_element_type3A_123 : vector<512x768xbf16> to vector<512x768xf32>
    %sub3A_125 = arith.subf %sub3A_122, %convert_element_type3A_124 : vector<512x768xf32>
    %dot_general3A_126 = arith.constant dense<0.000000e+00> : vector<30x768xf32>
    %dot_general3A_127 = tpu.matmul %convert_element_type3A_115, %convert_element_type3A_121, %dot_general3A_126 {dimension_numbers = #tpu.dot_dimension_numbers<[1], [0], [0], [1], [0, 0, 1, 1], [], []>, transpose_lhs_hint = false} : vector<30x512xf32>, vector<512x768xf32>, vector<30x768xf32> -> vector<30x768xf32>
    %dot_general3A_128 = arith.constant dense<0.000000e+00> : vector<30x768xf32>
    %dot_general3A_129 = tpu.matmul %convert_element_type3A_115, %convert_element_type3A_124, %dot_general3A_128 {dimension_numbers = #tpu.dot_dimension_numbers<[1], [0], [0], [1], [0, 0, 1, 1], [], []>, transpose_lhs_hint = false} : vector<30x512xf32>, vector<512x768xf32>, vector<30x768xf32> -> vector<30x768xf32>
    %add3A_130 = arith.addf %dot_general3A_127, %dot_general3A_129 : vector<30x768xf32>
    %dot_general3A_131 = arith.constant dense<0.000000e+00> : vector<30x768xf32>
    %dot_general3A_132 = tpu.matmul %convert_element_type3A_115, %sub3A_125, %dot_general3A_131 {dimension_numbers = #tpu.dot_dimension_numbers<[1], [0], [0], [1], [0, 0, 1, 1], [], []>, transpose_lhs_hint = false} : vector<30x512xf32>, vector<512x768xf32>, vector<30x768xf32> -> vector<30x768xf32>
    %add3A_133 = arith.addf %add3A_130, %dot_general3A_132 : vector<30x768xf32>
    %convert_element_type3A_134 = arith.truncf %get3A_3 : vector<512x768xf32> to vector<512x768xbf16>
    %convert_element_type3A_135 = arith.extf %convert_element_type3A_134 : vector<512x768xbf16> to vector<512x768xf32>
    %sub3A_136 = arith.subf %get3A_3, %convert_element_type3A_135 : vector<512x768xf32>
    %convert_element_type3A_137 = arith.truncf %sub3A_136 : vector<512x768xf32> to vector<512x768xbf16>
    %convert_element_type3A_138 = arith.extf %convert_element_type3A_137 : vector<512x768xbf16> to vector<512x768xf32>
    %sub3A_139 = arith.subf %sub3A_136, %convert_element_type3A_138 : vector<512x768xf32>
    %dot_general3A_140 = arith.constant dense<0.000000e+00> : vector<30x768xf32>
    %dot_general3A_141 = tpu.matmul %convert_element_type3A_119, %convert_element_type3A_135, %dot_general3A_140 {dimension_numbers = #tpu.dot_dimension_numbers<[1], [0], [0], [1], [0, 0, 1, 1], [], []>, transpose_lhs_hint = false} : vector<30x512xf32>, vector<512x768xf32>, vector<30x768xf32> -> vector<30x768xf32>
    %dot_general3A_142 = arith.constant dense<0.000000e+00> : vector<30x768xf32>
    %dot_general3A_143 = tpu.matmul %convert_element_type3A_119, %convert_element_type3A_138, %dot_general3A_142 {dimension_numbers = #tpu.dot_dimension_numbers<[1], [0], [0], [1], [0, 0, 1, 1], [], []>, transpose_lhs_hint = false} : vector<30x512xf32>, vector<512x768xf32>, vector<30x768xf32> -> vector<30x768xf32>
    %add3A_144 = arith.addf %dot_general3A_141, %dot_general3A_143 : vector<30x768xf32>
    %dot_general3A_145 = arith.constant dense<0.000000e+00> : vector<30x768xf32>
    %dot_general3A_146 = tpu.matmul %convert_element_type3A_119, %sub3A_139, %dot_general3A_145 {dimension_numbers = #tpu.dot_dimension_numbers<[1], [0], [0], [1], [0, 0, 1, 1], [], []>, transpose_lhs_hint = false} : vector<30x512xf32>, vector<512x768xf32>, vector<30x768xf32> -> vector<30x768xf32>
    %add3A_147 = arith.addf %add3A_144, %dot_general3A_146 : vector<30x768xf32>
    %iota3A_148 = tpu.iota {dimensions = array<i32: 1>} : vector<30x64xi32>
    %eq3A_149 = vector.broadcast %sub3A_96 : vector<30x1xi32> to vector<30x64xi32>
    %eq3A_150 = arith.cmpi eq, %iota3A_148, %eq3A_149 : vector<30x64xi32>
    %convert_element_type3A_151 = arith.extui %eq3A_150 : vector<30x64xi1> to vector<30x64xi32>
    %convert_element_type3A_152 = arith.sitofp %convert_element_type3A_151 : vector<30x64xi32> to vector<30x64xf32>
    %get3A_153 = arith.constant 0 : index
    %get3A_154 = arith.constant 0 : index
    %get3A_155 = vector.load %arg9[%get3A_153, %get3A_154] : memref<64x128xf32, #tpu.memory_space<vmem>>, vector<64x128xf32>
    %convert_element_type3A_156 = arith.truncf %get3A_155 : vector<64x128xf32> to vector<64x128xbf16>
    %convert_element_type3A_157 = arith.extf %convert_element_type3A_156 : vector<64x128xbf16> to vector<64x128xf32>
    %sub3A_158 = arith.subf %get3A_155, %convert_element_type3A_157 : vector<64x128xf32>
    %convert_element_type3A_159 = arith.truncf %sub3A_158 : vector<64x128xf32> to vector<64x128xbf16>
    %convert_element_type3A_160 = arith.extf %convert_element_type3A_159 : vector<64x128xbf16> to vector<64x128xf32>
    %sub3A_161 = arith.subf %sub3A_158, %convert_element_type3A_160 : vector<64x128xf32>
    %dot_general3A_162 = arith.constant dense<0.000000e+00> : vector<30x128xf32>
    %dot_general3A_163 = tpu.matmul %convert_element_type3A_152, %convert_element_type3A_157, %dot_general3A_162 {dimension_numbers = #tpu.dot_dimension_numbers<[1], [0], [0], [1], [0, 0, 1, 1], [], []>, transpose_lhs_hint = false} : vector<30x64xf32>, vector<64x128xf32>, vector<30x128xf32> -> vector<30x128xf32>
    %dot_general3A_164 = arith.constant dense<0.000000e+00> : vector<30x128xf32>
    %dot_general3A_165 = tpu.matmul %convert_element_type3A_152, %convert_element_type3A_160, %dot_general3A_164 {dimension_numbers = #tpu.dot_dimension_numbers<[1], [0], [0], [1], [0, 0, 1, 1], [], []>, transpose_lhs_hint = false} : vector<30x64xf32>, vector<64x128xf32>, vector<30x128xf32> -> vector<30x128xf32>
    %add3A_166 = arith.addf %dot_general3A_163, %dot_general3A_165 : vector<30x128xf32>
    %dot_general3A_167 = arith.constant dense<0.000000e+00> : vector<30x128xf32>
    %dot_general3A_168 = tpu.matmul %convert_element_type3A_152, %sub3A_161, %dot_general3A_167 {dimension_numbers = #tpu.dot_dimension_numbers<[1], [0], [0], [1], [0, 0, 1, 1], [], []>, transpose_lhs_hint = false} : vector<30x64xf32>, vector<64x128xf32>, vector<30x128xf32> -> vector<30x128xf32>
    %add3A_169 = arith.addf %add3A_166, %dot_general3A_168 : vector<30x128xf32>
    %concatenate3A_170 = tpu.concatenate %add3A_133, %add3A_147, %add3A_169, %dot_general3A_111 in 1 : vector<30x768xf32>, vector<30x768xf32>, vector<30x128xf32>, vector<30x768xf32> -> vector<30x2432xf32>
    %get3A_171 = arith.constant 0 : index
    %get3A_172 = arith.constant 0 : index
    %get3A_173 = vector.load %arg11[%get3A_171, %get3A_172] : memref<2432x768xf32, #tpu.memory_space<vmem>>, vector<2432x768xf32>
    %dot_general3A_174 = arith.constant dense<0.000000e+00> : vector<30x768xf32>
    %dot_general3A_175 = tpu.matmul %concatenate3A_170, %get3A_173, %dot_general3A_174 {dimension_numbers = #tpu.dot_dimension_numbers<[1], [0], [0], [1], [0, 0, 1, 1], [], []>, transpose_lhs_hint = false} : vector<30x2432xf32>, vector<2432x768xf32>, vector<30x768xf32> -> vector<30x768xf32>
    %slice3A_176 = vector.extract_strided_slice %slice3A_83 {offsets = [0, 0], sizes = [10, 1], strides = [1, 1]} : vector<10x2xf32> to vector<10x1xf32>
    %convert_element_type3A_177 = arith.fptosi %slice3A_176 : vector<10x1xf32> to vector<10x1xi32>
    %iota3A_178 = tpu.iota {dimensions = array<i32: 1>} : vector<10x512xi32>
    %eq3A_179 = vector.broadcast %convert_element_type3A_177 : vector<10x1xi32> to vector<10x512xi32>
    %eq3A_180 = arith.cmpi eq, %iota3A_178, %eq3A_179 : vector<10x512xi32>
    %convert_element_type3A_181 = arith.extui %eq3A_180 : vector<10x512xi1> to vector<10x512xi32>
    %convert_element_type3A_182 = arith.sitofp %convert_element_type3A_181 : vector<10x512xi32> to vector<10x512xf32>
    %convert_element_type3A_183 = arith.truncf %get3A_3 : vector<512x768xf32> to vector<512x768xbf16>
    %convert_element_type3A_184 = arith.extf %convert_element_type3A_183 : vector<512x768xbf16> to vector<512x768xf32>
    %sub3A_185 = arith.subf %get3A_3, %convert_element_type3A_184 : vector<512x768xf32>
    %convert_element_type3A_186 = arith.truncf %sub3A_185 : vector<512x768xf32> to vector<512x768xbf16>
    %convert_element_type3A_187 = arith.extf %convert_element_type3A_186 : vector<512x768xbf16> to vector<512x768xf32>
    %sub3A_188 = arith.subf %sub3A_185, %convert_element_type3A_187 : vector<512x768xf32>
    %dot_general3A_189 = arith.constant dense<0.000000e+00> : vector<10x768xf32>
    %dot_general3A_190 = tpu.matmul %convert_element_type3A_182, %convert_element_type3A_184, %dot_general3A_189 {dimension_numbers = #tpu.dot_dimension_numbers<[1], [0], [0], [1], [0, 0, 1, 1], [], []>, transpose_lhs_hint = false} : vector<10x512xf32>, vector<512x768xf32>, vector<10x768xf32> -> vector<10x768xf32>
    %dot_general3A_191 = arith.constant dense<0.000000e+00> : vector<10x768xf32>
    %dot_general3A_192 = tpu.matmul %convert_element_type3A_182, %convert_element_type3A_187, %dot_general3A_191 {dimension_numbers = #tpu.dot_dimension_numbers<[1], [0], [0], [1], [0, 0, 1, 1], [], []>, transpose_lhs_hint = false} : vector<10x512xf32>, vector<512x768xf32>, vector<10x768xf32> -> vector<10x768xf32>
    %add3A_193 = arith.addf %dot_general3A_190, %dot_general3A_192 : vector<10x768xf32>
    %dot_general3A_194 = arith.constant dense<0.000000e+00> : vector<10x768xf32>
    %dot_general3A_195 = tpu.matmul %convert_element_type3A_182, %sub3A_188, %dot_general3A_194 {dimension_numbers = #tpu.dot_dimension_numbers<[1], [0], [0], [1], [0, 0, 1, 1], [], []>, transpose_lhs_hint = false} : vector<10x512xf32>, vector<512x768xf32>, vector<10x768xf32> -> vector<10x768xf32>
    %add3A_196 = arith.addf %add3A_193, %dot_general3A_195 : vector<10x768xf32>
    %concatenate3A_197 = tpu.concatenate %add3A_196, %add3A_196 in 1 : vector<10x768xf32>, vector<10x768xf32> -> vector<10x1536xf32>
    %get3A_198 = arith.constant 0 : index
    %get3A_199 = arith.constant 0 : index
    %get3A_200 = vector.load %arg10[%get3A_198, %get3A_199] : memref<1536x768xf32, #tpu.memory_space<vmem>>, vector<1536x768xf32>
    %dot_general3A_201 = arith.constant dense<0.000000e+00> : vector<10x768xf32>
    %dot_general3A_202 = tpu.matmul %concatenate3A_197, %get3A_200, %dot_general3A_201 {dimension_numbers = #tpu.dot_dimension_numbers<[1], [0], [0], [1], [0, 0, 1, 1], [], []>, transpose_lhs_hint = false} : vector<10x1536xf32>, vector<1536x768xf32>, vector<10x768xf32> -> vector<10x768xf32>
    %iota3A_203 = tpu.iota {dimensions = array<i32: 0>} : vector<300x10xi32>
    %jit3A_204 = arith.constant 30 : i32
    %div3A_205 = vector.broadcast %jit3A_204 : i32 to vector<300x10xi32>
    %div3A_206 = arith.divsi %iota3A_203, %div3A_205 : vector<300x10xi32>
    %sign3A = arith.constant 0 : i32
    %sign3A_207 = vector.broadcast %sign3A : i32 to vector<300x10xi32>
    %sign3A_208 = arith.cmpi sgt, %iota3A_203, %sign3A_207 : vector<300x10xi32>
    %sign3A_209 = arith.extui %sign3A_208 : vector<300x10xi1> to vector<300x10xi32>
    %sign3A_210 = arith.constant 0 : i32
    %sign3A_211 = vector.broadcast %sign3A_210 : i32 to vector<300x10xi32>
    %sign3A_212 = arith.cmpi slt, %iota3A_203, %sign3A_211 : vector<300x10xi32>
    %sign3A_213 = arith.extui %sign3A_212 : vector<300x10xi1> to vector<300x10xi32>
    %sign3A_214 = arith.subi %sign3A_209, %sign3A_213 : vector<300x10xi32>
    %sign3A_215 = arith.constant 0 : i32
    %sign3A_216 = arith.cmpi sgt, %jit3A_204, %sign3A_215 : i32
    %sign3A_217 = arith.extui %sign3A_216 : i1 to i32
    %sign3A_218 = arith.constant 0 : i32
    %sign3A_219 = arith.cmpi slt, %jit3A_204, %sign3A_218 : i32
    %sign3A_220 = arith.extui %sign3A_219 : i1 to i32
    %sign3A_221 = arith.subi %sign3A_217, %sign3A_220 : i32
    %ne3A = vector.broadcast %sign3A_221 : i32 to vector<300x10xi32>
    %ne3A_222 = arith.cmpi ne, %sign3A_214, %ne3A : vector<300x10xi32>
    %rem3A = vector.broadcast %jit3A_204 : i32 to vector<300x10xi32>
    %rem3A_223 = arith.remsi %iota3A_203, %rem3A : vector<300x10xi32>
    %ne3A_224 = arith.constant 0 : i32
    %ne3A_225 = vector.broadcast %ne3A_224 : i32 to vector<300x10xi32>
    %ne3A_226 = arith.cmpi ne, %rem3A_223, %ne3A_225 : vector<300x10xi32>
    %and3A_227 = arith.andi %ne3A_222, %ne3A_226 : vector<300x10xi1>
    %sub3A_228 = arith.constant 1 : i32
    %sub3A_229 = vector.broadcast %sub3A_228 : i32 to vector<300x10xi32>
    %sub3A_230 = arith.subi %div3A_206, %sub3A_229 : vector<300x10xi32>
    %select_n3A_231 = arith.select %and3A_227, %sub3A_230, %div3A_206 : vector<300x10xi1>, vector<300x10xi32>
    %iota3A_232 = tpu.iota {dimensions = array<i32: 1>} : vector<300x10xi32>
    %eq3A_233 = arith.cmpi eq, %select_n3A_231, %iota3A_232 : vector<300x10xi32>
    %convert_element_type3A_234 = arith.extui %eq3A_233 : vector<300x10xi1> to vector<300x10xi32>
    %convert_element_type3A_235 = arith.sitofp %convert_element_type3A_234 : vector<300x10xi32> to vector<300x10xf32>
    %iota3A_236 = tpu.iota {dimensions = array<i32: 0>} : vector<300x30xi32>
    %jit3A_237 = arith.constant 30 : i32
    %eq3A_238 = arith.constant 0 : i32
    %eq3A_239 = arith.cmpi eq, %jit3A_237, %eq3A_238 : i32
    %jit3A_240 = arith.constant 1 : i32
    %select_n3A_241 = arith.select %eq3A_239, %jit3A_240, %jit3A_237 : i32
    %rem3A_242 = vector.broadcast %select_n3A_241 : i32 to vector<300x30xi32>
    %rem3A_243 = arith.remsi %iota3A_236, %rem3A_242 : vector<300x30xi32>
    %ne3A_244 = arith.constant 0 : i32
    %ne3A_245 = vector.broadcast %ne3A_244 : i32 to vector<300x30xi32>
    %ne3A_246 = arith.cmpi ne, %rem3A_243, %ne3A_245 : vector<300x30xi32>
    %lt3A = arith.constant 0 : i32
    %lt3A_247 = vector.broadcast %lt3A : i32 to vector<300x30xi32>
    %lt3A_248 = arith.cmpi slt, %rem3A_243, %lt3A_247 : vector<300x30xi32>
    %lt3A_249 = arith.constant 0 : i32
    %lt3A_250 = arith.cmpi slt, %select_n3A_241, %lt3A_249 : i32
    %ne3A_251 = vector.broadcast %lt3A_250 : i1 to vector<300x30xi1>
    %ne3A_252 = vector.broadcast %ne3A_251 : vector<300x30xi1> to vector<300x30xi1>
    %ne3A_253 = arith.xori %lt3A_248, %ne3A_252 : vector<300x30xi1>
    %and3A_254 = arith.andi %ne3A_253, %ne3A_246 : vector<300x30xi1>
    %add3A_255 = vector.broadcast %select_n3A_241 : i32 to vector<300x30xi32>
    %add3A_256 = arith.addi %rem3A_243, %add3A_255 : vector<300x30xi32>
    %select_n3A_257 = arith.select %and3A_254, %add3A_256, %rem3A_243 : vector<300x30xi1>, vector<300x30xi32>
    %iota3A_258 = tpu.iota {dimensions = array<i32: 1>} : vector<300x30xi32>
    %eq3A_259 = arith.cmpi eq, %select_n3A_257, %iota3A_258 : vector<300x30xi32>
    %convert_element_type3A_260 = arith.extui %eq3A_259 : vector<300x30xi1> to vector<300x30xi32>
    %convert_element_type3A_261 = arith.sitofp %convert_element_type3A_260 : vector<300x30xi32> to vector<300x30xf32>
    %convert_element_type3A_262 = arith.truncf %dot_general3A_202 : vector<10x768xf32> to vector<10x768xbf16>
    %convert_element_type3A_263 = arith.extf %convert_element_type3A_262 : vector<10x768xbf16> to vector<10x768xf32>
    %sub3A_264 = arith.subf %dot_general3A_202, %convert_element_type3A_263 : vector<10x768xf32>
    %convert_element_type3A_265 = arith.truncf %sub3A_264 : vector<10x768xf32> to vector<10x768xbf16>
    %convert_element_type3A_266 = arith.extf %convert_element_type3A_265 : vector<10x768xbf16> to vector<10x768xf32>
    %sub3A_267 = arith.subf %sub3A_264, %convert_element_type3A_266 : vector<10x768xf32>
    %dot_general3A_268 = arith.constant dense<0.000000e+00> : vector<300x768xf32>
    %dot_general3A_269 = tpu.matmul %convert_element_type3A_235, %convert_element_type3A_263, %dot_general3A_268 {dimension_numbers = #tpu.dot_dimension_numbers<[1], [0], [0], [1], [0, 0, 1, 1], [], []>, transpose_lhs_hint = false} : vector<300x10xf32>, vector<10x768xf32>, vector<300x768xf32> -> vector<300x768xf32>
    %dot_general3A_270 = arith.constant dense<0.000000e+00> : vector<300x768xf32>
    %dot_general3A_271 = tpu.matmul %convert_element_type3A_235, %convert_element_type3A_266, %dot_general3A_270 {dimension_numbers = #tpu.dot_dimension_numbers<[1], [0], [0], [1], [0, 0, 1, 1], [], []>, transpose_lhs_hint = false} : vector<300x10xf32>, vector<10x768xf32>, vector<300x768xf32> -> vector<300x768xf32>
    %add3A_272 = arith.addf %dot_general3A_269, %dot_general3A_271 : vector<300x768xf32>
    %dot_general3A_273 = arith.constant dense<0.000000e+00> : vector<300x768xf32>
    %dot_general3A_274 = tpu.matmul %convert_element_type3A_235, %sub3A_267, %dot_general3A_273 {dimension_numbers = #tpu.dot_dimension_numbers<[1], [0], [0], [1], [0, 0, 1, 1], [], []>, transpose_lhs_hint = false} : vector<300x10xf32>, vector<10x768xf32>, vector<300x768xf32> -> vector<300x768xf32>
    %add3A_275 = arith.addf %add3A_272, %dot_general3A_274 : vector<300x768xf32>
    %convert_element_type3A_276 = arith.truncf %dot_general3A_175 : vector<30x768xf32> to vector<30x768xbf16>
    %convert_element_type3A_277 = arith.extf %convert_element_type3A_276 : vector<30x768xbf16> to vector<30x768xf32>
    %sub3A_278 = arith.subf %dot_general3A_175, %convert_element_type3A_277 : vector<30x768xf32>
    %convert_element_type3A_279 = arith.truncf %sub3A_278 : vector<30x768xf32> to vector<30x768xbf16>
    %convert_element_type3A_280 = arith.extf %convert_element_type3A_279 : vector<30x768xbf16> to vector<30x768xf32>
    %sub3A_281 = arith.subf %sub3A_278, %convert_element_type3A_280 : vector<30x768xf32>
    %dot_general3A_282 = arith.constant dense<0.000000e+00> : vector<300x768xf32>
    %dot_general3A_283 = tpu.matmul %convert_element_type3A_261, %convert_element_type3A_277, %dot_general3A_282 {dimension_numbers = #tpu.dot_dimension_numbers<[1], [0], [0], [1], [0, 0, 1, 1], [], []>, transpose_lhs_hint = false} : vector<300x30xf32>, vector<30x768xf32>, vector<300x768xf32> -> vector<300x768xf32>
    %dot_general3A_284 = arith.constant dense<0.000000e+00> : vector<300x768xf32>
    %dot_general3A_285 = tpu.matmul %convert_element_type3A_261, %convert_element_type3A_280, %dot_general3A_284 {dimension_numbers = #tpu.dot_dimension_numbers<[1], [0], [0], [1], [0, 0, 1, 1], [], []>, transpose_lhs_hint = false} : vector<300x30xf32>, vector<30x768xf32>, vector<300x768xf32> -> vector<300x768xf32>
    %add3A_286 = arith.addf %dot_general3A_283, %dot_general3A_285 : vector<300x768xf32>
    %dot_general3A_287 = arith.constant dense<0.000000e+00> : vector<300x768xf32>
    %dot_general3A_288 = tpu.matmul %convert_element_type3A_261, %sub3A_281, %dot_general3A_287 {dimension_numbers = #tpu.dot_dimension_numbers<[1], [0], [0], [1], [0, 0, 1, 1], [], []>, transpose_lhs_hint = false} : vector<300x30xf32>, vector<30x768xf32>, vector<300x768xf32> -> vector<300x768xf32>
    %add3A_289 = arith.addf %add3A_286, %dot_general3A_288 : vector<300x768xf32>
    %add3A_290 = arith.addf %add3A_275, %add3A_289 : vector<300x768xf32>
    %get3A_291 = arith.constant 0 : index
    %get3A_292 = arith.constant 0 : index
    %get3A_293 = vector.load %arg12[%get3A_291, %get3A_292] : memref<1x768xf32, #tpu.memory_space<vmem>>, vector<1x768xf32>
    %add3A_294 = vector.broadcast %get3A_293 : vector<1x768xf32> to vector<300x768xf32>
    %add3A_295 = arith.addf %add3A_290, %add3A_294 : vector<300x768xf32>
    %max3A = arith.constant 0.000000e+00 : f32
    %max3A_296 = vector.broadcast %max3A : f32 to vector<300x768xf32>
    %max3A_297 = arith.maximumf %add3A_295, %max3A_296 : vector<300x768xf32>
    %get3A_298 = arith.constant 0 : index
    %get3A_299 = arith.constant 0 : index
    %get3A_300 = vector.load %arg13[%get3A_298, %get3A_299] : memref<768x66xf32, #tpu.memory_space<vmem>>, vector<768x66xf32>
    %dot_general3A_301 = arith.constant dense<0.000000e+00> : vector<300x66xf32>
    %dot_general3A_302 = tpu.matmul %max3A_297, %get3A_300, %dot_general3A_301 {dimension_numbers = #tpu.dot_dimension_numbers<[1], [0], [0], [1], [0, 0, 1, 1], [], []>, transpose_lhs_hint = false} : vector<300x768xf32>, vector<768x66xf32>, vector<300x66xf32> -> vector<300x66xf32>
    %get3A_303 = arith.constant 0 : index
    %get3A_304 = arith.constant 0 : index
    %get3A_305 = vector.load %arg14[%get3A_303, %get3A_304] : memref<1x66xf32, #tpu.memory_space<vmem>>, vector<1x66xf32>
    %add3A_306 = vector.broadcast %get3A_305 : vector<1x66xf32> to vector<300x66xf32>
    %add3A_307 = arith.addf %dot_general3A_302, %add3A_306 : vector<300x66xf32>
    %convert_element_type3A_308 = arith.truncf %slice3A_49 : vector<30x1xf32> to vector<30x1xbf16>
    %convert_element_type3A_309 = arith.extf %convert_element_type3A_308 : vector<30x1xbf16> to vector<30x1xf32>
    %sub3A_310 = arith.subf %slice3A_49, %convert_element_type3A_309 : vector<30x1xf32>
    %convert_element_type3A_311 = arith.truncf %sub3A_310 : vector<30x1xf32> to vector<30x1xbf16>
    %convert_element_type3A_312 = arith.extf %convert_element_type3A_311 : vector<30x1xbf16> to vector<30x1xf32>
    %sub3A_313 = arith.subf %sub3A_310, %convert_element_type3A_312 : vector<30x1xf32>
    %dot_general3A_314 = arith.constant dense<0.000000e+00> : vector<300x1xf32>
    %dot_general3A_315 = tpu.matmul %convert_element_type3A_261, %convert_element_type3A_309, %dot_general3A_314 {dimension_numbers = #tpu.dot_dimension_numbers<[1], [0], [0], [1], [0, 0, 1, 1], [], []>, transpose_lhs_hint = false} : vector<300x30xf32>, vector<30x1xf32>, vector<300x1xf32> -> vector<300x1xf32>
    %dot_general3A_316 = arith.constant dense<0.000000e+00> : vector<300x1xf32>
    %dot_general3A_317 = tpu.matmul %convert_element_type3A_261, %convert_element_type3A_312, %dot_general3A_316 {dimension_numbers = #tpu.dot_dimension_numbers<[1], [0], [0], [1], [0, 0, 1, 1], [], []>, transpose_lhs_hint = false} : vector<300x30xf32>, vector<30x1xf32>, vector<300x1xf32> -> vector<300x1xf32>
    %add3A_318 = arith.addf %dot_general3A_315, %dot_general3A_317 : vector<300x1xf32>
    %dot_general3A_319 = arith.constant dense<0.000000e+00> : vector<300x1xf32>
    %dot_general3A_320 = tpu.matmul %convert_element_type3A_261, %sub3A_313, %dot_general3A_319 {dimension_numbers = #tpu.dot_dimension_numbers<[1], [0], [0], [1], [0, 0, 1, 1], [], []>, transpose_lhs_hint = false} : vector<300x30xf32>, vector<30x1xf32>, vector<300x1xf32> -> vector<300x1xf32>
    %add3A_321 = arith.addf %add3A_318, %dot_general3A_320 : vector<300x1xf32>
    %add3A_322 = vector.broadcast %add3A_321 : vector<300x1xf32> to vector<300x66xf32>
    %add3A_323 = arith.addf %add3A_307, %add3A_322 : vector<300x66xf32>
    %convert_element_type3A_324 = arith.truncf %slice3A_91 : vector<10x1xf32> to vector<10x1xbf16>
    %convert_element_type3A_325 = arith.extf %convert_element_type3A_324 : vector<10x1xbf16> to vector<10x1xf32>
    %sub3A_326 = arith.subf %slice3A_91, %convert_element_type3A_325 : vector<10x1xf32>
    %convert_element_type3A_327 = arith.truncf %sub3A_326 : vector<10x1xf32> to vector<10x1xbf16>
    %convert_element_type3A_328 = arith.extf %convert_element_type3A_327 : vector<10x1xbf16> to vector<10x1xf32>
    %sub3A_329 = arith.subf %sub3A_326, %convert_element_type3A_328 : vector<10x1xf32>
    %dot_general3A_330 = arith.constant dense<0.000000e+00> : vector<300x1xf32>
    %dot_general3A_331 = tpu.matmul %convert_element_type3A_235, %convert_element_type3A_325, %dot_general3A_330 {dimension_numbers = #tpu.dot_dimension_numbers<[1], [0], [0], [1], [0, 0, 1, 1], [], []>, transpose_lhs_hint = false} : vector<300x10xf32>, vector<10x1xf32>, vector<300x1xf32> -> vector<300x1xf32>
    %dot_general3A_332 = arith.constant dense<0.000000e+00> : vector<300x1xf32>
    %dot_general3A_333 = tpu.matmul %convert_element_type3A_235, %convert_element_type3A_328, %dot_general3A_332 {dimension_numbers = #tpu.dot_dimension_numbers<[1], [0], [0], [1], [0, 0, 1, 1], [], []>, transpose_lhs_hint = false} : vector<300x10xf32>, vector<10x1xf32>, vector<300x1xf32> -> vector<300x1xf32>
    %add3A_334 = arith.addf %dot_general3A_331, %dot_general3A_333 : vector<300x1xf32>
    %dot_general3A_335 = arith.constant dense<0.000000e+00> : vector<300x1xf32>
    %dot_general3A_336 = tpu.matmul %convert_element_type3A_235, %sub3A_329, %dot_general3A_335 {dimension_numbers = #tpu.dot_dimension_numbers<[1], [0], [0], [1], [0, 0, 1, 1], [], []>, transpose_lhs_hint = false} : vector<300x10xf32>, vector<10x1xf32>, vector<300x1xf32> -> vector<300x1xf32>
    %add3A_337 = arith.addf %add3A_334, %dot_general3A_336 : vector<300x1xf32>
    %add3A_338 = vector.broadcast %add3A_337 : vector<300x1xf32> to vector<300x66xf32>
    %add3A_339 = arith.addf %add3A_323, %add3A_338 : vector<300x66xf32>
    %broadcast_in_dim3A_340 = arith.constant 0.000000e+00 : f32
    %broadcast_in_dim3A_341 = vector.broadcast %broadcast_in_dim3A_340 : f32 to vector<300x1xf32>
    %concatenate3A_342 = tpu.concatenate %broadcast_in_dim3A_341, %add3A_339 in 1 : vector<300x1xf32>, vector<300x66xf32> -> vector<300x67xf32>
    %swap3A_343 = arith.constant 0 : index
    %swap3A_344 = arith.constant 0 : index
    %swap3A_345 = arith.constant 0 : index
    %swap3A_346 = vector.load %arg15[%swap3A_343, %swap3A_344, %swap3A_345] : memref<1x300x67xf32, #tpu.memory_space<vmem>>, vector<1x300x67xf32>
    %swap3A_347 = vector.shape_cast %swap3A_346 : vector<1x300x67xf32> to vector<300x67xf32>
    %swap3A_348 = vector.shape_cast %concatenate3A_342 : vector<300x67xf32> to vector<1x300x67xf32>
    tpu.vector_store %arg15[%swap3A_343, %swap3A_344, %swap3A_345], %swap3A_348 {strides = array<i32>} : memref<1x300x67xf32, #tpu.memory_space<vmem>>, vector<1x300x67xf32>,
    return
  }
  func.func @transform_0(%arg0: i32) -> (i32, i32, i32) {
    %c0_i32 = arith.constant 0 : i32
    %c0_i32_0 = arith.constant 0 : i32
    %c0_i32_1 = arith.constant 0 : i32
    return %arg0, %c0_i32, %c0_i32_0 : i32, i32, i32
  }
  func.func @transform_1(%arg0: i32) -> (i32, i32, i32) {
    %c0_i32 = arith.constant 0 : i32
    %c0_i32_0 = arith.constant 0 : i32
    %c0_i32_1 = arith.constant 0 : i32
    return %arg0, %c0_i32, %c0_i32_0 : i32, i32, i32
  }
  func.func @transform_2(%arg0: i32) -> (i32, i32, i32) {
    %c0_i32 = arith.constant 0 : i32
    %c0_i32_0 = arith.constant 0 : i32
    %c0_i32_1 = arith.constant 0 : i32
    return %arg0, %c0_i32, %c0_i32_0 : i32, i32, i32
  }
  func.func @transform_3(%arg0: i32) -> (i32, i32, i32) {
    %c0_i32 = arith.constant 0 : i32
    %c0_i32_0 = arith.constant 0 : i32
    %c0_i32_1 = arith.constant 0 : i32
    return %arg0, %c0_i32, %c0_i32_0 : i32, i32, i32
  }
  func.func @transform_4(%arg0: i32) -> (i32, i32, i32) {
    %c0_i32 = arith.constant 0 : i32
    %c0_i32_0 = arith.constant 0 : i32
    %c0_i32_1 = arith.constant 0 : i32
    return %arg0, %c0_i32, %c0_i32_0 : i32, i32, i32
  }
  func.func @transform_5(%arg0: i32) -> (i32, i32, i32) {
    %c0_i32 = arith.constant 0 : i32
    %c0_i32_0 = arith.constant 0 : i32
    %c0_i32_1 = arith.constant 0 : i32
    return %arg0, %c0_i32, %c0_i32_0 : i32, i32, i32
  }
  func.func @transform_6(%arg0: i32) -> (i32, i32, i32) {
    %c0_i32 = arith.constant 0 : i32
    %c0_i32_0 = arith.constant 0 : i32
    %c0_i32_1 = arith.constant 0 : i32
    return %arg0, %c0_i32, %c0_i32_0 : i32, i32, i32
  }
  func.func @transform_7(%arg0: i32) -> (i32, i32, i32) {
    %c0_i32 = arith.constant 0 : i32
    %c0_i32_0 = arith.constant 0 : i32
    %c0_i32_1 = arith.constant 0 : i32
    return %arg0, %c0_i32, %c0_i32_0 : i32, i32, i32
  }
  func.func @transform_8(%arg0: i32) -> (i32, i32) {
    %c0_i32 = arith.constant 0 : i32
    %c0_i32_0 = arith.constant 0 : i32
    %c0_i32_1 = arith.constant 0 : i32
    return %c0_i32, %c0_i32_0 : i32, i32
  }
  func.func @transform_9(%arg0: i32) -> (i32, i32) {
    %c0_i32 = arith.constant 0 : i32
    %c0_i32_0 = arith.constant 0 : i32
    %c0_i32_1 = arith.constant 0 : i32
    return %c0_i32, %c0_i32_0 : i32, i32
  }
  func.func @transform_10(%arg0: i32) -> (i32, i32) {
    %c0_i32 = arith.constant 0 : i32
    %c0_i32_0 = arith.constant 0 : i32
    %c0_i32_1 = arith.constant 0 : i32
    return %c0_i32, %c0_i32_0 : i32, i32
  }
  func.func @transform_11(%arg0: i32) -> (i32, i32) {
    %c0_i32 = arith.constant 0 : i32
    %c0_i32_0 = arith.constant 0 : i32
    %c0_i32_1 = arith.constant 0 : i32
    return %c0_i32, %c0_i32_0 : i32, i32
  }
  func.func @transform_12(%arg0: i32) -> (i32, i32) {
    %c0_i32 = arith.constant 0 : i32
    %c0_i32_0 = arith.constant 0 : i32
    %c0_i32_1 = arith.constant 0 : i32
    return %c0_i32, %c0_i32_0 : i32, i32
  }
  func.func @transform_13(%arg0: i32) -> (i32, i32) {
    %c0_i32 = arith.constant 0 : i32
    %c0_i32_0 = arith.constant 0 : i32
    %c0_i32_1 = arith.constant 0 : i32
    return %c0_i32, %c0_i32_0 : i32, i32
  }
  func.func @transform_14(%arg0: i32) -> (i32, i32, i32) {
    %c0_i32 = arith.constant 0 : i32
    %c0_i32_0 = arith.constant 0 : i32
    %c0_i32_1 = arith.constant 0 : i32
    return %arg0, %c0_i32, %c0_i32_0 : i32, i32, i32
  }
  func.func @transform_15(%arg0: i32) -> (i32, i32, i32) {
    %c0_i32 = arith.constant 0 : i32
    %c0_i32_0 = arith.constant 0 : i32
    %c0_i32_1 = arith.constant 0 : i32
    return %arg0, %c0_i32, %c0_i32_0 : i32, i32, i32
  }
  func.func @transform_16(%arg0: i32) -> (i32, i32, i32) {
    %c0_i32 = arith.constant 0 : i32
    %c0_i32_0 = arith.constant 0 : i32
    %c0_i32_1 = arith.constant 0 : i32
    return %arg0, %c0_i32, %c0_i32_0 : i32, i32, i32
  }
}

</mosaic_0001>

<sc_bundles>
// kernel: kernel.7.cloned.1.call-start
scs
__scs_entry_jumppad:
0x0: {  	(pc) =	sbr.rel $0x88, $3  }
0x1: {  	(tag) =	ssettag $0x0;
	lr =	simm.s32 $0x1  }
0x2: {  	[smem:$0x3F8F] =	sst lr;
	_ =	strace $0xD0000000  }
0x3: {  	_ = 	snop  }
0x4: {  	_ = 	snop  }
0x5: {  	_ = 	snop  }
0x6: {  	_ = 	snop  }
0x7: {  	_ = 	snop  }
__scs_overlays_trampoline_lowered:
0x8: {  	[smem:$0x3F9E] =	sst s0  }
0x9: {  	[smem:$0x3F9F] =	sst s1  }
0xa: {  	[smem:$0x3FA0] =	sst s2  }
0xb: {  	[smem:$0x3FA1] =	sst s3  }
0xc: {  	[smem:$0x3FA2] =	sst s4  }
0xd: {  	[smem:$0x3FA3] =	sst s5  }
0xe: {  	[smem:$0x3FA4] =	sst s6  }
0xf: {  	[smem:$0x3FA5] =	sst s7  }
0x10: {  	[smem:$0x3FA6] =	sst s8  }
0x11: {  	[smem:$0x3FA7] =	sst s9;
	s0 =	simm.s32 @!p0 $0x0  }
0x12: {  	s1 =	sld [smem:$0x3F8D];
	s0 =	simm.s32 @p0 $0x1  }
0x13: {  	[smem:$0x3FA8] =	sst s0;
	s0 =	simm.s32 @!p1 $0x0  }
0x14: {  	s2 =	sld [smem:$0x3F8C];
	s0 =	simm.s32 @p1 $0x1  }
0x15: {  	[smem:$0x3FA9] =	sst s0;
	s0 =	simm.s32 @!p2 $0x0  }
0x16: {  	s3 =	sld [smem:$0x3FDB];
	s0 =	simm.s32 @p2 $0x1  }
0x17: {  	s4 =	simm.s32 $0x1BF5;
	[smem:$0x3FAB] =	sst s0  }
0x18: {  	s0 =	sld [smem:$0x3F8E];
	_ =	swait.ge [sflag:s4], $0x0  }
0x19: {  	s7 =	sld [smem:$0x3F8F]  }
0x1a: {  	s8 =	sadd.s32 $0xFFFFE003, lr  }
0x1b: {  	s9 =	sadd.s32 $0xFFFFFEF7, lr;
	s5 =	simm.s32 $0xFFFFFFFF;
	p2 =	slt.u32 s8, $0xFFFFF086  }
0x1c: {  	p1 =	slt.u32 s9, $0xF7A;
	s5 =	simm.s32 @!p2 $0x0  }
0x1d: {  	s5 =	simm.s32 @p1 $0x1;
	p0 =	seq.s32 s7, s2  }
0x1e: {  	s7 =	smul.u32 @!p0 $0xF7A, s2;
	p2 =	seq.s32 @!p0 s5, $0x0  }
0x1f: {  	s9 =	smul.u32 $0xF7A, s1;
	s8 =	simm.s32 @!p0 $0x1BF5;
	p2 =	por !p2, p0  }
0x20: {  	[sflag:s8] =	ssyncset.s32 @!p0 $0xFFFFF086;
	s6 =	sadd.s32 @!p0 s3, s7;
	s7 =	simm.s32 @!p0 $0x108  }
0x21: {  	s3 =	sadd.s32 s3, s9;
	s6 =	sadd.s32 @!p0 $0x88, s6;
	s7 =	simm.s32 @p2 $0x1082  }
0x22: {  	[simem:s7], [sflag:s8] =	dma.local @!p0 [hbm:s6], $0xF7A  }
0x23: {  	s9 =	sor.u32 $0xD0000000, s2;
	s6 =	simm.s32 $0x108;
	_ =	swait.ge @!p0 [sflag:s8], $0x0  }
0x24: {  	s3 =	sadd.s32 $0x88, s3;
	s6 =	simm.s32 @!p1 $0x1082;
	[sflag:s4] =	ssyncset.s32 $0xFFFFF086  }
0x25: {  	[simem:s6], [sflag:s4] =	dma.local [hbm:s3], $0xF7A  }
0x26: {  	[smem:$0x3F8F] =	sst s1;
	(tag) =	ssettag s2;
	_ =	strace s9  }
0x27: {  	s1 =	sld [smem:$0x3F9F]  }
0x28: {  	s2 =	sld [smem:$0x3FA0]  }
0x29: {  	s4 =	sld [smem:$0x3FA2]  }
0x2a: {  	p0 =	seq.s32 s5, $0x0;
	s5 =	sld [smem:$0x3FA3]  }
0x2b: {  	s6 =	sld [smem:$0x3FA4]  }
0x2c: {  	s7 =	sld [smem:$0x3FA5]  }
0x2d: {  	s3 =	simm.s32 $0x108;
	s8 =	sld [smem:$0x3FA6]  }
0x2e: {  	s3 =	simm.s32 @!p0 $0x1082;
	s9 =	sld [smem:$0x3FA7]  }
0x2f: {  	lr =	sadd.s32 s0, s3;
	s0 =	sld [smem:$0x3F9E]  }
0x30: {  	s3 =	sld [smem:$0x3FA1]  }
0x31: {  	[smem:$0x3FAA] =	sst s10  }
0x32: {  	s10 =	sld [smem:$0x3FA8];
	_ =	sdelay $0x3  }
0x33: {  	p0 =	seq.s32 s10, $0x1;
	s10 =	sld [smem:$0x3FAA];
	_ =	sdelay $0x3  }
0x34: {  	[smem:$0x3FAA] =	sst s10  }
0x35: {  	s10 =	sld [smem:$0x3FA9];
	_ =	sdelay $0x3  }
0x36: {  	p1 =	seq.s32 s10, $0x1;
	s10 =	sld [smem:$0x3FAA];
	_ =	sdelay $0x3  }
0x37: {  	[smem:$0x3FAA] =	sst s10  }
0x38: {  	s10 =	sld [smem:$0x3FAB]  }
0x39: {  	_ = 	snop;
	(pc) =	sbr.ind lr, $3  }
0x3a: {  	_ = 	snop  }
0x3b: {  	_ = 	snop  }
0x3c: {  	p2 =	seq.s32 s10, $0x1;
	s10 =	sld [smem:$0x3FAA]  }
0x3d: {  	_ =	shalt  }
0x3e: {  	_ =	shalt  }
0x3f: {  	_ =	shalt  }
0x40: {  	_ =	shalt  }
0x41: {  	_ =	shalt  }
0x42: {  	_ =	shalt  }
0x43: {  	_ =	shalt  }
0x44: {  	_ =	shalt  }
0x45: {  	_ =	shalt  }
0x46: {  	_ =	shalt  }
0x47: {  	_ =	shalt  }
0x48: {  	_ =	shalt  }
0x49: {  	_ =	shalt  }
0x4a: {  	_ =	shalt  }
0x4b: {  	_ =	shalt  }
0x4c: {  	_ =	shalt  }
0x4d: {  	_ =	shalt  }
0x4e: {  	_ =	shalt  }
0x4f: {  	_ =	shalt  }
0x50: {  	_ =	shalt  }
0x51: {  	_ =	shalt  }
0x52: {  	_ =	shalt  }
0x53: {  	_ =	shalt  }
0x54: {  	_ =	shalt  }
0x55: {  	_ =	shalt  }
0x56: {  	_ =	shalt  }
0x57: {  	_ =	shalt  }
0x58: {  	_ =	shalt  }
0x59: {  	_ =	shalt  }
0x5a: {  	_ =	shalt  }
0x5b: {  	_ =	shalt  }
0x5c: {  	_ =	shalt  }
0x5d: {  	_ =	shalt  }
0x5e: {  	_ =	shalt  }
0x5f: {  	_ =	shalt  }
0x60: {  	_ =	shalt  }
0x61: {  	_ =	shalt  }
0x62: {  	_ =	shalt  }
0x63: {  	_ =	shalt  }
0x64: {  	_ =	shalt  }
0x65: {  	_ =	shalt  }
0x66: {  	_ =	shalt  }
0x67: {  	_ =	shalt  }
0x68: {  	_ =	shalt  }
0x69: {  	_ =	shalt  }
0x6a: {  	_ =	shalt  }
0x6b: {  	_ =	shalt  }
0x6c: {  	_ =	shalt  }
0x6d: {  	_ =	shalt  }
0x6e: {  	_ =	shalt  }
0x6f: {  	_ =	shalt  }
0x70: {  	_ =	shalt  }
0x71: {  	_ =	shalt  }
0x72: {  	_ =	shalt  }
0x73: {  	_ =	shalt  }
0x74: {  	_ =	shalt  }
0x75: {  	_ =	shalt  }
0x76: {  	_ =	shalt  }
0x77: {  	_ =	shalt  }
0x78: {  	_ =	shalt  }
0x79: {  	_ =	shalt  }
0x7a: {  	_ =	shalt  }
0x7b: {  	_ =	shalt  }
0x7c: {  	_ =	shalt  }
0x7d: {  	_ =	shalt  }
0x7e: {  	_ =	shalt  }
0x7f: {  	_ =	shalt  }
0x80: {  	_ =	shalt  }
0x81: {  	_ =	shalt  }
0x82: {  	_ =	shalt  }
0x83: {  	_ =	shalt  }
0x84: {  	_ =	shalt  }
0x85: {  	_ =	shalt  }
0x86: {  	_ =	shalt  }
0x87: {  	_ =	shalt  }
.Lfunc_end0:
.L_simem_size_0:
called_computation_lowered:
.L_overlay_start_0:
0x88: {  	s2 =	sld [smem:$0x3FD9]  }
0x89: {  	s3 =	sld [smem:$0x3FFE];
	_ =	sdelay $0x1  }
0x8a: {  	s1 =	srdreg.scid  }
0x8b: {  	s0 =	sand.u32 $0x1, s1  }
0x8c: {  	s14 =	sshll.u32 s0, $0xA;
	s2 =	sadd.s32 s3, s2  }
0x8d: {  	s2 =	sadd.s32 s2, s14  }
0x8e: {  	[smem:$0x3FB6] =	sst s2  }
0x8f: {  	_ = 	snop  }
0x90: {  	s2 =	sld [smem:$0x3FD0];
	_ =	sdelay $0x2  }
0x91: {  	s4 =	simm.s32 $0xA;
	s5 =	simm.s32 $0x10;
	s15 =	sld [smem:$0x3FC9]  }
0x92: {  	[smem:s5], [sflag:s4] =	dma.local [hbm:s2], $0x1  }
0x93: {  	_ =	swait.eq [sflag:s4], $0x1  }
0x94: {  	[sflag:s4] =	ssyncset.done $0x0  }
0x95: {  	[sflag:s4] =	ssyncadd.s32 $0xFFFFFFFF  }
0x96: {  	s16 =	sld [smem:$0x10];
	(tm) =	ssettm $0x1  }
0x97: {  	s17 =	sld [smem:$0x3FFB];
	_ =	sdelay $0x3  }
0x98: {  	_ =	strace s17  }
0x99: {  	s4 =	sld [smem:$0x3FFC];
	_ =	sdelay $0x3  }
0x9a: {  	_ =	strace s4  }
0x9b: {  	s4 =	sld [smem:$0x3FFD];
	_ =	sdelay $0x3  }
0x9c: {  	_ =	strace s4  }
0x9d: {  	_ =	strace $0x8FFFFFFF  }
0x9e: {  	s18 =	sld [smem:$0x3FDB];
	_ =	sdelay $0x1  }
0x9f: {  	s19 =	simm.s32 $_scs_section_size  }
0xa0: {  	s6 =	simm.s32 $_size__tile_overlayer_lowered;
	s7 =	simm.s32 $_tile_overlayer_lowered  }
0xa1: {  	s22 =	simm.s32 $0x1BFF;
	s21 =	sshll.u32 s7, $0x1;
	s4 =	sadd.s32 s19, s18  }
0xa2: {  	s8 =	simm.s32 $0x0;
	s20 =	sshll.u32 s6, $0x1;
	s6 =	sadd.s32 s21, s4  }
0xa3: {  	[timem:s8], [sflag:s22] =	dma.local [hbm:s6], s20  }
0xa4: {  	_ =	swait.ge [sflag:s22], s20  }
0xa5: {  	s5 =	ssub.s32 $0x0, s20;
	[sflag:s22] =	ssyncset.done $0x0  }
0xa6: {  	[sflag:s22] =	ssyncadd.s32 s5;
	_ =	sdelay $0x1  }
0xa7: {  	s23 =	simm.s32 $0x1B8B  }
0xa8: {  	_ =	swait.ge [sflag:s23], $0x1  }
0xa9: {  	[sflag:s23] =	ssyncset.done $0x0  }
0xaa: {  	s25 =	simm.s32 $0x1B8E;
	s24 =	sld [smem:$0x3FFE];
	[sflag:s23] =	ssyncadd.s32 $0xFFFFFFFF  }
0xab: {  	s26 =	simm.s32 $execute0_lowered;
	[smem:$0x3FD2] =	sst s25  }
0xac: {  	s6 =	sshll.u32 s26, $0x1;
	_ =	strace $0x80000046;
	[dreg:$0x1] =	wrdreg $0xFFFFFFFF  }
0xad: {  	s28 =	simm.s32 $_size_execute0_lowered;
	s4 =	sadd.s32 s4, s6;
	[dreg:$0x0] =	wrdreg $0x0  }
0xae: {  	s6 =	sshll.u32 s28, $0x1;
	[dreg:$0x2] =	wrdreg s4  }
0xaf: {  	[dreg:$0x3] =	wrdreg s6  }
0xb0: {  	[dreg:$0x4] =	wrdreg $0xC0  }
0xb1: {  	_ =	task [dreg:s8], $0x5FFFF  }
0xb2: {  	[dreg:$0x1] =	wrdreg $0xFFFFFFFF  }
0xb3: {  	[dreg:$0x0] =	wrdreg $0x60  }
0xb4: {  	[dreg:$0x2] =	wrdreg s15  }
0xb5: {  	[dreg:$0x3] =	wrdreg s24  }
0xb6: {  	[dreg:$0x4] =	wrdreg s16  }
0xb7: {  	[dreg:$0x5] =	wrdreg $0x9  }
0xb8: {  	_ =	task.clear_ibuf [dreg:s8], $0x6FFFF;
	_ =	strace $0x90000046  }
0xb9: {  	s29 =	simm.s32 $0x9;
	_ =	strace $0x80000048  }
0xba: {  	_ =	swait.ge [sflag:s29], $0x1  }
0xbb: {  	[sflag:s29] =	ssyncadd.s32 $0xFFFFFFFF  }
0xbc: {  	_ =	strace $0x90000048  }
0xbd: {  	_ =	sfence  }
0xbe: {  	s30 =	sld [smem:$0x0];
	_ =	sdelay $0x2  }
0xbf: {  	s31 =	sshll.u32 s1, $0xD;
	s1 =	sshrl.u32 s1, $0x2  }
0xc0: {  	s3 =	sand.u32 $0x4000, s31;
	s1 =	sadd.s32 s1, s30  }
0xc1: {  	s0 =	sor.u32 s3, s0;
	s1 =	sshll.u32 s1, $0x11  }
0xc2: {  	s0 =	sor.u32 s1, s0  }
0xc3: {  	s0 =	sadd.s32 $0x8F2B, s0  }
0xc4: {  	[sflag:s0] =	ssyncadd.remote.s32 $0x1  }
0xc5: {  	_ =	sfence.sel $0xFFFF  }
0xc6: {  	[dreg:$0x0] =	wrdreg $0xFFFFFFFF;
	(pc) =	sbr.abs _section_cstart, $3  }
0xc7: {  	[dreg:$0x1] =	wrdreg $0xFFFFFFFF  }
0xc8: {  	_ =	task.clear_ibuf [dreg:s8], $0x2FFFF;
	_ =	strace $0x9FFFFFFF  }
0xc9: {  	(tm) =	ssettm $0x7FFFFFFF  }
tec
execute0_lowered:
.L_overlay_start_1:
0x0: {  	(tag) =	ssettag $0x1  }
0x1: {  	s1 =	rddreg [dreg:$0x0]  }
0x2: {  	s0 =	srdreg.scid;
	s2 =	rddreg [dreg:$0x1]  }
0x3: {  	s3 =	stileid.u32;
	s4 =	rddreg [dreg:$0x2]  }
0x4: {  	s31 =	simm.s32 $0x200;
	s28 =	simm.s32 $0x400;
	s0 =	sand.u32 $0x1, s0  }
0x5: {  	s5 =	sshll.u32 s3, $0x7;
	s3 =	simm.s32 $0x0;
	s8 =	sadd.s32 $0x6800, s2  }
0x6: {  	s6 =	sshll.u32 s0, $0x6;
	[smem:$0x7FF] =	sst s3;
	s0 =	ssub.s32 $0x2, s0  }
0x7: {  	s5 =	sor.u32 s6, s5;
	_ =	strace $0x80000047;
	[dreg:$0x16] =	wrdreg s31  }
0x8: {  	s6 =	sadd.s32 s5, s2;
	s7 =	smul.u32 $0x300, s5;
	s4 =	sadd.s32 s4, s5  }
0x9: {  	s5 =	smul.u32 $0x1800, s5;
	s6 =	sadd.s32 $0x6000, s6;
	[dreg:$0x5] =	wrdreg s4  }
0xa: {  	s2 =	sadd.s32 $0x186800, s2;
	[dreg:$0x4] =	wrdreg s6;
	s13 =	sadd.s32 s8, s7  }
0xb: {  	s14 =	sor.u32 $0x1800, s7;
	s22 =	sadd.s32 s2, s7;
	[dreg:$0x6] =	wrdreg s13  }
0xc: {  	s9 =	sor.u32 $0x3000, s7;
	s15 =	sadd.s32 s8, s14;
	[dreg:$0xe] =	wrdreg s22  }
0xd: {  	s29 =	sshrl.u32 s0, $0x1;
	s16 =	sadd.s32 s8, s9;
	[dreg:$0x7] =	wrdreg s15  }
0xe: {  	s5 =	sshrl.u32 s5, $0x3;
	s4 =	sadd.s32 s2, s14;
	[dreg:$0x8] =	wrdreg s16  }
0xf: {  	s10 =	sadd.s32 $0x4800, s5;
	s23 =	sadd.s32 s2, s9;
	[dreg:$0xf] =	wrdreg s4  }
0x10: {  	s11 =	sadd.s32 $0x6000, s5;
	s17 =	sadd.s32 s8, s10;
	[dreg:$0x10] =	wrdreg s23  }
0x11: {  	s12 =	sadd.s32 $0x7800, s5;
	s18 =	sadd.s32 s8, s11;
	[dreg:$0x9] =	wrdreg s17  }
0x12: {  	s13 =	sadd.s32 $0x9000, s5;
	s19 =	sadd.s32 s8, s12;
	[dreg:$0xa] =	wrdreg s18  }
0x13: {  	s5 =	sadd.s32 $0xA800, s5;
	s20 =	sadd.s32 s8, s13;
	[dreg:$0xb] =	wrdreg s19  }
0x14: {  	s0 =	ssub.s32 s0, s29;
	s21 =	sadd.s32 s8, s5;
	[dreg:$0xc] =	wrdreg s20  }
0x15: {  	s7 =	simm.s32 $0x3;
	s24 =	sadd.s32 s2, s10;
	[dreg:$0xd] =	wrdreg s21  }
0x16: {  	s9 =	simm.s32 $0x1;
	s25 =	sadd.s32 s2, s11;
	[dreg:$0x11] =	wrdreg s24  }
0x17: {  	s26 =	sadd.s32 s2, s12;
	s30 =	sadd.s32 s2, s13;
	[dreg:$0x12] =	wrdreg s25  }
0x18: {  	v2 =	vlaneseq.u32;
	s2 =	sadd.s32 s2, s5;
	s4 =	sadd.s32 $0x100, s1;
	[dreg:$0x13] =	wrdreg s26  }
0x19: {  	vm0 =	vmmov $0xffff;
	v1 =	vshrl.u32 v2, $0x3;
	s5 =	sadd.s32 $0x200, s1;
	s10 =	simm.s32 $0x2;
	[dreg:$0x14] =	wrdreg s30  }
0x1a: {  	v0 =	vand.u32 $0x7, v2;
	v2 =	vor.u32 $0x8, v2;
	v1 =	vmul.u32 $0x8, v1;
	[dreg:$0x15] =	wrdreg s2;
	s2 =	smax.u32 s0, $0x1;
	s0 =	simm.s32 $0xC400  }
.LBB2_1:
0x1b: {  	[dreg:$0x17] =	wrdreg s2  }
0x1c: {  	s11 =	rddreg [dreg:$0x4]  }
0x1d: {  	[tilespmem:s3], [sflag:$0x3] =	stream.linear.gather [hbm4b:s11+s3], $0x200, $0x38;
	[tilespmem:$0x18400] =	vst v63  }
0x1e: {  	_ =	swait.ge [sflag:s7], $0x200  }
0x1f: {  	s26 =	rddreg [dreg:$0x5];
	[sflag:s7] =	ssyncset.done $0x0  }
0x20: {  	s12 =	rddreg [dreg:$0x16];
	[sflag:s7] =	ssyncadd.s32 $0xFFFFFE00  }
0x21: {  	[tilespmem:s12], [sflag:$0x3] =	stream.linear.gather [hbm4b:s26+s3], $0x200, $0x38;
	[tilespmem:$0x18400] =	vst v63  }
0x22: {  	_ =	swait.ge [sflag:s7], $0x200  }
0x23: {  	[sflag:s7] =	ssyncset.done $0x0  }
0x24: {  	[sflag:s7] =	ssyncadd.s32 $0xFFFFFE00  }
0x25: {  	v3 =	vld [tilespmem:$0x0];
	_ =	sdelay $0x4  }
0x26: {  	v4 =	vshrl.u32 v3, $0x3  }
0x27: {  	v4 =	vmul.u32 $0x30, v4  }
0x28: {  	v3 =	vand.u32 $0x7, v3  }
0x29: {  	v3 =	vor.u32 v3, v4  }
0x2a: {  	v4 =	vperm.xlane v3, v0;
	_ =	sdelay $0x1  }
0x2b: {  	v4 =	vadd.s32 v1, v4;
	_ =	sdelay $0x3  }
0x2c: {  	v3 =	vperm.xlane v3, v2  }
0x2d: {  	[tilespmem:s28], [sflag:$0x1] =	stream.indirect_vreg.gather [hbm4b:s1+s3], $0x80, v4, vm0, $0xb8;
	[tilespmem:$0x18400] =	vst v63  }
0x2e: {  	s29 =	simm.s32 $0xC00;
	v3 =	vadd.s32 v1, v3  }
0x2f: {  	[tilespmem:s29], [sflag:$0x1] =	stream.indirect_vreg.gather [hbm4b:s4+s3], $0x80, v4, vm0, $0xb8;
	[tilespmem:$0x18400] =	vst v63  }
0x30: {  	s30 =	simm.s32 $0x1400  }
0x31: {  	[tilespmem:s30], [sflag:$0x1] =	stream.indirect_vreg.gather [hbm4b:s5+s3], $0x80, v4, vm0, $0xb8;
	[tilespmem:$0x18400] =	vst v63  }
0x32: {  	s31 =	simm.s32 $0x1C00  }
0x33: {  	[tilespmem:s31], [sflag:$0x1] =	stream.indirect_vreg.gather [hbm4b:s1+s3], $0x80, v3, vm0, $0xb8;
	[tilespmem:$0x18400] =	vst v63  }
0x34: {  	s6 =	simm.s32 $0x2400  }
0x35: {  	[tilespmem:s6], [sflag:$0x1] =	stream.indirect_vreg.gather [hbm4b:s4+s3], $0x80, v3, vm0, $0xb8;
	[tilespmem:$0x18400] =	vst v63  }
0x36: {  	s8 =	simm.s32 $0x2C00  }
0x37: {  	[tilespmem:s8], [sflag:$0x1] =	stream.indirect_vreg.gather [hbm4b:s5+s3], $0x80, v3, vm0, $0xb8;
	[tilespmem:$0x18400] =	vst v63  }
0x38: {  	v3 =	vld [tilespmem:$0x10];
	_ =	sdelay $0x4  }
0x39: {  	v57 =	vshrl.u32 v3, $0x3  }
0x3a: {  	v4 =	vmul.u32 $0x30, v57  }
0x3b: {  	v3 =	vand.u32 $0x7, v3  }
0x3c: {  	v3 =	vor.u32 v3, v4  }
0x3d: {  	v4 =	vperm.xlane v3, v0;
	_ =	sdelay $0x1  }
0x3e: {  	v4 =	vadd.s32 v1, v4;
	_ =	sdelay $0x3  }
0x3f: {  	s11 =	simm.s32 $0x3400;
	v3 =	vperm.xlane v3, v2  }
0x40: {  	[tilespmem:s11], [sflag:$0x1] =	stream.indirect_vreg.gather [hbm4b:s1+s3], $0x80, v4, vm0, $0xb8;
	[tilespmem:$0x18400] =	vst v63  }
0x41: {  	s12 =	simm.s32 $0x3C00;
	v3 =	vadd.s32 v1, v3  }
0x42: {  	[tilespmem:s12], [sflag:$0x1] =	stream.indirect_vreg.gather [hbm4b:s4+s3], $0x80, v4, vm0, $0xb8;
	[tilespmem:$0x18400] =	vst v63  }
0x43: {  	s13 =	simm.s32 $0x4400  }
0x44: {  	[tilespmem:s13], [sflag:$0x1] =	stream.indirect_vreg.gather [hbm4b:s5+s3], $0x80, v4, vm0, $0xb8;
	[tilespmem:$0x18400] =	vst v63  }
0x45: {  	s14 =	simm.s32 $0x4C00  }
0x46: {  	[tilespmem:s14], [sflag:$0x1] =	stream.indirect_vreg.gather [hbm4b:s1+s3], $0x80, v3, vm0, $0xb8;
	[tilespmem:$0x18400] =	vst v63  }
0x47: {  	s15 =	simm.s32 $0x5400  }
0x48: {  	[tilespmem:s15], [sflag:$0x1] =	stream.indirect_vreg.gather [hbm4b:s4+s3], $0x80, v3, vm0, $0xb8;
	[tilespmem:$0x18400] =	vst v63  }
0x49: {  	s17 =	simm.s32 $0x5C00  }
0x4a: {  	[tilespmem:s17], [sflag:$0x1] =	stream.indirect_vreg.gather [hbm4b:s5+s3], $0x80, v3, vm0, $0xb8;
	[tilespmem:$0x18400] =	vst v63  }
0x4b: {  	v3 =	vld [tilespmem:$0x20];
	_ =	sdelay $0x4  }
0x4c: {  	v58 =	vshrl.u32 v3, $0x3  }
0x4d: {  	v4 =	vmul.u32 $0x30, v58  }
0x4e: {  	v3 =	vand.u32 $0x7, v3  }
0x4f: {  	v3 =	vor.u32 v3, v4  }
0x50: {  	v4 =	vperm.xlane v3, v0;
	_ =	sdelay $0x1  }
0x51: {  	v4 =	vadd.s32 v1, v4;
	_ =	sdelay $0x3  }
0x52: {  	s18 =	simm.s32 $0x6400;
	v3 =	vperm.xlane v3, v2  }
0x53: {  	[tilespmem:s18], [sflag:$0x1] =	stream.indirect_vreg.gather [hbm4b:s1+s3], $0x80, v4, vm0, $0xb8;
	[tilespmem:$0x18400] =	vst v63  }
0x54: {  	s19 =	simm.s32 $0x6C00;
	v3 =	vadd.s32 v1, v3  }
0x55: {  	[tilespmem:s19], [sflag:$0x1] =	stream.indirect_vreg.gather [hbm4b:s4+s3], $0x80, v4, vm0, $0xb8;
	[tilespmem:$0x18400] =	vst v63  }
0x56: {  	s22 =	simm.s32 $0x7400  }
0x57: {  	[tilespmem:s22], [sflag:$0x1] =	stream.indirect_vreg.gather [hbm4b:s5+s3], $0x80, v4, vm0, $0xb8;
	[tilespmem:$0x18400] =	vst v63  }
0x58: {  	s23 =	simm.s32 $0x7C00  }
0x59: {  	[tilespmem:s23], [sflag:$0x1] =	stream.indirect_vreg.gather [hbm4b:s1+s3], $0x80, v3, vm0, $0xb8;
	[tilespmem:$0x18400] =	vst v63  }
0x5a: {  	s24 =	simm.s32 $0x8400  }
0x5b: {  	[tilespmem:s24], [sflag:$0x1] =	stream.indirect_vreg.gather [hbm4b:s4+s3], $0x80, v3, vm0, $0xb8;
	[tilespmem:$0x18400] =	vst v63  }
0x5c: {  	s25 =	simm.s32 $0x8C00  }
0x5d: {  	[tilespmem:s25], [sflag:$0x1] =	stream.indirect_vreg.gather [hbm4b:s5+s3], $0x80, v3, vm0, $0xb8;
	[tilespmem:$0x18400] =	vst v63  }
0x5e: {  	v3 =	vld [tilespmem:$0x30];
	_ =	sdelay $0x4  }
0x5f: {  	v59 =	vshrl.u32 v3, $0x3  }
0x60: {  	v4 =	vmul.u32 $0x30, v59  }
0x61: {  	v3 =	vand.u32 $0x7, v3  }
0x62: {  	v3 =	vor.u32 v3, v4  }
0x63: {  	v4 =	vperm.xlane v3, v0;
	_ =	sdelay $0x1  }
0x64: {  	v4 =	vadd.s32 v1, v4;
	_ =	sdelay $0x3  }
0x65: {  	s26 =	simm.s32 $0x9400;
	v3 =	vperm.xlane v3, v2  }
0x66: {  	[tilespmem:s26], [sflag:$0x1] =	stream.indirect_vreg.gather [hbm4b:s1+s3], $0x80, v4, vm0, $0xb8;
	[tilespmem:$0x18400] =	vst v63  }
0x67: {  	s29 =	simm.s32 $0x9C00;
	v3 =	vadd.s32 v1, v3  }
0x68: {  	[tilespmem:s29], [sflag:$0x1] =	stream.indirect_vreg.gather [hbm4b:s4+s3], $0x80, v4, vm0, $0xb8;
	[tilespmem:$0x18400] =	vst v63  }
0x69: {  	s30 =	simm.s32 $0xA400  }
0x6a: {  	[tilespmem:s30], [sflag:$0x1] =	stream.indirect_vreg.gather [hbm4b:s5+s3], $0x80, v4, vm0, $0xb8;
	[tilespmem:$0x18400] =	vst v63  }
0x6b: {  	s31 =	simm.s32 $0xAC00  }
0x6c: {  	[tilespmem:s31], [sflag:$0x1] =	stream.indirect_vreg.gather [hbm4b:s1+s3], $0x80, v3, vm0, $0xb8;
	[tilespmem:$0x18400] =	vst v63  }
0x6d: {  	s8 =	simm.s32 $0xB400  }
0x6e: {  	[tilespmem:s8], [sflag:$0x1] =	stream.indirect_vreg.gather [hbm4b:s4+s3], $0x80, v3, vm0, $0xb8;
	[tilespmem:$0x18400] =	vst v63  }
0x6f: {  	s11 =	simm.s32 $0xBC00  }
0x70: {  	[tilespmem:s11], [sflag:$0x1] =	stream.indirect_vreg.gather [hbm4b:s5+s3], $0x80, v3, vm0, $0xb8;
	[tilespmem:$0x18400] =	vst v63  }
0x71: {  	v3 =	vld [tilespmem:$0x40];
	_ =	sdelay $0x4  }
0x72: {  	v60 =	vshrl.u32 v3, $0x3  }
0x73: {  	v4 =	vmul.u32 $0x30, v60  }
0x74: {  	v3 =	vand.u32 $0x7, v3  }
0x75: {  	v3 =	vor.u32 v3, v4  }
0x76: {  	v4 =	vperm.xlane v3, v0;
	_ =	sdelay $0x1  }
0x77: {  	v4 =	vadd.s32 v1, v4;
	_ =	sdelay $0x3  }
0x78: {  	v3 =	vperm.xlane v3, v2  }
0x79: {  	[tilespmem:s0], [sflag:$0x2] =	stream.indirect_vreg.gather [hbm4b:s1+s3], $0x80, v4, vm0, $0xb8;
	[tilespmem:$0x18400] =	vst v63  }
0x7a: {  	s12 =	simm.s32 $0xCC00;
	v3 =	vadd.s32 v1, v3  }
0x7b: {  	[tilespmem:s12], [sflag:$0x2] =	stream.indirect_vreg.gather [hbm4b:s4+s3], $0x80, v4, vm0, $0xb8;
	[tilespmem:$0x18400] =	vst v63  }
0x7c: {  	s13 =	simm.s32 $0xD400  }
0x7d: {  	[tilespmem:s13], [sflag:$0x2] =	stream.indirect_vreg.gather [hbm4b:s5+s3], $0x80, v4, vm0, $0xb8;
	[tilespmem:$0x18400] =	vst v63  }
0x7e: {  	s14 =	simm.s32 $0xDC00  }
0x7f: {  	[tilespmem:s14], [sflag:$0x2] =	stream.indirect_vreg.gather [hbm4b:s1+s3], $0x80, v3, vm0, $0xb8;
	[tilespmem:$0x18400] =	vst v63  }
0x80: {  	s15 =	simm.s32 $0xE400  }
0x81: {  	[tilespmem:s15], [sflag:$0x2] =	stream.indirect_vreg.gather [hbm4b:s4+s3], $0x80, v3, vm0, $0xb8;
	[tilespmem:$0x18400] =	vst v63  }
0x82: {  	s17 =	simm.s32 $0xEC00  }
0x83: {  	[tilespmem:s17], [sflag:$0x2] =	stream.indirect_vreg.gather [hbm4b:s5+s3], $0x80, v3, vm0, $0xb8;
	[tilespmem:$0x18400] =	vst v63  }
0x84: {  	v3 =	vld [tilespmem:$0x50];
	_ =	sdelay $0x4  }
0x85: {  	v61 =	vshrl.u32 v3, $0x3  }
0x86: {  	v4 =	vmul.u32 $0x30, v61  }
0x87: {  	v3 =	vand.u32 $0x7, v3  }
0x88: {  	v3 =	vor.u32 v3, v4  }
0x89: {  	v4 =	vperm.xlane v3, v0;
	_ =	sdelay $0x1  }
0x8a: {  	v4 =	vadd.s32 v1, v4;
	_ =	sdelay $0x3  }
0x8b: {  	s18 =	simm.s32 $0xF400;
	v3 =	vperm.xlane v3, v2  }
0x8c: {  	[tilespmem:s18], [sflag:$0x2] =	stream.indirect_vreg.gather [hbm4b:s1+s3], $0x80, v4, vm0, $0xb8;
	[tilespmem:$0x18400] =	vst v63  }
0x8d: {  	s19 =	simm.s32 $0xFC00;
	v3 =	vadd.s32 v1, v3  }
0x8e: {  	[tilespmem:s19], [sflag:$0x2] =	stream.indirect_vreg.gather [hbm4b:s4+s3], $0x80, v4, vm0, $0xb8;
	[tilespmem:$0x18400] =	vst v63  }
0x8f: {  	s22 =	simm.s32 $0x10400  }
0x90: {  	[tilespmem:s22], [sflag:$0x2] =	stream.indirect_vreg.gather [hbm4b:s5+s3], $0x80, v4, vm0, $0xb8;
	[tilespmem:$0x18400] =	vst v63  }
0x91: {  	s23 =	simm.s32 $0x10C00  }
0x92: {  	[tilespmem:s23], [sflag:$0x2] =	stream.indirect_vreg.gather [hbm4b:s1+s3], $0x80, v3, vm0, $0xb8;
	[tilespmem:$0x18400] =	vst v63  }
0x93: {  	s26 =	simm.s32 $0x11400  }
0x94: {  	[tilespmem:s26], [sflag:$0x2] =	stream.indirect_vreg.gather [hbm4b:s4+s3], $0x80, v3, vm0, $0xb8;
	[tilespmem:$0x18400] =	vst v63  }
0x95: {  	s29 =	simm.s32 $0x11C00  }
0x96: {  	[tilespmem:s29], [sflag:$0x2] =	stream.indirect_vreg.gather [hbm4b:s5+s3], $0x80, v3, vm0, $0xb8;
	[tilespmem:$0x18400] =	vst v63  }
0x97: {  	v3 =	vld [tilespmem:$0x60];
	_ =	sdelay $0x4  }
0x98: {  	v62 =	vshrl.u32 v3, $0x3  }
0x99: {  	v4 =	vmul.u32 $0x30, v62  }
0x9a: {  	v3 =	vand.u32 $0x7, v3  }
0x9b: {  	v3 =	vor.u32 v3, v4  }
0x9c: {  	v4 =	vperm.xlane v3, v0;
	_ =	sdelay $0x1  }
0x9d: {  	v4 =	vadd.s32 v1, v4;
	_ =	sdelay $0x3  }
0x9e: {  	s30 =	simm.s32 $0x12400;
	v3 =	vperm.xlane v3, v2  }
0x9f: {  	[tilespmem:s30], [sflag:$0x2] =	stream.indirect_vreg.gather [hbm4b:s1+s3], $0x80, v4, vm0, $0xb8;
	[tilespmem:$0x18400] =	vst v63  }
0xa0: {  	s31 =	simm.s32 $0x12C00;
	v3 =	vadd.s32 v1, v3  }
0xa1: {  	[tilespmem:s31], [sflag:$0x2] =	stream.indirect_vreg.gather [hbm4b:s4+s3], $0x80, v4, vm0, $0xb8;
	[tilespmem:$0x18400] =	vst v63  }
0xa2: {  	s8 =	simm.s32 $0x13400  }
0xa3: {  	[tilespmem:s8], [sflag:$0x2] =	stream.indirect_vreg.gather [hbm4b:s5+s3], $0x80, v4, vm0, $0xb8;
	[tilespmem:$0x18400] =	vst v63  }
0xa4: {  	s12 =	simm.s32 $0x13C00  }
0xa5: {  	[tilespmem:s12], [sflag:$0x2] =	stream.indirect_vreg.gather [hbm4b:s1+s3], $0x80, v3, vm0, $0xb8;
	[tilespmem:$0x18400] =	vst v63  }
0xa6: {  	s13 =	simm.s32 $0x14400  }
0xa7: {  	[tilespmem:s13], [sflag:$0x2] =	stream.indirect_vreg.gather [hbm4b:s4+s3], $0x80, v3, vm0, $0xb8;
	[tilespmem:$0x18400] =	vst v63  }
0xa8: {  	s14 =	simm.s32 $0x14C00  }
0xa9: {  	[tilespmem:s14], [sflag:$0x2] =	stream.indirect_vreg.gather [hbm4b:s5+s3], $0x80, v3, vm0, $0xb8;
	[tilespmem:$0x18400] =	vst v63  }
0xaa: {  	v3 =	vld [tilespmem:$0x70];
	_ =	sdelay $0x4  }
0xab: {  	v63 =	vshrl.u32 v3, $0x3  }
0xac: {  	v4 =	vmul.u32 $0x30, v63  }
0xad: {  	v3 =	vand.u32 $0x7, v3  }
0xae: {  	v3 =	vor.u32 v3, v4  }
0xaf: {  	v4 =	vperm.xlane v3, v0;
	_ =	sdelay $0x1  }
0xb0: {  	v4 =	vadd.s32 v1, v4;
	_ =	sdelay $0x3  }
0xb1: {  	s15 =	simm.s32 $0x15400;
	v3 =	vperm.xlane v3, v2  }
0xb2: {  	[tilespmem:s15], [sflag:$0x2] =	stream.indirect_vreg.gather [hbm4b:s1+s3], $0x80, v4, vm0, $0xb8;
	[tilespmem:$0x18400] =	vst v63  }
0xb3: {  	s17 =	simm.s32 $0x15C00;
	v3 =	vadd.s32 v1, v3  }
0xb4: {  	[tilespmem:s17], [sflag:$0x2] =	stream.indirect_vreg.gather [hbm4b:s4+s3], $0x80, v4, vm0, $0xb8;
	[tilespmem:$0x18400] =	vst v63  }
0xb5: {  	s18 =	simm.s32 $0x16400  }
0xb6: {  	[tilespmem:s18], [sflag:$0x2] =	stream.indirect_vreg.gather [hbm4b:s5+s3], $0x80, v4, vm0, $0xb8;
	[tilespmem:$0x18400] =	vst v63  }
0xb7: {  	s19 =	simm.s32 $0x16C00  }
0xb8: {  	[tilespmem:s19], [sflag:$0x2] =	stream.indirect_vreg.gather [hbm4b:s1+s3], $0x80, v3, vm0, $0xb8;
	[tilespmem:$0x18400] =	vst v63  }
0xb9: {  	s22 =	simm.s32 $0x17400  }
0xba: {  	[tilespmem:s22], [sflag:$0x2] =	stream.indirect_vreg.gather [hbm4b:s4+s3], $0x80, v3, vm0, $0xb8;
	[tilespmem:$0x18400] =	vst v63  }
0xbb: {  	s23 =	simm.s32 $0x17C00  }
0xbc: {  	[tilespmem:s23], [sflag:$0x2] =	stream.indirect_vreg.gather [hbm4b:s5+s3], $0x80, v3, vm0, $0xb8;
	[tilespmem:$0x18400] =	vst v63  }
0xbd: {  	_ =	swait.ge [sflag:s9], $0xC000  }
0xbe: {  	[sflag:s9] =	ssyncset.done $0x0  }
0xbf: {  	s26 =	rddreg [dreg:$0x6];
	[sflag:s9] =	ssyncadd.s32 $0xFFFF4000  }
0xc0: {  	[hbm4b:s26+s3] =	stream.linear.scatter [tilespmem:s28], [sflag:$0x3], $0xC000, $0x38;
	[tilespmem:$0x18400] =	vst v63  }
0xc1: {  	_ =	swait.ge [sflag:s7], $0xC000  }
0xc2: {  	[sflag:s7] =	ssyncset.done $0x0  }
0xc3: {  	[sflag:s7] =	ssyncadd.s32 $0xFFFF4000  }
0xc4: {  	v3 =	vld [tilespmem:$0x80];
	_ =	sdelay $0x4  }
0xc5: {  	v8 =	vshrl.u32 v3, $0x3  }
0xc6: {  	v4 =	vmul.u32 $0x30, v8  }
0xc7: {  	v3 =	vand.u32 $0x7, v3  }
0xc8: {  	v3 =	vor.u32 v3, v4  }
0xc9: {  	v4 =	vperm.xlane v3, v0;
	_ =	sdelay $0x1  }
0xca: {  	v4 =	vadd.s32 v1, v4;
	_ =	sdelay $0x3  }
0xcb: {  	v3 =	vperm.xlane v3, v2  }
0xcc: {  	[tilespmem:s28], [sflag:$0x1] =	stream.indirect_vreg.gather [hbm4b:s1+s3], $0x80, v4, vm0, $0xb8;
	[tilespmem:$0x18400] =	vst v63  }
0xcd: {  	s8 =	simm.s32 $0xC00;
	v3 =	vadd.s32 v1, v3  }
0xce: {  	[tilespmem:s8], [sflag:$0x1] =	stream.indirect_vreg.gather [hbm4b:s4+s3], $0x80, v4, vm0, $0xb8;
	[tilespmem:$0x18400] =	vst v63  }
0xcf: {  	s13 =	simm.s32 $0x1400  }
0xd0: {  	[tilespmem:s13], [sflag:$0x1] =	stream.indirect_vreg.gather [hbm4b:s5+s3], $0x80, v4, vm0, $0xb8;
	[tilespmem:$0x18400] =	vst v63  }
0xd1: {  	s14 =	simm.s32 $0x1C00  }
0xd2: {  	[tilespmem:s14], [sflag:$0x1] =	stream.indirect_vreg.gather [hbm4b:s1+s3], $0x80, v3, vm0, $0xb8;
	[tilespmem:$0x18400] =	vst v63  }
0xd3: {  	s15 =	simm.s32 $0x2400  }
0xd4: {  	[tilespmem:s15], [sflag:$0x1] =	stream.indirect_vreg.gather [hbm4b:s4+s3], $0x80, v3, vm0, $0xb8;
	[tilespmem:$0x18400] =	vst v63  }
0xd5: {  	s6 =	simm.s32 $0x2C00  }
0xd6: {  	[tilespmem:s6], [sflag:$0x1] =	stream.indirect_vreg.gather [hbm4b:s5+s3], $0x80, v3, vm0, $0xb8;
	[tilespmem:$0x18400] =	vst v63  }
0xd7: {  	v3 =	vld [tilespmem:$0x90];
	_ =	sdelay $0x4  }
0xd8: {  	v9 =	vshrl.u32 v3, $0x3  }
0xd9: {  	v4 =	vmul.u32 $0x30, v9  }
0xda: {  	v3 =	vand.u32 $0x7, v3  }
0xdb: {  	v3 =	vor.u32 v3, v4  }
0xdc: {  	v4 =	vperm.xlane v3, v0;
	_ =	sdelay $0x1  }
0xdd: {  	v4 =	vadd.s32 v1, v4;
	_ =	sdelay $0x3  }
0xde: {  	s16 =	simm.s32 $0x3400;
	v3 =	vperm.xlane v3, v2  }
0xdf: {  	[tilespmem:s16], [sflag:$0x1] =	stream.indirect_vreg.gather [hbm4b:s1+s3], $0x80, v4, vm0, $0xb8;
	[tilespmem:$0x18400] =	vst v63  }
0xe0: {  	v3 =	vadd.s32 v1, v3;
	s16 =	simm.s32 $0x3C00  }
0xe1: {  	[tilespmem:s16], [sflag:$0x1] =	stream.indirect_vreg.gather [hbm4b:s4+s3], $0x80, v4, vm0, $0xb8;
	[tilespmem:$0x18400] =	vst v63  }
0xe2: {  	s17 =	simm.s32 $0x4400  }
0xe3: {  	[tilespmem:s17], [sflag:$0x1] =	stream.indirect_vreg.gather [hbm4b:s5+s3], $0x80, v4, vm0, $0xb8;
	[tilespmem:$0x18400] =	vst v63  }
0xe4: {  	s18 =	simm.s32 $0x4C00  }
0xe5: {  	[tilespmem:s18], [sflag:$0x1] =	stream.indirect_vreg.gather [hbm4b:s1+s3], $0x80, v3, vm0, $0xb8;
	[tilespmem:$0x18400] =	vst v63  }
0xe6: {  	s19 =	simm.s32 $0x5400  }
0xe7: {  	[tilespmem:s19], [sflag:$0x1] =	stream.indirect_vreg.gather [hbm4b:s4+s3], $0x80, v3, vm0, $0xb8;
	[tilespmem:$0x18400] =	vst v63  }
0xe8: {  	s20 =	simm.s32 $0x5C00  }
0xe9: {  	[tilespmem:s20], [sflag:$0x1] =	stream.indirect_vreg.gather [hbm4b:s5+s3], $0x80, v3, vm0, $0xb8;
	[tilespmem:$0x18400] =	vst v63  }
0xea: {  	v3 =	vld [tilespmem:$0xA0];
	_ =	sdelay $0x4  }
0xeb: {  	v10 =	vshrl.u32 v3, $0x3  }
0xec: {  	v4 =	vmul.u32 $0x30, v10  }
0xed: {  	v3 =	vand.u32 $0x7, v3  }
0xee: {  	v3 =	vor.u32 v3, v4  }
0xef: {  	v4 =	vperm.xlane v3, v0;
	_ =	sdelay $0x1  }
0xf0: {  	v4 =	vadd.s32 v1, v4;
	_ =	sdelay $0x3  }
0xf1: {  	s21 =	simm.s32 $0x6400;
	v3 =	vperm.xlane v3, v2  }
0xf2: {  	[tilespmem:s21], [sflag:$0x1] =	stream.indirect_vreg.gather [hbm4b:s1+s3], $0x80, v4, vm0, $0xb8;
	[tilespmem:$0x18400] =	vst v63  }
0xf3: {  	s20 =	simm.s32 $0x6C00;
	v3 =	vadd.s32 v1, v3  }
0xf4: {  	[tilespmem:s20], [sflag:$0x1] =	stream.indirect_vreg.gather [hbm4b:s4+s3], $0x80, v4, vm0, $0xb8;
	[tilespmem:$0x18400] =	vst v63  }
0xf5: {  	s21 =	simm.s32 $0x7400  }
0xf6: {  	[tilespmem:s21], [sflag:$0x1] =	stream.indirect_vreg.gather [hbm4b:s5+s3], $0x80, v4, vm0, $0xb8;
	[tilespmem:$0x18400] =	vst v63  }
0xf7: {  	s22 =	simm.s32 $0x7C00  }
0xf8: {  	[tilespmem:s22], [sflag:$0x1] =	stream.indirect_vreg.gather [hbm4b:s1+s3], $0x80, v3, vm0, $0xb8;
	[tilespmem:$0x18400] =	vst v63  }
0xf9: {  	s23 =	simm.s32 $0x8400  }
0xfa: {  	[tilespmem:s23], [sflag:$0x1] =	stream.indirect_vreg.gather [hbm4b:s4+s3], $0x80, v3, vm0, $0xb8;
	[tilespmem:$0x18400] =	vst v63  }
0xfb: {  	s24 =	simm.s32 $0x8C00  }
0xfc: {  	[tilespmem:s24], [sflag:$0x1] =	stream.indirect_vreg.gather [hbm4b:s5+s3], $0x80, v3, vm0, $0xb8;
	[tilespmem:$0x18400] =	vst v63  }
0xfd: {  	v3 =	vld [tilespmem:$0xB0];
	_ =	sdelay $0x4  }
0xfe: {  	v11 =	vshrl.u32 v3, $0x3  }
0xff: {  	v4 =	vmul.u32 $0x30, v11  }
0x100: {  	v3 =	vand.u32 $0x7, v3  }
0x101: {  	v3 =	vor.u32 v3, v4  }
0x102: {  	v4 =	vperm.xlane v3, v0;
	_ =	sdelay $0x1  }
0x103: {  	v4 =	vadd.s32 v1, v4;
	_ =	sdelay $0x3  }
0x104: {  	s25 =	simm.s32 $0x9400;
	v3 =	vperm.xlane v3, v2  }
0x105: {  	[tilespmem:s25], [sflag:$0x1] =	stream.indirect_vreg.gather [hbm4b:s1+s3], $0x80, v4, vm0, $0xb8;
	[tilespmem:$0x18400] =	vst v63  }
0x106: {  	s24 =	simm.s32 $0x9C00;
	v3 =	vadd.s32 v1, v3  }
0x107: {  	[tilespmem:s24], [sflag:$0x1] =	stream.indirect_vreg.gather [hbm4b:s4+s3], $0x80, v4, vm0, $0xb8;
	[tilespmem:$0x18400] =	vst v63  }
0x108: {  	s25 =	simm.s32 $0xA400  }
0x109: {  	[tilespmem:s25], [sflag:$0x1] =	stream.indirect_vreg.gather [hbm4b:s5+s3], $0x80, v4, vm0, $0xb8;
	[tilespmem:$0x18400] =	vst v63  }
0x10a: {  	s6 =	simm.s32 $0xAC00  }
0x10b: {  	[tilespmem:s6], [sflag:$0x1] =	stream.indirect_vreg.gather [hbm4b:s1+s3], $0x80, v3, vm0, $0xb8;
	[tilespmem:$0x18400] =	vst v63  }
0x10c: {  	s26 =	simm.s32 $0xB400  }
0x10d: {  	[tilespmem:s26], [sflag:$0x1] =	stream.indirect_vreg.gather [hbm4b:s4+s3], $0x80, v3, vm0, $0xb8;
	[tilespmem:$0x18400] =	vst v63  }
0x10e: {  	s2 =	simm.s32 $0xBC00  }
0x10f: {  	[tilespmem:s2], [sflag:$0x1] =	stream.indirect_vreg.gather [hbm4b:s5+s3], $0x80, v3, vm0, $0xb8;
	[tilespmem:$0x18400] =	vst v63  }
0x110: {  	_ =	swait.ge [sflag:s10], $0xC000  }
0x111: {  	[sflag:s10] =	ssyncset.done $0x0  }
0x112: {  	s2 =	rddreg [dreg:$0x7];
	[sflag:s10] =	ssyncadd.s32 $0xFFFF4000  }
0x113: {  	[hbm4b:s2+s3] =	stream.linear.scatter [tilespmem:s0], [sflag:$0x3], $0xC000, $0x38;
	[tilespmem:$0x18400] =	vst v63  }
0x114: {  	_ =	swait.ge [sflag:s7], $0xC000  }
0x115: {  	[sflag:s7] =	ssyncset.done $0x0  }
0x116: {  	[sflag:s7] =	ssyncadd.s32 $0xFFFF4000  }
0x117: {  	v3 =	vld [tilespmem:$0xC0];
	_ =	sdelay $0x4  }
0x118: {  	v12 =	vshrl.u32 v3, $0x3  }
0x119: {  	v4 =	vmul.u32 $0x30, v12  }
0x11a: {  	v3 =	vand.u32 $0x7, v3  }
0x11b: {  	v3 =	vor.u32 v3, v4  }
0x11c: {  	v4 =	vperm.xlane v3, v0;
	_ =	sdelay $0x1  }
0x11d: {  	v4 =	vadd.s32 v1, v4;
	_ =	sdelay $0x3  }
0x11e: {  	v3 =	vperm.xlane v3, v2  }
0x11f: {  	[tilespmem:s0], [sflag:$0x2] =	stream.indirect_vreg.gather [hbm4b:s1+s3], $0x80, v4, vm0, $0xb8;
	[tilespmem:$0x18400] =	vst v63  }
0x120: {  	s11 =	simm.s32 $0xCC00;
	v3 =	vadd.s32 v1, v3  }
0x121: {  	[tilespmem:s11], [sflag:$0x2] =	stream.indirect_vreg.gather [hbm4b:s4+s3], $0x80, v4, vm0, $0xb8;
	[tilespmem:$0x18400] =	vst v63  }
0x122: {  	s11 =	simm.s32 $0xD400  }
0x123: {  	[tilespmem:s11], [sflag:$0x2] =	stream.indirect_vreg.gather [hbm4b:s5+s3], $0x80, v4, vm0, $0xb8;
	[tilespmem:$0x18400] =	vst v63  }
0x124: {  	s11 =	simm.s32 $0xDC00  }
0x125: {  	[tilespmem:s11], [sflag:$0x2] =	stream.indirect_vreg.gather [hbm4b:s1+s3], $0x80, v3, vm0, $0xb8;
	[tilespmem:$0x18400] =	vst v63  }
0x126: {  	s11 =	simm.s32 $0xE400  }
0x127: {  	[tilespmem:s11], [sflag:$0x2] =	stream.indirect_vreg.gather [hbm4b:s4+s3], $0x80, v3, vm0, $0xb8;
	[tilespmem:$0x18400] =	vst v63  }
0x128: {  	s11 =	simm.s32 $0xEC00  }
0x129: {  	[tilespmem:s11], [sflag:$0x2] =	stream.indirect_vreg.gather [hbm4b:s5+s3], $0x80, v3, vm0, $0xb8;
	[tilespmem:$0x18400] =	vst v63  }
0x12a: {  	v3 =	vld [tilespmem:$0xD0];
	_ =	sdelay $0x4  }
0x12b: {  	v13 =	vshrl.u32 v3, $0x3  }
0x12c: {  	v4 =	vmul.u32 $0x30, v13  }
0x12d: {  	v3 =	vand.u32 $0x7, v3  }
0x12e: {  	v3 =	vor.u32 v3, v4  }
0x12f: {  	v4 =	vperm.xlane v3, v0;
	_ =	sdelay $0x1  }
0x130: {  	v4 =	vadd.s32 v1, v4;
	_ =	sdelay $0x3  }
0x131: {  	s11 =	simm.s32 $0xF400;
	v3 =	vperm.xlane v3, v2  }
0x132: {  	[tilespmem:s11], [sflag:$0x2] =	stream.indirect_vreg.gather [hbm4b:s1+s3], $0x80, v4, vm0, $0xb8;
	[tilespmem:$0x18400] =	vst v63  }
0x133: {  	v3 =	vadd.s32 v1, v3;
	s11 =	simm.s32 $0xFC00  }
0x134: {  	[tilespmem:s11], [sflag:$0x2] =	stream.indirect_vreg.gather [hbm4b:s4+s3], $0x80, v4, vm0, $0xb8;
	[tilespmem:$0x18400] =	vst v63  }
0x135: {  	s11 =	simm.s32 $0x10400  }
0x136: {  	[tilespmem:s11], [sflag:$0x2] =	stream.indirect_vreg.gather [hbm4b:s5+s3], $0x80, v4, vm0, $0xb8;
	[tilespmem:$0x18400] =	vst v63  }
0x137: {  	s11 =	simm.s32 $0x10C00  }
0x138: {  	[tilespmem:s11], [sflag:$0x2] =	stream.indirect_vreg.gather [hbm4b:s1+s3], $0x80, v3, vm0, $0xb8;
	[tilespmem:$0x18400] =	vst v63  }
0x139: {  	s11 =	simm.s32 $0x11400  }
0x13a: {  	[tilespmem:s11], [sflag:$0x2] =	stream.indirect_vreg.gather [hbm4b:s4+s3], $0x80, v3, vm0, $0xb8;
	[tilespmem:$0x18400] =	vst v63  }
0x13b: {  	s29 =	simm.s32 $0x11C00  }
0x13c: {  	[tilespmem:s29], [sflag:$0x2] =	stream.indirect_vreg.gather [hbm4b:s5+s3], $0x80, v3, vm0, $0xb8;
	[tilespmem:$0x18400] =	vst v63  }
0x13d: {  	v3 =	vld [tilespmem:$0xE0];
	_ =	sdelay $0x4  }
0x13e: {  	v14 =	vshrl.u32 v3, $0x3  }
0x13f: {  	v4 =	vmul.u32 $0x30, v14  }
0x140: {  	v3 =	vand.u32 $0x7, v3  }
0x141: {  	v3 =	vor.u32 v3, v4  }
0x142: {  	v4 =	vperm.xlane v3, v0;
	_ =	sdelay $0x1  }
0x143: {  	v4 =	vadd.s32 v1, v4;
	_ =	sdelay $0x3  }
0x144: {  	s30 =	simm.s32 $0x12400;
	v3 =	vperm.xlane v3, v2  }
0x145: {  	[tilespmem:s30], [sflag:$0x2] =	stream.indirect_vreg.gather [hbm4b:s1+s3], $0x80, v4, vm0, $0xb8;
	[tilespmem:$0x18400] =	vst v63  }
0x146: {  	s29 =	simm.s32 $0x12C00;
	v3 =	vadd.s32 v1, v3  }
0x147: {  	[tilespmem:s29], [sflag:$0x2] =	stream.indirect_vreg.gather [hbm4b:s4+s3], $0x80, v4, vm0, $0xb8;
	[tilespmem:$0x18400] =	vst v63  }
0x148: {  	s30 =	simm.s32 $0x13400  }
0x149: {  	[tilespmem:s30], [sflag:$0x2] =	stream.indirect_vreg.gather [hbm4b:s5+s3], $0x80, v4, vm0, $0xb8;
	[tilespmem:$0x18400] =	vst v63  }
0x14a: {  	s11 =	simm.s32 $0x13C00  }
0x14b: {  	[tilespmem:s11], [sflag:$0x2] =	stream.indirect_vreg.gather [hbm4b:s1+s3], $0x80, v3, vm0, $0xb8;
	[tilespmem:$0x18400] =	vst v63  }
0x14c: {  	s11 =	simm.s32 $0x14400  }
0x14d: {  	[tilespmem:s11], [sflag:$0x2] =	stream.indirect_vreg.gather [hbm4b:s4+s3], $0x80, v3, vm0, $0xb8;
	[tilespmem:$0x18400] =	vst v63  }
0x14e: {  	s31 =	simm.s32 $0x14C00  }
0x14f: {  	[tilespmem:s31], [sflag:$0x2] =	stream.indirect_vreg.gather [hbm4b:s5+s3], $0x80, v3, vm0, $0xb8;
	[tilespmem:$0x18400] =	vst v63  }
0x150: {  	v3 =	vld [tilespmem:$0xF0];
	_ =	sdelay $0x4  }
0x151: {  	v15 =	vshrl.u32 v3, $0x3  }
0x152: {  	v4 =	vmul.u32 $0x30, v15  }
0x153: {  	v3 =	vand.u32 $0x7, v3  }
0x154: {  	v3 =	vor.u32 v3, v4  }
0x155: {  	v4 =	vperm.xlane v3, v0;
	_ =	sdelay $0x1  }
0x156: {  	v4 =	vadd.s32 v1, v4;
	_ =	sdelay $0x3  }
0x157: {  	s31 =	simm.s32 $0x15400;
	v3 =	vperm.xlane v3, v2  }
0x158: {  	[tilespmem:s31], [sflag:$0x2] =	stream.indirect_vreg.gather [hbm4b:s1+s3], $0x80, v4, vm0, $0xb8;
	[tilespmem:$0x18400] =	vst v63  }
0x159: {  	v3 =	vadd.s32 v1, v3;
	s31 =	simm.s32 $0x15C00  }
0x15a: {  	[tilespmem:s31], [sflag:$0x2] =	stream.indirect_vreg.gather [hbm4b:s4+s3], $0x80, v4, vm0, $0xb8;
	[tilespmem:$0x18400] =	vst v63  }
0x15b: {  	s11 =	simm.s32 $0x16400  }
0x15c: {  	[tilespmem:s11], [sflag:$0x2] =	stream.indirect_vreg.gather [hbm4b:s5+s3], $0x80, v4, vm0, $0xb8;
	[tilespmem:$0x18400] =	vst v63  }
0x15d: {  	s11 =	simm.s32 $0x16C00  }
0x15e: {  	[tilespmem:s11], [sflag:$0x2] =	stream.indirect_vreg.gather [hbm4b:s1+s3], $0x80, v3, vm0, $0xb8;
	[tilespmem:$0x18400] =	vst v63  }
0x15f: {  	s11 =	simm.s32 $0x17400  }
0x160: {  	[tilespmem:s11], [sflag:$0x2] =	stream.indirect_vreg.gather [hbm4b:s4+s3], $0x80, v3, vm0, $0xb8;
	[tilespmem:$0x18400] =	vst v63  }
0x161: {  	s12 =	simm.s32 $0x17C00  }
0x162: {  	[tilespmem:s12], [sflag:$0x2] =	stream.indirect_vreg.gather [hbm4b:s5+s3], $0x80, v3, vm0, $0xb8;
	[tilespmem:$0x18400] =	vst v63  }
0x163: {  	_ =	swait.ge [sflag:s9], $0xC000  }
0x164: {  	[sflag:s9] =	ssyncset.done $0x0  }
0x165: {  	s11 =	rddreg [dreg:$0x8];
	[sflag:s9] =	ssyncadd.s32 $0xFFFF4000  }
0x166: {  	[hbm4b:s11+s3] =	stream.linear.scatter [tilespmem:s28], [sflag:$0x3], $0xC000, $0x38;
	[tilespmem:$0x18400] =	vst v63  }
0x167: {  	_ =	swait.ge [sflag:s7], $0xC000  }
0x168: {  	[sflag:s7] =	ssyncset.done $0x0  }
0x169: {  	[sflag:s7] =	ssyncadd.s32 $0xFFFF4000  }
0x16a: {  	v3 =	vld [tilespmem:$0x100];
	_ =	sdelay $0x4  }
0x16b: {  	v16 =	vshrl.u32 v3, $0x3  }
0x16c: {  	v4 =	vmul.u32 $0x30, v16  }
0x16d: {  	v3 =	vand.u32 $0x7, v3  }
0x16e: {  	v3 =	vor.u32 v3, v4  }
0x16f: {  	v4 =	vperm.xlane v3, v0;
	_ =	sdelay $0x1  }
0x170: {  	v4 =	vadd.s32 v1, v4;
	_ =	sdelay $0x3  }
0x171: {  	v3 =	vperm.xlane v3, v2  }
0x172: {  	[tilespmem:s28], [sflag:$0x1] =	stream.indirect_vreg.gather [hbm4b:s1+s3], $0x80, v4, vm0, $0xb8;
	[tilespmem:$0x18400] =	vst v63  }
0x173: {  	v3 =	vadd.s32 v1, v3  }
0x174: {  	[tilespmem:s8], [sflag:$0x1] =	stream.indirect_vreg.gather [hbm4b:s4+s3], $0x80, v4, vm0, $0xb8;
	[tilespmem:$0x18400] =	vst v63  }
0x175: {  	_ = 	snop  }
0x176: {  	[tilespmem:s13], [sflag:$0x1] =	stream.indirect_vreg.gather [hbm4b:s5+s3], $0x80, v4, vm0, $0xb8;
	[tilespmem:$0x18400] =	vst v63  }
0x177: {  	_ = 	snop  }
0x178: {  	[tilespmem:s14], [sflag:$0x1] =	stream.indirect_vreg.gather [hbm4b:s1+s3], $0x80, v3, vm0, $0xb8;
	[tilespmem:$0x18400] =	vst v63  }
0x179: {  	_ = 	snop  }
0x17a: {  	[tilespmem:s15], [sflag:$0x1] =	stream.indirect_vreg.gather [hbm4b:s4+s3], $0x80, v3, vm0, $0xb8;
	[tilespmem:$0x18400] =	vst v63  }
0x17b: {  	s11 =	simm.s32 $0x2C00  }
0x17c: {  	[tilespmem:s11], [sflag:$0x1] =	stream.indirect_vreg.gather [hbm4b:s5+s3], $0x80, v3, vm0, $0xb8;
	[tilespmem:$0x18400] =	vst v63  }
0x17d: {  	v3 =	vld [tilespmem:$0x110];
	_ =	sdelay $0x4  }
0x17e: {  	v17 =	vshrl.u32 v3, $0x3  }
0x17f: {  	v4 =	vmul.u32 $0x30, v17  }
0x180: {  	v3 =	vand.u32 $0x7, v3  }
0x181: {  	v3 =	vor.u32 v3, v4  }
0x182: {  	v4 =	vperm.xlane v3, v0;
	_ =	sdelay $0x1  }
0x183: {  	v4 =	vadd.s32 v1, v4;
	_ =	sdelay $0x3  }
0x184: {  	s11 =	simm.s32 $0x3400;
	v3 =	vperm.xlane v3, v2  }
0x185: {  	[tilespmem:s11], [sflag:$0x1] =	stream.indirect_vreg.gather [hbm4b:s1+s3], $0x80, v4, vm0, $0xb8;
	[tilespmem:$0x18400] =	vst v63  }
0x186: {  	v3 =	vadd.s32 v1, v3  }
0x187: {  	[tilespmem:s16], [sflag:$0x1] =	stream.indirect_vreg.gather [hbm4b:s4+s3], $0x80, v4, vm0, $0xb8;
	[tilespmem:$0x18400] =	vst v63  }
0x188: {  	_ = 	snop  }
0x189: {  	[tilespmem:s17], [sflag:$0x1] =	stream.indirect_vreg.gather [hbm4b:s5+s3], $0x80, v4, vm0, $0xb8;
	[tilespmem:$0x18400] =	vst v63  }
0x18a: {  	_ = 	snop  }
0x18b: {  	[tilespmem:s18], [sflag:$0x1] =	stream.indirect_vreg.gather [hbm4b:s1+s3], $0x80, v3, vm0, $0xb8;
	[tilespmem:$0x18400] =	vst v63  }
0x18c: {  	_ = 	snop  }
0x18d: {  	[tilespmem:s19], [sflag:$0x1] =	stream.indirect_vreg.gather [hbm4b:s4+s3], $0x80, v3, vm0, $0xb8;
	[tilespmem:$0x18400] =	vst v63  }
0x18e: {  	s11 =	simm.s32 $0x5C00  }
0x18f: {  	[tilespmem:s11], [sflag:$0x1] =	stream.indirect_vreg.gather [hbm4b:s5+s3], $0x80, v3, vm0, $0xb8;
	[tilespmem:$0x18400] =	vst v63  }
0x190: {  	v3 =	vld [tilespmem:$0x120];
	_ =	sdelay $0x4  }
0x191: {  	v18 =	vshrl.u32 v3, $0x3  }
0x192: {  	v4 =	vmul.u32 $0x30, v18  }
0x193: {  	v3 =	vand.u32 $0x7, v3  }
0x194: {  	v3 =	vor.u32 v3, v4  }
0x195: {  	v4 =	vperm.xlane v3, v0;
	_ =	sdelay $0x1  }
0x196: {  	v4 =	vadd.s32 v1, v4;
	_ =	sdelay $0x3  }
0x197: {  	s11 =	simm.s32 $0x6400;
	v3 =	vperm.xlane v3, v2  }
0x198: {  	[tilespmem:s11], [sflag:$0x1] =	stream.indirect_vreg.gather [hbm4b:s1+s3], $0x80, v4, vm0, $0xb8;
	[tilespmem:$0x18400] =	vst v63  }
0x199: {  	v3 =	vadd.s32 v1, v3  }
0x19a: {  	[tilespmem:s20], [sflag:$0x1] =	stream.indirect_vreg.gather [hbm4b:s4+s3], $0x80, v4, vm0, $0xb8;
	[tilespmem:$0x18400] =	vst v63  }
0x19b: {  	_ = 	snop  }
0x19c: {  	[tilespmem:s21], [sflag:$0x1] =	stream.indirect_vreg.gather [hbm4b:s5+s3], $0x80, v4, vm0, $0xb8;
	[tilespmem:$0x18400] =	vst v63  }
0x19d: {  	_ = 	snop  }
0x19e: {  	[tilespmem:s22], [sflag:$0x1] =	stream.indirect_vreg.gather [hbm4b:s1+s3], $0x80, v3, vm0, $0xb8;
	[tilespmem:$0x18400] =	vst v63  }
0x19f: {  	_ = 	snop  }
0x1a0: {  	[tilespmem:s23], [sflag:$0x1] =	stream.indirect_vreg.gather [hbm4b:s4+s3], $0x80, v3, vm0, $0xb8;
	[tilespmem:$0x18400] =	vst v63  }
0x1a1: {  	s11 =	simm.s32 $0x8C00  }
0x1a2: {  	[tilespmem:s11], [sflag:$0x1] =	stream.indirect_vreg.gather [hbm4b:s5+s3], $0x80, v3, vm0, $0xb8;
	[tilespmem:$0x18400] =	vst v63  }
0x1a3: {  	v3 =	vld [tilespmem:$0x130];
	_ =	sdelay $0x4  }
0x1a4: {  	v19 =	vshrl.u32 v3, $0x3  }
0x1a5: {  	v4 =	vmul.u32 $0x30, v19  }
0x1a6: {  	v3 =	vand.u32 $0x7, v3  }
0x1a7: {  	v3 =	vor.u32 v3, v4  }
0x1a8: {  	v4 =	vperm.xlane v3, v0;
	_ =	sdelay $0x1  }
0x1a9: {  	v4 =	vadd.s32 v1, v4;
	_ =	sdelay $0x3  }
0x1aa: {  	s11 =	simm.s32 $0x9400;
	v3 =	vperm.xlane v3, v2  }
0x1ab: {  	[tilespmem:s11], [sflag:$0x1] =	stream.indirect_vreg.gather [hbm4b:s1+s3], $0x80, v4, vm0, $0xb8;
	[tilespmem:$0x18400] =	vst v63  }
0x1ac: {  	v3 =	vadd.s32 v1, v3  }
0x1ad: {  	[tilespmem:s24], [sflag:$0x1] =	stream.indirect_vreg.gather [hbm4b:s4+s3], $0x80, v4, vm0, $0xb8;
	[tilespmem:$0x18400] =	vst v63  }
0x1ae: {  	_ = 	snop  }
0x1af: {  	[tilespmem:s25], [sflag:$0x1] =	stream.indirect_vreg.gather [hbm4b:s5+s3], $0x80, v4, vm0, $0xb8;
	[tilespmem:$0x18400] =	vst v63  }
0x1b0: {  	_ = 	snop  }
0x1b1: {  	[tilespmem:s6], [sflag:$0x1] =	stream.indirect_vreg.gather [hbm4b:s1+s3], $0x80, v3, vm0, $0xb8;
	[tilespmem:$0x18400] =	vst v63  }
0x1b2: {  	_ = 	snop  }
0x1b3: {  	[tilespmem:s26], [sflag:$0x1] =	stream.indirect_vreg.gather [hbm4b:s4+s3], $0x80, v3, vm0, $0xb8;
	[tilespmem:$0x18400] =	vst v63  }
0x1b4: {  	s11 =	simm.s32 $0xBC00  }
0x1b5: {  	[tilespmem:s11], [sflag:$0x1] =	stream.indirect_vreg.gather [hbm4b:s5+s3], $0x80, v3, vm0, $0xb8;
	[tilespmem:$0x18400] =	vst v63  }
0x1b6: {  	_ =	swait.ge [sflag:s10], $0xC000  }
0x1b7: {  	[sflag:s10] =	ssyncset.done $0x0  }
0x1b8: {  	s11 =	rddreg [dreg:$0x9];
	[sflag:s10] =	ssyncadd.s32 $0xFFFF4000  }
0x1b9: {  	[hbm4b:s11+s3] =	stream.linear.scatter [tilespmem:s0], [sflag:$0x3], $0xC000, $0x38;
	[tilespmem:$0x18400] =	vst v63  }
0x1ba: {  	_ =	swait.ge [sflag:s7], $0xC000  }
0x1bb: {  	[sflag:s7] =	ssyncset.done $0x0  }
0x1bc: {  	[sflag:s7] =	ssyncadd.s32 $0xFFFF4000  }
0x1bd: {  	v3 =	vld [tilespmem:$0x140];
	_ =	sdelay $0x4  }
0x1be: {  	v20 =	vshrl.u32 v3, $0x3  }
0x1bf: {  	v4 =	vmul.u32 $0x30, v20  }
0x1c0: {  	v3 =	vand.u32 $0x7, v3  }
0x1c1: {  	v3 =	vor.u32 v3, v4  }
0x1c2: {  	v4 =	vperm.xlane v3, v0;
	_ =	sdelay $0x1  }
0x1c3: {  	v4 =	vadd.s32 v1, v4;
	_ =	sdelay $0x3  }
0x1c4: {  	v3 =	vperm.xlane v3, v2  }
0x1c5: {  	[tilespmem:s0], [sflag:$0x2] =	stream.indirect_vreg.gather [hbm4b:s1+s3], $0x80, v4, vm0, $0xb8;
	[tilespmem:$0x18400] =	vst v63  }
0x1c6: {  	s2 =	simm.s32 $0xCC00;
	v3 =	vadd.s32 v1, v3  }
0x1c7: {  	[tilespmem:s2], [sflag:$0x2] =	stream.indirect_vreg.gather [hbm4b:s4+s3], $0x80, v4, vm0, $0xb8;
	[tilespmem:$0x18400] =	vst v63  }
0x1c8: {  	s11 =	simm.s32 $0xD400  }
0x1c9: {  	[tilespmem:s11], [sflag:$0x2] =	stream.indirect_vreg.gather [hbm4b:s5+s3], $0x80, v4, vm0, $0xb8;
	[tilespmem:$0x18400] =	vst v63  }
0x1ca: {  	s11 =	simm.s32 $0xDC00  }
0x1cb: {  	[tilespmem:s11], [sflag:$0x2] =	stream.indirect_vreg.gather [hbm4b:s1+s3], $0x80, v3, vm0, $0xb8;
	[tilespmem:$0x18400] =	vst v63  }
0x1cc: {  	s11 =	simm.s32 $0xE400  }
0x1cd: {  	[tilespmem:s11], [sflag:$0x2] =	stream.indirect_vreg.gather [hbm4b:s4+s3], $0x80, v3, vm0, $0xb8;
	[tilespmem:$0x18400] =	vst v63  }
0x1ce: {  	s11 =	simm.s32 $0xEC00  }
0x1cf: {  	[tilespmem:s11], [sflag:$0x2] =	stream.indirect_vreg.gather [hbm4b:s5+s3], $0x80, v3, vm0, $0xb8;
	[tilespmem:$0x18400] =	vst v63  }
0x1d0: {  	v3 =	vld [tilespmem:$0x150];
	_ =	sdelay $0x4  }
0x1d1: {  	v21 =	vshrl.u32 v3, $0x3  }
0x1d2: {  	v4 =	vmul.u32 $0x30, v21  }
0x1d3: {  	v3 =	vand.u32 $0x7, v3  }
0x1d4: {  	v3 =	vor.u32 v3, v4  }
0x1d5: {  	v4 =	vperm.xlane v3, v0;
	_ =	sdelay $0x1  }
0x1d6: {  	v4 =	vadd.s32 v1, v4;
	_ =	sdelay $0x3  }
0x1d7: {  	s11 =	simm.s32 $0xF400;
	v3 =	vperm.xlane v3, v2  }
0x1d8: {  	[tilespmem:s11], [sflag:$0x2] =	stream.indirect_vreg.gather [hbm4b:s1+s3], $0x80, v4, vm0, $0xb8;
	[tilespmem:$0x18400] =	vst v63  }
0x1d9: {  	v3 =	vadd.s32 v1, v3;
	s11 =	simm.s32 $0xFC00  }
0x1da: {  	[tilespmem:s11], [sflag:$0x2] =	stream.indirect_vreg.gather [hbm4b:s4+s3], $0x80, v4, vm0, $0xb8;
	[tilespmem:$0x18400] =	vst v63  }
0x1db: {  	s11 =	simm.s32 $0x10400  }
0x1dc: {  	[tilespmem:s11], [sflag:$0x2] =	stream.indirect_vreg.gather [hbm4b:s5+s3], $0x80, v4, vm0, $0xb8;
	[tilespmem:$0x18400] =	vst v63  }
0x1dd: {  	s11 =	simm.s32 $0x10C00  }
0x1de: {  	[tilespmem:s11], [sflag:$0x2] =	stream.indirect_vreg.gather [hbm4b:s1+s3], $0x80, v3, vm0, $0xb8;
	[tilespmem:$0x18400] =	vst v63  }
0x1df: {  	s11 =	simm.s32 $0x11400  }
0x1e0: {  	[tilespmem:s11], [sflag:$0x2] =	stream.indirect_vreg.gather [hbm4b:s4+s3], $0x80, v3, vm0, $0xb8;
	[tilespmem:$0x18400] =	vst v63  }
0x1e1: {  	s11 =	simm.s32 $0x11C00  }
0x1e2: {  	[tilespmem:s11], [sflag:$0x2] =	stream.indirect_vreg.gather [hbm4b:s5+s3], $0x80, v3, vm0, $0xb8;
	[tilespmem:$0x18400] =	vst v63  }
0x1e3: {  	v3 =	vld [tilespmem:$0x160];
	_ =	sdelay $0x4  }
0x1e4: {  	v22 =	vshrl.u32 v3, $0x3  }
0x1e5: {  	v4 =	vmul.u32 $0x30, v22  }
0x1e6: {  	v3 =	vand.u32 $0x7, v3  }
0x1e7: {  	v3 =	vor.u32 v3, v4  }
0x1e8: {  	v4 =	vperm.xlane v3, v0;
	_ =	sdelay $0x1  }
0x1e9: {  	v4 =	vadd.s32 v1, v4;
	_ =	sdelay $0x3  }
0x1ea: {  	s11 =	simm.s32 $0x12400;
	v3 =	vperm.xlane v3, v2  }
0x1eb: {  	[tilespmem:s11], [sflag:$0x2] =	stream.indirect_vreg.gather [hbm4b:s1+s3], $0x80, v4, vm0, $0xb8;
	[tilespmem:$0x18400] =	vst v63  }
0x1ec: {  	s29 =	simm.s32 $0x12C00;
	v3 =	vadd.s32 v1, v3  }
0x1ed: {  	[tilespmem:s29], [sflag:$0x2] =	stream.indirect_vreg.gather [hbm4b:s4+s3], $0x80, v4, vm0, $0xb8;
	[tilespmem:$0x18400] =	vst v63  }
0x1ee: {  	s30 =	simm.s32 $0x13400  }
0x1ef: {  	[tilespmem:s30], [sflag:$0x2] =	stream.indirect_vreg.gather [hbm4b:s5+s3], $0x80, v4, vm0, $0xb8;
	[tilespmem:$0x18400] =	vst v63  }
0x1f0: {  	s11 =	simm.s32 $0x13C00  }
0x1f1: {  	[tilespmem:s11], [sflag:$0x2] =	stream.indirect_vreg.gather [hbm4b:s1+s3], $0x80, v3, vm0, $0xb8;
	[tilespmem:$0x18400] =	vst v63  }
0x1f2: {  	s11 =	simm.s32 $0x14400  }
0x1f3: {  	[tilespmem:s11], [sflag:$0x2] =	stream.indirect_vreg.gather [hbm4b:s4+s3], $0x80, v3, vm0, $0xb8;
	[tilespmem:$0x18400] =	vst v63  }
0x1f4: {  	s11 =	simm.s32 $0x14C00  }
0x1f5: {  	[tilespmem:s11], [sflag:$0x2] =	stream.indirect_vreg.gather [hbm4b:s5+s3], $0x80, v3, vm0, $0xb8;
	[tilespmem:$0x18400] =	vst v63  }
0x1f6: {  	v3 =	vld [tilespmem:$0x170];
	_ =	sdelay $0x4  }
0x1f7: {  	v23 =	vshrl.u32 v3, $0x3  }
0x1f8: {  	v4 =	vmul.u32 $0x30, v23  }
0x1f9: {  	v3 =	vand.u32 $0x7, v3  }
0x1fa: {  	v3 =	vor.u32 v3, v4  }
0x1fb: {  	v4 =	vperm.xlane v3, v0;
	_ =	sdelay $0x1  }
0x1fc: {  	v4 =	vadd.s32 v1, v4;
	_ =	sdelay $0x3  }
0x1fd: {  	s11 =	simm.s32 $0x15400;
	v3 =	vperm.xlane v3, v2  }
0x1fe: {  	[tilespmem:s11], [sflag:$0x2] =	stream.indirect_vreg.gather [hbm4b:s1+s3], $0x80, v4, vm0, $0xb8;
	[tilespmem:$0x18400] =	vst v63  }
0x1ff: {  	s31 =	simm.s32 $0x15C00;
	v3 =	vadd.s32 v1, v3  }
0x200: {  	[tilespmem:s31], [sflag:$0x2] =	stream.indirect_vreg.gather [hbm4b:s4+s3], $0x80, v4, vm0, $0xb8;
	[tilespmem:$0x18400] =	vst v63  }
0x201: {  	s11 =	simm.s32 $0x16400  }
0x202: {  	[tilespmem:s11], [sflag:$0x2] =	stream.indirect_vreg.gather [hbm4b:s5+s3], $0x80, v4, vm0, $0xb8;
	[tilespmem:$0x18400] =	vst v63  }
0x203: {  	s11 =	simm.s32 $0x16C00  }
0x204: {  	[tilespmem:s11], [sflag:$0x2] =	stream.indirect_vreg.gather [hbm4b:s1+s3], $0x80, v3, vm0, $0xb8;
	[tilespmem:$0x18400] =	vst v63  }
0x205: {  	s11 =	simm.s32 $0x17400  }
0x206: {  	[tilespmem:s11], [sflag:$0x2] =	stream.indirect_vreg.gather [hbm4b:s4+s3], $0x80, v3, vm0, $0xb8;
	[tilespmem:$0x18400] =	vst v63  }
0x207: {  	s12 =	simm.s32 $0x17C00  }
0x208: {  	[tilespmem:s12], [sflag:$0x2] =	stream.indirect_vreg.gather [hbm4b:s5+s3], $0x80, v3, vm0, $0xb8;
	[tilespmem:$0x18400] =	vst v63  }
0x209: {  	_ =	swait.ge [sflag:s9], $0xC000  }
0x20a: {  	[sflag:s9] =	ssyncset.done $0x0  }
0x20b: {  	s11 =	rddreg [dreg:$0xa];
	[sflag:s9] =	ssyncadd.s32 $0xFFFF4000  }
0x20c: {  	[hbm4b:s11+s3] =	stream.linear.scatter [tilespmem:s28], [sflag:$0x3], $0xC000, $0x38;
	[tilespmem:$0x18400] =	vst v63  }
0x20d: {  	_ =	swait.ge [sflag:s7], $0xC000  }
0x20e: {  	[sflag:s7] =	ssyncset.done $0x0  }
0x20f: {  	[sflag:s7] =	ssyncadd.s32 $0xFFFF4000  }
0x210: {  	v3 =	vld [tilespmem:$0x180];
	_ =	sdelay $0x4  }
0x211: {  	v24 =	vshrl.u32 v3, $0x3  }
0x212: {  	v4 =	vmul.u32 $0x30, v24  }
0x213: {  	v3 =	vand.u32 $0x7, v3  }
0x214: {  	v3 =	vor.u32 v3, v4  }
0x215: {  	v4 =	vperm.xlane v3, v0;
	_ =	sdelay $0x1  }
0x216: {  	v4 =	vadd.s32 v1, v4;
	_ =	sdelay $0x3  }
0x217: {  	v3 =	vperm.xlane v3, v2  }
0x218: {  	[tilespmem:s28], [sflag:$0x1] =	stream.indirect_vreg.gather [hbm4b:s1+s3], $0x80, v4, vm0, $0xb8;
	[tilespmem:$0x18400] =	vst v63  }
0x219: {  	s8 =	simm.s32 $0xC00;
	v3 =	vadd.s32 v1, v3  }
0x21a: {  	[tilespmem:s8], [sflag:$0x1] =	stream.indirect_vreg.gather [hbm4b:s4+s3], $0x80, v4, vm0, $0xb8;
	[tilespmem:$0x18400] =	vst v63  }
0x21b: {  	s13 =	simm.s32 $0x1400  }
0x21c: {  	[tilespmem:s13], [sflag:$0x1] =	stream.indirect_vreg.gather [hbm4b:s5+s3], $0x80, v4, vm0, $0xb8;
	[tilespmem:$0x18400] =	vst v63  }
0x21d: {  	s14 =	simm.s32 $0x1C00  }
0x21e: {  	[tilespmem:s14], [sflag:$0x1] =	stream.indirect_vreg.gather [hbm4b:s1+s3], $0x80, v3, vm0, $0xb8;
	[tilespmem:$0x18400] =	vst v63  }
0x21f: {  	s15 =	simm.s32 $0x2400  }
0x220: {  	[tilespmem:s15], [sflag:$0x1] =	stream.indirect_vreg.gather [hbm4b:s4+s3], $0x80, v3, vm0, $0xb8;
	[tilespmem:$0x18400] =	vst v63  }
0x221: {  	s11 =	simm.s32 $0x2C00  }
0x222: {  	[tilespmem:s11], [sflag:$0x1] =	stream.indirect_vreg.gather [hbm4b:s5+s3], $0x80, v3, vm0, $0xb8;
	[tilespmem:$0x18400] =	vst v63  }
0x223: {  	v3 =	vld [tilespmem:$0x190];
	_ =	sdelay $0x4  }
0x224: {  	v25 =	vshrl.u32 v3, $0x3  }
0x225: {  	v4 =	vmul.u32 $0x30, v25  }
0x226: {  	v3 =	vand.u32 $0x7, v3  }
0x227: {  	v3 =	vor.u32 v3, v4  }
0x228: {  	v4 =	vperm.xlane v3, v0;
	_ =	sdelay $0x1  }
0x229: {  	v4 =	vadd.s32 v1, v4;
	_ =	sdelay $0x3  }
0x22a: {  	s11 =	simm.s32 $0x3400;
	v3 =	vperm.xlane v3, v2  }
0x22b: {  	[tilespmem:s11], [sflag:$0x1] =	stream.indirect_vreg.gather [hbm4b:s1+s3], $0x80, v4, vm0, $0xb8;
	[tilespmem:$0x18400] =	vst v63  }
0x22c: {  	s16 =	simm.s32 $0x3C00;
	v3 =	vadd.s32 v1, v3  }
0x22d: {  	[tilespmem:s16], [sflag:$0x1] =	stream.indirect_vreg.gather [hbm4b:s4+s3], $0x80, v4, vm0, $0xb8;
	[tilespmem:$0x18400] =	vst v63  }
0x22e: {  	s17 =	simm.s32 $0x4400  }
0x22f: {  	[tilespmem:s17], [sflag:$0x1] =	stream.indirect_vreg.gather [hbm4b:s5+s3], $0x80, v4, vm0, $0xb8;
	[tilespmem:$0x18400] =	vst v63  }
0x230: {  	s18 =	simm.s32 $0x4C00  }
0x231: {  	[tilespmem:s18], [sflag:$0x1] =	stream.indirect_vreg.gather [hbm4b:s1+s3], $0x80, v3, vm0, $0xb8;
	[tilespmem:$0x18400] =	vst v63  }
0x232: {  	s19 =	simm.s32 $0x5400  }
0x233: {  	[tilespmem:s19], [sflag:$0x1] =	stream.indirect_vreg.gather [hbm4b:s4+s3], $0x80, v3, vm0, $0xb8;
	[tilespmem:$0x18400] =	vst v63  }
0x234: {  	s11 =	simm.s32 $0x5C00  }
0x235: {  	[tilespmem:s11], [sflag:$0x1] =	stream.indirect_vreg.gather [hbm4b:s5+s3], $0x80, v3, vm0, $0xb8;
	[tilespmem:$0x18400] =	vst v63  }
0x236: {  	v3 =	vld [tilespmem:$0x1A0];
	_ =	sdelay $0x4  }
0x237: {  	v26 =	vshrl.u32 v3, $0x3  }
0x238: {  	v4 =	vmul.u32 $0x30, v26  }
0x239: {  	v3 =	vand.u32 $0x7, v3  }
0x23a: {  	v3 =	vor.u32 v3, v4  }
0x23b: {  	v4 =	vperm.xlane v3, v0;
	_ =	sdelay $0x1  }
0x23c: {  	v4 =	vadd.s32 v1, v4;
	_ =	sdelay $0x3  }
0x23d: {  	s11 =	simm.s32 $0x6400;
	v3 =	vperm.xlane v3, v2  }
0x23e: {  	[tilespmem:s11], [sflag:$0x1] =	stream.indirect_vreg.gather [hbm4b:s1+s3], $0x80, v4, vm0, $0xb8;
	[tilespmem:$0x18400] =	vst v63  }
0x23f: {  	s20 =	simm.s32 $0x6C00;
	v3 =	vadd.s32 v1, v3  }
0x240: {  	[tilespmem:s20], [sflag:$0x1] =	stream.indirect_vreg.gather [hbm4b:s4+s3], $0x80, v4, vm0, $0xb8;
	[tilespmem:$0x18400] =	vst v63  }
0x241: {  	s21 =	simm.s32 $0x7400  }
0x242: {  	[tilespmem:s21], [sflag:$0x1] =	stream.indirect_vreg.gather [hbm4b:s5+s3], $0x80, v4, vm0, $0xb8;
	[tilespmem:$0x18400] =	vst v63  }
0x243: {  	s22 =	simm.s32 $0x7C00  }
0x244: {  	[tilespmem:s22], [sflag:$0x1] =	stream.indirect_vreg.gather [hbm4b:s1+s3], $0x80, v3, vm0, $0xb8;
	[tilespmem:$0x18400] =	vst v63  }
0x245: {  	s23 =	simm.s32 $0x8400  }
0x246: {  	[tilespmem:s23], [sflag:$0x1] =	stream.indirect_vreg.gather [hbm4b:s4+s3], $0x80, v3, vm0, $0xb8;
	[tilespmem:$0x18400] =	vst v63  }
0x247: {  	s11 =	simm.s32 $0x8C00  }
0x248: {  	[tilespmem:s11], [sflag:$0x1] =	stream.indirect_vreg.gather [hbm4b:s5+s3], $0x80, v3, vm0, $0xb8;
	[tilespmem:$0x18400] =	vst v63  }
0x249: {  	v3 =	vld [tilespmem:$0x1B0];
	_ =	sdelay $0x4  }
0x24a: {  	v27 =	vshrl.u32 v3, $0x3  }
0x24b: {  	v4 =	vmul.u32 $0x30, v27  }
0x24c: {  	v3 =	vand.u32 $0x7, v3  }
0x24d: {  	v3 =	vor.u32 v3, v4  }
0x24e: {  	v4 =	vperm.xlane v3, v0;
	_ =	sdelay $0x1  }
0x24f: {  	v4 =	vadd.s32 v1, v4;
	_ =	sdelay $0x3  }
0x250: {  	s11 =	simm.s32 $0x9400;
	v3 =	vperm.xlane v3, v2  }
0x251: {  	[tilespmem:s11], [sflag:$0x1] =	stream.indirect_vreg.gather [hbm4b:s1+s3], $0x80, v4, vm0, $0xb8;
	[tilespmem:$0x18400] =	vst v63  }
0x252: {  	s24 =	simm.s32 $0x9C00;
	v3 =	vadd.s32 v1, v3  }
0x253: {  	[tilespmem:s24], [sflag:$0x1] =	stream.indirect_vreg.gather [hbm4b:s4+s3], $0x80, v4, vm0, $0xb8;
	[tilespmem:$0x18400] =	vst v63  }
0x254: {  	s25 =	simm.s32 $0xA400  }
0x255: {  	[tilespmem:s25], [sflag:$0x1] =	stream.indirect_vreg.gather [hbm4b:s5+s3], $0x80, v4, vm0, $0xb8;
	[tilespmem:$0x18400] =	vst v63  }
0x256: {  	s6 =	simm.s32 $0xAC00  }
0x257: {  	[tilespmem:s6], [sflag:$0x1] =	stream.indirect_vreg.gather [hbm4b:s1+s3], $0x80, v3, vm0, $0xb8;
	[tilespmem:$0x18400] =	vst v63  }
0x258: {  	s26 =	simm.s32 $0xB400  }
0x259: {  	[tilespmem:s26], [sflag:$0x1] =	stream.indirect_vreg.gather [hbm4b:s4+s3], $0x80, v3, vm0, $0xb8;
	[tilespmem:$0x18400] =	vst v63  }
0x25a: {  	s11 =	simm.s32 $0xBC00  }
0x25b: {  	[tilespmem:s11], [sflag:$0x1] =	stream.indirect_vreg.gather [hbm4b:s5+s3], $0x80, v3, vm0, $0xb8;
	[tilespmem:$0x18400] =	vst v63  }
0x25c: {  	_ =	swait.ge [sflag:s10], $0xC000  }
0x25d: {  	[sflag:s10] =	ssyncset.done $0x0  }
0x25e: {  	s11 =	rddreg [dreg:$0xb];
	[sflag:s10] =	ssyncadd.s32 $0xFFFF4000  }
0x25f: {  	[hbm4b:s11+s3] =	stream.linear.scatter [tilespmem:s0], [sflag:$0x3], $0xC000, $0x38;
	[tilespmem:$0x18400] =	vst v63  }
0x260: {  	_ =	swait.ge [sflag:s7], $0xC000  }
0x261: {  	[sflag:s7] =	ssyncset.done $0x0  }
0x262: {  	[sflag:s7] =	ssyncadd.s32 $0xFFFF4000  }
0x263: {  	v3 =	vld [tilespmem:$0x1C0];
	_ =	sdelay $0x4  }
0x264: {  	v28 =	vshrl.u32 v3, $0x3  }
0x265: {  	v4 =	vmul.u32 $0x30, v28  }
0x266: {  	v3 =	vand.u32 $0x7, v3  }
0x267: {  	v3 =	vor.u32 v3, v4  }
0x268: {  	v4 =	vperm.xlane v3, v0;
	_ =	sdelay $0x1  }
0x269: {  	v4 =	vadd.s32 v1, v4;
	_ =	sdelay $0x3  }
0x26a: {  	v3 =	vperm.xlane v3, v2  }
0x26b: {  	[tilespmem:s0], [sflag:$0x2] =	stream.indirect_vreg.gather [hbm4b:s1+s3], $0x80, v4, vm0, $0xb8;
	[tilespmem:$0x18400] =	vst v63  }
0x26c: {  	s2 =	simm.s32 $0xCC00;
	v3 =	vadd.s32 v1, v3  }
0x26d: {  	[tilespmem:s2], [sflag:$0x2] =	stream.indirect_vreg.gather [hbm4b:s4+s3], $0x80, v4, vm0, $0xb8;
	[tilespmem:$0x18400] =	vst v63  }
0x26e: {  	s11 =	simm.s32 $0xD400  }
0x26f: {  	[tilespmem:s11], [sflag:$0x2] =	stream.indirect_vreg.gather [hbm4b:s5+s3], $0x80, v4, vm0, $0xb8;
	[tilespmem:$0x18400] =	vst v63  }
0x270: {  	s11 =	simm.s32 $0xDC00  }
0x271: {  	[tilespmem:s11], [sflag:$0x2] =	stream.indirect_vreg.gather [hbm4b:s1+s3], $0x80, v3, vm0, $0xb8;
	[tilespmem:$0x18400] =	vst v63  }
0x272: {  	s11 =	simm.s32 $0xE400  }
0x273: {  	[tilespmem:s11], [sflag:$0x2] =	stream.indirect_vreg.gather [hbm4b:s4+s3], $0x80, v3, vm0, $0xb8;
	[tilespmem:$0x18400] =	vst v63  }
0x274: {  	s11 =	simm.s32 $0xEC00  }
0x275: {  	[tilespmem:s11], [sflag:$0x2] =	stream.indirect_vreg.gather [hbm4b:s5+s3], $0x80, v3, vm0, $0xb8;
	[tilespmem:$0x18400] =	vst v63  }
0x276: {  	v3 =	vld [tilespmem:$0x1D0];
	_ =	sdelay $0x4  }
0x277: {  	v29 =	vshrl.u32 v3, $0x3  }
0x278: {  	v4 =	vmul.u32 $0x30, v29  }
0x279: {  	v3 =	vand.u32 $0x7, v3  }
0x27a: {  	v3 =	vor.u32 v3, v4  }
0x27b: {  	v4 =	vperm.xlane v3, v0;
	_ =	sdelay $0x1  }
0x27c: {  	v4 =	vadd.s32 v1, v4;
	_ =	sdelay $0x3  }
0x27d: {  	s11 =	simm.s32 $0xF400;
	v3 =	vperm.xlane v3, v2  }
0x27e: {  	[tilespmem:s11], [sflag:$0x2] =	stream.indirect_vreg.gather [hbm4b:s1+s3], $0x80, v4, vm0, $0xb8;
	[tilespmem:$0x18400] =	vst v63  }
0x27f: {  	v3 =	vadd.s32 v1, v3;
	s11 =	simm.s32 $0xFC00  }
0x280: {  	[tilespmem:s11], [sflag:$0x2] =	stream.indirect_vreg.gather [hbm4b:s4+s3], $0x80, v4, vm0, $0xb8;
	[tilespmem:$0x18400] =	vst v63  }
0x281: {  	s11 =	simm.s32 $0x10400  }
0x282: {  	[tilespmem:s11], [sflag:$0x2] =	stream.indirect_vreg.gather [hbm4b:s5+s3], $0x80, v4, vm0, $0xb8;
	[tilespmem:$0x18400] =	vst v63  }
0x283: {  	s11 =	simm.s32 $0x10C00  }
0x284: {  	[tilespmem:s11], [sflag:$0x2] =	stream.indirect_vreg.gather [hbm4b:s1+s3], $0x80, v3, vm0, $0xb8;
	[tilespmem:$0x18400] =	vst v63  }
0x285: {  	s11 =	simm.s32 $0x11400  }
0x286: {  	[tilespmem:s11], [sflag:$0x2] =	stream.indirect_vreg.gather [hbm4b:s4+s3], $0x80, v3, vm0, $0xb8;
	[tilespmem:$0x18400] =	vst v63  }
0x287: {  	s11 =	simm.s32 $0x11C00  }
0x288: {  	[tilespmem:s11], [sflag:$0x2] =	stream.indirect_vreg.gather [hbm4b:s5+s3], $0x80, v3, vm0, $0xb8;
	[tilespmem:$0x18400] =	vst v63  }
0x289: {  	v3 =	vld [tilespmem:$0x1E0];
	_ =	sdelay $0x4  }
0x28a: {  	v30 =	vshrl.u32 v3, $0x3  }
0x28b: {  	v4 =	vmul.u32 $0x30, v30  }
0x28c: {  	v3 =	vand.u32 $0x7, v3  }
0x28d: {  	v3 =	vor.u32 v3, v4  }
0x28e: {  	v4 =	vperm.xlane v3, v0;
	_ =	sdelay $0x1  }
0x28f: {  	v4 =	vadd.s32 v1, v4;
	_ =	sdelay $0x3  }
0x290: {  	s11 =	simm.s32 $0x12400;
	v3 =	vperm.xlane v3, v2  }
0x291: {  	[tilespmem:s11], [sflag:$0x2] =	stream.indirect_vreg.gather [hbm4b:s1+s3], $0x80, v4, vm0, $0xb8;
	[tilespmem:$0x18400] =	vst v63  }
0x292: {  	s29 =	simm.s32 $0x12C00;
	v3 =	vadd.s32 v1, v3  }
0x293: {  	[tilespmem:s29], [sflag:$0x2] =	stream.indirect_vreg.gather [hbm4b:s4+s3], $0x80, v4, vm0, $0xb8;
	[tilespmem:$0x18400] =	vst v63  }
0x294: {  	s30 =	simm.s32 $0x13400  }
0x295: {  	[tilespmem:s30], [sflag:$0x2] =	stream.indirect_vreg.gather [hbm4b:s5+s3], $0x80, v4, vm0, $0xb8;
	[tilespmem:$0x18400] =	vst v63  }
0x296: {  	s11 =	simm.s32 $0x13C00  }
0x297: {  	[tilespmem:s11], [sflag:$0x2] =	stream.indirect_vreg.gather [hbm4b:s1+s3], $0x80, v3, vm0, $0xb8;
	[tilespmem:$0x18400] =	vst v63  }
0x298: {  	s11 =	simm.s32 $0x14400  }
0x299: {  	[tilespmem:s11], [sflag:$0x2] =	stream.indirect_vreg.gather [hbm4b:s4+s3], $0x80, v3, vm0, $0xb8;
	[tilespmem:$0x18400] =	vst v63  }
0x29a: {  	s11 =	simm.s32 $0x14C00  }
0x29b: {  	[tilespmem:s11], [sflag:$0x2] =	stream.indirect_vreg.gather [hbm4b:s5+s3], $0x80, v3, vm0, $0xb8;
	[tilespmem:$0x18400] =	vst v63  }
0x29c: {  	v3 =	vld [tilespmem:$0x1F0];
	_ =	sdelay $0x4  }
0x29d: {  	v31 =	vshrl.u32 v3, $0x3  }
0x29e: {  	v4 =	vmul.u32 $0x30, v31  }
0x29f: {  	v3 =	vand.u32 $0x7, v3  }
0x2a0: {  	v3 =	vor.u32 v3, v4  }
0x2a1: {  	v4 =	vperm.xlane v3, v0;
	_ =	sdelay $0x1  }
0x2a2: {  	v4 =	vadd.s32 v1, v4;
	_ =	sdelay $0x3  }
0x2a3: {  	s11 =	simm.s32 $0x15400;
	v3 =	vperm.xlane v3, v2  }
0x2a4: {  	[tilespmem:s11], [sflag:$0x2] =	stream.indirect_vreg.gather [hbm4b:s1+s3], $0x80, v4, vm0, $0xb8;
	[tilespmem:$0x18400] =	vst v63  }
0x2a5: {  	s31 =	simm.s32 $0x15C00;
	v3 =	vadd.s32 v1, v3  }
0x2a6: {  	[tilespmem:s31], [sflag:$0x2] =	stream.indirect_vreg.gather [hbm4b:s4+s3], $0x80, v4, vm0, $0xb8;
	[tilespmem:$0x18400] =	vst v63  }
0x2a7: {  	s11 =	simm.s32 $0x16400  }
0x2a8: {  	[tilespmem:s11], [sflag:$0x2] =	stream.indirect_vreg.gather [hbm4b:s5+s3], $0x80, v4, vm0, $0xb8;
	[tilespmem:$0x18400] =	vst v63  }
0x2a9: {  	s11 =	simm.s32 $0x16C00  }
0x2aa: {  	[tilespmem:s11], [sflag:$0x2] =	stream.indirect_vreg.gather [hbm4b:s1+s3], $0x80, v3, vm0, $0xb8;
	[tilespmem:$0x18400] =	vst v63  }
0x2ab: {  	s11 =	simm.s32 $0x17400  }
0x2ac: {  	[tilespmem:s11], [sflag:$0x2] =	stream.indirect_vreg.gather [hbm4b:s4+s3], $0x80, v3, vm0, $0xb8;
	[tilespmem:$0x18400] =	vst v63  }
0x2ad: {  	s12 =	simm.s32 $0x17C00  }
0x2ae: {  	[tilespmem:s12], [sflag:$0x2] =	stream.indirect_vreg.gather [hbm4b:s5+s3], $0x80, v3, vm0, $0xb8;
	[tilespmem:$0x18400] =	vst v63  }
0x2af: {  	_ =	swait.ge [sflag:s9], $0xC000  }
0x2b0: {  	[sflag:s9] =	ssyncset.done $0x0  }
0x2b1: {  	s11 =	rddreg [dreg:$0xc];
	[sflag:s9] =	ssyncadd.s32 $0xFFFF4000  }
0x2b2: {  	[hbm4b:s11+s3] =	stream.linear.scatter [tilespmem:s28], [sflag:$0x3], $0xC000, $0x38;
	[tilespmem:$0x18400] =	vst v63  }
0x2b3: {  	_ =	swait.ge [sflag:s7], $0xC000  }
0x2b4: {  	[sflag:s7] =	ssyncset.done $0x0  }
0x2b5: {  	[sflag:s7] =	ssyncadd.s32 $0xFFFF4000  }
0x2b6: {  	v3 =	vld [tilespmem:$0x200];
	_ =	sdelay $0x4  }
0x2b7: {  	v32 =	vshrl.u32 v3, $0x3  }
0x2b8: {  	v4 =	vmul.u32 $0x30, v32  }
0x2b9: {  	v3 =	vand.u32 $0x7, v3  }
0x2ba: {  	v3 =	vor.u32 v3, v4  }
0x2bb: {  	v4 =	vperm.xlane v3, v0;
	_ =	sdelay $0x1  }
0x2bc: {  	v4 =	vadd.s32 v1, v4;
	_ =	sdelay $0x3  }
0x2bd: {  	v3 =	vperm.xlane v3, v2  }
0x2be: {  	[tilespmem:s28], [sflag:$0x1] =	stream.indirect_vreg.gather [hbm4b:s1+s3], $0x80, v4, vm0, $0xb8;
	[tilespmem:$0x18400] =	vst v63  }
0x2bf: {  	s8 =	simm.s32 $0xC00;
	v3 =	vadd.s32 v1, v3  }
0x2c0: {  	[tilespmem:s8], [sflag:$0x1] =	stream.indirect_vreg.gather [hbm4b:s4+s3], $0x80, v4, vm0, $0xb8;
	[tilespmem:$0x18400] =	vst v63  }
0x2c1: {  	s13 =	simm.s32 $0x1400  }
0x2c2: {  	[tilespmem:s13], [sflag:$0x1] =	stream.indirect_vreg.gather [hbm4b:s5+s3], $0x80, v4, vm0, $0xb8;
	[tilespmem:$0x18400] =	vst v63  }
0x2c3: {  	s14 =	simm.s32 $0x1C00  }
0x2c4: {  	[tilespmem:s14], [sflag:$0x1] =	stream.indirect_vreg.gather [hbm4b:s1+s3], $0x80, v3, vm0, $0xb8;
	[tilespmem:$0x18400] =	vst v63  }
0x2c5: {  	s15 =	simm.s32 $0x2400  }
0x2c6: {  	[tilespmem:s15], [sflag:$0x1] =	stream.indirect_vreg.gather [hbm4b:s4+s3], $0x80, v3, vm0, $0xb8;
	[tilespmem:$0x18400] =	vst v63  }
0x2c7: {  	s11 =	simm.s32 $0x2C00  }
0x2c8: {  	[tilespmem:s11], [sflag:$0x1] =	stream.indirect_vreg.gather [hbm4b:s5+s3], $0x80, v3, vm0, $0xb8;
	[tilespmem:$0x18400] =	vst v63  }
0x2c9: {  	v3 =	vld [tilespmem:$0x210];
	_ =	sdelay $0x4  }
0x2ca: {  	v33 =	vshrl.u32 v3, $0x3  }
0x2cb: {  	v4 =	vmul.u32 $0x30, v33  }
0x2cc: {  	v3 =	vand.u32 $0x7, v3  }
0x2cd: {  	v3 =	vor.u32 v3, v4  }
0x2ce: {  	v4 =	vperm.xlane v3, v0;
	_ =	sdelay $0x1  }
0x2cf: {  	v4 =	vadd.s32 v1, v4;
	_ =	sdelay $0x3  }
0x2d0: {  	s11 =	simm.s32 $0x3400;
	v3 =	vperm.xlane v3, v2  }
0x2d1: {  	[tilespmem:s11], [sflag:$0x1] =	stream.indirect_vreg.gather [hbm4b:s1+s3], $0x80, v4, vm0, $0xb8;
	[tilespmem:$0x18400] =	vst v63  }
0x2d2: {  	s16 =	simm.s32 $0x3C00;
	v3 =	vadd.s32 v1, v3  }
0x2d3: {  	[tilespmem:s16], [sflag:$0x1] =	stream.indirect_vreg.gather [hbm4b:s4+s3], $0x80, v4, vm0, $0xb8;
	[tilespmem:$0x18400] =	vst v63  }
0x2d4: {  	s17 =	simm.s32 $0x4400  }
0x2d5: {  	[tilespmem:s17], [sflag:$0x1] =	stream.indirect_vreg.gather [hbm4b:s5+s3], $0x80, v4, vm0, $0xb8;
	[tilespmem:$0x18400] =	vst v63  }
0x2d6: {  	s18 =	simm.s32 $0x4C00  }
0x2d7: {  	[tilespmem:s18], [sflag:$0x1] =	stream.indirect_vreg.gather [hbm4b:s1+s3], $0x80, v3, vm0, $0xb8;
	[tilespmem:$0x18400] =	vst v63  }
0x2d8: {  	s19 =	simm.s32 $0x5400  }
0x2d9: {  	[tilespmem:s19], [sflag:$0x1] =	stream.indirect_vreg.gather [hbm4b:s4+s3], $0x80, v3, vm0, $0xb8;
	[tilespmem:$0x18400] =	vst v63  }
0x2da: {  	s11 =	simm.s32 $0x5C00  }
0x2db: {  	[tilespmem:s11], [sflag:$0x1] =	stream.indirect_vreg.gather [hbm4b:s5+s3], $0x80, v3, vm0, $0xb8;
	[tilespmem:$0x18400] =	vst v63  }
0x2dc: {  	v3 =	vld [tilespmem:$0x220];
	_ =	sdelay $0x4  }
0x2dd: {  	v34 =	vshrl.u32 v3, $0x3  }
0x2de: {  	v4 =	vmul.u32 $0x30, v34  }
0x2df: {  	v3 =	vand.u32 $0x7, v3  }
0x2e0: {  	v3 =	vor.u32 v3, v4  }
0x2e1: {  	v4 =	vperm.xlane v3, v0;
	_ =	sdelay $0x1  }
0x2e2: {  	v4 =	vadd.s32 v1, v4;
	_ =	sdelay $0x3  }
0x2e3: {  	s11 =	simm.s32 $0x6400;
	v3 =	vperm.xlane v3, v2  }
0x2e4: {  	[tilespmem:s11], [sflag:$0x1] =	stream.indirect_vreg.gather [hbm4b:s1+s3], $0x80, v4, vm0, $0xb8;
	[tilespmem:$0x18400] =	vst v63  }
0x2e5: {  	s20 =	simm.s32 $0x6C00;
	v3 =	vadd.s32 v1, v3  }
0x2e6: {  	[tilespmem:s20], [sflag:$0x1] =	stream.indirect_vreg.gather [hbm4b:s4+s3], $0x80, v4, vm0, $0xb8;
	[tilespmem:$0x18400] =	vst v63  }
0x2e7: {  	s21 =	simm.s32 $0x7400  }
0x2e8: {  	[tilespmem:s21], [sflag:$0x1] =	stream.indirect_vreg.gather [hbm4b:s5+s3], $0x80, v4, vm0, $0xb8;
	[tilespmem:$0x18400] =	vst v63  }
0x2e9: {  	s22 =	simm.s32 $0x7C00  }
0x2ea: {  	[tilespmem:s22], [sflag:$0x1] =	stream.indirect_vreg.gather [hbm4b:s1+s3], $0x80, v3, vm0, $0xb8;
	[tilespmem:$0x18400] =	vst v63  }
0x2eb: {  	s23 =	simm.s32 $0x8400  }
0x2ec: {  	[tilespmem:s23], [sflag:$0x1] =	stream.indirect_vreg.gather [hbm4b:s4+s3], $0x80, v3, vm0, $0xb8;
	[tilespmem:$0x18400] =	vst v63  }
0x2ed: {  	s11 =	simm.s32 $0x8C00  }
0x2ee: {  	[tilespmem:s11], [sflag:$0x1] =	stream.indirect_vreg.gather [hbm4b:s5+s3], $0x80, v3, vm0, $0xb8;
	[tilespmem:$0x18400] =	vst v63  }
0x2ef: {  	v3 =	vld [tilespmem:$0x230];
	_ =	sdelay $0x4  }
0x2f0: {  	v35 =	vshrl.u32 v3, $0x3  }
0x2f1: {  	v4 =	vmul.u32 $0x30, v35  }
0x2f2: {  	v3 =	vand.u32 $0x7, v3  }
0x2f3: {  	v3 =	vor.u32 v3, v4  }
0x2f4: {  	v4 =	vperm.xlane v3, v0;
	_ =	sdelay $0x1  }
0x2f5: {  	v4 =	vadd.s32 v1, v4;
	_ =	sdelay $0x3  }
0x2f6: {  	s11 =	simm.s32 $0x9400;
	v3 =	vperm.xlane v3, v2  }
0x2f7: {  	[tilespmem:s11], [sflag:$0x1] =	stream.indirect_vreg.gather [hbm4b:s1+s3], $0x80, v4, vm0, $0xb8;
	[tilespmem:$0x18400] =	vst v63  }
0x2f8: {  	s24 =	simm.s32 $0x9C00;
	v3 =	vadd.s32 v1, v3  }
0x2f9: {  	[tilespmem:s24], [sflag:$0x1] =	stream.indirect_vreg.gather [hbm4b:s4+s3], $0x80, v4, vm0, $0xb8;
	[tilespmem:$0x18400] =	vst v63  }
0x2fa: {  	s25 =	simm.s32 $0xA400  }
0x2fb: {  	[tilespmem:s25], [sflag:$0x1] =	stream.indirect_vreg.gather [hbm4b:s5+s3], $0x80, v4, vm0, $0xb8;
	[tilespmem:$0x18400] =	vst v63  }
0x2fc: {  	s6 =	simm.s32 $0xAC00  }
0x2fd: {  	[tilespmem:s6], [sflag:$0x1] =	stream.indirect_vreg.gather [hbm4b:s1+s3], $0x80, v3, vm0, $0xb8;
	[tilespmem:$0x18400] =	vst v63  }
0x2fe: {  	s26 =	simm.s32 $0xB400  }
0x2ff: {  	[tilespmem:s26], [sflag:$0x1] =	stream.indirect_vreg.gather [hbm4b:s4+s3], $0x80, v3, vm0, $0xb8;
	[tilespmem:$0x18400] =	vst v63  }
0x300: {  	s11 =	simm.s32 $0xBC00  }
0x301: {  	[tilespmem:s11], [sflag:$0x1] =	stream.indirect_vreg.gather [hbm4b:s5+s3], $0x80, v3, vm0, $0xb8;
	[tilespmem:$0x18400] =	vst v63  }
0x302: {  	_ =	swait.ge [sflag:s10], $0xC000  }
0x303: {  	[sflag:s10] =	ssyncset.done $0x0  }
0x304: {  	s11 =	rddreg [dreg:$0xd];
	[sflag:s10] =	ssyncadd.s32 $0xFFFF4000  }
0x305: {  	[hbm4b:s11+s3] =	stream.linear.scatter [tilespmem:s0], [sflag:$0x3], $0xC000, $0x38;
	[tilespmem:$0x18400] =	vst v63  }
0x306: {  	_ =	swait.ge [sflag:s7], $0xC000  }
0x307: {  	[sflag:s7] =	ssyncset.done $0x0  }
0x308: {  	[sflag:s7] =	ssyncadd.s32 $0xFFFF4000  }
0x309: {  	v3 =	vld [tilespmem:$0x240];
	_ =	sdelay $0x4  }
0x30a: {  	v36 =	vshrl.u32 v3, $0x3  }
0x30b: {  	v4 =	vmul.u32 $0x30, v36  }
0x30c: {  	v3 =	vand.u32 $0x7, v3  }
0x30d: {  	v3 =	vor.u32 v3, v4  }
0x30e: {  	v4 =	vperm.xlane v3, v0;
	_ =	sdelay $0x1  }
0x30f: {  	v4 =	vadd.s32 v1, v4;
	_ =	sdelay $0x3  }
0x310: {  	v3 =	vperm.xlane v3, v2  }
0x311: {  	[tilespmem:s0], [sflag:$0x2] =	stream.indirect_vreg.gather [hbm4b:s1+s3], $0x80, v4, vm0, $0xb8;
	[tilespmem:$0x18400] =	vst v63  }
0x312: {  	s2 =	simm.s32 $0xCC00;
	v3 =	vadd.s32 v1, v3  }
0x313: {  	[tilespmem:s2], [sflag:$0x2] =	stream.indirect_vreg.gather [hbm4b:s4+s3], $0x80, v4, vm0, $0xb8;
	[tilespmem:$0x18400] =	vst v63  }
0x314: {  	s11 =	simm.s32 $0xD400  }
0x315: {  	[tilespmem:s11], [sflag:$0x2] =	stream.indirect_vreg.gather [hbm4b:s5+s3], $0x80, v4, vm0, $0xb8;
	[tilespmem:$0x18400] =	vst v63  }
0x316: {  	s11 =	simm.s32 $0xDC00  }
0x317: {  	[tilespmem:s11], [sflag:$0x2] =	stream.indirect_vreg.gather [hbm4b:s1+s3], $0x80, v3, vm0, $0xb8;
	[tilespmem:$0x18400] =	vst v63  }
0x318: {  	s11 =	simm.s32 $0xE400  }
0x319: {  	[tilespmem:s11], [sflag:$0x2] =	stream.indirect_vreg.gather [hbm4b:s4+s3], $0x80, v3, vm0, $0xb8;
	[tilespmem:$0x18400] =	vst v63  }
0x31a: {  	s11 =	simm.s32 $0xEC00  }
0x31b: {  	[tilespmem:s11], [sflag:$0x2] =	stream.indirect_vreg.gather [hbm4b:s5+s3], $0x80, v3, vm0, $0xb8;
	[tilespmem:$0x18400] =	vst v63  }
0x31c: {  	v3 =	vld [tilespmem:$0x250];
	_ =	sdelay $0x4  }
0x31d: {  	v37 =	vshrl.u32 v3, $0x3  }
0x31e: {  	v4 =	vmul.u32 $0x30, v37  }
0x31f: {  	v3 =	vand.u32 $0x7, v3  }
0x320: {  	v3 =	vor.u32 v3, v4  }
0x321: {  	v4 =	vperm.xlane v3, v0;
	_ =	sdelay $0x1  }
0x322: {  	v4 =	vadd.s32 v1, v4;
	_ =	sdelay $0x3  }
0x323: {  	s11 =	simm.s32 $0xF400;
	v3 =	vperm.xlane v3, v2  }
0x324: {  	[tilespmem:s11], [sflag:$0x2] =	stream.indirect_vreg.gather [hbm4b:s1+s3], $0x80, v4, vm0, $0xb8;
	[tilespmem:$0x18400] =	vst v63  }
0x325: {  	v3 =	vadd.s32 v1, v3;
	s11 =	simm.s32 $0xFC00  }
0x326: {  	[tilespmem:s11], [sflag:$0x2] =	stream.indirect_vreg.gather [hbm4b:s4+s3], $0x80, v4, vm0, $0xb8;
	[tilespmem:$0x18400] =	vst v63  }
0x327: {  	s11 =	simm.s32 $0x10400  }
0x328: {  	[tilespmem:s11], [sflag:$0x2] =	stream.indirect_vreg.gather [hbm4b:s5+s3], $0x80, v4, vm0, $0xb8;
	[tilespmem:$0x18400] =	vst v63  }
0x329: {  	s11 =	simm.s32 $0x10C00  }
0x32a: {  	[tilespmem:s11], [sflag:$0x2] =	stream.indirect_vreg.gather [hbm4b:s1+s3], $0x80, v3, vm0, $0xb8;
	[tilespmem:$0x18400] =	vst v63  }
0x32b: {  	s11 =	simm.s32 $0x11400  }
0x32c: {  	[tilespmem:s11], [sflag:$0x2] =	stream.indirect_vreg.gather [hbm4b:s4+s3], $0x80, v3, vm0, $0xb8;
	[tilespmem:$0x18400] =	vst v63  }
0x32d: {  	s11 =	simm.s32 $0x11C00  }
0x32e: {  	[tilespmem:s11], [sflag:$0x2] =	stream.indirect_vreg.gather [hbm4b:s5+s3], $0x80, v3, vm0, $0xb8;
	[tilespmem:$0x18400] =	vst v63  }
0x32f: {  	v3 =	vld [tilespmem:$0x260];
	_ =	sdelay $0x4  }
0x330: {  	v38 =	vshrl.u32 v3, $0x3  }
0x331: {  	v4 =	vmul.u32 $0x30, v38  }
0x332: {  	v3 =	vand.u32 $0x7, v3  }
0x333: {  	v3 =	vor.u32 v3, v4  }
0x334: {  	v4 =	vperm.xlane v3, v0;
	_ =	sdelay $0x1  }
0x335: {  	v4 =	vadd.s32 v1, v4;
	_ =	sdelay $0x3  }
0x336: {  	s11 =	simm.s32 $0x12400;
	v3 =	vperm.xlane v3, v2  }
0x337: {  	[tilespmem:s11], [sflag:$0x2] =	stream.indirect_vreg.gather [hbm4b:s1+s3], $0x80, v4, vm0, $0xb8;
	[tilespmem:$0x18400] =	vst v63  }
0x338: {  	s29 =	simm.s32 $0x12C00;
	v3 =	vadd.s32 v1, v3  }
0x339: {  	[tilespmem:s29], [sflag:$0x2] =	stream.indirect_vreg.gather [hbm4b:s4+s3], $0x80, v4, vm0, $0xb8;
	[tilespmem:$0x18400] =	vst v63  }
0x33a: {  	s30 =	simm.s32 $0x13400  }
0x33b: {  	[tilespmem:s30], [sflag:$0x2] =	stream.indirect_vreg.gather [hbm4b:s5+s3], $0x80, v4, vm0, $0xb8;
	[tilespmem:$0x18400] =	vst v63  }
0x33c: {  	s11 =	simm.s32 $0x13C00  }
0x33d: {  	[tilespmem:s11], [sflag:$0x2] =	stream.indirect_vreg.gather [hbm4b:s1+s3], $0x80, v3, vm0, $0xb8;
	[tilespmem:$0x18400] =	vst v63  }
0x33e: {  	s11 =	simm.s32 $0x14400  }
0x33f: {  	[tilespmem:s11], [sflag:$0x2] =	stream.indirect_vreg.gather [hbm4b:s4+s3], $0x80, v3, vm0, $0xb8;
	[tilespmem:$0x18400] =	vst v63  }
0x340: {  	s11 =	simm.s32 $0x14C00  }
0x341: {  	[tilespmem:s11], [sflag:$0x2] =	stream.indirect_vreg.gather [hbm4b:s5+s3], $0x80, v3, vm0, $0xb8;
	[tilespmem:$0x18400] =	vst v63  }
0x342: {  	v3 =	vld [tilespmem:$0x270];
	_ =	sdelay $0x4  }
0x343: {  	v39 =	vshrl.u32 v3, $0x3  }
0x344: {  	v4 =	vmul.u32 $0x30, v39  }
0x345: {  	v3 =	vand.u32 $0x7, v3  }
0x346: {  	v3 =	vor.u32 v3, v4  }
0x347: {  	v4 =	vperm.xlane v3, v0;
	_ =	sdelay $0x1  }
0x348: {  	v4 =	vadd.s32 v1, v4;
	_ =	sdelay $0x3  }
0x349: {  	s11 =	simm.s32 $0x15400;
	v3 =	vperm.xlane v3, v2  }
0x34a: {  	[tilespmem:s11], [sflag:$0x2] =	stream.indirect_vreg.gather [hbm4b:s1+s3], $0x80, v4, vm0, $0xb8;
	[tilespmem:$0x18400] =	vst v63  }
0x34b: {  	s31 =	simm.s32 $0x15C00;
	v3 =	vadd.s32 v1, v3  }
0x34c: {  	[tilespmem:s31], [sflag:$0x2] =	stream.indirect_vreg.gather [hbm4b:s4+s3], $0x80, v4, vm0, $0xb8;
	[tilespmem:$0x18400] =	vst v63  }
0x34d: {  	s11 =	simm.s32 $0x16400  }
0x34e: {  	[tilespmem:s11], [sflag:$0x2] =	stream.indirect_vreg.gather [hbm4b:s5+s3], $0x80, v4, vm0, $0xb8;
	[tilespmem:$0x18400] =	vst v63  }
0x34f: {  	s11 =	simm.s32 $0x16C00  }
0x350: {  	[tilespmem:s11], [sflag:$0x2] =	stream.indirect_vreg.gather [hbm4b:s1+s3], $0x80, v3, vm0, $0xb8;
	[tilespmem:$0x18400] =	vst v63  }
0x351: {  	s11 =	simm.s32 $0x17400  }
0x352: {  	[tilespmem:s11], [sflag:$0x2] =	stream.indirect_vreg.gather [hbm4b:s4+s3], $0x80, v3, vm0, $0xb8;
	[tilespmem:$0x18400] =	vst v63  }
0x353: {  	s12 =	simm.s32 $0x17C00  }
0x354: {  	[tilespmem:s12], [sflag:$0x2] =	stream.indirect_vreg.gather [hbm4b:s5+s3], $0x80, v3, vm0, $0xb8;
	[tilespmem:$0x18400] =	vst v63  }
0x355: {  	_ =	swait.ge [sflag:s9], $0xC000  }
0x356: {  	[sflag:s9] =	ssyncset.done $0x0  }
0x357: {  	s11 =	rddreg [dreg:$0xe];
	[sflag:s9] =	ssyncadd.s32 $0xFFFF4000  }
0x358: {  	[hbm4b:s11+s3] =	stream.linear.scatter [tilespmem:s28], [sflag:$0x3], $0xC000, $0x38;
	[tilespmem:$0x18400] =	vst v63  }
0x359: {  	_ =	swait.ge [sflag:s7], $0xC000  }
0x35a: {  	[sflag:s7] =	ssyncset.done $0x0  }
0x35b: {  	[sflag:s7] =	ssyncadd.s32 $0xFFFF4000  }
0x35c: {  	v3 =	vld [tilespmem:$0x280];
	_ =	sdelay $0x4  }
0x35d: {  	v40 =	vshrl.u32 v3, $0x3  }
0x35e: {  	v4 =	vmul.u32 $0x30, v40  }
0x35f: {  	v3 =	vand.u32 $0x7, v3  }
0x360: {  	v3 =	vor.u32 v3, v4  }
0x361: {  	v4 =	vperm.xlane v3, v0;
	_ =	sdelay $0x1  }
0x362: {  	v4 =	vadd.s32 v1, v4;
	_ =	sdelay $0x3  }
0x363: {  	v3 =	vperm.xlane v3, v2  }
0x364: {  	[tilespmem:s28], [sflag:$0x1] =	stream.indirect_vreg.gather [hbm4b:s1+s3], $0x80, v4, vm0, $0xb8;
	[tilespmem:$0x18400] =	vst v63  }
0x365: {  	s8 =	simm.s32 $0xC00;
	v3 =	vadd.s32 v1, v3  }
0x366: {  	[tilespmem:s8], [sflag:$0x1] =	stream.indirect_vreg.gather [hbm4b:s4+s3], $0x80, v4, vm0, $0xb8;
	[tilespmem:$0x18400] =	vst v63  }
0x367: {  	s13 =	simm.s32 $0x1400  }
0x368: {  	[tilespmem:s13], [sflag:$0x1] =	stream.indirect_vreg.gather [hbm4b:s5+s3], $0x80, v4, vm0, $0xb8;
	[tilespmem:$0x18400] =	vst v63  }
0x369: {  	s14 =	simm.s32 $0x1C00  }
0x36a: {  	[tilespmem:s14], [sflag:$0x1] =	stream.indirect_vreg.gather [hbm4b:s1+s3], $0x80, v3, vm0, $0xb8;
	[tilespmem:$0x18400] =	vst v63  }
0x36b: {  	s15 =	simm.s32 $0x2400  }
0x36c: {  	[tilespmem:s15], [sflag:$0x1] =	stream.indirect_vreg.gather [hbm4b:s4+s3], $0x80, v3, vm0, $0xb8;
	[tilespmem:$0x18400] =	vst v63  }
0x36d: {  	s11 =	simm.s32 $0x2C00  }
0x36e: {  	[tilespmem:s11], [sflag:$0x1] =	stream.indirect_vreg.gather [hbm4b:s5+s3], $0x80, v3, vm0, $0xb8;
	[tilespmem:$0x18400] =	vst v63  }
0x36f: {  	v3 =	vld [tilespmem:$0x290];
	_ =	sdelay $0x4  }
0x370: {  	v41 =	vshrl.u32 v3, $0x3  }
0x371: {  	v4 =	vmul.u32 $0x30, v41  }
0x372: {  	v3 =	vand.u32 $0x7, v3  }
0x373: {  	v3 =	vor.u32 v3, v4  }
0x374: {  	v4 =	vperm.xlane v3, v0;
	_ =	sdelay $0x1  }
0x375: {  	v4 =	vadd.s32 v1, v4;
	_ =	sdelay $0x3  }
0x376: {  	s11 =	simm.s32 $0x3400;
	v3 =	vperm.xlane v3, v2  }
0x377: {  	[tilespmem:s11], [sflag:$0x1] =	stream.indirect_vreg.gather [hbm4b:s1+s3], $0x80, v4, vm0, $0xb8;
	[tilespmem:$0x18400] =	vst v63  }
0x378: {  	s16 =	simm.s32 $0x3C00;
	v3 =	vadd.s32 v1, v3  }
0x379: {  	[tilespmem:s16], [sflag:$0x1] =	stream.indirect_vreg.gather [hbm4b:s4+s3], $0x80, v4, vm0, $0xb8;
	[tilespmem:$0x18400] =	vst v63  }
0x37a: {  	s17 =	simm.s32 $0x4400  }
0x37b: {  	[tilespmem:s17], [sflag:$0x1] =	stream.indirect_vreg.gather [hbm4b:s5+s3], $0x80, v4, vm0, $0xb8;
	[tilespmem:$0x18400] =	vst v63  }
0x37c: {  	s18 =	simm.s32 $0x4C00  }
0x37d: {  	[tilespmem:s18], [sflag:$0x1] =	stream.indirect_vreg.gather [hbm4b:s1+s3], $0x80, v3, vm0, $0xb8;
	[tilespmem:$0x18400] =	vst v63  }
0x37e: {  	s19 =	simm.s32 $0x5400  }
0x37f: {  	[tilespmem:s19], [sflag:$0x1] =	stream.indirect_vreg.gather [hbm4b:s4+s3], $0x80, v3, vm0, $0xb8;
	[tilespmem:$0x18400] =	vst v63  }
0x380: {  	s11 =	simm.s32 $0x5C00  }
0x381: {  	[tilespmem:s11], [sflag:$0x1] =	stream.indirect_vreg.gather [hbm4b:s5+s3], $0x80, v3, vm0, $0xb8;
	[tilespmem:$0x18400] =	vst v63  }
0x382: {  	v3 =	vld [tilespmem:$0x2A0];
	_ =	sdelay $0x4  }
0x383: {  	v42 =	vshrl.u32 v3, $0x3  }
0x384: {  	v4 =	vmul.u32 $0x30, v42  }
0x385: {  	v3 =	vand.u32 $0x7, v3  }
0x386: {  	v3 =	vor.u32 v3, v4  }
0x387: {  	v4 =	vperm.xlane v3, v0;
	_ =	sdelay $0x1  }
0x388: {  	v4 =	vadd.s32 v1, v4;
	_ =	sdelay $0x3  }
0x389: {  	s11 =	simm.s32 $0x6400;
	v3 =	vperm.xlane v3, v2  }
0x38a: {  	[tilespmem:s11], [sflag:$0x1] =	stream.indirect_vreg.gather [hbm4b:s1+s3], $0x80, v4, vm0, $0xb8;
	[tilespmem:$0x18400] =	vst v63  }
0x38b: {  	s20 =	simm.s32 $0x6C00;
	v3 =	vadd.s32 v1, v3  }
0x38c: {  	[tilespmem:s20], [sflag:$0x1] =	stream.indirect_vreg.gather [hbm4b:s4+s3], $0x80, v4, vm0, $0xb8;
	[tilespmem:$0x18400] =	vst v63  }
0x38d: {  	s21 =	simm.s32 $0x7400  }
0x38e: {  	[tilespmem:s21], [sflag:$0x1] =	stream.indirect_vreg.gather [hbm4b:s5+s3], $0x80, v4, vm0, $0xb8;
	[tilespmem:$0x18400] =	vst v63  }
0x38f: {  	s22 =	simm.s32 $0x7C00  }
0x390: {  	[tilespmem:s22], [sflag:$0x1] =	stream.indirect_vreg.gather [hbm4b:s1+s3], $0x80, v3, vm0, $0xb8;
	[tilespmem:$0x18400] =	vst v63  }
0x391: {  	s23 =	simm.s32 $0x8400  }
0x392: {  	[tilespmem:s23], [sflag:$0x1] =	stream.indirect_vreg.gather [hbm4b:s4+s3], $0x80, v3, vm0, $0xb8;
	[tilespmem:$0x18400] =	vst v63  }
0x393: {  	s11 =	simm.s32 $0x8C00  }
0x394: {  	[tilespmem:s11], [sflag:$0x1] =	stream.indirect_vreg.gather [hbm4b:s5+s3], $0x80, v3, vm0, $0xb8;
	[tilespmem:$0x18400] =	vst v63  }
0x395: {  	v3 =	vld [tilespmem:$0x2B0];
	_ =	sdelay $0x4  }
0x396: {  	v43 =	vshrl.u32 v3, $0x3  }
0x397: {  	v4 =	vmul.u32 $0x30, v43  }
0x398: {  	v3 =	vand.u32 $0x7, v3  }
0x399: {  	v3 =	vor.u32 v3, v4  }
0x39a: {  	v4 =	vperm.xlane v3, v0;
	_ =	sdelay $0x1  }
0x39b: {  	v4 =	vadd.s32 v1, v4;
	_ =	sdelay $0x3  }
0x39c: {  	s11 =	simm.s32 $0x9400;
	v3 =	vperm.xlane v3, v2  }
0x39d: {  	[tilespmem:s11], [sflag:$0x1] =	stream.indirect_vreg.gather [hbm4b:s1+s3], $0x80, v4, vm0, $0xb8;
	[tilespmem:$0x18400] =	vst v63  }
0x39e: {  	s24 =	simm.s32 $0x9C00;
	v3 =	vadd.s32 v1, v3  }
0x39f: {  	[tilespmem:s24], [sflag:$0x1] =	stream.indirect_vreg.gather [hbm4b:s4+s3], $0x80, v4, vm0, $0xb8;
	[tilespmem:$0x18400] =	vst v63  }
0x3a0: {  	s25 =	simm.s32 $0xA400  }
0x3a1: {  	[tilespmem:s25], [sflag:$0x1] =	stream.indirect_vreg.gather [hbm4b:s5+s3], $0x80, v4, vm0, $0xb8;
	[tilespmem:$0x18400] =	vst v63  }
0x3a2: {  	s6 =	simm.s32 $0xAC00  }
0x3a3: {  	[tilespmem:s6], [sflag:$0x1] =	stream.indirect_vreg.gather [hbm4b:s1+s3], $0x80, v3, vm0, $0xb8;
	[tilespmem:$0x18400] =	vst v63  }
0x3a4: {  	s26 =	simm.s32 $0xB400  }
0x3a5: {  	[tilespmem:s26], [sflag:$0x1] =	stream.indirect_vreg.gather [hbm4b:s4+s3], $0x80, v3, vm0, $0xb8;
	[tilespmem:$0x18400] =	vst v63  }
0x3a6: {  	s11 =	simm.s32 $0xBC00  }
0x3a7: {  	[tilespmem:s11], [sflag:$0x1] =	stream.indirect_vreg.gather [hbm4b:s5+s3], $0x80, v3, vm0, $0xb8;
	[tilespmem:$0x18400] =	vst v63  }
0x3a8: {  	_ =	swait.ge [sflag:s10], $0xC000  }
0x3a9: {  	[sflag:s10] =	ssyncset.done $0x0  }
0x3aa: {  	s11 =	rddreg [dreg:$0xf];
	[sflag:s10] =	ssyncadd.s32 $0xFFFF4000  }
0x3ab: {  	[hbm4b:s11+s3] =	stream.linear.scatter [tilespmem:s0], [sflag:$0x3], $0xC000, $0x38;
	[tilespmem:$0x18400] =	vst v63  }
0x3ac: {  	_ =	swait.ge [sflag:s7], $0xC000  }
0x3ad: {  	[sflag:s7] =	ssyncset.done $0x0  }
0x3ae: {  	[sflag:s7] =	ssyncadd.s32 $0xFFFF4000  }
0x3af: {  	v3 =	vld [tilespmem:$0x2C0];
	_ =	sdelay $0x4  }
0x3b0: {  	v44 =	vshrl.u32 v3, $0x3  }
0x3b1: {  	v4 =	vmul.u32 $0x30, v44  }
0x3b2: {  	v3 =	vand.u32 $0x7, v3  }
0x3b3: {  	v3 =	vor.u32 v3, v4  }
0x3b4: {  	v4 =	vperm.xlane v3, v0;
	_ =	sdelay $0x1  }
0x3b5: {  	v4 =	vadd.s32 v1, v4;
	_ =	sdelay $0x3  }
0x3b6: {  	v3 =	vperm.xlane v3, v2  }
0x3b7: {  	[tilespmem:s0], [sflag:$0x2] =	stream.indirect_vreg.gather [hbm4b:s1+s3], $0x80, v4, vm0, $0xb8;
	[tilespmem:$0x18400] =	vst v63  }
0x3b8: {  	s2 =	simm.s32 $0xCC00;
	v3 =	vadd.s32 v1, v3  }
0x3b9: {  	[tilespmem:s2], [sflag:$0x2] =	stream.indirect_vreg.gather [hbm4b:s4+s3], $0x80, v4, vm0, $0xb8;
	[tilespmem:$0x18400] =	vst v63  }
0x3ba: {  	s11 =	simm.s32 $0xD400  }
0x3bb: {  	[tilespmem:s11], [sflag:$0x2] =	stream.indirect_vreg.gather [hbm4b:s5+s3], $0x80, v4, vm0, $0xb8;
	[tilespmem:$0x18400] =	vst v63  }
0x3bc: {  	s11 =	simm.s32 $0xDC00  }
0x3bd: {  	[tilespmem:s11], [sflag:$0x2] =	stream.indirect_vreg.gather [hbm4b:s1+s3], $0x80, v3, vm0, $0xb8;
	[tilespmem:$0x18400] =	vst v63  }
0x3be: {  	s11 =	simm.s32 $0xE400  }
0x3bf: {  	[tilespmem:s11], [sflag:$0x2] =	stream.indirect_vreg.gather [hbm4b:s4+s3], $0x80, v3, vm0, $0xb8;
	[tilespmem:$0x18400] =	vst v63  }
0x3c0: {  	s11 =	simm.s32 $0xEC00  }
0x3c1: {  	[tilespmem:s11], [sflag:$0x2] =	stream.indirect_vreg.gather [hbm4b:s5+s3], $0x80, v3, vm0, $0xb8;
	[tilespmem:$0x18400] =	vst v63  }
0x3c2: {  	v3 =	vld [tilespmem:$0x2D0];
	_ =	sdelay $0x4  }
0x3c3: {  	v45 =	vshrl.u32 v3, $0x3  }
0x3c4: {  	v4 =	vmul.u32 $0x30, v45  }
0x3c5: {  	v3 =	vand.u32 $0x7, v3  }
0x3c6: {  	v3 =	vor.u32 v3, v4  }
0x3c7: {  	v4 =	vperm.xlane v3, v0;
	_ =	sdelay $0x1  }
0x3c8: {  	v4 =	vadd.s32 v1, v4;
	_ =	sdelay $0x3  }
0x3c9: {  	s11 =	simm.s32 $0xF400;
	v3 =	vperm.xlane v3, v2  }
0x3ca: {  	[tilespmem:s11], [sflag:$0x2] =	stream.indirect_vreg.gather [hbm4b:s1+s3], $0x80, v4, vm0, $0xb8;
	[tilespmem:$0x18400] =	vst v63  }
0x3cb: {  	v3 =	vadd.s32 v1, v3;
	s11 =	simm.s32 $0xFC00  }
0x3cc: {  	[tilespmem:s11], [sflag:$0x2] =	stream.indirect_vreg.gather [hbm4b:s4+s3], $0x80, v4, vm0, $0xb8;
	[tilespmem:$0x18400] =	vst v63  }
0x3cd: {  	s11 =	simm.s32 $0x10400  }
0x3ce: {  	[tilespmem:s11], [sflag:$0x2] =	stream.indirect_vreg.gather [hbm4b:s5+s3], $0x80, v4, vm0, $0xb8;
	[tilespmem:$0x18400] =	vst v63  }
0x3cf: {  	s11 =	simm.s32 $0x10C00  }
0x3d0: {  	[tilespmem:s11], [sflag:$0x2] =	stream.indirect_vreg.gather [hbm4b:s1+s3], $0x80, v3, vm0, $0xb8;
	[tilespmem:$0x18400] =	vst v63  }
0x3d1: {  	s11 =	simm.s32 $0x11400  }
0x3d2: {  	[tilespmem:s11], [sflag:$0x2] =	stream.indirect_vreg.gather [hbm4b:s4+s3], $0x80, v3, vm0, $0xb8;
	[tilespmem:$0x18400] =	vst v63  }
0x3d3: {  	s11 =	simm.s32 $0x11C00  }
0x3d4: {  	[tilespmem:s11], [sflag:$0x2] =	stream.indirect_vreg.gather [hbm4b:s5+s3], $0x80, v3, vm0, $0xb8;
	[tilespmem:$0x18400] =	vst v63  }
0x3d5: {  	v3 =	vld [tilespmem:$0x2E0];
	_ =	sdelay $0x4  }
0x3d6: {  	v46 =	vshrl.u32 v3, $0x3  }
0x3d7: {  	v4 =	vmul.u32 $0x30, v46  }
0x3d8: {  	v3 =	vand.u32 $0x7, v3  }
0x3d9: {  	v3 =	vor.u32 v3, v4  }
0x3da: {  	v4 =	vperm.xlane v3, v0;
	_ =	sdelay $0x1  }
0x3db: {  	v4 =	vadd.s32 v1, v4;
	_ =	sdelay $0x3  }
0x3dc: {  	s11 =	simm.s32 $0x12400;
	v3 =	vperm.xlane v3, v2  }
0x3dd: {  	[tilespmem:s11], [sflag:$0x2] =	stream.indirect_vreg.gather [hbm4b:s1+s3], $0x80, v4, vm0, $0xb8;
	[tilespmem:$0x18400] =	vst v63  }
0x3de: {  	s29 =	simm.s32 $0x12C00;
	v3 =	vadd.s32 v1, v3  }
0x3df: {  	[tilespmem:s29], [sflag:$0x2] =	stream.indirect_vreg.gather [hbm4b:s4+s3], $0x80, v4, vm0, $0xb8;
	[tilespmem:$0x18400] =	vst v63  }
0x3e0: {  	s30 =	simm.s32 $0x13400  }
0x3e1: {  	[tilespmem:s30], [sflag:$0x2] =	stream.indirect_vreg.gather [hbm4b:s5+s3], $0x80, v4, vm0, $0xb8;
	[tilespmem:$0x18400] =	vst v63  }
0x3e2: {  	s29 =	simm.s32 $0x13C00  }
0x3e3: {  	[tilespmem:s29], [sflag:$0x2] =	stream.indirect_vreg.gather [hbm4b:s1+s3], $0x80, v3, vm0, $0xb8;
	[tilespmem:$0x18400] =	vst v63  }
0x3e4: {  	s30 =	simm.s32 $0x14400  }
0x3e5: {  	[tilespmem:s30], [sflag:$0x2] =	stream.indirect_vreg.gather [hbm4b:s4+s3], $0x80, v3, vm0, $0xb8;
	[tilespmem:$0x18400] =	vst v63  }
0x3e6: {  	s29 =	simm.s32 $0x14C00  }
0x3e7: {  	[tilespmem:s29], [sflag:$0x2] =	stream.indirect_vreg.gather [hbm4b:s5+s3], $0x80, v3, vm0, $0xb8;
	[tilespmem:$0x18400] =	vst v63  }
0x3e8: {  	v3 =	vld [tilespmem:$0x2F0];
	_ =	sdelay $0x4  }
0x3e9: {  	v47 =	vshrl.u32 v3, $0x3  }
0x3ea: {  	v4 =	vmul.u32 $0x30, v47  }
0x3eb: {  	v3 =	vand.u32 $0x7, v3  }
0x3ec: {  	v3 =	vor.u32 v3, v4  }
0x3ed: {  	v4 =	vperm.xlane v3, v0;
	_ =	sdelay $0x1  }
0x3ee: {  	v4 =	vadd.s32 v1, v4;
	_ =	sdelay $0x3  }
0x3ef: {  	s30 =	simm.s32 $0x15400;
	v3 =	vperm.xlane v3, v2  }
0x3f0: {  	[tilespmem:s30], [sflag:$0x2] =	stream.indirect_vreg.gather [hbm4b:s1+s3], $0x80, v4, vm0, $0xb8;
	[tilespmem:$0x18400] =	vst v63  }
0x3f1: {  	s31 =	simm.s32 $0x15C00;
	v3 =	vadd.s32 v1, v3  }
0x3f2: {  	[tilespmem:s31], [sflag:$0x2] =	stream.indirect_vreg.gather [hbm4b:s4+s3], $0x80, v4, vm0, $0xb8;
	[tilespmem:$0x18400] =	vst v63  }
0x3f3: {  	s29 =	simm.s32 $0x16400  }
0x3f4: {  	[tilespmem:s29], [sflag:$0x2] =	stream.indirect_vreg.gather [hbm4b:s5+s3], $0x80, v4, vm0, $0xb8;
	[tilespmem:$0x18400] =	vst v63  }
0x3f5: {  	s30 =	simm.s32 $0x16C00  }
0x3f6: {  	[tilespmem:s30], [sflag:$0x2] =	stream.indirect_vreg.gather [hbm4b:s1+s3], $0x80, v3, vm0, $0xb8;
	[tilespmem:$0x18400] =	vst v63  }
0x3f7: {  	s31 =	simm.s32 $0x17400  }
0x3f8: {  	[tilespmem:s31], [sflag:$0x2] =	stream.indirect_vreg.gather [hbm4b:s4+s3], $0x80, v3, vm0, $0xb8;
	[tilespmem:$0x18400] =	vst v63  }
0x3f9: {  	s12 =	simm.s32 $0x17C00  }
0x3fa: {  	[tilespmem:s12], [sflag:$0x2] =	stream.indirect_vreg.gather [hbm4b:s5+s3], $0x80, v3, vm0, $0xb8;
	[tilespmem:$0x18400] =	vst v63  }
0x3fb: {  	_ =	swait.ge [sflag:s9], $0xC000  }
0x3fc: {  	[sflag:s9] =	ssyncset.done $0x0  }
0x3fd: {  	s12 =	rddreg [dreg:$0x10];
	[sflag:s9] =	ssyncadd.s32 $0xFFFF4000  }
0x3fe: {  	[hbm4b:s12+s3] =	stream.linear.scatter [tilespmem:s28], [sflag:$0x3], $0xC000, $0x38;
	[tilespmem:$0x18400] =	vst v63  }
0x3ff: {  	_ =	swait.ge [sflag:s7], $0xC000  }
0x400: {  	[sflag:s7] =	ssyncset.done $0x0  }
0x401: {  	[sflag:s7] =	ssyncadd.s32 $0xFFFF4000  }
0x402: {  	v3 =	vld [tilespmem:$0x300];
	_ =	sdelay $0x4  }
0x403: {  	v48 =	vshrl.u32 v3, $0x3  }
0x404: {  	v4 =	vmul.u32 $0x30, v48  }
0x405: {  	v3 =	vand.u32 $0x7, v3  }
0x406: {  	v3 =	vor.u32 v3, v4  }
0x407: {  	v4 =	vperm.xlane v3, v0;
	_ =	sdelay $0x1  }
0x408: {  	v4 =	vadd.s32 v1, v4;
	_ =	sdelay $0x3  }
0x409: {  	v3 =	vperm.xlane v3, v2  }
0x40a: {  	[tilespmem:s28], [sflag:$0x1] =	stream.indirect_vreg.gather [hbm4b:s1+s3], $0x80, v4, vm0, $0xb8;
	[tilespmem:$0x18400] =	vst v63  }
0x40b: {  	s8 =	simm.s32 $0xC00;
	v3 =	vadd.s32 v1, v3  }
0x40c: {  	[tilespmem:s8], [sflag:$0x1] =	stream.indirect_vreg.gather [hbm4b:s4+s3], $0x80, v4, vm0, $0xb8;
	[tilespmem:$0x18400] =	vst v63  }
0x40d: {  	s13 =	simm.s32 $0x1400  }
0x40e: {  	[tilespmem:s13], [sflag:$0x1] =	stream.indirect_vreg.gather [hbm4b:s5+s3], $0x80, v4, vm0, $0xb8;
	[tilespmem:$0x18400] =	vst v63  }
0x40f: {  	s14 =	simm.s32 $0x1C00  }
0x410: {  	[tilespmem:s14], [sflag:$0x1] =	stream.indirect_vreg.gather [hbm4b:s1+s3], $0x80, v3, vm0, $0xb8;
	[tilespmem:$0x18400] =	vst v63  }
0x411: {  	s15 =	simm.s32 $0x2400  }
0x412: {  	[tilespmem:s15], [sflag:$0x1] =	stream.indirect_vreg.gather [hbm4b:s4+s3], $0x80, v3, vm0, $0xb8;
	[tilespmem:$0x18400] =	vst v63  }
0x413: {  	s29 =	simm.s32 $0x2C00  }
0x414: {  	[tilespmem:s29], [sflag:$0x1] =	stream.indirect_vreg.gather [hbm4b:s5+s3], $0x80, v3, vm0, $0xb8;
	[tilespmem:$0x18400] =	vst v63  }
0x415: {  	v3 =	vld [tilespmem:$0x310];
	_ =	sdelay $0x4  }
0x416: {  	v49 =	vshrl.u32 v3, $0x3  }
0x417: {  	v4 =	vmul.u32 $0x30, v49  }
0x418: {  	v3 =	vand.u32 $0x7, v3  }
0x419: {  	v3 =	vor.u32 v3, v4  }
0x41a: {  	v4 =	vperm.xlane v3, v0;
	_ =	sdelay $0x1  }
0x41b: {  	v4 =	vadd.s32 v1, v4;
	_ =	sdelay $0x3  }
0x41c: {  	s30 =	simm.s32 $0x3400;
	v3 =	vperm.xlane v3, v2  }
0x41d: {  	[tilespmem:s30], [sflag:$0x1] =	stream.indirect_vreg.gather [hbm4b:s1+s3], $0x80, v4, vm0, $0xb8;
	[tilespmem:$0x18400] =	vst v63  }
0x41e: {  	s16 =	simm.s32 $0x3C00;
	v3 =	vadd.s32 v1, v3  }
0x41f: {  	[tilespmem:s16], [sflag:$0x1] =	stream.indirect_vreg.gather [hbm4b:s4+s3], $0x80, v4, vm0, $0xb8;
	[tilespmem:$0x18400] =	vst v63  }
0x420: {  	s17 =	simm.s32 $0x4400  }
0x421: {  	[tilespmem:s17], [sflag:$0x1] =	stream.indirect_vreg.gather [hbm4b:s5+s3], $0x80, v4, vm0, $0xb8;
	[tilespmem:$0x18400] =	vst v63  }
0x422: {  	s18 =	simm.s32 $0x4C00  }
0x423: {  	[tilespmem:s18], [sflag:$0x1] =	stream.indirect_vreg.gather [hbm4b:s1+s3], $0x80, v3, vm0, $0xb8;
	[tilespmem:$0x18400] =	vst v63  }
0x424: {  	s19 =	simm.s32 $0x5400  }
0x425: {  	[tilespmem:s19], [sflag:$0x1] =	stream.indirect_vreg.gather [hbm4b:s4+s3], $0x80, v3, vm0, $0xb8;
	[tilespmem:$0x18400] =	vst v63  }
0x426: {  	s31 =	simm.s32 $0x5C00  }
0x427: {  	[tilespmem:s31], [sflag:$0x1] =	stream.indirect_vreg.gather [hbm4b:s5+s3], $0x80, v3, vm0, $0xb8;
	[tilespmem:$0x18400] =	vst v63  }
0x428: {  	v3 =	vld [tilespmem:$0x320];
	_ =	sdelay $0x4  }
0x429: {  	v50 =	vshrl.u32 v3, $0x3  }
0x42a: {  	v4 =	vmul.u32 $0x30, v50  }
0x42b: {  	v3 =	vand.u32 $0x7, v3  }
0x42c: {  	v3 =	vor.u32 v3, v4  }
0x42d: {  	v4 =	vperm.xlane v3, v0;
	_ =	sdelay $0x1  }
0x42e: {  	v4 =	vadd.s32 v1, v4;
	_ =	sdelay $0x3  }
0x42f: {  	s19 =	simm.s32 $0x6400;
	v3 =	vperm.xlane v3, v2  }
0x430: {  	[tilespmem:s19], [sflag:$0x1] =	stream.indirect_vreg.gather [hbm4b:s1+s3], $0x80, v4, vm0, $0xb8;
	[tilespmem:$0x18400] =	vst v63  }
0x431: {  	s20 =	simm.s32 $0x6C00;
	v3 =	vadd.s32 v1, v3  }
0x432: {  	[tilespmem:s20], [sflag:$0x1] =	stream.indirect_vreg.gather [hbm4b:s4+s3], $0x80, v4, vm0, $0xb8;
	[tilespmem:$0x18400] =	vst v63  }
0x433: {  	s21 =	simm.s32 $0x7400  }
0x434: {  	[tilespmem:s21], [sflag:$0x1] =	stream.indirect_vreg.gather [hbm4b:s5+s3], $0x80, v4, vm0, $0xb8;
	[tilespmem:$0x18400] =	vst v63  }
0x435: {  	s22 =	simm.s32 $0x7C00  }
0x436: {  	[tilespmem:s22], [sflag:$0x1] =	stream.indirect_vreg.gather [hbm4b:s1+s3], $0x80, v3, vm0, $0xb8;
	[tilespmem:$0x18400] =	vst v63  }
0x437: {  	s23 =	simm.s32 $0x8400  }
0x438: {  	[tilespmem:s23], [sflag:$0x1] =	stream.indirect_vreg.gather [hbm4b:s4+s3], $0x80, v3, vm0, $0xb8;
	[tilespmem:$0x18400] =	vst v63  }
0x439: {  	s23 =	simm.s32 $0x8C00  }
0x43a: {  	[tilespmem:s23], [sflag:$0x1] =	stream.indirect_vreg.gather [hbm4b:s5+s3], $0x80, v3, vm0, $0xb8;
	[tilespmem:$0x18400] =	vst v63  }
0x43b: {  	v3 =	vld [tilespmem:$0x330];
	_ =	sdelay $0x4  }
0x43c: {  	v51 =	vshrl.u32 v3, $0x3  }
0x43d: {  	v4 =	vmul.u32 $0x30, v51  }
0x43e: {  	v3 =	vand.u32 $0x7, v3  }
0x43f: {  	v3 =	vor.u32 v3, v4  }
0x440: {  	v4 =	vperm.xlane v3, v0;
	_ =	sdelay $0x1  }
0x441: {  	v4 =	vadd.s32 v1, v4;
	_ =	sdelay $0x3  }
0x442: {  	s29 =	simm.s32 $0x9400;
	v3 =	vperm.xlane v3, v2  }
0x443: {  	[tilespmem:s29], [sflag:$0x1] =	stream.indirect_vreg.gather [hbm4b:s1+s3], $0x80, v4, vm0, $0xb8;
	[tilespmem:$0x18400] =	vst v63  }
0x444: {  	s24 =	simm.s32 $0x9C00;
	v3 =	vadd.s32 v1, v3  }
0x445: {  	[tilespmem:s24], [sflag:$0x1] =	stream.indirect_vreg.gather [hbm4b:s4+s3], $0x80, v4, vm0, $0xb8;
	[tilespmem:$0x18400] =	vst v63  }
0x446: {  	s25 =	simm.s32 $0xA400  }
0x447: {  	[tilespmem:s25], [sflag:$0x1] =	stream.indirect_vreg.gather [hbm4b:s5+s3], $0x80, v4, vm0, $0xb8;
	[tilespmem:$0x18400] =	vst v63  }
0x448: {  	s6 =	simm.s32 $0xAC00  }
0x449: {  	[tilespmem:s6], [sflag:$0x1] =	stream.indirect_vreg.gather [hbm4b:s1+s3], $0x80, v3, vm0, $0xb8;
	[tilespmem:$0x18400] =	vst v63  }
0x44a: {  	s26 =	simm.s32 $0xB400  }
0x44b: {  	[tilespmem:s26], [sflag:$0x1] =	stream.indirect_vreg.gather [hbm4b:s4+s3], $0x80, v3, vm0, $0xb8;
	[tilespmem:$0x18400] =	vst v63  }
0x44c: {  	s30 =	simm.s32 $0xBC00  }
0x44d: {  	[tilespmem:s30], [sflag:$0x1] =	stream.indirect_vreg.gather [hbm4b:s5+s3], $0x80, v3, vm0, $0xb8;
	[tilespmem:$0x18400] =	vst v63  }
0x44e: {  	_ =	swait.ge [sflag:s10], $0xC000  }
0x44f: {  	[sflag:s10] =	ssyncset.done $0x0  }
0x450: {  	s31 =	rddreg [dreg:$0x11];
	[sflag:s10] =	ssyncadd.s32 $0xFFFF4000  }
0x451: {  	[hbm4b:s31+s3] =	stream.linear.scatter [tilespmem:s0], [sflag:$0x3], $0xC000, $0x38;
	[tilespmem:$0x18400] =	vst v63  }
0x452: {  	_ =	swait.ge [sflag:s7], $0xC000  }
0x453: {  	[sflag:s7] =	ssyncset.done $0x0  }
0x454: {  	[sflag:s7] =	ssyncadd.s32 $0xFFFF4000  }
0x455: {  	v3 =	vld [tilespmem:$0x340];
	_ =	sdelay $0x4  }
0x456: {  	v52 =	vshrl.u32 v3, $0x3  }
0x457: {  	v4 =	vmul.u32 $0x30, v52  }
0x458: {  	v3 =	vand.u32 $0x7, v3  }
0x459: {  	v3 =	vor.u32 v3, v4  }
0x45a: {  	v4 =	vperm.xlane v3, v0;
	_ =	sdelay $0x1  }
0x45b: {  	v4 =	vadd.s32 v1, v4;
	_ =	sdelay $0x3  }
0x45c: {  	v3 =	vperm.xlane v3, v2  }
0x45d: {  	[tilespmem:s0], [sflag:$0x2] =	stream.indirect_vreg.gather [hbm4b:s1+s3], $0x80, v4, vm0, $0xb8;
	[tilespmem:$0x18400] =	vst v63  }
0x45e: {  	s2 =	simm.s32 $0xCC00;
	v3 =	vadd.s32 v1, v3  }
0x45f: {  	[tilespmem:s2], [sflag:$0x2] =	stream.indirect_vreg.gather [hbm4b:s4+s3], $0x80, v4, vm0, $0xb8;
	[tilespmem:$0x18400] =	vst v63  }
0x460: {  	s11 =	simm.s32 $0xD400  }
0x461: {  	[tilespmem:s11], [sflag:$0x2] =	stream.indirect_vreg.gather [hbm4b:s5+s3], $0x80, v4, vm0, $0xb8;
	[tilespmem:$0x18400] =	vst v63  }
0x462: {  	s29 =	simm.s32 $0xDC00  }
0x463: {  	[tilespmem:s29], [sflag:$0x2] =	stream.indirect_vreg.gather [hbm4b:s1+s3], $0x80, v3, vm0, $0xb8;
	[tilespmem:$0x18400] =	vst v63  }
0x464: {  	s30 =	simm.s32 $0xE400  }
0x465: {  	[tilespmem:s30], [sflag:$0x2] =	stream.indirect_vreg.gather [hbm4b:s4+s3], $0x80, v3, vm0, $0xb8;
	[tilespmem:$0x18400] =	vst v63  }
0x466: {  	s31 =	simm.s32 $0xEC00  }
0x467: {  	[tilespmem:s31], [sflag:$0x2] =	stream.indirect_vreg.gather [hbm4b:s5+s3], $0x80, v3, vm0, $0xb8;
	[tilespmem:$0x18400] =	vst v63  }
0x468: {  	v3 =	vld [tilespmem:$0x350];
	_ =	sdelay $0x4  }
0x469: {  	v53 =	vshrl.u32 v3, $0x3  }
0x46a: {  	v4 =	vmul.u32 $0x30, v53  }
0x46b: {  	v3 =	vand.u32 $0x7, v3  }
0x46c: {  	v3 =	vor.u32 v3, v4  }
0x46d: {  	v4 =	vperm.xlane v3, v0;
	_ =	sdelay $0x1  }
0x46e: {  	v4 =	vadd.s32 v1, v4;
	_ =	sdelay $0x3  }
0x46f: {  	s31 =	simm.s32 $0xF400;
	v3 =	vperm.xlane v3, v2  }
0x470: {  	[tilespmem:s31], [sflag:$0x2] =	stream.indirect_vreg.gather [hbm4b:s1+s3], $0x80, v4, vm0, $0xb8;
	[tilespmem:$0x18400] =	vst v63  }
0x471: {  	v3 =	vadd.s32 v1, v3;
	s31 =	simm.s32 $0xFC00  }
0x472: {  	[tilespmem:s31], [sflag:$0x2] =	stream.indirect_vreg.gather [hbm4b:s4+s3], $0x80, v4, vm0, $0xb8;
	[tilespmem:$0x18400] =	vst v63  }
0x473: {  	s11 =	simm.s32 $0x10400  }
0x474: {  	[tilespmem:s11], [sflag:$0x2] =	stream.indirect_vreg.gather [hbm4b:s5+s3], $0x80, v4, vm0, $0xb8;
	[tilespmem:$0x18400] =	vst v63  }
0x475: {  	s11 =	simm.s32 $0x10C00  }
0x476: {  	[tilespmem:s11], [sflag:$0x2] =	stream.indirect_vreg.gather [hbm4b:s1+s3], $0x80, v3, vm0, $0xb8;
	[tilespmem:$0x18400] =	vst v63  }
0x477: {  	s11 =	simm.s32 $0x11400  }
0x478: {  	[tilespmem:s11], [sflag:$0x2] =	stream.indirect_vreg.gather [hbm4b:s4+s3], $0x80, v3, vm0, $0xb8;
	[tilespmem:$0x18400] =	vst v63  }
0x479: {  	s11 =	simm.s32 $0x11C00  }
0x47a: {  	[tilespmem:s11], [sflag:$0x2] =	stream.indirect_vreg.gather [hbm4b:s5+s3], $0x80, v3, vm0, $0xb8;
	[tilespmem:$0x18400] =	vst v63  }
0x47b: {  	v3 =	vld [tilespmem:$0x360];
	_ =	sdelay $0x4  }
0x47c: {  	v54 =	vshrl.u32 v3, $0x3  }
0x47d: {  	v4 =	vmul.u32 $0x30, v54  }
0x47e: {  	v3 =	vand.u32 $0x7, v3  }
0x47f: {  	v3 =	vor.u32 v3, v4  }
0x480: {  	v4 =	vperm.xlane v3, v0;
	_ =	sdelay $0x1  }
0x481: {  	v4 =	vadd.s32 v1, v4;
	_ =	sdelay $0x3  }
0x482: {  	s11 =	simm.s32 $0x12400;
	v3 =	vperm.xlane v3, v2  }
0x483: {  	[tilespmem:s11], [sflag:$0x2] =	stream.indirect_vreg.gather [hbm4b:s1+s3], $0x80, v4, vm0, $0xb8;
	[tilespmem:$0x18400] =	vst v63  }
0x484: {  	v3 =	vadd.s32 v1, v3;
	s11 =	simm.s32 $0x12C00  }
0x485: {  	[tilespmem:s11], [sflag:$0x2] =	stream.indirect_vreg.gather [hbm4b:s4+s3], $0x80, v4, vm0, $0xb8;
	[tilespmem:$0x18400] =	vst v63  }
0x486: {  	s11 =	simm.s32 $0x13400  }
0x487: {  	[tilespmem:s11], [sflag:$0x2] =	stream.indirect_vreg.gather [hbm4b:s5+s3], $0x80, v4, vm0, $0xb8;
	[tilespmem:$0x18400] =	vst v63  }
0x488: {  	s11 =	simm.s32 $0x13C00  }
0x489: {  	[tilespmem:s11], [sflag:$0x2] =	stream.indirect_vreg.gather [hbm4b:s1+s3], $0x80, v3, vm0, $0xb8;
	[tilespmem:$0x18400] =	vst v63  }
0x48a: {  	s11 =	simm.s32 $0x14400  }
0x48b: {  	[tilespmem:s11], [sflag:$0x2] =	stream.indirect_vreg.gather [hbm4b:s4+s3], $0x80, v3, vm0, $0xb8;
	[tilespmem:$0x18400] =	vst v63  }
0x48c: {  	s11 =	simm.s32 $0x14C00  }
0x48d: {  	[tilespmem:s11], [sflag:$0x2] =	stream.indirect_vreg.gather [hbm4b:s5+s3], $0x80, v3, vm0, $0xb8;
	[tilespmem:$0x18400] =	vst v63  }
0x48e: {  	v3 =	vld [tilespmem:$0x370];
	_ =	sdelay $0x4  }
0x48f: {  	v55 =	vshrl.u32 v3, $0x3  }
0x490: {  	v4 =	vmul.u32 $0x30, v55  }
0x491: {  	v3 =	vand.u32 $0x7, v3  }
0x492: {  	v3 =	vor.u32 v3, v4  }
0x493: {  	v4 =	vperm.xlane v3, v0;
	_ =	sdelay $0x1  }
0x494: {  	v4 =	vadd.s32 v1, v4;
	_ =	sdelay $0x3  }
0x495: {  	s11 =	simm.s32 $0x15400;
	v3 =	vperm.xlane v3, v2  }
0x496: {  	[tilespmem:s11], [sflag:$0x2] =	stream.indirect_vreg.gather [hbm4b:s1+s3], $0x80, v4, vm0, $0xb8;
	[tilespmem:$0x18400] =	vst v63  }
0x497: {  	v3 =	vadd.s32 v1, v3;
	s11 =	simm.s32 $0x15C00  }
0x498: {  	[tilespmem:s11], [sflag:$0x2] =	stream.indirect_vreg.gather [hbm4b:s4+s3], $0x80, v4, vm0, $0xb8;
	[tilespmem:$0x18400] =	vst v63  }
0x499: {  	s11 =	simm.s32 $0x16400  }
0x49a: {  	[tilespmem:s11], [sflag:$0x2] =	stream.indirect_vreg.gather [hbm4b:s5+s3], $0x80, v4, vm0, $0xb8;
	[tilespmem:$0x18400] =	vst v63  }
0x49b: {  	s11 =	simm.s32 $0x16C00  }
0x49c: {  	[tilespmem:s11], [sflag:$0x2] =	stream.indirect_vreg.gather [hbm4b:s1+s3], $0x80, v3, vm0, $0xb8;
	[tilespmem:$0x18400] =	vst v63  }
0x49d: {  	s11 =	simm.s32 $0x17400  }
0x49e: {  	[tilespmem:s11], [sflag:$0x2] =	stream.indirect_vreg.gather [hbm4b:s4+s3], $0x80, v3, vm0, $0xb8;
	[tilespmem:$0x18400] =	vst v63  }
0x49f: {  	s11 =	simm.s32 $0x17C00  }
0x4a0: {  	[tilespmem:s11], [sflag:$0x2] =	stream.indirect_vreg.gather [hbm4b:s5+s3], $0x80, v3, vm0, $0xb8;
	[tilespmem:$0x18400] =	vst v63  }
0x4a1: {  	_ =	swait.ge [sflag:s9], $0xC000  }
0x4a2: {  	[sflag:s9] =	ssyncset.done $0x0  }
0x4a3: {  	s11 =	rddreg [dreg:$0x12];
	[sflag:s9] =	ssyncadd.s32 $0xFFFF4000  }
0x4a4: {  	[hbm4b:s11+s3] =	stream.linear.scatter [tilespmem:s28], [sflag:$0x3], $0xC000, $0x38;
	[tilespmem:$0x18400] =	vst v63  }
0x4a5: {  	_ =	swait.ge [sflag:s7], $0xC000  }
0x4a6: {  	[sflag:s7] =	ssyncset.done $0x0  }
0x4a7: {  	[sflag:s7] =	ssyncadd.s32 $0xFFFF4000  }
0x4a8: {  	v3 =	vld [tilespmem:$0x380];
	_ =	sdelay $0x4  }
0x4a9: {  	v56 =	vshrl.u32 v3, $0x3  }
0x4aa: {  	v4 =	vmul.u32 $0x30, v56  }
0x4ab: {  	v3 =	vand.u32 $0x7, v3  }
0x4ac: {  	v3 =	vor.u32 v3, v4  }
0x4ad: {  	v4 =	vperm.xlane v3, v0;
	_ =	sdelay $0x1  }
0x4ae: {  	v4 =	vadd.s32 v1, v4;
	_ =	sdelay $0x3  }
0x4af: {  	v3 =	vperm.xlane v3, v2  }
0x4b0: {  	[tilespmem:s28], [sflag:$0x1] =	stream.indirect_vreg.gather [hbm4b:s1+s3], $0x80, v4, vm0, $0xb8;
	[tilespmem:$0x18400] =	vst v63  }
0x4b1: {  	s12 =	simm.s32 $0xC00;
	v3 =	vadd.s32 v1, v3  }
0x4b2: {  	[tilespmem:s12], [sflag:$0x1] =	stream.indirect_vreg.gather [hbm4b:s4+s3], $0x80, v4, vm0, $0xb8;
	[tilespmem:$0x18400] =	vst v63  }
0x4b3: {  	s8 =	simm.s32 $0x1400  }
0x4b4: {  	[tilespmem:s8], [sflag:$0x1] =	stream.indirect_vreg.gather [hbm4b:s5+s3], $0x80, v4, vm0, $0xb8;
	[tilespmem:$0x18400] =	vst v63  }
0x4b5: {  	s13 =	simm.s32 $0x1C00  }
0x4b6: {  	[tilespmem:s13], [sflag:$0x1] =	stream.indirect_vreg.gather [hbm4b:s1+s3], $0x80, v3, vm0, $0xb8;
	[tilespmem:$0x18400] =	vst v63  }
0x4b7: {  	s14 =	simm.s32 $0x2400  }
0x4b8: {  	[tilespmem:s14], [sflag:$0x1] =	stream.indirect_vreg.gather [hbm4b:s4+s3], $0x80, v3, vm0, $0xb8;
	[tilespmem:$0x18400] =	vst v63  }
0x4b9: {  	s13 =	simm.s32 $0x2C00  }
0x4ba: {  	[tilespmem:s13], [sflag:$0x1] =	stream.indirect_vreg.gather [hbm4b:s5+s3], $0x80, v3, vm0, $0xb8;
	[tilespmem:$0x18400] =	vst v63  }
0x4bb: {  	v3 =	vld [tilespmem:$0x390];
	_ =	sdelay $0x4  }
0x4bc: {  	v57 =	vshrl.u32 v3, $0x3  }
0x4bd: {  	v4 =	vmul.u32 $0x30, v57  }
0x4be: {  	v3 =	vand.u32 $0x7, v3  }
0x4bf: {  	v3 =	vor.u32 v3, v4  }
0x4c0: {  	v4 =	vperm.xlane v3, v0;
	_ =	sdelay $0x1  }
0x4c1: {  	v4 =	vadd.s32 v1, v4;
	_ =	sdelay $0x3  }
0x4c2: {  	s14 =	simm.s32 $0x3400;
	v3 =	vperm.xlane v3, v2  }
0x4c3: {  	[tilespmem:s14], [sflag:$0x1] =	stream.indirect_vreg.gather [hbm4b:s1+s3], $0x80, v4, vm0, $0xb8;
	[tilespmem:$0x18400] =	vst v63  }
0x4c4: {  	s15 =	simm.s32 $0x3C00;
	v3 =	vadd.s32 v1, v3  }
0x4c5: {  	[tilespmem:s15], [sflag:$0x1] =	stream.indirect_vreg.gather [hbm4b:s4+s3], $0x80, v4, vm0, $0xb8;
	[tilespmem:$0x18400] =	vst v63  }
0x4c6: {  	s16 =	simm.s32 $0x4400  }
0x4c7: {  	[tilespmem:s16], [sflag:$0x1] =	stream.indirect_vreg.gather [hbm4b:s5+s3], $0x80, v4, vm0, $0xb8;
	[tilespmem:$0x18400] =	vst v63  }
0x4c8: {  	s17 =	simm.s32 $0x4C00  }
0x4c9: {  	[tilespmem:s17], [sflag:$0x1] =	stream.indirect_vreg.gather [hbm4b:s1+s3], $0x80, v3, vm0, $0xb8;
	[tilespmem:$0x18400] =	vst v63  }
0x4ca: {  	s18 =	simm.s32 $0x5400  }
0x4cb: {  	[tilespmem:s18], [sflag:$0x1] =	stream.indirect_vreg.gather [hbm4b:s4+s3], $0x80, v3, vm0, $0xb8;
	[tilespmem:$0x18400] =	vst v63  }
0x4cc: {  	s17 =	simm.s32 $0x5C00  }
0x4cd: {  	[tilespmem:s17], [sflag:$0x1] =	stream.indirect_vreg.gather [hbm4b:s5+s3], $0x80, v3, vm0, $0xb8;
	[tilespmem:$0x18400] =	vst v63  }
0x4ce: {  	v3 =	vld [tilespmem:$0x3A0];
	_ =	sdelay $0x4  }
0x4cf: {  	v58 =	vshrl.u32 v3, $0x3  }
0x4d0: {  	v4 =	vmul.u32 $0x30, v58  }
0x4d1: {  	v3 =	vand.u32 $0x7, v3  }
0x4d2: {  	v3 =	vor.u32 v3, v4  }
0x4d3: {  	v4 =	vperm.xlane v3, v0;
	_ =	sdelay $0x1  }
0x4d4: {  	v4 =	vadd.s32 v1, v4;
	_ =	sdelay $0x3  }
0x4d5: {  	s18 =	simm.s32 $0x6400;
	v3 =	vperm.xlane v3, v2  }
0x4d6: {  	[tilespmem:s18], [sflag:$0x1] =	stream.indirect_vreg.gather [hbm4b:s1+s3], $0x80, v4, vm0, $0xb8;
	[tilespmem:$0x18400] =	vst v63  }
0x4d7: {  	s19 =	simm.s32 $0x6C00;
	v3 =	vadd.s32 v1, v3  }
0x4d8: {  	[tilespmem:s19], [sflag:$0x1] =	stream.indirect_vreg.gather [hbm4b:s4+s3], $0x80, v4, vm0, $0xb8;
	[tilespmem:$0x18400] =	vst v63  }
0x4d9: {  	s20 =	simm.s32 $0x7400  }
0x4da: {  	[tilespmem:s20], [sflag:$0x1] =	stream.indirect_vreg.gather [hbm4b:s5+s3], $0x80, v4, vm0, $0xb8;
	[tilespmem:$0x18400] =	vst v63  }
0x4db: {  	s21 =	simm.s32 $0x7C00  }
0x4dc: {  	[tilespmem:s21], [sflag:$0x1] =	stream.indirect_vreg.gather [hbm4b:s1+s3], $0x80, v3, vm0, $0xb8;
	[tilespmem:$0x18400] =	vst v63  }
0x4dd: {  	s22 =	simm.s32 $0x8400  }
0x4de: {  	[tilespmem:s22], [sflag:$0x1] =	stream.indirect_vreg.gather [hbm4b:s4+s3], $0x80, v3, vm0, $0xb8;
	[tilespmem:$0x18400] =	vst v63  }
0x4df: {  	s21 =	simm.s32 $0x8C00  }
0x4e0: {  	[tilespmem:s21], [sflag:$0x1] =	stream.indirect_vreg.gather [hbm4b:s5+s3], $0x80, v3, vm0, $0xb8;
	[tilespmem:$0x18400] =	vst v63  }
0x4e1: {  	v3 =	vld [tilespmem:$0x3B0];
	_ =	sdelay $0x4  }
0x4e2: {  	v59 =	vshrl.u32 v3, $0x3  }
0x4e3: {  	v4 =	vmul.u32 $0x30, v59  }
0x4e4: {  	v3 =	vand.u32 $0x7, v3  }
0x4e5: {  	v3 =	vor.u32 v3, v4  }
0x4e6: {  	v4 =	vperm.xlane v3, v0;
	_ =	sdelay $0x1  }
0x4e7: {  	v4 =	vadd.s32 v1, v4;
	_ =	sdelay $0x3  }
0x4e8: {  	s22 =	simm.s32 $0x9400;
	v3 =	vperm.xlane v3, v2  }
0x4e9: {  	[tilespmem:s22], [sflag:$0x1] =	stream.indirect_vreg.gather [hbm4b:s1+s3], $0x80, v4, vm0, $0xb8;
	[tilespmem:$0x18400] =	vst v63  }
0x4ea: {  	s23 =	simm.s32 $0x9C00;
	v3 =	vadd.s32 v1, v3  }
0x4eb: {  	[tilespmem:s23], [sflag:$0x1] =	stream.indirect_vreg.gather [hbm4b:s4+s3], $0x80, v4, vm0, $0xb8;
	[tilespmem:$0x18400] =	vst v63  }
0x4ec: {  	s24 =	simm.s32 $0xA400  }
0x4ed: {  	[tilespmem:s24], [sflag:$0x1] =	stream.indirect_vreg.gather [hbm4b:s5+s3], $0x80, v4, vm0, $0xb8;
	[tilespmem:$0x18400] =	vst v63  }
0x4ee: {  	s25 =	simm.s32 $0xAC00  }
0x4ef: {  	[tilespmem:s25], [sflag:$0x1] =	stream.indirect_vreg.gather [hbm4b:s1+s3], $0x80, v3, vm0, $0xb8;
	[tilespmem:$0x18400] =	vst v63  }
0x4f0: {  	s6 =	simm.s32 $0xB400  }
0x4f1: {  	[tilespmem:s6], [sflag:$0x1] =	stream.indirect_vreg.gather [hbm4b:s4+s3], $0x80, v3, vm0, $0xb8;
	[tilespmem:$0x18400] =	vst v63  }
0x4f2: {  	s25 =	simm.s32 $0xBC00  }
0x4f3: {  	[tilespmem:s25], [sflag:$0x1] =	stream.indirect_vreg.gather [hbm4b:s5+s3], $0x80, v3, vm0, $0xb8;
	[tilespmem:$0x18400] =	vst v63  }
0x4f4: {  	_ =	swait.ge [sflag:s10], $0xC000  }
0x4f5: {  	[sflag:s10] =	ssyncset.done $0x0  }
0x4f6: {  	s6 =	rddreg [dreg:$0x13];
	[sflag:s10] =	ssyncadd.s32 $0xFFFF4000  }
0x4f7: {  	[hbm4b:s6+s3] =	stream.linear.scatter [tilespmem:s0], [sflag:$0x3], $0xC000, $0x38;
	[tilespmem:$0x18400] =	vst v63  }
0x4f8: {  	_ =	swait.ge [sflag:s7], $0xC000  }
0x4f9: {  	[sflag:s7] =	ssyncset.done $0x0  }
0x4fa: {  	[sflag:s7] =	ssyncadd.s32 $0xFFFF4000  }
0x4fb: {  	v3 =	vld [tilespmem:$0x3C0];
	_ =	sdelay $0x4  }
0x4fc: {  	v60 =	vshrl.u32 v3, $0x3  }
0x4fd: {  	v4 =	vmul.u32 $0x30, v60  }
0x4fe: {  	v3 =	vand.u32 $0x7, v3  }
0x4ff: {  	v3 =	vor.u32 v3, v4  }
0x500: {  	v4 =	vperm.xlane v3, v0;
	_ =	sdelay $0x1  }
0x501: {  	v4 =	vadd.s32 v1, v4;
	_ =	sdelay $0x3  }
0x502: {  	v3 =	vperm.xlane v3, v2  }
0x503: {  	[tilespmem:s0], [sflag:$0x2] =	stream.indirect_vreg.gather [hbm4b:s1+s3], $0x80, v4, vm0, $0xb8;
	[tilespmem:$0x18400] =	vst v63  }
0x504: {  	s26 =	simm.s32 $0xCC00;
	v3 =	vadd.s32 v1, v3  }
0x505: {  	[tilespmem:s26], [sflag:$0x2] =	stream.indirect_vreg.gather [hbm4b:s4+s3], $0x80, v4, vm0, $0xb8;
	[tilespmem:$0x18400] =	vst v63  }
0x506: {  	s2 =	simm.s32 $0xD400  }
0x507: {  	[tilespmem:s2], [sflag:$0x2] =	stream.indirect_vreg.gather [hbm4b:s5+s3], $0x80, v4, vm0, $0xb8;
	[tilespmem:$0x18400] =	vst v63  }
0x508: {  	s29 =	simm.s32 $0xDC00  }
0x509: {  	[tilespmem:s29], [sflag:$0x2] =	stream.indirect_vreg.gather [hbm4b:s1+s3], $0x80, v3, vm0, $0xb8;
	[tilespmem:$0x18400] =	vst v63  }
0x50a: {  	s30 =	simm.s32 $0xE400  }
0x50b: {  	[tilespmem:s30], [sflag:$0x2] =	stream.indirect_vreg.gather [hbm4b:s4+s3], $0x80, v3, vm0, $0xb8;
	[tilespmem:$0x18400] =	vst v63  }
0x50c: {  	s8 =	simm.s32 $0xEC00  }
0x50d: {  	[tilespmem:s8], [sflag:$0x2] =	stream.indirect_vreg.gather [hbm4b:s5+s3], $0x80, v3, vm0, $0xb8;
	[tilespmem:$0x18400] =	vst v63  }
0x50e: {  	v3 =	vld [tilespmem:$0x3D0];
	_ =	sdelay $0x4  }
0x50f: {  	v61 =	vshrl.u32 v3, $0x3  }
0x510: {  	v4 =	vmul.u32 $0x30, v61  }
0x511: {  	v3 =	vand.u32 $0x7, v3  }
0x512: {  	v3 =	vor.u32 v3, v4  }
0x513: {  	v4 =	vperm.xlane v3, v0;
	_ =	sdelay $0x1  }
0x514: {  	v4 =	vadd.s32 v1, v4;
	_ =	sdelay $0x3  }
0x515: {  	s11 =	simm.s32 $0xF400;
	v3 =	vperm.xlane v3, v2  }
0x516: {  	[tilespmem:s11], [sflag:$0x2] =	stream.indirect_vreg.gather [hbm4b:s1+s3], $0x80, v4, vm0, $0xb8;
	[tilespmem:$0x18400] =	vst v63  }
0x517: {  	s31 =	simm.s32 $0xFC00;
	v3 =	vadd.s32 v1, v3  }
0x518: {  	[tilespmem:s31], [sflag:$0x2] =	stream.indirect_vreg.gather [hbm4b:s4+s3], $0x80, v4, vm0, $0xb8;
	[tilespmem:$0x18400] =	vst v63  }
0x519: {  	s12 =	simm.s32 $0x10400  }
0x51a: {  	[tilespmem:s12], [sflag:$0x2] =	stream.indirect_vreg.gather [hbm4b:s5+s3], $0x80, v4, vm0, $0xb8;
	[tilespmem:$0x18400] =	vst v63  }
0x51b: {  	s13 =	simm.s32 $0x10C00  }
0x51c: {  	[tilespmem:s13], [sflag:$0x2] =	stream.indirect_vreg.gather [hbm4b:s1+s3], $0x80, v3, vm0, $0xb8;
	[tilespmem:$0x18400] =	vst v63  }
0x51d: {  	s14 =	simm.s32 $0x11400  }
0x51e: {  	[tilespmem:s14], [sflag:$0x2] =	stream.indirect_vreg.gather [hbm4b:s4+s3], $0x80, v3, vm0, $0xb8;
	[tilespmem:$0x18400] =	vst v63  }
0x51f: {  	s15 =	simm.s32 $0x11C00  }
0x520: {  	[tilespmem:s15], [sflag:$0x2] =	stream.indirect_vreg.gather [hbm4b:s5+s3], $0x80, v3, vm0, $0xb8;
	[tilespmem:$0x18400] =	vst v63  }
0x521: {  	v3 =	vld [tilespmem:$0x3E0];
	_ =	sdelay $0x4  }
0x522: {  	v62 =	vshrl.u32 v3, $0x3  }
0x523: {  	v4 =	vmul.u32 $0x30, v62  }
0x524: {  	v3 =	vand.u32 $0x7, v3  }
0x525: {  	v3 =	vor.u32 v3, v4  }
0x526: {  	v4 =	vperm.xlane v3, v0;
	_ =	sdelay $0x1  }
0x527: {  	v4 =	vadd.s32 v1, v4;
	_ =	sdelay $0x3  }
0x528: {  	s16 =	simm.s32 $0x12400;
	v3 =	vperm.xlane v3, v2  }
0x529: {  	[tilespmem:s16], [sflag:$0x2] =	stream.indirect_vreg.gather [hbm4b:s1+s3], $0x80, v4, vm0, $0xb8;
	[tilespmem:$0x18400] =	vst v63  }
0x52a: {  	s17 =	simm.s32 $0x12C00;
	v3 =	vadd.s32 v1, v3  }
0x52b: {  	[tilespmem:s17], [sflag:$0x2] =	stream.indirect_vreg.gather [hbm4b:s4+s3], $0x80, v4, vm0, $0xb8;
	[tilespmem:$0x18400] =	vst v63  }
0x52c: {  	s18 =	simm.s32 $0x13400  }
0x52d: {  	[tilespmem:s18], [sflag:$0x2] =	stream.indirect_vreg.gather [hbm4b:s5+s3], $0x80, v4, vm0, $0xb8;
	[tilespmem:$0x18400] =	vst v63  }
0x52e: {  	s19 =	simm.s32 $0x13C00  }
0x52f: {  	[tilespmem:s19], [sflag:$0x2] =	stream.indirect_vreg.gather [hbm4b:s1+s3], $0x80, v3, vm0, $0xb8;
	[tilespmem:$0x18400] =	vst v63  }
0x530: {  	s20 =	simm.s32 $0x14400  }
0x531: {  	[tilespmem:s20], [sflag:$0x2] =	stream.indirect_vreg.gather [hbm4b:s4+s3], $0x80, v3, vm0, $0xb8;
	[tilespmem:$0x18400] =	vst v63  }
0x532: {  	s21 =	simm.s32 $0x14C00  }
0x533: {  	[tilespmem:s21], [sflag:$0x2] =	stream.indirect_vreg.gather [hbm4b:s5+s3], $0x80, v3, vm0, $0xb8;
	[tilespmem:$0x18400] =	vst v63  }
0x534: {  	v3 =	vld [tilespmem:$0x3F0];
	_ =	sdelay $0x4  }
0x535: {  	v63 =	vshrl.u32 v3, $0x3  }
0x536: {  	v4 =	vmul.u32 $0x30, v63  }
0x537: {  	v3 =	vand.u32 $0x7, v3  }
0x538: {  	v3 =	vor.u32 v3, v4  }
0x539: {  	v4 =	vperm.xlane v3, v0;
	_ =	sdelay $0x1  }
0x53a: {  	v4 =	vadd.s32 v1, v4;
	_ =	sdelay $0x3  }
0x53b: {  	s22 =	simm.s32 $0x15400;
	v3 =	vperm.xlane v3, v2  }
0x53c: {  	[tilespmem:s22], [sflag:$0x2] =	stream.indirect_vreg.gather [hbm4b:s1+s3], $0x80, v4, vm0, $0xb8;
	[tilespmem:$0x18400] =	vst v63  }
0x53d: {  	s23 =	simm.s32 $0x15C00;
	v3 =	vadd.s32 v1, v3  }
0x53e: {  	[tilespmem:s23], [sflag:$0x2] =	stream.indirect_vreg.gather [hbm4b:s4+s3], $0x80, v4, vm0, $0xb8;
	[tilespmem:$0x18400] =	vst v63  }
0x53f: {  	s24 =	simm.s32 $0x16400  }
0x540: {  	[tilespmem:s24], [sflag:$0x2] =	stream.indirect_vreg.gather [hbm4b:s5+s3], $0x80, v4, vm0, $0xb8;
	[tilespmem:$0x18400] =	vst v63  }
0x541: {  	s25 =	simm.s32 $0x16C00  }
0x542: {  	[tilespmem:s25], [sflag:$0x2] =	stream.indirect_vreg.gather [hbm4b:s1+s3], $0x80, v3, vm0, $0xb8;
	[tilespmem:$0x18400] =	vst v63  }
0x543: {  	s26 =	simm.s32 $0x17400  }
0x544: {  	[tilespmem:s26], [sflag:$0x2] =	stream.indirect_vreg.gather [hbm4b:s4+s3], $0x80, v3, vm0, $0xb8;
	[tilespmem:$0x18400] =	vst v63  }
0x545: {  	s29 =	simm.s32 $0x17C00  }
0x546: {  	[tilespmem:s29], [sflag:$0x2] =	stream.indirect_vreg.gather [hbm4b:s5+s3], $0x80, v3, vm0, $0xb8;
	[tilespmem:$0x18400] =	vst v63  }
0x547: {  	s2 =	rddreg [dreg:$0x17];
	_ =	swait.ge [sflag:s9], $0xC000  }
0x548: {  	[sflag:s9] =	ssyncset.done $0x0  }
0x549: {  	s30 =	rddreg [dreg:$0x14];
	[sflag:s9] =	ssyncadd.s32 $0xFFFF4000  }
0x54a: {  	[hbm4b:s30+s3] =	stream.linear.scatter [tilespmem:s28], [sflag:$0x3], $0xC000, $0x38;
	[tilespmem:$0x18400] =	vst v63  }
0x54b: {  	_ =	swait.ge [sflag:s7], $0xC000  }
0x54c: {  	[sflag:s7] =	ssyncset.done $0x0  }
0x54d: {  	[sflag:s7] =	ssyncadd.s32 $0xFFFF4000  }
0x54e: {  	_ =	swait.ge [sflag:s10], $0xC000  }
0x54f: {  	p0 =	sne.s32 s2, $0x1;
	[sflag:s10] =	ssyncset.done $0x0  }
.Ltmp0:
0x550: {  	s31 =	rddreg [dreg:$0x15];
	[sflag:s10] =	ssyncadd.s32 $0xFFFF4000;
	(pc) =	sbr.rel @p0 .LBB2_1-.Ltmp0, $4  }
0x551: {  	[hbm4b:s31+s3] =	stream.linear.scatter [tilespmem:s0], [sflag:$0x3], $0xC000, $0x38;
	[tilespmem:$0x18400] =	vst v63  }
0x552: {  	_ =	swait.ge [sflag:s7], $0xC000  }
0x553: {  	[sflag:s7] =	ssyncset.done $0x0  }
0x554: {  	s2 =	sadd.s32 $0xFFFFFFFF, s2;
	[sflag:s7] =	ssyncadd.s32 $0xFFFF4000  }
0x555: {  	_ =	sfence.sel $0x180000  }
0x556: {  	[bflag:$0x0] =	sbarrier.arrive $0xFFFF  }
0x557: {  	_ =	strace $0x90000047  }
0x558: {  	s0 =	stileid.u32;
	[bflag:$0x2] =	sbarrier.arrive $0xFFFF  }
0x559: {  	p0 =	sne.s32 s0, $0x0;
	s0 =	rddreg [dreg:$0x3]  }
0x55a: {  	s0 =	sadd.s32 @!p0 $0x100000, s0  }
0x55b: {  	[sflag:s0] =	ssyncadd.tile.s32 @!p0 $0x1;
	_ =	shalt  }
.Lfunc_end2:
_tile_overlayer_lowered:
.L_overlay_start_2:
0x55c: {  	(tag) =	ssettag $0x2  }
0x55d: {  	s0 =	rddreg [dreg:$0x0];
	s2 =	stileid.u32  }
0x55e: {  	s1 =	rddreg [dreg:$0x1];
	p0 =	sne.s32 s2, $0x0  }
0x55f: {  	s3 =	rddreg [dreg:$0x2];
	[bflag:$0x3] =	sbarrier.arrive $0xFFFF;
	s2 =	simm.s32 @!p0 $0x1C03  }
0x560: {  	[timem:s3], [sflag:s2] =	dma.local @!p0 [hbm:s0], s1  }
0x561: {  	s0 =	simm.s32 @!p0 $0x3  }
0x562: {  	_ =	swait.ge @!p0 [sflag:s0], s1  }
0x563: {  	s1 =	ssub.s32 @!p0 $0x0, s1;
	[sflag:s0] =	ssyncset.done @!p0 $0x0  }
0x564: {  	[sflag:s0] =	ssyncadd.s32 @!p0 s1  }
0x565: {  	[bflag:$0x3] =	sbarrier.arrive $0xFFFF  }
0x566: {  	_ =	shalt  }

</sc_bundles>
